<compile_context>
chip_gen: v7x
topology: tpu7x:2x2x1
jax: 0.10.2.dev20260603
libtpu: 0.0.44.dev20260713+nightly
codegen_flags: <defaults>
</compile_context>

<pallas_src>
import jax
import jax.numpy as jnp
from jax import lax
from jax.experimental import pallas as pl
from jax.experimental.pallas import tpu as pltpu
from jax.experimental.pallas import tpu_sc as plsc

N = 100000
E = 6400000
NP = 100352
ROWS = E // 128
NC, NS, LANES = 2, 16, 16
NW = NC * NS
CH = 32
GR = 8
GRP = 16
NGROUPS = ROWS // GRP
GPW = NGROUPS // NW
GREM = NGROUPS - GPW * NW
NCH = ((GPW + 1) * GRP + CH - 1) // CH
SEG = NP // NS
QE = 1024
ROWSQ = E // QE
CHQ = CH // 8


def _mesh():
    return plsc.VectorSubcoreMesh(core_axis_name="c", subcore_axis_name="s",
                                  num_cores=NC, num_subcores=NS)


def _sc_params():
    return pltpu.CompilerParams(needs_layout_passes=False)


def _edge_range(wid):
    g = GPW + jnp.where(wid < GREM, 1, 0).astype(jnp.int32)
    base_g = wid * GPW + jnp.minimum(wid, GREM)
    return base_g * GRP, g * GRP


def _zero_fill(ref, nwords):
    zv = jnp.zeros((LANES,), jnp.float32)

    @pl.loop(0, nwords // LANES)
    def _(i):
        ref[pl.ds(i * LANES, LANES)] = zv


def _rst_of(base, ch):
    return jnp.minimum(base + ch * CH, ROWS - CH)


def _double_buffered_chunks(base, total, start_in, wait_in, process):
    start_in(0, 0)

    @pl.loop(0, NCH // 2)
    def _(h):
        ch0 = 2 * h
        wait_in(ch0, 0)
        start_in(ch0 + 1, 1)
        process(ch0, 0)
        wait_in(ch0 + 1, 1)
        start_in(ch0 + 2, 0)
        process(ch0 + 1, 1)

    wait_in(NCH - 1, 0)
    process(NCH - 1, 0)


def _hist_body(dst_h, out_h, zbuf, biga, bigb, ones, hist_sh, sa, sb, ssc):
    c = lax.axis_index("c")
    s = lax.axis_index("s")
    wid = s * NC + c
    _zero_fill(zbuf, SEG)
    ov = jnp.ones((LANES,), jnp.float32)

    @pl.loop(0, QE // LANES)
    def _(k):
        ones[pl.ds(k * LANES, LANES)] = ov

    pltpu.sync_copy(zbuf, hist_sh.at[pl.ds(s * SEG, SEG)])
    plsc.subcore_barrier()
    base, total = _edge_range(wid)
    baseq, totalq = base // 8, total // 8
    bufs = (biga, bigb)
    sems = (sa, sb)

    def rstq(ch):
        return jnp.minimum(baseq + ch * CHQ, ROWSQ - CHQ)

    def start_in(ch, b):
        ch = jnp.minimum(ch, NCH - 1)
        pltpu.async_copy(dst_h.at[pl.ds(rstq(ch) * QE, CHQ * QE)], bufs[b],
                         sems[b])

    def wait_in(ch, b):
        pltpu.make_async_copy(dst_h.at[pl.ds(rstq(ch) * QE, CHQ * QE)],
                              bufs[b], sems[b]).wait()

    def process(ch, b):
        buf = bufs[b]
        off = baseq + ch * CHQ - rstq(ch)
        nq = jnp.minimum(CHQ, totalq - ch * CHQ)
        drain = pltpu.make_async_copy(ones,
                                      hist_sh.at[buf.at[pl.ds(off * QE, QE)]],
                                      ssc)

        @pl.loop(0, nq)
        def _(g):
            pltpu.async_copy(
                ones, hist_sh.at[buf.at[pl.ds((off + g) * QE, QE)]],
                ssc, add=True)

        @pl.loop(0, nq)
        def _(g):
            drain.wait()

    _double_buffered_chunks(base, total, start_in, wait_in, process)
    plsc.subcore_barrier()
    pltpu.sync_copy(hist_sh.at[pl.ds(s * SEG, SEG)],
                    out_h.at[c, pl.ds(s * SEG, SEG)])


def _hist(dst):
    return pl.kernel(
        _hist_body,
        out_type=jax.ShapeDtypeStruct((NC, NP), jnp.float32),
        mesh=_mesh(),
        compiler_params=_sc_params(),
        scratch_types=[
            pltpu.VMEM((SEG,), jnp.float32),
            pltpu.VMEM((CHQ * QE,), jnp.int32),
            pltpu.VMEM((CHQ * QE,), jnp.int32),
            pltpu.VMEM((QE,), jnp.float32),
            pltpu.VMEM_SHARED((NP,), jnp.float32),
            pltpu.SemaphoreType.DMA,
            pltpu.SemaphoreType.DMA,
            pltpu.SemaphoreType.DMA,
        ],
    )(dst)


def _agg_body(src_h, dst_h, v_h, out_h, vtab, zbuf, bsa, bsb, bda, bdb,
              vfa, vfb, s1_sh, ssa, ssb, sda, sdb, ssc):
    c = lax.axis_index("c")
    s = lax.axis_index("s")
    wid = s * NC + c
    pltpu.sync_copy(v_h, vtab)
    _zero_fill(zbuf, SEG // 8)

    @pl.loop(0, 8)
    def _(i):
        pltpu.sync_copy(zbuf, s1_sh.at[pl.ds(s * SEG + i * (SEG // 8),
                                             SEG // 8)])

    plsc.subcore_barrier()
    base, total = _edge_range(wid)
    sbufs, dbufs = (bsa, bsb), (bda, bdb)
    ssems, dsems = (ssa, ssb), (sda, sdb)

    baseq, totalq = base // 8, total // 8

    def rstq(ch):
        return jnp.minimum(baseq + ch * CHQ, ROWSQ - CHQ)

    def start_in(ch, b):
        ch = jnp.minimum(ch, NCH - 1)
        rq = rstq(ch)
        pltpu.async_copy(src_h.at[pl.ds(rq * QE, CHQ * QE)], sbufs[b],
                         ssems[b])
        pltpu.async_copy(dst_h.at[pl.ds(rq * QE, CHQ * QE)], dbufs[b],
                         dsems[b])

    def wait_in(ch, b):
        rq = rstq(ch)
        pltpu.make_async_copy(src_h.at[pl.ds(rq * QE, CHQ * QE)], sbufs[b],
                              ssems[b]).wait()
        pltpu.make_async_copy(dst_h.at[pl.ds(rq * QE, CHQ * QE)], dbufs[b],
                              dsems[b]).wait()

    def process(ch, b):
        sb_, db_ = sbufs[b], dbufs[b]
        off = baseq + ch * CHQ - rstq(ch)
        nq = jnp.minimum(CHQ, totalq - ch * CHQ)
        drain = pltpu.make_async_copy(
            vfa, s1_sh.at[db_.at[pl.ds(off * QE, QE)]], ssc)

        def gather_burst(vf, w0):
            @plsc.parallel_loop(0, QE // LANES, unroll=16)
            def _(t):
                iv = sb_[pl.ds(w0 + t * LANES, LANES)]
                vf[pl.ds(t * LANES, LANES)] = plsc.load_gather(vtab, [iv])

        def fire_burst(vf, q):
            pltpu.async_copy(vf, s1_sh.at[db_.at[pl.ds(q * QE, QE)]], ssc,
                             add=True)

        @pl.loop(0, nq // 2)
        def _(g):
            q0 = off + 2 * g
            w0 = q0 * QE
            gather_burst(vfa, w0)
            fire_burst(vfa, q0)
            gather_burst(vfb, w0 + QE)
            fire_burst(vfb, q0 + 1)
            drain.wait()
            drain.wait()

    _double_buffered_chunks(base, total, start_in, wait_in, process)
    plsc.subcore_barrier()
    pltpu.sync_copy(s1_sh.at[pl.ds(s * SEG, SEG)],
                    out_h.at[c, pl.ds(s * SEG, SEG)])


def _agg(src, dst, v):
    return pl.kernel(
        _agg_body,
        out_type=jax.ShapeDtypeStruct((NC, NP), jnp.float32),
        mesh=_mesh(),
        compiler_params=_sc_params(),
        scratch_types=[
            pltpu.VMEM((NP,), jnp.float32),
            pltpu.VMEM((SEG // 8,), jnp.float32),
            pltpu.VMEM((CH * 128,), jnp.int32),
            pltpu.VMEM((CH * 128,), jnp.int32),
            pltpu.VMEM((CHQ * QE,), jnp.int32),
            pltpu.VMEM((CHQ * QE,), jnp.int32),
            pltpu.VMEM((QE,), jnp.float32),
            pltpu.VMEM((QE,), jnp.float32),
            pltpu.VMEM_SHARED((NP,), jnp.float32),
            pltpu.SemaphoreType.DMA,
            pltpu.SemaphoreType.DMA,
            pltpu.SemaphoreType.DMA,
            pltpu.SemaphoreType.DMA,
            pltpu.SemaphoreType.DMA,
        ],
    )(src, dst, v)


def _dot_vreg(sb_, db_, wtab, woff):
    si = sb_[pl.ds(woff, LANES)]
    di = db_[pl.ds(woff, LANES)]
    ws = plsc.load_gather(wtab, [si])
    wd = plsc.load_gather(wtab, [di])
    uq = lax.shift_right_arithmetic(ws, 16)
    aq = lax.shift_right_arithmetic(lax.shift_left(wd, 16), 16)
    return uq.astype(jnp.float32) * aq.astype(jnp.float32)


def _dot_body(src_h, dst_h, w_h, out_h, wtab, bsa, bsb, bda, bdb, acc,
              ssa, ssb, sda, sdb):
    c = lax.axis_index("c")
    s = lax.axis_index("s")
    wid = s * NC + c
    pltpu.sync_copy(w_h, wtab)
    acc[...] = jnp.zeros((LANES,), jnp.float32)
    base, total = _edge_range(wid)
    baseq, totalq = base // 8, total // 8
    sbufs, dbufs = (bsa, bsb), (bda, bdb)
    ssems, dsems = (ssa, ssb), (sda, sdb)

    def rstq(ch):
        return jnp.minimum(baseq + ch * CHQ, ROWSQ - CHQ)

    def start_in(ch, b):
        ch = jnp.minimum(ch, NCH - 1)
        rq = rstq(ch)
        pltpu.async_copy(src_h.at[pl.ds(rq * QE, CHQ * QE)], sbufs[b],
                         ssems[b])
        pltpu.async_copy(dst_h.at[pl.ds(rq * QE, CHQ * QE)], dbufs[b],
                         dsems[b])

    def wait_in(ch, b):
        rq = rstq(ch)
        pltpu.make_async_copy(src_h.at[pl.ds(rq * QE, CHQ * QE)], sbufs[b],
                              ssems[b]).wait()
        pltpu.make_async_copy(dst_h.at[pl.ds(rq * QE, CHQ * QE)], dbufs[b],
                              dsems[b]).wait()

    def process(ch, b):
        sb_, db_ = sbufs[b], dbufs[b]
        off = baseq + ch * CHQ - rstq(ch)
        nq = jnp.minimum(CHQ, totalq - ch * CHQ)

        @pl.loop(0, nq)
        def _(qq):
            w0 = (off + qq) * QE

            @plsc.parallel_loop(0, QE // LANES, step=2, unroll=8,
                                carry=jnp.zeros((LANES,), jnp.float32))
            def accv(t, av):
                p0 = _dot_vreg(sb_, db_, wtab, w0 + t * LANES)
                p1 = _dot_vreg(sb_, db_, wtab, w0 + (t + 1) * LANES)
                return av + (p0 + p1)

            acc[...] = acc[...] + accv
    _double_buffered_chunks(base, total, start_in, wait_in, process)
    pltpu.sync_copy(acc, out_h.at[wid])


def _dot(src, dst, wpk):
    return pl.kernel(
        _dot_body,
        out_type=jax.ShapeDtypeStruct((NW, LANES), jnp.float32),
        mesh=_mesh(),
        compiler_params=_sc_params(),
        scratch_types=[
            pltpu.VMEM((NP,), jnp.int32),
            pltpu.VMEM((CH * 128,), jnp.int32),
            pltpu.VMEM((CH * 128,), jnp.int32),
            pltpu.VMEM((CH * 128,), jnp.int32),
            pltpu.VMEM((CH * 128,), jnp.int32),
            pltpu.VMEM((LANES,), jnp.float32),
            pltpu.SemaphoreType.DMA,
            pltpu.SemaphoreType.DMA,
            pltpu.SemaphoreType.DMA,
            pltpu.SemaphoreType.DMA,
        ],
    )(src, dst, wpk)


def _node1_body(hist_ref, x_ref, dinv_ref, v_ref, xod_ref):
    h = hist_ref[...]
    deg = h[0] + h[1] + 1.0
    dinv = lax.rsqrt(deg)
    x = x_ref[...]
    dinv_ref[...] = dinv
    v_ref[...] = x * dinv
    xod_ref[...] = x * dinv * dinv


def _node1(histp, x_p):
    return pl.pallas_call(
        _node1_body,
        out_shape=[jax.ShapeDtypeStruct((784, 128), jnp.float32)] * 3,
    )(histp, x_p)


def _node2_body(s1p_ref, dinv_ref, xod_ref, wl_ref, w1_ref, b1_ref,
                wpk_ref, sself_ref, swl_ref, ss_ref):
    s1 = s1p_ref[0] + s1p_ref[1]
    dinv = dinv_ref[...]
    w1 = w1_ref[0, 0]
    b1 = b1_ref[0, 0]
    h1 = w1 * (dinv * s1 + xod_ref[...]) + b1
    h1r = jnp.maximum(h1, 0.0)
    wl = wl_ref[...]
    u = h1r * dinv
    a = wl * dinv
    su = jnp.maximum(jnp.max(jnp.abs(u)), 1e-30)
    sa = jnp.maximum(jnp.max(jnp.abs(a)), 1e-30)
    qu = jnp.round(u * (32767.0 / su)).astype(jnp.int32)
    qa = jnp.round(a * (32767.0 / sa)).astype(jnp.int32)
    wpk_ref[...] = lax.shift_left(qu, 16) | jnp.bitwise_and(qa, jnp.int32(0xFFFF))
    sself_ref[0, 0] = jnp.sum(wl * h1r * dinv * dinv)
    swl_ref[0, 0] = jnp.sum(wl)
    ss_ref[0, 0] = su * sa / (32767.0 * 32767.0)


def _node2(s1p, dinv, xod, wl_p, W1, b1):
    return pl.pallas_call(
        _node2_body,
        in_specs=[pl.BlockSpec(memory_space=pltpu.VMEM)] * 4
        + [pl.BlockSpec(memory_space=pltpu.SMEM)] * 2,
        out_specs=[pl.BlockSpec(memory_space=pltpu.VMEM),
                   pl.BlockSpec(memory_space=pltpu.SMEM),
                   pl.BlockSpec(memory_space=pltpu.SMEM),
                   pl.BlockSpec(memory_space=pltpu.SMEM)],
        out_shape=[jax.ShapeDtypeStruct((784, 128), jnp.int32),
                   jax.ShapeDtypeStruct((1, 1), jnp.float32),
                   jax.ShapeDtypeStruct((1, 1), jnp.float32),
                   jax.ShapeDtypeStruct((1, 1), jnp.float32)],
    )(s1p, dinv, xod, wl_p, W1, b1)


def _final_body(part_ref, sself_ref, swl_ref, ss_ref, w2_ref, b2_ref, bl_ref,
                out_ref):
    es = jnp.sum(part_ref[...]) * ss_ref[0, 0]
    out_ref[0, 0] = (w2_ref[0, 0] * (es + sself_ref[0, 0])
                     + b2_ref[0, 0] * swl_ref[0, 0] + bl_ref[0, 0])


def _final(part, sself, swl, ss, W2, b2, bl):
    return pl.pallas_call(
        _final_body,
        in_specs=[pl.BlockSpec(memory_space=pltpu.VMEM)]
        + [pl.BlockSpec(memory_space=pltpu.SMEM)] * 6,
        out_specs=pl.BlockSpec(memory_space=pltpu.SMEM),
        out_shape=jax.ShapeDtypeStruct((1, 1), jnp.float32),
    )(part, sself, swl, ss, W2, b2, bl)


def kernel(x, edge_index, W1, b1, W2, b2, Wl, bl):
    src = edge_index[0]
    dst = edge_index[1]

    xf = jnp.pad(x.reshape(N), (0, NP - N)).reshape(784, 128)
    wl_p = jnp.pad(Wl.reshape(N), (0, NP - N)).reshape(784, 128)

    histp = _hist(dst)
    dinv, v, xod = _node1(histp.reshape(2, 784, 128), xf)
    s1p = _agg(src, dst, v.reshape(NP))
    wpk, sself, swl, ss = _node2(s1p.reshape(2, 784, 128), dinv, xod, wl_p,
                                 W1, b1.reshape(1, 1))
    part = _dot(src, dst, wpk.reshape(NP))
    out = _final(part.reshape(4, 128), sself, swl, ss,
                 W2, b2.reshape(1, 1), bl.reshape(1, 1))
    return out

# --- scband reference (transcript-rebuilt; emitter-appended) ---
"""Pipeline reference for scband-gcnmodel-31825707663963 (READ-ONLY COPY).

The authoritative reference and input builder live on the scoring server;
editing this copy changes nothing except your own understanding.
"""

import jax, jax.numpy as jnp
import numpy as np

N = 100000
E = 6400000

def setup_inputs(seed: int = 0) -> dict:
    key = jax.random.key(seed)
    ks = jax.random.split(key, 8)
    x = jax.random.normal(ks[0], (N, 1), dtype=jnp.float32)
    edge_index = jax.random.randint(ks[1], (2, E), 0, N)
    W1 = jax.random.normal(ks[2], (1, 1), dtype=jnp.float32)
    b1 = jnp.zeros((1,), dtype=jnp.float32)
    W2 = jax.random.normal(ks[3], (1, 1), dtype=jnp.float32)
    b2 = jnp.zeros((1,), dtype=jnp.float32)
    Wl = jax.random.normal(ks[4], (1, N), dtype=jnp.float32) * (1.0 / np.sqrt(N))
    bl = jnp.zeros((1,), dtype=jnp.float32)
    return {"x": x, "edge_index": edge_index, "W1": W1, "b1": b1, "W2": W2, "b2": b2, "Wl": Wl, "bl": bl}


def _gcn_conv(x, edge_index, W, b, num_nodes):
    # PyG GCNConv: add self loops, symmetric normalization, linear transform, scatter-add aggregation
    src = edge_index[0]
    dst = edge_index[1]
    loop = jnp.arange(num_nodes, dtype=src.dtype)
    src = jnp.concatenate([src, loop])
    dst = jnp.concatenate([dst, loop])
    deg = jnp.zeros((num_nodes,), dtype=x.dtype).at[dst].add(1.0)
    dinv = 1.0 / jnp.sqrt(deg)
    dinv = jnp.where(jnp.isinf(dinv), 0.0, dinv)
    norm = dinv[src] * dinv[dst]
    h = x @ W
    msg = h[src] * norm[:, None]
    out = jnp.zeros((num_nodes, h.shape[1]), dtype=x.dtype).at[dst].add(msg)
    return out + b


def reference(x, edge_index, W1, b1, W2, b2, Wl, bl):
    h = _gcn_conv(x, edge_index, W1, b1, N)
    h = jax.nn.relu(h)
    h = _gcn_conv(h, edge_index, W2, b2, N)
    # x.T -> [1, N]; Linear(N, 1) -> [1, 1]
    out = h.T @ Wl.T + bl
    return out

if __name__ == "__main__":
    import jax
    _d = setup_inputs()
    print(jax.jit(kernel)(*tuple(_d.values())))

</pallas_src>

<mosaic_0001>
#map = affine_map<(d0, d1) -> (0)>
#map1 = affine_map<(d0, d1) -> (0, 0)>
module attributes {stable_mosaic.version = 14 : i64} {
  func.func @_agg_body(%arg0: i32, %arg1: i32, %arg2: memref<6400000xi32, #tpu.memory_space<hbm>>, %arg3: memref<6400000xi32, #tpu.memory_space<hbm>>, %arg4: memref<100352xf32, #tpu.memory_space<hbm>>, %arg5: memref<2x100352xf32, #tpu.memory_space<hbm>>, %arg6: memref<100352xf32, #tpu.memory_space<vmem>>, %arg7: memref<784xf32, #tpu.memory_space<vmem>>, %arg8: memref<4096xi32, #tpu.memory_space<vmem>>, %arg9: memref<4096xi32, #tpu.memory_space<vmem>>, %arg10: memref<4096xi32, #tpu.memory_space<vmem>>, %arg11: memref<4096xi32, #tpu.memory_space<vmem>>, %arg12: memref<1024xf32, #tpu.memory_space<vmem>>, %arg13: memref<1024xf32, #tpu.memory_space<vmem>>, %arg14: memref<100352xf32, #tpu.memory_space<vmem_shared>>, %arg15: memref<!tpu.dma_semaphore, #tpu.memory_space<semaphore_mem>>, %arg16: memref<!tpu.dma_semaphore, #tpu.memory_space<semaphore_mem>>, %arg17: memref<!tpu.dma_semaphore, #tpu.memory_space<semaphore_mem>>, %arg18: memref<!tpu.dma_semaphore, #tpu.memory_space<semaphore_mem>>, %arg19: memref<!tpu.dma_semaphore, #tpu.memory_space<semaphore_mem>>) attributes {dimension_semantics = [#tpu.dimension_semantics<core_parallel>, #tpu.dimension_semantics<subcore_parallel>], iteration_bounds = array<i64: 2, 16>, scalar_prefetch = 0 : i64, scratch_operands = 14 : i64, tpu.core_type = #tpu.core_type<sc_vector_subcore>, window_params = [{transform_indices = #map}, {transform_indices = #map}, {transform_indices = #map}, {transform_indices = #map1}]} {
    %mul3A = arith.constant 2 : i32
    %mul3A_0 = arith.muli %arg1, %mul3A : i32
    %add3A = arith.addi %mul3A_0, %arg0 : i32
    "tpu.region"() ({
      %run_scoped3A = tpu.sem_alloc : memref<!tpu.dma_semaphore, #tpu.memory_space<semaphore_mem>>
      tpu.enqueue_dma source(%arg4 : memref<100352xf32, #tpu.memory_space<hbm>>) target(%arg6 : memref<100352xf32, #tpu.memory_space<vmem>>) target_semaphore(%run_scoped3A : memref<!tpu.dma_semaphore, #tpu.memory_space<semaphore_mem>>)
      tpu.wait_dma2 semaphore(%run_scoped3A : memref<!tpu.dma_semaphore, #tpu.memory_space<semaphore_mem>>) src(%arg4 : memref<100352xf32, #tpu.memory_space<hbm>>) dst(%arg6 : memref<100352xf32, #tpu.memory_space<vmem>>)
      tpu.yield
    }) : () -> ()
    %broadcast_in_dim3A = arith.constant 0.000000e+00 : f32
    %broadcast_in_dim3A_1 = vector.broadcast %broadcast_in_dim3A : f32 to vector<16xf32>
    %scan3A = arith.constant 0 : i32
    %scan3A_2 = arith.constant 49 : i32
    %scan3A_3 = arith.addi %scan3A, %scan3A_2 : i32
    %scan3A_4 = arith.constant 1 : i32
    scf.for %scan3A_156 = %scan3A to %scan3A_3 step %scan3A_4  : i32 {
      %mul3A_157 = arith.constant 1 : i32
      %mul3A_158 = arith.muli %scan3A_156, %mul3A_157 : i32
      %add3A_159 = arith.constant 0 : i32
      %add3A_160 = arith.addi %add3A_159, %mul3A_158 : i32
      %mul3A_161 = arith.constant 16 : i32
      %mul3A_162 = arith.muli %add3A_160, %mul3A_161 : i32
      %swap3A = arith.index_cast %mul3A_162 : i32 to index
      %swap3A_163 = tpu.vector_load %arg7[%swap3A] {strides = array<i32>} : memref<784xf32, #tpu.memory_space<vmem>>, vector<16xf32>,
      tpu.vector_store %arg7[%swap3A], %broadcast_in_dim3A_1 {strides = array<i32>} : memref<784xf32, #tpu.memory_space<vmem>>, vector<16xf32>,
    }
    %scan3A_5 = arith.constant 49 : i32
    %scan3A_6 = arith.constant 0 : i32
    %scan3A_7 = arith.constant 8 : i32
    %scan3A_8 = arith.addi %scan3A_6, %scan3A_7 : i32
    %scan3A_9 = arith.constant 1 : i32
    scf.for %scan3A_156 = %scan3A_6 to %scan3A_8 step %scan3A_9  : i32 {
      %mul3A_157 = arith.constant 1 : i32
      %mul3A_158 = arith.muli %scan3A_156, %mul3A_157 : i32
      %add3A_159 = arith.constant 0 : i32
      %add3A_160 = arith.addi %add3A_159, %mul3A_158 : i32
      %mul3A_161 = arith.constant 6272 : i32
      %mul3A_162 = arith.muli %arg1, %mul3A_161 : i32
      %mul3A_163 = arith.constant 784 : i32
      %mul3A_164 = arith.muli %add3A_160, %mul3A_163 : i32
      %add3A_165 = arith.addi %mul3A_162, %mul3A_164 : i32
      "tpu.region"() ({
        %run_scoped3A = tpu.sem_alloc : memref<!tpu.dma_semaphore, #tpu.memory_space<semaphore_mem>>
        %dma_start3A_166 = tpu.memref_slice %arg14[%add3A_165] : memref<100352xf32, #tpu.memory_space<vmem_shared>> -> memref<784xf32, #tpu.memory_space<vmem_shared>>
        %dma_start3A_167 = tpu.memref_slice %arg14[%add3A_165] : memref<100352xf32, #tpu.memory_space<vmem_shared>> -> memref<784xf32, #tpu.memory_space<vmem_shared>>
        tpu.enqueue_dma source(%arg7 : memref<784xf32, #tpu.memory_space<vmem>>) target(%dma_start3A_167 : memref<784xf32, #tpu.memory_space<vmem_shared>>) target_semaphore(%run_scoped3A : memref<!tpu.dma_semaphore, #tpu.memory_space<semaphore_mem>>)
        %dma_wait3A_168 = tpu.memref_slice %arg14[%add3A_165] : memref<100352xf32, #tpu.memory_space<vmem_shared>> -> memref<784xf32, #tpu.memory_space<vmem_shared>>
        %dma_wait3A_169 = tpu.memref_slice %arg14[%add3A_165] : memref<100352xf32, #tpu.memory_space<vmem_shared>> -> memref<784xf32, #tpu.memory_space<vmem_shared>>
        tpu.wait_dma2 semaphore(%run_scoped3A : memref<!tpu.dma_semaphore, #tpu.memory_space<semaphore_mem>>) src(%arg7 : memref<784xf32, #tpu.memory_space<vmem>>) dst(%dma_wait3A_169 : memref<784xf32, #tpu.memory_space<vmem_shared>>)
        tpu.yield
      }) : () -> ()
    }
    %scan3A_10 = arith.constant 8 : i32
    %barrier3A = arith.constant 0 : index
    tpu.barrier barrier_id(%barrier3A)
    %lt3A = arith.constant 21 : i32
    %lt3A_11 = arith.cmpi slt, %add3A, %lt3A : i32
    %jit3A = arith.constant 1 : i32
    %jit3A_12 = arith.constant 0 : i32
    %select_n3A = arith.select %lt3A_11, %jit3A, %jit3A_12 : i32
    %add3A_13 = arith.constant 97 : i32
    %add3A_14 = arith.addi %add3A_13, %select_n3A : i32
    %mul3A_15 = arith.constant 97 : i32
    %mul3A_16 = arith.muli %add3A, %mul3A_15 : i32
    %min3A = arith.constant 21 : i32
    %min3A_17 = arith.minsi %add3A, %min3A : i32
    %add3A_18 = arith.addi %mul3A_16, %min3A_17 : i32
    %mul3A_19 = arith.constant 16 : i32
    %mul3A_20 = arith.muli %add3A_18, %mul3A_19 : i32
    %mul3A_21 = arith.constant 16 : i32
    %mul3A_22 = arith.muli %add3A_14, %mul3A_21 : i32
    %jit3A_23 = arith.constant 8 : i32
    %div3A = arith.divsi %mul3A_20, %jit3A_23 : i32
    %sign3A = arith.constant 0 : i32
    %sign3A_24 = arith.cmpi sgt, %mul3A_20, %sign3A : i32
    %sign3A_25 = arith.extui %sign3A_24 : i1 to i32
    %sign3A_26 = arith.constant 0 : i32
    %sign3A_27 = arith.cmpi slt, %mul3A_20, %sign3A_26 : i32
    %sign3A_28 = arith.extui %sign3A_27 : i1 to i32
    %sign3A_29 = arith.subi %sign3A_25, %sign3A_28 : i32
    %sign3A_30 = arith.constant 0 : i32
    %sign3A_31 = arith.cmpi sgt, %jit3A_23, %sign3A_30 : i32
    %sign3A_32 = arith.extui %sign3A_31 : i1 to i32
    %sign3A_33 = arith.constant 0 : i32
    %sign3A_34 = arith.cmpi slt, %jit3A_23, %sign3A_33 : i32
    %sign3A_35 = arith.extui %sign3A_34 : i1 to i32
    %sign3A_36 = arith.subi %sign3A_32, %sign3A_35 : i32
    %ne3A = arith.cmpi ne, %sign3A_29, %sign3A_36 : i32
    %rem3A = arith.remsi %mul3A_20, %jit3A_23 : i32
    %ne3A_37 = arith.constant 0 : i32
    %ne3A_38 = arith.cmpi ne, %rem3A, %ne3A_37 : i32
    %and3A = arith.andi %ne3A, %ne3A_38 : i1
    %sub3A = arith.constant 1 : i32
    %sub3A_39 = arith.subi %div3A, %sub3A : i32
    %select_n3A_40 = arith.select %and3A, %sub3A_39, %div3A : i32
    %jit3A_41 = arith.constant 8 : i32
    %div3A_42 = arith.divsi %mul3A_22, %jit3A_41 : i32
    %sign3A_43 = arith.constant 0 : i32
    %sign3A_44 = arith.cmpi sgt, %mul3A_22, %sign3A_43 : i32
    %sign3A_45 = arith.extui %sign3A_44 : i1 to i32
    %sign3A_46 = arith.constant 0 : i32
    %sign3A_47 = arith.cmpi slt, %mul3A_22, %sign3A_46 : i32
    %sign3A_48 = arith.extui %sign3A_47 : i1 to i32
    %sign3A_49 = arith.subi %sign3A_45, %sign3A_48 : i32
    %sign3A_50 = arith.constant 0 : i32
    %sign3A_51 = arith.cmpi sgt, %jit3A_41, %sign3A_50 : i32
    %sign3A_52 = arith.extui %sign3A_51 : i1 to i32
    %sign3A_53 = arith.constant 0 : i32
    %sign3A_54 = arith.cmpi slt, %jit3A_41, %sign3A_53 : i32
    %sign3A_55 = arith.extui %sign3A_54 : i1 to i32
    %sign3A_56 = arith.subi %sign3A_52, %sign3A_55 : i32
    %ne3A_57 = arith.cmpi ne, %sign3A_49, %sign3A_56 : i32
    %rem3A_58 = arith.remsi %mul3A_22, %jit3A_41 : i32
    %ne3A_59 = arith.constant 0 : i32
    %ne3A_60 = arith.cmpi ne, %rem3A_58, %ne3A_59 : i32
    %and3A_61 = arith.andi %ne3A_57, %ne3A_60 : i1
    %sub3A_62 = arith.constant 1 : i32
    %sub3A_63 = arith.subi %div3A_42, %sub3A_62 : i32
    %select_n3A_64 = arith.select %and3A_61, %sub3A_63, %div3A_42 : i32
    %min3A_65 = arith.constant 0 : i32
    %min3A_66 = arith.constant 48 : i32
    %min3A_67 = arith.minsi %min3A_65, %min3A_66 : i32
    %mul3A_68 = arith.constant 4 : i32
    %mul3A_69 = arith.muli %min3A_67, %mul3A_68 : i32
    %add3A_70 = arith.addi %select_n3A_40, %mul3A_69 : i32
    %min3A_71 = arith.constant 6246 : i32
    %min3A_72 = arith.minsi %add3A_70, %min3A_71 : i32
    %mul3A_73 = arith.constant 1024 : i32
    %mul3A_74 = arith.muli %min3A_72, %mul3A_73 : i32
    %dma_start3A = tpu.memref_slice %arg2[%mul3A_74] : memref<6400000xi32, #tpu.memory_space<hbm>> -> memref<4096xi32, #tpu.memory_space<hbm>>
    %dma_start3A_75 = tpu.memref_slice %arg2[%mul3A_74] : memref<6400000xi32, #tpu.memory_space<hbm>> -> memref<4096xi32, #tpu.memory_space<hbm>>
    tpu.enqueue_dma source(%dma_start3A_75 : memref<4096xi32, #tpu.memory_space<hbm>>) target(%arg8 : memref<4096xi32, #tpu.memory_space<vmem>>) target_semaphore(%arg15 : memref<!tpu.dma_semaphore, #tpu.memory_space<semaphore_mem>>)
    %mul3A_76 = arith.constant 1024 : i32
    %mul3A_77 = arith.muli %min3A_72, %mul3A_76 : i32
    %dma_start3A_78 = tpu.memref_slice %arg3[%mul3A_77] : memref<6400000xi32, #tpu.memory_space<hbm>> -> memref<4096xi32, #tpu.memory_space<hbm>>
    %dma_start3A_79 = tpu.memref_slice %arg3[%mul3A_77] : memref<6400000xi32, #tpu.memory_space<hbm>> -> memref<4096xi32, #tpu.memory_space<hbm>>
    tpu.enqueue_dma source(%dma_start3A_79 : memref<4096xi32, #tpu.memory_space<hbm>>) target(%arg10 : memref<4096xi32, #tpu.memory_space<vmem>>) target_semaphore(%arg17 : memref<!tpu.dma_semaphore, #tpu.memory_space<semaphore_mem>>)
    %scan3A_80 = arith.constant 0 : i32
    %scan3A_81 = arith.constant 24 : i32
    %scan3A_82 = arith.addi %scan3A_80, %scan3A_81 : i32
    %scan3A_83 = arith.constant 1 : i32
    scf.for %scan3A_156 = %scan3A_80 to %scan3A_82 step %scan3A_83  : i32 {
      %mul3A_157 = arith.constant 1 : i32
      %mul3A_158 = arith.muli %scan3A_156, %mul3A_157 : i32
      %add3A_159 = arith.constant 0 : i32
      %add3A_160 = arith.addi %add3A_159, %mul3A_158 : i32
      %mul3A_161 = arith.constant 2 : i32
      %mul3A_162 = arith.muli %mul3A_161, %add3A_160 : i32
      %mul3A_163 = arith.constant 4 : i32
      %mul3A_164 = arith.muli %mul3A_162, %mul3A_163 : i32
      %add3A_165 = arith.addi %select_n3A_40, %mul3A_164 : i32
      %min3A_166 = arith.constant 6246 : i32
      %min3A_167 = arith.minsi %add3A_165, %min3A_166 : i32
      %mul3A_168 = arith.constant 1024 : i32
      %mul3A_169 = arith.muli %min3A_167, %mul3A_168 : i32
      %dma_wait3A_170 = tpu.memref_slice %arg2[%mul3A_169] : memref<6400000xi32, #tpu.memory_space<hbm>> -> memref<4096xi32, #tpu.memory_space<hbm>>
      %dma_wait3A_171 = tpu.memref_slice %arg2[%mul3A_169] : memref<6400000xi32, #tpu.memory_space<hbm>> -> memref<4096xi32, #tpu.memory_space<hbm>>
      tpu.wait_dma2 semaphore(%arg15 : memref<!tpu.dma_semaphore, #tpu.memory_space<semaphore_mem>>) src(%dma_wait3A_171 : memref<4096xi32, #tpu.memory_space<hbm>>) dst(%arg8 : memref<4096xi32, #tpu.memory_space<vmem>>)
      %mul3A_172 = arith.constant 1024 : i32
      %mul3A_173 = arith.muli %min3A_167, %mul3A_172 : i32
      %dma_wait3A_174 = tpu.memref_slice %arg3[%mul3A_173] : memref<6400000xi32, #tpu.memory_space<hbm>> -> memref<4096xi32, #tpu.memory_space<hbm>>
      %dma_wait3A_175 = tpu.memref_slice %arg3[%mul3A_173] : memref<6400000xi32, #tpu.memory_space<hbm>> -> memref<4096xi32, #tpu.memory_space<hbm>>
      tpu.wait_dma2 semaphore(%arg17 : memref<!tpu.dma_semaphore, #tpu.memory_space<semaphore_mem>>) src(%dma_wait3A_175 : memref<4096xi32, #tpu.memory_space<hbm>>) dst(%arg10 : memref<4096xi32, #tpu.memory_space<vmem>>)
      %add3A_176 = arith.constant 1 : i32
      %add3A_177 = arith.addi %mul3A_162, %add3A_176 : i32
      %min3A_178 = arith.constant 48 : i32
      %min3A_179 = arith.minsi %add3A_177, %min3A_178 : i32
      %mul3A_180 = arith.constant 4 : i32
      %mul3A_181 = arith.muli %min3A_179, %mul3A_180 : i32
      %add3A_182 = arith.addi %select_n3A_40, %mul3A_181 : i32
      %min3A_183 = arith.constant 6246 : i32
      %min3A_184 = arith.minsi %add3A_182, %min3A_183 : i32
      %mul3A_185 = arith.constant 1024 : i32
      %mul3A_186 = arith.muli %min3A_184, %mul3A_185 : i32
      %dma_start3A_187 = tpu.memref_slice %arg2[%mul3A_186] : memref<6400000xi32, #tpu.memory_space<hbm>> -> memref<4096xi32, #tpu.memory_space<hbm>>
      %dma_start3A_188 = tpu.memref_slice %arg2[%mul3A_186] : memref<6400000xi32, #tpu.memory_space<hbm>> -> memref<4096xi32, #tpu.memory_space<hbm>>
      tpu.enqueue_dma source(%dma_start3A_188 : memref<4096xi32, #tpu.memory_space<hbm>>) target(%arg9 : memref<4096xi32, #tpu.memory_space<vmem>>) target_semaphore(%arg16 : memref<!tpu.dma_semaphore, #tpu.memory_space<semaphore_mem>>)
      %mul3A_189 = arith.constant 1024 : i32
      %mul3A_190 = arith.muli %min3A_184, %mul3A_189 : i32
      %dma_start3A_191 = tpu.memref_slice %arg3[%mul3A_190] : memref<6400000xi32, #tpu.memory_space<hbm>> -> memref<4096xi32, #tpu.memory_space<hbm>>
      %dma_start3A_192 = tpu.memref_slice %arg3[%mul3A_190] : memref<6400000xi32, #tpu.memory_space<hbm>> -> memref<4096xi32, #tpu.memory_space<hbm>>
      tpu.enqueue_dma source(%dma_start3A_192 : memref<4096xi32, #tpu.memory_space<hbm>>) target(%arg11 : memref<4096xi32, #tpu.memory_space<vmem>>) target_semaphore(%arg18 : memref<!tpu.dma_semaphore, #tpu.memory_space<semaphore_mem>>)
      %mul3A_193 = arith.constant 4 : i32
      %mul3A_194 = arith.muli %mul3A_162, %mul3A_193 : i32
      %add3A_195 = arith.addi %select_n3A_40, %mul3A_194 : i32
      %mul3A_196 = arith.constant 4 : i32
      %mul3A_197 = arith.muli %mul3A_162, %mul3A_196 : i32
      %add3A_198 = arith.addi %select_n3A_40, %mul3A_197 : i32
      %min3A_199 = arith.constant 6246 : i32
      %min3A_200 = arith.minsi %add3A_198, %min3A_199 : i32
      %sub3A_201 = arith.subi %add3A_195, %min3A_200 : i32
      %mul3A_202 = arith.constant 4 : i32
      %mul3A_203 = arith.muli %mul3A_162, %mul3A_202 : i32
      %sub3A_204 = arith.subi %select_n3A_64, %mul3A_203 : i32
      %min3A_205 = arith.constant 4 : i32
      %min3A_206 = arith.minsi %min3A_205, %sub3A_204 : i32
      %mul3A_207 = arith.constant 1024 : i32
      %mul3A_208 = arith.muli %sub3A_201, %mul3A_207 : i32
      %jit3A_209 = arith.constant 2 : i32
      %div3A_210 = arith.divsi %min3A_206, %jit3A_209 : i32
      %sign3A_211 = arith.constant 0 : i32
      %sign3A_212 = arith.cmpi sgt, %min3A_206, %sign3A_211 : i32
      %sign3A_213 = arith.extui %sign3A_212 : i1 to i32
      %sign3A_214 = arith.constant 0 : i32
      %sign3A_215 = arith.cmpi slt, %min3A_206, %sign3A_214 : i32
      %sign3A_216 = arith.extui %sign3A_215 : i1 to i32
      %sign3A_217 = arith.subi %sign3A_213, %sign3A_216 : i32
      %sign3A_218 = arith.constant 0 : i32
      %sign3A_219 = arith.cmpi sgt, %jit3A_209, %sign3A_218 : i32
      %sign3A_220 = arith.extui %sign3A_219 : i1 to i32
      %sign3A_221 = arith.constant 0 : i32
      %sign3A_222 = arith.cmpi slt, %jit3A_209, %sign3A_221 : i32
      %sign3A_223 = arith.extui %sign3A_222 : i1 to i32
      %sign3A_224 = arith.subi %sign3A_220, %sign3A_223 : i32
      %ne3A_225 = arith.cmpi ne, %sign3A_217, %sign3A_224 : i32
      %rem3A_226 = arith.remsi %min3A_206, %jit3A_209 : i32
      %ne3A_227 = arith.constant 0 : i32
      %ne3A_228 = arith.cmpi ne, %rem3A_226, %ne3A_227 : i32
      %and3A_229 = arith.andi %ne3A_225, %ne3A_228 : i1
      %sub3A_230 = arith.constant 1 : i32
      %sub3A_231 = arith.subi %div3A_210, %sub3A_230 : i32
      %select_n3A_232 = arith.select %and3A_229, %sub3A_231, %div3A_210 : i32
      %sub3A_233 = arith.constant 0 : i32
      %sub3A_234 = arith.subi %select_n3A_232, %sub3A_233 : i32
      %sub3A_235 = arith.constant 1 : i32
      %sub3A_236 = arith.constant 1 : i32
      %sub3A_237 = arith.subi %sub3A_235, %sub3A_236 : i32
      %add3A_238 = arith.addi %sub3A_234, %sub3A_237 : i32
      %div3A_239 = arith.constant 1 : i32
      %div3A_240 = arith.divsi %add3A_238, %div3A_239 : i32
      %while3A_241 = arith.constant 1 : i32
      %while3A_242 = arith.constant 0 : i32
      %while3A_243 = arith.constant 0 : i32
      %while3A_244 = arith.subi %div3A_240, %while3A_243 : i32
      %while3A_245 = arith.addi %while3A_243, %while3A_244 : i32
      %while3A_246 = arith.constant 1 : i32
      %while3A_247 = arith.divsi %while3A_244, %while3A_246 : i32
      %while3A_248 = arith.muli %while3A_247, %while3A_246 : i32
      %while3A_249 = arith.addi %while3A_243, %while3A_248 : i32
      %while3A_250 = arith.constant 1 : i32
      scf.for %while3A_345 = %while3A_243 to %while3A_249 step %while3A_250  : i32 {
        %mul3A_346 = arith.muli %while3A_345, %while3A_241 : i32
        %add3A_347 = arith.addi %while3A_242, %mul3A_346 : i32
        %mul3A_348 = arith.constant 2 : i32
        %mul3A_349 = arith.muli %mul3A_348, %add3A_347 : i32
        %add3A_350 = arith.addi %sub3A_201, %mul3A_349 : i32
        %mul3A_351 = arith.constant 1024 : i32
        %mul3A_352 = arith.muli %add3A_350, %mul3A_351 : i32
        %parallel_loop3A = arith.constant 0 : i32
        %parallel_loop3A_353 = arith.constant 64 : i32
        %parallel_loop3A_354 = arith.constant 1 : i32
        scf.for %parallel_loop3A_378 = %parallel_loop3A to %parallel_loop3A_353 step %parallel_loop3A_354  : i32 {
          %parallel_loop3A_379 = arith.constant 16 : i32
          %parallel_loop3A_380 = arith.muli %parallel_loop3A_378, %parallel_loop3A_379 : i32
          %parallel_loop3A_381 = arith.addi %mul3A_352, %parallel_loop3A_380 : i32
          %parallel_loop3A_382 = arith.index_cast %parallel_loop3A_381 : i32 to index
          %parallel_loop3A_383 = tpu.vector_load %arg8[%parallel_loop3A_382] {strides = array<i32>} : memref<4096xi32, #tpu.memory_space<vmem>>, vector<16xi32>,
          %parallel_loop3A_384 = tpu.vector_load_idx %arg6[%parallel_loop3A_383] : memref<100352xf32, #tpu.memory_space<vmem>>[vector<16xi32>], vector<16xf32>,
          %parallel_loop3A_385 = arith.constant 16 : i32
          %parallel_loop3A_386 = arith.muli %parallel_loop3A_378, %parallel_loop3A_385 : i32
          %parallel_loop3A_387 = arith.index_cast %parallel_loop3A_386 : i32 to index
          %parallel_loop3A_388 = tpu.vector_load %arg12[%parallel_loop3A_387] {strides = array<i32>} : memref<1024xf32, #tpu.memory_space<vmem>>, vector<16xf32>,
          tpu.vector_store %arg12[%parallel_loop3A_387], %parallel_loop3A_384 {strides = array<i32>} : memref<1024xf32, #tpu.memory_space<vmem>>, vector<16xf32>,
        } {sc.loop_unroll_factor = 16 : i64, sc.parallel_access}
        %mul3A_355 = arith.constant 1024 : i32
        %mul3A_356 = arith.muli %add3A_350, %mul3A_355 : i32
        %dma_start3A_357 = tpu.memref_slice %arg10[%mul3A_356] : memref<4096xi32, #tpu.memory_space<vmem>> -> memref<1024xi32, #tpu.memory_space<vmem>>
        %dma_start3A_358 = arith.constant 0 : i32
        %dma_start3A_359 = tpu.memref_slice %arg14[%dma_start3A_358] : memref<100352xf32, #tpu.memory_space<vmem_shared>> -> memref<100352xf32, #tpu.memory_space<vmem_shared>>
        tpu.enqueue_indirect_dma source(%arg12 : memref<1024xf32, #tpu.memory_space<vmem>>) target(%dma_start3A_359 : memref<100352xf32, #tpu.memory_space<vmem_shared>>) offsets(%dma_start3A_357 : memref<1024xi32, #tpu.memory_space<vmem>>) semaphore(%arg19 : memref<!tpu.dma_semaphore, #tpu.memory_space<semaphore_mem>>) {add = true}
        %add3A_360 = arith.constant 1024 : i32
        %add3A_361 = arith.addi %mul3A_352, %add3A_360 : i32
        %parallel_loop3A_362 = arith.constant 0 : i32
        %parallel_loop3A_363 = arith.constant 64 : i32
        %parallel_loop3A_364 = arith.constant 1 : i32
        scf.for %parallel_loop3A_378 = %parallel_loop3A_362 to %parallel_loop3A_363 step %parallel_loop3A_364  : i32 {
          %parallel_loop3A_379 = arith.constant 16 : i32
          %parallel_loop3A_380 = arith.muli %parallel_loop3A_378, %parallel_loop3A_379 : i32
          %parallel_loop3A_381 = arith.addi %add3A_361, %parallel_loop3A_380 : i32
          %parallel_loop3A_382 = arith.index_cast %parallel_loop3A_381 : i32 to index
          %parallel_loop3A_383 = tpu.vector_load %arg8[%parallel_loop3A_382] {strides = array<i32>} : memref<4096xi32, #tpu.memory_space<vmem>>, vector<16xi32>,
          %parallel_loop3A_384 = tpu.vector_load_idx %arg6[%parallel_loop3A_383] : memref<100352xf32, #tpu.memory_space<vmem>>[vector<16xi32>], vector<16xf32>,
          %parallel_loop3A_385 = arith.constant 16 : i32
          %parallel_loop3A_386 = arith.muli %parallel_loop3A_378, %parallel_loop3A_385 : i32
          %parallel_loop3A_387 = arith.index_cast %parallel_loop3A_386 : i32 to index
          %parallel_loop3A_388 = tpu.vector_load %arg13[%parallel_loop3A_387] {strides = array<i32>} : memref<1024xf32, #tpu.memory_space<vmem>>, vector<16xf32>,
          tpu.vector_store %arg13[%parallel_loop3A_387], %parallel_loop3A_384 {strides = array<i32>} : memref<1024xf32, #tpu.memory_space<vmem>>, vector<16xf32>,
        } {sc.loop_unroll_factor = 16 : i64, sc.parallel_access}
        %add3A_365 = arith.constant 1 : i32
        %add3A_366 = arith.addi %add3A_350, %add3A_365 : i32
        %mul3A_367 = arith.constant 1024 : i32
        %mul3A_368 = arith.muli %add3A_366, %mul3A_367 : i32
        %dma_start3A_369 = tpu.memref_slice %arg10[%mul3A_368] : memref<4096xi32, #tpu.memory_space<vmem>> -> memref<1024xi32, #tpu.memory_space<vmem>>
        %dma_start3A_370 = arith.constant 0 : i32
        %dma_start3A_371 = tpu.memref_slice %arg14[%dma_start3A_370] : memref<100352xf32, #tpu.memory_space<vmem_shared>> -> memref<100352xf32, #tpu.memory_space<vmem_shared>>
        tpu.enqueue_indirect_dma source(%arg13 : memref<1024xf32, #tpu.memory_space<vmem>>) target(%dma_start3A_371 : memref<100352xf32, #tpu.memory_space<vmem_shared>>) offsets(%dma_start3A_369 : memref<1024xi32, #tpu.memory_space<vmem>>) semaphore(%arg19 : memref<!tpu.dma_semaphore, #tpu.memory_space<semaphore_mem>>) {add = true}
        %dma_wait3A_372 = tpu.memref_slice %arg10[%mul3A_208] : memref<4096xi32, #tpu.memory_space<vmem>> -> memref<1024xi32, #tpu.memory_space<vmem>>
        %dma_wait3A_373 = arith.constant 0 : i32
        %dma_wait3A_374 = tpu.memref_slice %arg14[%dma_wait3A_373] : memref<100352xf32, #tpu.memory_space<vmem_shared>> -> memref<100352xf32, #tpu.memory_space<vmem_shared>>
        tpu.wait_indirect_dma semaphore(%arg19 : memref<!tpu.dma_semaphore, #tpu.memory_space<semaphore_mem>>) src(%arg12 : memref<1024xf32, #tpu.memory_space<vmem>>) dst(%dma_wait3A_374 : memref<100352xf32, #tpu.memory_space<vmem_shared>>)
        %dma_wait3A_375 = tpu.memref_slice %arg10[%mul3A_208] : memref<4096xi32, #tpu.memory_space<vmem>> -> memref<1024xi32, #tpu.memory_space<vmem>>
        %dma_wait3A_376 = arith.constant 0 : i32
        %dma_wait3A_377 = tpu.memref_slice %arg14[%dma_wait3A_376] : memref<100352xf32, #tpu.memory_space<vmem_shared>> -> memref<100352xf32, #tpu.memory_space<vmem_shared>>
        tpu.wait_indirect_dma semaphore(%arg19 : memref<!tpu.dma_semaphore, #tpu.memory_space<semaphore_mem>>) src(%arg12 : memref<1024xf32, #tpu.memory_space<vmem>>) dst(%dma_wait3A_377 : memref<100352xf32, #tpu.memory_space<vmem_shared>>)
      }
      %while3A_251 = arith.constant 1 : i32
      scf.for %while3A_345 = %while3A_249 to %while3A_245 step %while3A_251  : i32 {
        %mul3A_346 = arith.muli %while3A_345, %while3A_241 : i32
        %add3A_347 = arith.addi %while3A_242, %mul3A_346 : i32
        %mul3A_348 = arith.constant 2 : i32
        %mul3A_349 = arith.muli %mul3A_348, %add3A_347 : i32
        %add3A_350 = arith.addi %sub3A_201, %mul3A_349 : i32
        %mul3A_351 = arith.constant 1024 : i32
        %mul3A_352 = arith.muli %add3A_350, %mul3A_351 : i32
        %parallel_loop3A = arith.constant 0 : i32
        %parallel_loop3A_353 = arith.constant 64 : i32
        %parallel_loop3A_354 = arith.constant 1 : i32
        scf.for %parallel_loop3A_378 = %parallel_loop3A to %parallel_loop3A_353 step %parallel_loop3A_354  : i32 {
          %parallel_loop3A_379 = arith.constant 16 : i32
          %parallel_loop3A_380 = arith.muli %parallel_loop3A_378, %parallel_loop3A_379 : i32
          %parallel_loop3A_381 = arith.addi %mul3A_352, %parallel_loop3A_380 : i32
          %parallel_loop3A_382 = arith.index_cast %parallel_loop3A_381 : i32 to index
          %parallel_loop3A_383 = tpu.vector_load %arg8[%parallel_loop3A_382] {strides = array<i32>} : memref<4096xi32, #tpu.memory_space<vmem>>, vector<16xi32>,
          %parallel_loop3A_384 = tpu.vector_load_idx %arg6[%parallel_loop3A_383] : memref<100352xf32, #tpu.memory_space<vmem>>[vector<16xi32>], vector<16xf32>,
          %parallel_loop3A_385 = arith.constant 16 : i32
          %parallel_loop3A_386 = arith.muli %parallel_loop3A_378, %parallel_loop3A_385 : i32
          %parallel_loop3A_387 = arith.index_cast %parallel_loop3A_386 : i32 to index
          %parallel_loop3A_388 = tpu.vector_load %arg12[%parallel_loop3A_387] {strides = array<i32>} : memref<1024xf32, #tpu.memory_space<vmem>>, vector<16xf32>,
          tpu.vector_store %arg12[%parallel_loop3A_387], %parallel_loop3A_384 {strides = array<i32>} : memref<1024xf32, #tpu.memory_space<vmem>>, vector<16xf32>,
        } {sc.loop_unroll_factor = 16 : i64, sc.parallel_access}
        %mul3A_355 = arith.constant 1024 : i32
        %mul3A_356 = arith.muli %add3A_350, %mul3A_355 : i32
        %dma_start3A_357 = tpu.memref_slice %arg10[%mul3A_356] : memref<4096xi32, #tpu.memory_space<vmem>> -> memref<1024xi32, #tpu.memory_space<vmem>>
        %dma_start3A_358 = arith.constant 0 : i32
        %dma_start3A_359 = tpu.memref_slice %arg14[%dma_start3A_358] : memref<100352xf32, #tpu.memory_space<vmem_shared>> -> memref<100352xf32, #tpu.memory_space<vmem_shared>>
        tpu.enqueue_indirect_dma source(%arg12 : memref<1024xf32, #tpu.memory_space<vmem>>) target(%dma_start3A_359 : memref<100352xf32, #tpu.memory_space<vmem_shared>>) offsets(%dma_start3A_357 : memref<1024xi32, #tpu.memory_space<vmem>>) semaphore(%arg19 : memref<!tpu.dma_semaphore, #tpu.memory_space<semaphore_mem>>) {add = true}
        %add3A_360 = arith.constant 1024 : i32
        %add3A_361 = arith.addi %mul3A_352, %add3A_360 : i32
        %parallel_loop3A_362 = arith.constant 0 : i32
        %parallel_loop3A_363 = arith.constant 64 : i32
        %parallel_loop3A_364 = arith.constant 1 : i32
        scf.for %parallel_loop3A_378 = %parallel_loop3A_362 to %parallel_loop3A_363 step %parallel_loop3A_364  : i32 {
          %parallel_loop3A_379 = arith.constant 16 : i32
          %parallel_loop3A_380 = arith.muli %parallel_loop3A_378, %parallel_loop3A_379 : i32
          %parallel_loop3A_381 = arith.addi %add3A_361, %parallel_loop3A_380 : i32
          %parallel_loop3A_382 = arith.index_cast %parallel_loop3A_381 : i32 to index
          %parallel_loop3A_383 = tpu.vector_load %arg8[%parallel_loop3A_382] {strides = array<i32>} : memref<4096xi32, #tpu.memory_space<vmem>>, vector<16xi32>,
          %parallel_loop3A_384 = tpu.vector_load_idx %arg6[%parallel_loop3A_383] : memref<100352xf32, #tpu.memory_space<vmem>>[vector<16xi32>], vector<16xf32>,
          %parallel_loop3A_385 = arith.constant 16 : i32
          %parallel_loop3A_386 = arith.muli %parallel_loop3A_378, %parallel_loop3A_385 : i32
          %parallel_loop3A_387 = arith.index_cast %parallel_loop3A_386 : i32 to index
          %parallel_loop3A_388 = tpu.vector_load %arg13[%parallel_loop3A_387] {strides = array<i32>} : memref<1024xf32, #tpu.memory_space<vmem>>, vector<16xf32>,
          tpu.vector_store %arg13[%parallel_loop3A_387], %parallel_loop3A_384 {strides = array<i32>} : memref<1024xf32, #tpu.memory_space<vmem>>, vector<16xf32>,
        } {sc.loop_unroll_factor = 16 : i64, sc.parallel_access}
        %add3A_365 = arith.constant 1 : i32
        %add3A_366 = arith.addi %add3A_350, %add3A_365 : i32
        %mul3A_367 = arith.constant 1024 : i32
        %mul3A_368 = arith.muli %add3A_366, %mul3A_367 : i32
        %dma_start3A_369 = tpu.memref_slice %arg10[%mul3A_368] : memref<4096xi32, #tpu.memory_space<vmem>> -> memref<1024xi32, #tpu.memory_space<vmem>>
        %dma_start3A_370 = arith.constant 0 : i32
        %dma_start3A_371 = tpu.memref_slice %arg14[%dma_start3A_370] : memref<100352xf32, #tpu.memory_space<vmem_shared>> -> memref<100352xf32, #tpu.memory_space<vmem_shared>>
        tpu.enqueue_indirect_dma source(%arg13 : memref<1024xf32, #tpu.memory_space<vmem>>) target(%dma_start3A_371 : memref<100352xf32, #tpu.memory_space<vmem_shared>>) offsets(%dma_start3A_369 : memref<1024xi32, #tpu.memory_space<vmem>>) semaphore(%arg19 : memref<!tpu.dma_semaphore, #tpu.memory_space<semaphore_mem>>) {add = true}
        %dma_wait3A_372 = tpu.memref_slice %arg10[%mul3A_208] : memref<4096xi32, #tpu.memory_space<vmem>> -> memref<1024xi32, #tpu.memory_space<vmem>>
        %dma_wait3A_373 = arith.constant 0 : i32
        %dma_wait3A_374 = tpu.memref_slice %arg14[%dma_wait3A_373] : memref<100352xf32, #tpu.memory_space<vmem_shared>> -> memref<100352xf32, #tpu.memory_space<vmem_shared>>
        tpu.wait_indirect_dma semaphore(%arg19 : memref<!tpu.dma_semaphore, #tpu.memory_space<semaphore_mem>>) src(%arg12 : memref<1024xf32, #tpu.memory_space<vmem>>) dst(%dma_wait3A_374 : memref<100352xf32, #tpu.memory_space<vmem_shared>>)
        %dma_wait3A_375 = tpu.memref_slice %arg10[%mul3A_208] : memref<4096xi32, #tpu.memory_space<vmem>> -> memref<1024xi32, #tpu.memory_space<vmem>>
        %dma_wait3A_376 = arith.constant 0 : i32
        %dma_wait3A_377 = tpu.memref_slice %arg14[%dma_wait3A_376] : memref<100352xf32, #tpu.memory_space<vmem_shared>> -> memref<100352xf32, #tpu.memory_space<vmem_shared>>
        tpu.wait_indirect_dma semaphore(%arg19 : memref<!tpu.dma_semaphore, #tpu.memory_space<semaphore_mem>>) src(%arg12 : memref<1024xf32, #tpu.memory_space<vmem>>) dst(%dma_wait3A_377 : memref<100352xf32, #tpu.memory_space<vmem_shared>>)
      }
      %add3A_252 = arith.constant 1 : i32
      %add3A_253 = arith.addi %mul3A_162, %add3A_252 : i32
      %mul3A_254 = arith.constant 4 : i32
      %mul3A_255 = arith.muli %add3A_253, %mul3A_254 : i32
      %add3A_256 = arith.addi %select_n3A_40, %mul3A_255 : i32
      %min3A_257 = arith.constant 6246 : i32
      %min3A_258 = arith.minsi %add3A_256, %min3A_257 : i32
      %mul3A_259 = arith.constant 1024 : i32
      %mul3A_260 = arith.muli %min3A_258, %mul3A_259 : i32
      %dma_wait3A_261 = tpu.memref_slice %arg2[%mul3A_260] : memref<6400000xi32, #tpu.memory_space<hbm>> -> memref<4096xi32, #tpu.memory_space<hbm>>
      %dma_wait3A_262 = tpu.memref_slice %arg2[%mul3A_260] : memref<6400000xi32, #tpu.memory_space<hbm>> -> memref<4096xi32, #tpu.memory_space<hbm>>
      tpu.wait_dma2 semaphore(%arg16 : memref<!tpu.dma_semaphore, #tpu.memory_space<semaphore_mem>>) src(%dma_wait3A_262 : memref<4096xi32, #tpu.memory_space<hbm>>) dst(%arg9 : memref<4096xi32, #tpu.memory_space<vmem>>)
      %mul3A_263 = arith.constant 1024 : i32
      %mul3A_264 = arith.muli %min3A_258, %mul3A_263 : i32
      %dma_wait3A_265 = tpu.memref_slice %arg3[%mul3A_264] : memref<6400000xi32, #tpu.memory_space<hbm>> -> memref<4096xi32, #tpu.memory_space<hbm>>
      %dma_wait3A_266 = tpu.memref_slice %arg3[%mul3A_264] : memref<6400000xi32, #tpu.memory_space<hbm>> -> memref<4096xi32, #tpu.memory_space<hbm>>
      tpu.wait_dma2 semaphore(%arg18 : memref<!tpu.dma_semaphore, #tpu.memory_space<semaphore_mem>>) src(%dma_wait3A_266 : memref<4096xi32, #tpu.memory_space<hbm>>) dst(%arg11 : memref<4096xi32, #tpu.memory_space<vmem>>)
      %add3A_267 = arith.constant 2 : i32
      %add3A_268 = arith.addi %mul3A_162, %add3A_267 : i32
      %min3A_269 = arith.constant 48 : i32
      %min3A_270 = arith.minsi %add3A_268, %min3A_269 : i32
      %mul3A_271 = arith.constant 4 : i32
      %mul3A_272 = arith.muli %min3A_270, %mul3A_271 : i32
      %add3A_273 = arith.addi %select_n3A_40, %mul3A_272 : i32
      %min3A_274 = arith.constant 6246 : i32
      %min3A_275 = arith.minsi %add3A_273, %min3A_274 : i32
      %mul3A_276 = arith.constant 1024 : i32
      %mul3A_277 = arith.muli %min3A_275, %mul3A_276 : i32
      %dma_start3A_278 = tpu.memref_slice %arg2[%mul3A_277] : memref<6400000xi32, #tpu.memory_space<hbm>> -> memref<4096xi32, #tpu.memory_space<hbm>>
      %dma_start3A_279 = tpu.memref_slice %arg2[%mul3A_277] : memref<6400000xi32, #tpu.memory_space<hbm>> -> memref<4096xi32, #tpu.memory_space<hbm>>
      tpu.enqueue_dma source(%dma_start3A_279 : memref<4096xi32, #tpu.memory_space<hbm>>) target(%arg8 : memref<4096xi32, #tpu.memory_space<vmem>>) target_semaphore(%arg15 : memref<!tpu.dma_semaphore, #tpu.memory_space<semaphore_mem>>)
      %mul3A_280 = arith.constant 1024 : i32
      %mul3A_281 = arith.muli %min3A_275, %mul3A_280 : i32
      %dma_start3A_282 = tpu.memref_slice %arg3[%mul3A_281] : memref<6400000xi32, #tpu.memory_space<hbm>> -> memref<4096xi32, #tpu.memory_space<hbm>>
      %dma_start3A_283 = tpu.memref_slice %arg3[%mul3A_281] : memref<6400000xi32, #tpu.memory_space<hbm>> -> memref<4096xi32, #tpu.memory_space<hbm>>
      tpu.enqueue_dma source(%dma_start3A_283 : memref<4096xi32, #tpu.memory_space<hbm>>) target(%arg10 : memref<4096xi32, #tpu.memory_space<vmem>>) target_semaphore(%arg17 : memref<!tpu.dma_semaphore, #tpu.memory_space<semaphore_mem>>)
      %add3A_284 = arith.constant 1 : i32
      %add3A_285 = arith.addi %mul3A_162, %add3A_284 : i32
      %mul3A_286 = arith.constant 4 : i32
      %mul3A_287 = arith.muli %add3A_285, %mul3A_286 : i32
      %add3A_288 = arith.addi %select_n3A_40, %mul3A_287 : i32
      %mul3A_289 = arith.constant 4 : i32
      %mul3A_290 = arith.muli %add3A_285, %mul3A_289 : i32
      %add3A_291 = arith.addi %select_n3A_40, %mul3A_290 : i32
      %min3A_292 = arith.constant 6246 : i32
      %min3A_293 = arith.minsi %add3A_291, %min3A_292 : i32
      %sub3A_294 = arith.subi %add3A_288, %min3A_293 : i32
      %mul3A_295 = arith.constant 4 : i32
      %mul3A_296 = arith.muli %add3A_285, %mul3A_295 : i32
      %sub3A_297 = arith.subi %select_n3A_64, %mul3A_296 : i32
      %min3A_298 = arith.constant 4 : i32
      %min3A_299 = arith.minsi %min3A_298, %sub3A_297 : i32
      %mul3A_300 = arith.constant 1024 : i32
      %mul3A_301 = arith.muli %sub3A_294, %mul3A_300 : i32
      %jit3A_302 = arith.constant 2 : i32
      %div3A_303 = arith.divsi %min3A_299, %jit3A_302 : i32
      %sign3A_304 = arith.constant 0 : i32
      %sign3A_305 = arith.cmpi sgt, %min3A_299, %sign3A_304 : i32
      %sign3A_306 = arith.extui %sign3A_305 : i1 to i32
      %sign3A_307 = arith.constant 0 : i32
      %sign3A_308 = arith.cmpi slt, %min3A_299, %sign3A_307 : i32
      %sign3A_309 = arith.extui %sign3A_308 : i1 to i32
      %sign3A_310 = arith.subi %sign3A_306, %sign3A_309 : i32
      %sign3A_311 = arith.constant 0 : i32
      %sign3A_312 = arith.cmpi sgt, %jit3A_302, %sign3A_311 : i32
      %sign3A_313 = arith.extui %sign3A_312 : i1 to i32
      %sign3A_314 = arith.constant 0 : i32
      %sign3A_315 = arith.cmpi slt, %jit3A_302, %sign3A_314 : i32
      %sign3A_316 = arith.extui %sign3A_315 : i1 to i32
      %sign3A_317 = arith.subi %sign3A_313, %sign3A_316 : i32
      %ne3A_318 = arith.cmpi ne, %sign3A_310, %sign3A_317 : i32
      %rem3A_319 = arith.remsi %min3A_299, %jit3A_302 : i32
      %ne3A_320 = arith.constant 0 : i32
      %ne3A_321 = arith.cmpi ne, %rem3A_319, %ne3A_320 : i32
      %and3A_322 = arith.andi %ne3A_318, %ne3A_321 : i1
      %sub3A_323 = arith.constant 1 : i32
      %sub3A_324 = arith.subi %div3A_303, %sub3A_323 : i32
      %select_n3A_325 = arith.select %and3A_322, %sub3A_324, %div3A_303 : i32
      %sub3A_326 = arith.constant 0 : i32
      %sub3A_327 = arith.subi %select_n3A_325, %sub3A_326 : i32
      %sub3A_328 = arith.constant 1 : i32
      %sub3A_329 = arith.constant 1 : i32
      %sub3A_330 = arith.subi %sub3A_328, %sub3A_329 : i32
      %add3A_331 = arith.addi %sub3A_327, %sub3A_330 : i32
      %div3A_332 = arith.constant 1 : i32
      %div3A_333 = arith.divsi %add3A_331, %div3A_332 : i32
      %while3A_334 = arith.constant 1 : i32
      %while3A_335 = arith.constant 0 : i32
      %while3A_336 = arith.constant 0 : i32
      %while3A_337 = arith.subi %div3A_333, %while3A_336 : i32
      %while3A_338 = arith.addi %while3A_336, %while3A_337 : i32
      %while3A_339 = arith.constant 1 : i32
      %while3A_340 = arith.divsi %while3A_337, %while3A_339 : i32
      %while3A_341 = arith.muli %while3A_340, %while3A_339 : i32
      %while3A_342 = arith.addi %while3A_336, %while3A_341 : i32
      %while3A_343 = arith.constant 1 : i32
      scf.for %while3A_345 = %while3A_336 to %while3A_342 step %while3A_343  : i32 {
        %mul3A_346 = arith.muli %while3A_345, %while3A_334 : i32
        %add3A_347 = arith.addi %while3A_335, %mul3A_346 : i32
        %mul3A_348 = arith.constant 2 : i32
        %mul3A_349 = arith.muli %mul3A_348, %add3A_347 : i32
        %add3A_350 = arith.addi %sub3A_294, %mul3A_349 : i32
        %mul3A_351 = arith.constant 1024 : i32
        %mul3A_352 = arith.muli %add3A_350, %mul3A_351 : i32
        %parallel_loop3A = arith.constant 0 : i32
        %parallel_loop3A_353 = arith.constant 64 : i32
        %parallel_loop3A_354 = arith.constant 1 : i32
        scf.for %parallel_loop3A_378 = %parallel_loop3A to %parallel_loop3A_353 step %parallel_loop3A_354  : i32 {
          %parallel_loop3A_379 = arith.constant 16 : i32
          %parallel_loop3A_380 = arith.muli %parallel_loop3A_378, %parallel_loop3A_379 : i32
          %parallel_loop3A_381 = arith.addi %mul3A_352, %parallel_loop3A_380 : i32
          %parallel_loop3A_382 = arith.index_cast %parallel_loop3A_381 : i32 to index
          %parallel_loop3A_383 = tpu.vector_load %arg9[%parallel_loop3A_382] {strides = array<i32>} : memref<4096xi32, #tpu.memory_space<vmem>>, vector<16xi32>,
          %parallel_loop3A_384 = tpu.vector_load_idx %arg6[%parallel_loop3A_383] : memref<100352xf32, #tpu.memory_space<vmem>>[vector<16xi32>], vector<16xf32>,
          %parallel_loop3A_385 = arith.constant 16 : i32
          %parallel_loop3A_386 = arith.muli %parallel_loop3A_378, %parallel_loop3A_385 : i32
          %parallel_loop3A_387 = arith.index_cast %parallel_loop3A_386 : i32 to index
          %parallel_loop3A_388 = tpu.vector_load %arg12[%parallel_loop3A_387] {strides = array<i32>} : memref<1024xf32, #tpu.memory_space<vmem>>, vector<16xf32>,
          tpu.vector_store %arg12[%parallel_loop3A_387], %parallel_loop3A_384 {strides = array<i32>} : memref<1024xf32, #tpu.memory_space<vmem>>, vector<16xf32>,
        } {sc.loop_unroll_factor = 16 : i64, sc.parallel_access}
        %mul3A_355 = arith.constant 1024 : i32
        %mul3A_356 = arith.muli %add3A_350, %mul3A_355 : i32
        %dma_start3A_357 = tpu.memref_slice %arg11[%mul3A_356] : memref<4096xi32, #tpu.memory_space<vmem>> -> memref<1024xi32, #tpu.memory_space<vmem>>
        %dma_start3A_358 = arith.constant 0 : i32
        %dma_start3A_359 = tpu.memref_slice %arg14[%dma_start3A_358] : memref<100352xf32, #tpu.memory_space<vmem_shared>> -> memref<100352xf32, #tpu.memory_space<vmem_shared>>
        tpu.enqueue_indirect_dma source(%arg12 : memref<1024xf32, #tpu.memory_space<vmem>>) target(%dma_start3A_359 : memref<100352xf32, #tpu.memory_space<vmem_shared>>) offsets(%dma_start3A_357 : memref<1024xi32, #tpu.memory_space<vmem>>) semaphore(%arg19 : memref<!tpu.dma_semaphore, #tpu.memory_space<semaphore_mem>>) {add = true}
        %add3A_360 = arith.constant 1024 : i32
        %add3A_361 = arith.addi %mul3A_352, %add3A_360 : i32
        %parallel_loop3A_362 = arith.constant 0 : i32
        %parallel_loop3A_363 = arith.constant 64 : i32
        %parallel_loop3A_364 = arith.constant 1 : i32
        scf.for %parallel_loop3A_378 = %parallel_loop3A_362 to %parallel_loop3A_363 step %parallel_loop3A_364  : i32 {
          %parallel_loop3A_379 = arith.constant 16 : i32
          %parallel_loop3A_380 = arith.muli %parallel_loop3A_378, %parallel_loop3A_379 : i32
          %parallel_loop3A_381 = arith.addi %add3A_361, %parallel_loop3A_380 : i32
          %parallel_loop3A_382 = arith.index_cast %parallel_loop3A_381 : i32 to index
          %parallel_loop3A_383 = tpu.vector_load %arg9[%parallel_loop3A_382] {strides = array<i32>} : memref<4096xi32, #tpu.memory_space<vmem>>, vector<16xi32>,
          %parallel_loop3A_384 = tpu.vector_load_idx %arg6[%parallel_loop3A_383] : memref<100352xf32, #tpu.memory_space<vmem>>[vector<16xi32>], vector<16xf32>,
          %parallel_loop3A_385 = arith.constant 16 : i32
          %parallel_loop3A_386 = arith.muli %parallel_loop3A_378, %parallel_loop3A_385 : i32
          %parallel_loop3A_387 = arith.index_cast %parallel_loop3A_386 : i32 to index
          %parallel_loop3A_388 = tpu.vector_load %arg13[%parallel_loop3A_387] {strides = array<i32>} : memref<1024xf32, #tpu.memory_space<vmem>>, vector<16xf32>,
          tpu.vector_store %arg13[%parallel_loop3A_387], %parallel_loop3A_384 {strides = array<i32>} : memref<1024xf32, #tpu.memory_space<vmem>>, vector<16xf32>,
        } {sc.loop_unroll_factor = 16 : i64, sc.parallel_access}
        %add3A_365 = arith.constant 1 : i32
        %add3A_366 = arith.addi %add3A_350, %add3A_365 : i32
        %mul3A_367 = arith.constant 1024 : i32
        %mul3A_368 = arith.muli %add3A_366, %mul3A_367 : i32
        %dma_start3A_369 = tpu.memref_slice %arg11[%mul3A_368] : memref<4096xi32, #tpu.memory_space<vmem>> -> memref<1024xi32, #tpu.memory_space<vmem>>
        %dma_start3A_370 = arith.constant 0 : i32
        %dma_start3A_371 = tpu.memref_slice %arg14[%dma_start3A_370] : memref<100352xf32, #tpu.memory_space<vmem_shared>> -> memref<100352xf32, #tpu.memory_space<vmem_shared>>
        tpu.enqueue_indirect_dma source(%arg13 : memref<1024xf32, #tpu.memory_space<vmem>>) target(%dma_start3A_371 : memref<100352xf32, #tpu.memory_space<vmem_shared>>) offsets(%dma_start3A_369 : memref<1024xi32, #tpu.memory_space<vmem>>) semaphore(%arg19 : memref<!tpu.dma_semaphore, #tpu.memory_space<semaphore_mem>>) {add = true}
        %dma_wait3A_372 = tpu.memref_slice %arg11[%mul3A_301] : memref<4096xi32, #tpu.memory_space<vmem>> -> memref<1024xi32, #tpu.memory_space<vmem>>
        %dma_wait3A_373 = arith.constant 0 : i32
        %dma_wait3A_374 = tpu.memref_slice %arg14[%dma_wait3A_373] : memref<100352xf32, #tpu.memory_space<vmem_shared>> -> memref<100352xf32, #tpu.memory_space<vmem_shared>>
        tpu.wait_indirect_dma semaphore(%arg19 : memref<!tpu.dma_semaphore, #tpu.memory_space<semaphore_mem>>) src(%arg12 : memref<1024xf32, #tpu.memory_space<vmem>>) dst(%dma_wait3A_374 : memref<100352xf32, #tpu.memory_space<vmem_shared>>)
        %dma_wait3A_375 = tpu.memref_slice %arg11[%mul3A_301] : memref<4096xi32, #tpu.memory_space<vmem>> -> memref<1024xi32, #tpu.memory_space<vmem>>
        %dma_wait3A_376 = arith.constant 0 : i32
        %dma_wait3A_377 = tpu.memref_slice %arg14[%dma_wait3A_376] : memref<100352xf32, #tpu.memory_space<vmem_shared>> -> memref<100352xf32, #tpu.memory_space<vmem_shared>>
        tpu.wait_indirect_dma semaphore(%arg19 : memref<!tpu.dma_semaphore, #tpu.memory_space<semaphore_mem>>) src(%arg12 : memref<1024xf32, #tpu.memory_space<vmem>>) dst(%dma_wait3A_377 : memref<100352xf32, #tpu.memory_space<vmem_shared>>)
      }
      %while3A_344 = arith.constant 1 : i32
      scf.for %while3A_345 = %while3A_342 to %while3A_338 step %while3A_344  : i32 {
        %mul3A_346 = arith.muli %while3A_345, %while3A_334 : i32
        %add3A_347 = arith.addi %while3A_335, %mul3A_346 : i32
        %mul3A_348 = arith.constant 2 : i32
        %mul3A_349 = arith.muli %mul3A_348, %add3A_347 : i32
        %add3A_350 = arith.addi %sub3A_294, %mul3A_349 : i32
        %mul3A_351 = arith.constant 1024 : i32
        %mul3A_352 = arith.muli %add3A_350, %mul3A_351 : i32
        %parallel_loop3A = arith.constant 0 : i32
        %parallel_loop3A_353 = arith.constant 64 : i32
        %parallel_loop3A_354 = arith.constant 1 : i32
        scf.for %parallel_loop3A_378 = %parallel_loop3A to %parallel_loop3A_353 step %parallel_loop3A_354  : i32 {
          %parallel_loop3A_379 = arith.constant 16 : i32
          %parallel_loop3A_380 = arith.muli %parallel_loop3A_378, %parallel_loop3A_379 : i32
          %parallel_loop3A_381 = arith.addi %mul3A_352, %parallel_loop3A_380 : i32
          %parallel_loop3A_382 = arith.index_cast %parallel_loop3A_381 : i32 to index
          %parallel_loop3A_383 = tpu.vector_load %arg9[%parallel_loop3A_382] {strides = array<i32>} : memref<4096xi32, #tpu.memory_space<vmem>>, vector<16xi32>,
          %parallel_loop3A_384 = tpu.vector_load_idx %arg6[%parallel_loop3A_383] : memref<100352xf32, #tpu.memory_space<vmem>>[vector<16xi32>], vector<16xf32>,
          %parallel_loop3A_385 = arith.constant 16 : i32
          %parallel_loop3A_386 = arith.muli %parallel_loop3A_378, %parallel_loop3A_385 : i32
          %parallel_loop3A_387 = arith.index_cast %parallel_loop3A_386 : i32 to index
          %parallel_loop3A_388 = tpu.vector_load %arg12[%parallel_loop3A_387] {strides = array<i32>} : memref<1024xf32, #tpu.memory_space<vmem>>, vector<16xf32>,
          tpu.vector_store %arg12[%parallel_loop3A_387], %parallel_loop3A_384 {strides = array<i32>} : memref<1024xf32, #tpu.memory_space<vmem>>, vector<16xf32>,
        } {sc.loop_unroll_factor = 16 : i64, sc.parallel_access}
        %mul3A_355 = arith.constant 1024 : i32
        %mul3A_356 = arith.muli %add3A_350, %mul3A_355 : i32
        %dma_start3A_357 = tpu.memref_slice %arg11[%mul3A_356] : memref<4096xi32, #tpu.memory_space<vmem>> -> memref<1024xi32, #tpu.memory_space<vmem>>
        %dma_start3A_358 = arith.constant 0 : i32
        %dma_start3A_359 = tpu.memref_slice %arg14[%dma_start3A_358] : memref<100352xf32, #tpu.memory_space<vmem_shared>> -> memref<100352xf32, #tpu.memory_space<vmem_shared>>
        tpu.enqueue_indirect_dma source(%arg12 : memref<1024xf32, #tpu.memory_space<vmem>>) target(%dma_start3A_359 : memref<100352xf32, #tpu.memory_space<vmem_shared>>) offsets(%dma_start3A_357 : memref<1024xi32, #tpu.memory_space<vmem>>) semaphore(%arg19 : memref<!tpu.dma_semaphore, #tpu.memory_space<semaphore_mem>>) {add = true}
        %add3A_360 = arith.constant 1024 : i32
        %add3A_361 = arith.addi %mul3A_352, %add3A_360 : i32
        %parallel_loop3A_362 = arith.constant 0 : i32
        %parallel_loop3A_363 = arith.constant 64 : i32
        %parallel_loop3A_364 = arith.constant 1 : i32
        scf.for %parallel_loop3A_378 = %parallel_loop3A_362 to %parallel_loop3A_363 step %parallel_loop3A_364  : i32 {
          %parallel_loop3A_379 = arith.constant 16 : i32
          %parallel_loop3A_380 = arith.muli %parallel_loop3A_378, %parallel_loop3A_379 : i32
          %parallel_loop3A_381 = arith.addi %add3A_361, %parallel_loop3A_380 : i32
          %parallel_loop3A_382 = arith.index_cast %parallel_loop3A_381 : i32 to index
          %parallel_loop3A_383 = tpu.vector_load %arg9[%parallel_loop3A_382] {strides = array<i32>} : memref<4096xi32, #tpu.memory_space<vmem>>, vector<16xi32>,
          %parallel_loop3A_384 = tpu.vector_load_idx %arg6[%parallel_loop3A_383] : memref<100352xf32, #tpu.memory_space<vmem>>[vector<16xi32>], vector<16xf32>,
          %parallel_loop3A_385 = arith.constant 16 : i32
          %parallel_loop3A_386 = arith.muli %parallel_loop3A_378, %parallel_loop3A_385 : i32
          %parallel_loop3A_387 = arith.index_cast %parallel_loop3A_386 : i32 to index
          %parallel_loop3A_388 = tpu.vector_load %arg13[%parallel_loop3A_387] {strides = array<i32>} : memref<1024xf32, #tpu.memory_space<vmem>>, vector<16xf32>,
          tpu.vector_store %arg13[%parallel_loop3A_387], %parallel_loop3A_384 {strides = array<i32>} : memref<1024xf32, #tpu.memory_space<vmem>>, vector<16xf32>,
        } {sc.loop_unroll_factor = 16 : i64, sc.parallel_access}
        %add3A_365 = arith.constant 1 : i32
        %add3A_366 = arith.addi %add3A_350, %add3A_365 : i32
        %mul3A_367 = arith.constant 1024 : i32
        %mul3A_368 = arith.muli %add3A_366, %mul3A_367 : i32
        %dma_start3A_369 = tpu.memref_slice %arg11[%mul3A_368] : memref<4096xi32, #tpu.memory_space<vmem>> -> memref<1024xi32, #tpu.memory_space<vmem>>
        %dma_start3A_370 = arith.constant 0 : i32
        %dma_start3A_371 = tpu.memref_slice %arg14[%dma_start3A_370] : memref<100352xf32, #tpu.memory_space<vmem_shared>> -> memref<100352xf32, #tpu.memory_space<vmem_shared>>
        tpu.enqueue_indirect_dma source(%arg13 : memref<1024xf32, #tpu.memory_space<vmem>>) target(%dma_start3A_371 : memref<100352xf32, #tpu.memory_space<vmem_shared>>) offsets(%dma_start3A_369 : memref<1024xi32, #tpu.memory_space<vmem>>) semaphore(%arg19 : memref<!tpu.dma_semaphore, #tpu.memory_space<semaphore_mem>>) {add = true}
        %dma_wait3A_372 = tpu.memref_slice %arg11[%mul3A_301] : memref<4096xi32, #tpu.memory_space<vmem>> -> memref<1024xi32, #tpu.memory_space<vmem>>
        %dma_wait3A_373 = arith.constant 0 : i32
        %dma_wait3A_374 = tpu.memref_slice %arg14[%dma_wait3A_373] : memref<100352xf32, #tpu.memory_space<vmem_shared>> -> memref<100352xf32, #tpu.memory_space<vmem_shared>>
        tpu.wait_indirect_dma semaphore(%arg19 : memref<!tpu.dma_semaphore, #tpu.memory_space<semaphore_mem>>) src(%arg12 : memref<1024xf32, #tpu.memory_space<vmem>>) dst(%dma_wait3A_374 : memref<100352xf32, #tpu.memory_space<vmem_shared>>)
        %dma_wait3A_375 = tpu.memref_slice %arg11[%mul3A_301] : memref<4096xi32, #tpu.memory_space<vmem>> -> memref<1024xi32, #tpu.memory_space<vmem>>
        %dma_wait3A_376 = arith.constant 0 : i32
        %dma_wait3A_377 = tpu.memref_slice %arg14[%dma_wait3A_376] : memref<100352xf32, #tpu.memory_space<vmem_shared>> -> memref<100352xf32, #tpu.memory_space<vmem_shared>>
        tpu.wait_indirect_dma semaphore(%arg19 : memref<!tpu.dma_semaphore, #tpu.memory_space<semaphore_mem>>) src(%arg12 : memref<1024xf32, #tpu.memory_space<vmem>>) dst(%dma_wait3A_377 : memref<100352xf32, #tpu.memory_space<vmem_shared>>)
      }
    }
    %scan3A_84 = arith.constant 24 : i32
    %add3A_85 = arith.constant 192 : i32
    %add3A_86 = arith.addi %select_n3A_40, %add3A_85 : i32
    %min3A_87 = arith.constant 6246 : i32
    %min3A_88 = arith.minsi %add3A_86, %min3A_87 : i32
    %mul3A_89 = arith.constant 1024 : i32
    %mul3A_90 = arith.muli %min3A_88, %mul3A_89 : i32
    %dma_wait3A = tpu.memref_slice %arg2[%mul3A_90] : memref<6400000xi32, #tpu.memory_space<hbm>> -> memref<4096xi32, #tpu.memory_space<hbm>>
    %dma_wait3A_91 = tpu.memref_slice %arg2[%mul3A_90] : memref<6400000xi32, #tpu.memory_space<hbm>> -> memref<4096xi32, #tpu.memory_space<hbm>>
    tpu.wait_dma2 semaphore(%arg15 : memref<!tpu.dma_semaphore, #tpu.memory_space<semaphore_mem>>) src(%dma_wait3A_91 : memref<4096xi32, #tpu.memory_space<hbm>>) dst(%arg8 : memref<4096xi32, #tpu.memory_space<vmem>>)
    %mul3A_92 = arith.constant 1024 : i32
    %mul3A_93 = arith.muli %min3A_88, %mul3A_92 : i32
    %dma_wait3A_94 = tpu.memref_slice %arg3[%mul3A_93] : memref<6400000xi32, #tpu.memory_space<hbm>> -> memref<4096xi32, #tpu.memory_space<hbm>>
    %dma_wait3A_95 = tpu.memref_slice %arg3[%mul3A_93] : memref<6400000xi32, #tpu.memory_space<hbm>> -> memref<4096xi32, #tpu.memory_space<hbm>>
    tpu.wait_dma2 semaphore(%arg17 : memref<!tpu.dma_semaphore, #tpu.memory_space<semaphore_mem>>) src(%dma_wait3A_95 : memref<4096xi32, #tpu.memory_space<hbm>>) dst(%arg10 : memref<4096xi32, #tpu.memory_space<vmem>>)
    %add3A_96 = arith.constant 192 : i32
    %add3A_97 = arith.addi %select_n3A_40, %add3A_96 : i32
    %add3A_98 = arith.constant 192 : i32
    %add3A_99 = arith.addi %select_n3A_40, %add3A_98 : i32
    %min3A_100 = arith.constant 6246 : i32
    %min3A_101 = arith.minsi %add3A_99, %min3A_100 : i32
    %sub3A_102 = arith.subi %add3A_97, %min3A_101 : i32
    %sub3A_103 = arith.constant 192 : i32
    %sub3A_104 = arith.subi %select_n3A_64, %sub3A_103 : i32
    %min3A_105 = arith.constant 4 : i32
    %min3A_106 = arith.minsi %min3A_105, %sub3A_104 : i32
    %mul3A_107 = arith.constant 1024 : i32
    %mul3A_108 = arith.muli %sub3A_102, %mul3A_107 : i32
    %jit3A_109 = arith.constant 2 : i32
    %div3A_110 = arith.divsi %min3A_106, %jit3A_109 : i32
    %sign3A_111 = arith.constant 0 : i32
    %sign3A_112 = arith.cmpi sgt, %min3A_106, %sign3A_111 : i32
    %sign3A_113 = arith.extui %sign3A_112 : i1 to i32
    %sign3A_114 = arith.constant 0 : i32
    %sign3A_115 = arith.cmpi slt, %min3A_106, %sign3A_114 : i32
    %sign3A_116 = arith.extui %sign3A_115 : i1 to i32
    %sign3A_117 = arith.subi %sign3A_113, %sign3A_116 : i32
    %sign3A_118 = arith.constant 0 : i32
    %sign3A_119 = arith.cmpi sgt, %jit3A_109, %sign3A_118 : i32
    %sign3A_120 = arith.extui %sign3A_119 : i1 to i32
    %sign3A_121 = arith.constant 0 : i32
    %sign3A_122 = arith.cmpi slt, %jit3A_109, %sign3A_121 : i32
    %sign3A_123 = arith.extui %sign3A_122 : i1 to i32
    %sign3A_124 = arith.subi %sign3A_120, %sign3A_123 : i32
    %ne3A_125 = arith.cmpi ne, %sign3A_117, %sign3A_124 : i32
    %rem3A_126 = arith.remsi %min3A_106, %jit3A_109 : i32
    %ne3A_127 = arith.constant 0 : i32
    %ne3A_128 = arith.cmpi ne, %rem3A_126, %ne3A_127 : i32
    %and3A_129 = arith.andi %ne3A_125, %ne3A_128 : i1
    %sub3A_130 = arith.constant 1 : i32
    %sub3A_131 = arith.subi %div3A_110, %sub3A_130 : i32
    %select_n3A_132 = arith.select %and3A_129, %sub3A_131, %div3A_110 : i32
    %sub3A_133 = arith.constant 0 : i32
    %sub3A_134 = arith.subi %select_n3A_132, %sub3A_133 : i32
    %sub3A_135 = arith.constant 1 : i32
    %sub3A_136 = arith.constant 1 : i32
    %sub3A_137 = arith.subi %sub3A_135, %sub3A_136 : i32
    %add3A_138 = arith.addi %sub3A_134, %sub3A_137 : i32
    %div3A_139 = arith.constant 1 : i32
    %div3A_140 = arith.divsi %add3A_138, %div3A_139 : i32
    %while3A = arith.constant 1 : i32
    %while3A_141 = arith.constant 0 : i32
    %while3A_142 = arith.constant 0 : i32
    %while3A_143 = arith.subi %div3A_140, %while3A_142 : i32
    %while3A_144 = arith.addi %while3A_142, %while3A_143 : i32
    %while3A_145 = arith.constant 1 : i32
    %while3A_146 = arith.divsi %while3A_143, %while3A_145 : i32
    %while3A_147 = arith.muli %while3A_146, %while3A_145 : i32
    %while3A_148 = arith.addi %while3A_142, %while3A_147 : i32
    %while3A_149 = arith.constant 1 : i32
    scf.for %while3A_156 = %while3A_142 to %while3A_148 step %while3A_149  : i32 {
      %mul3A_157 = arith.muli %while3A_156, %while3A : i32
      %add3A_158 = arith.addi %while3A_141, %mul3A_157 : i32
      %mul3A_159 = arith.constant 2 : i32
      %mul3A_160 = arith.muli %mul3A_159, %add3A_158 : i32
      %add3A_161 = arith.addi %sub3A_102, %mul3A_160 : i32
      %mul3A_162 = arith.constant 1024 : i32
      %mul3A_163 = arith.muli %add3A_161, %mul3A_162 : i32
      %parallel_loop3A = arith.constant 0 : i32
      %parallel_loop3A_164 = arith.constant 64 : i32
      %parallel_loop3A_165 = arith.constant 1 : i32
      scf.for %parallel_loop3A_189 = %parallel_loop3A to %parallel_loop3A_164 step %parallel_loop3A_165  : i32 {
        %parallel_loop3A_190 = arith.constant 16 : i32
        %parallel_loop3A_191 = arith.muli %parallel_loop3A_189, %parallel_loop3A_190 : i32
        %parallel_loop3A_192 = arith.addi %mul3A_163, %parallel_loop3A_191 : i32
        %parallel_loop3A_193 = arith.index_cast %parallel_loop3A_192 : i32 to index
        %parallel_loop3A_194 = tpu.vector_load %arg8[%parallel_loop3A_193] {strides = array<i32>} : memref<4096xi32, #tpu.memory_space<vmem>>, vector<16xi32>,
        %parallel_loop3A_195 = tpu.vector_load_idx %arg6[%parallel_loop3A_194] : memref<100352xf32, #tpu.memory_space<vmem>>[vector<16xi32>], vector<16xf32>,
        %parallel_loop3A_196 = arith.constant 16 : i32
        %parallel_loop3A_197 = arith.muli %parallel_loop3A_189, %parallel_loop3A_196 : i32
        %parallel_loop3A_198 = arith.index_cast %parallel_loop3A_197 : i32 to index
        %parallel_loop3A_199 = tpu.vector_load %arg12[%parallel_loop3A_198] {strides = array<i32>} : memref<1024xf32, #tpu.memory_space<vmem>>, vector<16xf32>,
        tpu.vector_store %arg12[%parallel_loop3A_198], %parallel_loop3A_195 {strides = array<i32>} : memref<1024xf32, #tpu.memory_space<vmem>>, vector<16xf32>,
      } {sc.loop_unroll_factor = 16 : i64, sc.parallel_access}
      %mul3A_166 = arith.constant 1024 : i32
      %mul3A_167 = arith.muli %add3A_161, %mul3A_166 : i32
      %dma_start3A_168 = tpu.memref_slice %arg10[%mul3A_167] : memref<4096xi32, #tpu.memory_space<vmem>> -> memref<1024xi32, #tpu.memory_space<vmem>>
      %dma_start3A_169 = arith.constant 0 : i32
      %dma_start3A_170 = tpu.memref_slice %arg14[%dma_start3A_169] : memref<100352xf32, #tpu.memory_space<vmem_shared>> -> memref<100352xf32, #tpu.memory_space<vmem_shared>>
      tpu.enqueue_indirect_dma source(%arg12 : memref<1024xf32, #tpu.memory_space<vmem>>) target(%dma_start3A_170 : memref<100352xf32, #tpu.memory_space<vmem_shared>>) offsets(%dma_start3A_168 : memref<1024xi32, #tpu.memory_space<vmem>>) semaphore(%arg19 : memref<!tpu.dma_semaphore, #tpu.memory_space<semaphore_mem>>) {add = true}
      %add3A_171 = arith.constant 1024 : i32
      %add3A_172 = arith.addi %mul3A_163, %add3A_171 : i32
      %parallel_loop3A_173 = arith.constant 0 : i32
      %parallel_loop3A_174 = arith.constant 64 : i32
      %parallel_loop3A_175 = arith.constant 1 : i32
      scf.for %parallel_loop3A_189 = %parallel_loop3A_173 to %parallel_loop3A_174 step %parallel_loop3A_175  : i32 {
        %parallel_loop3A_190 = arith.constant 16 : i32
        %parallel_loop3A_191 = arith.muli %parallel_loop3A_189, %parallel_loop3A_190 : i32
        %parallel_loop3A_192 = arith.addi %add3A_172, %parallel_loop3A_191 : i32
        %parallel_loop3A_193 = arith.index_cast %parallel_loop3A_192 : i32 to index
        %parallel_loop3A_194 = tpu.vector_load %arg8[%parallel_loop3A_193] {strides = array<i32>} : memref<4096xi32, #tpu.memory_space<vmem>>, vector<16xi32>,
        %parallel_loop3A_195 = tpu.vector_load_idx %arg6[%parallel_loop3A_194] : memref<100352xf32, #tpu.memory_space<vmem>>[vector<16xi32>], vector<16xf32>,
        %parallel_loop3A_196 = arith.constant 16 : i32
        %parallel_loop3A_197 = arith.muli %parallel_loop3A_189, %parallel_loop3A_196 : i32
        %parallel_loop3A_198 = arith.index_cast %parallel_loop3A_197 : i32 to index
        %parallel_loop3A_199 = tpu.vector_load %arg13[%parallel_loop3A_198] {strides = array<i32>} : memref<1024xf32, #tpu.memory_space<vmem>>, vector<16xf32>,
        tpu.vector_store %arg13[%parallel_loop3A_198], %parallel_loop3A_195 {strides = array<i32>} : memref<1024xf32, #tpu.memory_space<vmem>>, vector<16xf32>,
      } {sc.loop_unroll_factor = 16 : i64, sc.parallel_access}
      %add3A_176 = arith.constant 1 : i32
      %add3A_177 = arith.addi %add3A_161, %add3A_176 : i32
      %mul3A_178 = arith.constant 1024 : i32
      %mul3A_179 = arith.muli %add3A_177, %mul3A_178 : i32
      %dma_start3A_180 = tpu.memref_slice %arg10[%mul3A_179] : memref<4096xi32, #tpu.memory_space<vmem>> -> memref<1024xi32, #tpu.memory_space<vmem>>
      %dma_start3A_181 = arith.constant 0 : i32
      %dma_start3A_182 = tpu.memref_slice %arg14[%dma_start3A_181] : memref<100352xf32, #tpu.memory_space<vmem_shared>> -> memref<100352xf32, #tpu.memory_space<vmem_shared>>
      tpu.enqueue_indirect_dma source(%arg13 : memref<1024xf32, #tpu.memory_space<vmem>>) target(%dma_start3A_182 : memref<100352xf32, #tpu.memory_space<vmem_shared>>) offsets(%dma_start3A_180 : memref<1024xi32, #tpu.memory_space<vmem>>) semaphore(%arg19 : memref<!tpu.dma_semaphore, #tpu.memory_space<semaphore_mem>>) {add = true}
      %dma_wait3A_183 = tpu.memref_slice %arg10[%mul3A_108] : memref<4096xi32, #tpu.memory_space<vmem>> -> memref<1024xi32, #tpu.memory_space<vmem>>
      %dma_wait3A_184 = arith.constant 0 : i32
      %dma_wait3A_185 = tpu.memref_slice %arg14[%dma_wait3A_184] : memref<100352xf32, #tpu.memory_space<vmem_shared>> -> memref<100352xf32, #tpu.memory_space<vmem_shared>>
      tpu.wait_indirect_dma semaphore(%arg19 : memref<!tpu.dma_semaphore, #tpu.memory_space<semaphore_mem>>) src(%arg12 : memref<1024xf32, #tpu.memory_space<vmem>>) dst(%dma_wait3A_185 : memref<100352xf32, #tpu.memory_space<vmem_shared>>)
      %dma_wait3A_186 = tpu.memref_slice %arg10[%mul3A_108] : memref<4096xi32, #tpu.memory_space<vmem>> -> memref<1024xi32, #tpu.memory_space<vmem>>
      %dma_wait3A_187 = arith.constant 0 : i32
      %dma_wait3A_188 = tpu.memref_slice %arg14[%dma_wait3A_187] : memref<100352xf32, #tpu.memory_space<vmem_shared>> -> memref<100352xf32, #tpu.memory_space<vmem_shared>>
      tpu.wait_indirect_dma semaphore(%arg19 : memref<!tpu.dma_semaphore, #tpu.memory_space<semaphore_mem>>) src(%arg12 : memref<1024xf32, #tpu.memory_space<vmem>>) dst(%dma_wait3A_188 : memref<100352xf32, #tpu.memory_space<vmem_shared>>)
    }
    %while3A_150 = arith.constant 1 : i32
    scf.for %while3A_156 = %while3A_148 to %while3A_144 step %while3A_150  : i32 {
      %mul3A_157 = arith.muli %while3A_156, %while3A : i32
      %add3A_158 = arith.addi %while3A_141, %mul3A_157 : i32
      %mul3A_159 = arith.constant 2 : i32
      %mul3A_160 = arith.muli %mul3A_159, %add3A_158 : i32
      %add3A_161 = arith.addi %sub3A_102, %mul3A_160 : i32
      %mul3A_162 = arith.constant 1024 : i32
      %mul3A_163 = arith.muli %add3A_161, %mul3A_162 : i32
      %parallel_loop3A = arith.constant 0 : i32
      %parallel_loop3A_164 = arith.constant 64 : i32
      %parallel_loop3A_165 = arith.constant 1 : i32
      scf.for %parallel_loop3A_189 = %parallel_loop3A to %parallel_loop3A_164 step %parallel_loop3A_165  : i32 {
        %parallel_loop3A_190 = arith.constant 16 : i32
        %parallel_loop3A_191 = arith.muli %parallel_loop3A_189, %parallel_loop3A_190 : i32
        %parallel_loop3A_192 = arith.addi %mul3A_163, %parallel_loop3A_191 : i32
        %parallel_loop3A_193 = arith.index_cast %parallel_loop3A_192 : i32 to index
        %parallel_loop3A_194 = tpu.vector_load %arg8[%parallel_loop3A_193] {strides = array<i32>} : memref<4096xi32, #tpu.memory_space<vmem>>, vector<16xi32>,
        %parallel_loop3A_195 = tpu.vector_load_idx %arg6[%parallel_loop3A_194] : memref<100352xf32, #tpu.memory_space<vmem>>[vector<16xi32>], vector<16xf32>,
        %parallel_loop3A_196 = arith.constant 16 : i32
        %parallel_loop3A_197 = arith.muli %parallel_loop3A_189, %parallel_loop3A_196 : i32
        %parallel_loop3A_198 = arith.index_cast %parallel_loop3A_197 : i32 to index
        %parallel_loop3A_199 = tpu.vector_load %arg12[%parallel_loop3A_198] {strides = array<i32>} : memref<1024xf32, #tpu.memory_space<vmem>>, vector<16xf32>,
        tpu.vector_store %arg12[%parallel_loop3A_198], %parallel_loop3A_195 {strides = array<i32>} : memref<1024xf32, #tpu.memory_space<vmem>>, vector<16xf32>,
      } {sc.loop_unroll_factor = 16 : i64, sc.parallel_access}
      %mul3A_166 = arith.constant 1024 : i32
      %mul3A_167 = arith.muli %add3A_161, %mul3A_166 : i32
      %dma_start3A_168 = tpu.memref_slice %arg10[%mul3A_167] : memref<4096xi32, #tpu.memory_space<vmem>> -> memref<1024xi32, #tpu.memory_space<vmem>>
      %dma_start3A_169 = arith.constant 0 : i32
      %dma_start3A_170 = tpu.memref_slice %arg14[%dma_start3A_169] : memref<100352xf32, #tpu.memory_space<vmem_shared>> -> memref<100352xf32, #tpu.memory_space<vmem_shared>>
      tpu.enqueue_indirect_dma source(%arg12 : memref<1024xf32, #tpu.memory_space<vmem>>) target(%dma_start3A_170 : memref<100352xf32, #tpu.memory_space<vmem_shared>>) offsets(%dma_start3A_168 : memref<1024xi32, #tpu.memory_space<vmem>>) semaphore(%arg19 : memref<!tpu.dma_semaphore, #tpu.memory_space<semaphore_mem>>) {add = true}
      %add3A_171 = arith.constant 1024 : i32
      %add3A_172 = arith.addi %mul3A_163, %add3A_171 : i32
      %parallel_loop3A_173 = arith.constant 0 : i32
      %parallel_loop3A_174 = arith.constant 64 : i32
      %parallel_loop3A_175 = arith.constant 1 : i32
      scf.for %parallel_loop3A_189 = %parallel_loop3A_173 to %parallel_loop3A_174 step %parallel_loop3A_175  : i32 {
        %parallel_loop3A_190 = arith.constant 16 : i32
        %parallel_loop3A_191 = arith.muli %parallel_loop3A_189, %parallel_loop3A_190 : i32
        %parallel_loop3A_192 = arith.addi %add3A_172, %parallel_loop3A_191 : i32
        %parallel_loop3A_193 = arith.index_cast %parallel_loop3A_192 : i32 to index
        %parallel_loop3A_194 = tpu.vector_load %arg8[%parallel_loop3A_193] {strides = array<i32>} : memref<4096xi32, #tpu.memory_space<vmem>>, vector<16xi32>,
        %parallel_loop3A_195 = tpu.vector_load_idx %arg6[%parallel_loop3A_194] : memref<100352xf32, #tpu.memory_space<vmem>>[vector<16xi32>], vector<16xf32>,
        %parallel_loop3A_196 = arith.constant 16 : i32
        %parallel_loop3A_197 = arith.muli %parallel_loop3A_189, %parallel_loop3A_196 : i32
        %parallel_loop3A_198 = arith.index_cast %parallel_loop3A_197 : i32 to index
        %parallel_loop3A_199 = tpu.vector_load %arg13[%parallel_loop3A_198] {strides = array<i32>} : memref<1024xf32, #tpu.memory_space<vmem>>, vector<16xf32>,
        tpu.vector_store %arg13[%parallel_loop3A_198], %parallel_loop3A_195 {strides = array<i32>} : memref<1024xf32, #tpu.memory_space<vmem>>, vector<16xf32>,
      } {sc.loop_unroll_factor = 16 : i64, sc.parallel_access}
      %add3A_176 = arith.constant 1 : i32
      %add3A_177 = arith.addi %add3A_161, %add3A_176 : i32
      %mul3A_178 = arith.constant 1024 : i32
      %mul3A_179 = arith.muli %add3A_177, %mul3A_178 : i32
      %dma_start3A_180 = tpu.memref_slice %arg10[%mul3A_179] : memref<4096xi32, #tpu.memory_space<vmem>> -> memref<1024xi32, #tpu.memory_space<vmem>>
      %dma_start3A_181 = arith.constant 0 : i32
      %dma_start3A_182 = tpu.memref_slice %arg14[%dma_start3A_181] : memref<100352xf32, #tpu.memory_space<vmem_shared>> -> memref<100352xf32, #tpu.memory_space<vmem_shared>>
      tpu.enqueue_indirect_dma source(%arg13 : memref<1024xf32, #tpu.memory_space<vmem>>) target(%dma_start3A_182 : memref<100352xf32, #tpu.memory_space<vmem_shared>>) offsets(%dma_start3A_180 : memref<1024xi32, #tpu.memory_space<vmem>>) semaphore(%arg19 : memref<!tpu.dma_semaphore, #tpu.memory_space<semaphore_mem>>) {add = true}
      %dma_wait3A_183 = tpu.memref_slice %arg10[%mul3A_108] : memref<4096xi32, #tpu.memory_space<vmem>> -> memref<1024xi32, #tpu.memory_space<vmem>>
      %dma_wait3A_184 = arith.constant 0 : i32
      %dma_wait3A_185 = tpu.memref_slice %arg14[%dma_wait3A_184] : memref<100352xf32, #tpu.memory_space<vmem_shared>> -> memref<100352xf32, #tpu.memory_space<vmem_shared>>
      tpu.wait_indirect_dma semaphore(%arg19 : memref<!tpu.dma_semaphore, #tpu.memory_space<semaphore_mem>>) src(%arg12 : memref<1024xf32, #tpu.memory_space<vmem>>) dst(%dma_wait3A_185 : memref<100352xf32, #tpu.memory_space<vmem_shared>>)
      %dma_wait3A_186 = tpu.memref_slice %arg10[%mul3A_108] : memref<4096xi32, #tpu.memory_space<vmem>> -> memref<1024xi32, #tpu.memory_space<vmem>>
      %dma_wait3A_187 = arith.constant 0 : i32
      %dma_wait3A_188 = tpu.memref_slice %arg14[%dma_wait3A_187] : memref<100352xf32, #tpu.memory_space<vmem_shared>> -> memref<100352xf32, #tpu.memory_space<vmem_shared>>
      tpu.wait_indirect_dma semaphore(%arg19 : memref<!tpu.dma_semaphore, #tpu.memory_space<semaphore_mem>>) src(%arg12 : memref<1024xf32, #tpu.memory_space<vmem>>) dst(%dma_wait3A_188 : memref<100352xf32, #tpu.memory_space<vmem_shared>>)
    }
    %barrier3A_151 = arith.constant 0 : index
    tpu.barrier barrier_id(%barrier3A_151)
    %mul3A_152 = arith.constant 6272 : i32
    %mul3A_153 = arith.muli %arg1, %mul3A_152 : i32
    %mul3A_154 = arith.constant 6272 : i32
    %mul3A_155 = arith.muli %arg1, %mul3A_154 : i32
    "tpu.region"() ({
      %run_scoped3A = tpu.sem_alloc : memref<!tpu.dma_semaphore, #tpu.memory_space<semaphore_mem>>
      %dma_start3A_156 = tpu.memref_slice %arg5[%arg0, %mul3A_155] : memref<2x100352xf32, #tpu.memory_space<hbm>> -> memref<1x6272xf32, #tpu.memory_space<hbm>>
      %dma_start3A_157 = tpu.memref_squeeze %dma_start3A_156 : memref<1x6272xf32, #tpu.memory_space<hbm>> -> memref<6272xf32, #tpu.memory_space<hbm>>
      %dma_start3A_158 = tpu.memref_slice %arg14[%mul3A_153] : memref<100352xf32, #tpu.memory_space<vmem_shared>> -> memref<6272xf32, #tpu.memory_space<vmem_shared>>
      tpu.enqueue_dma source(%dma_start3A_158 : memref<6272xf32, #tpu.memory_space<vmem_shared>>) target(%dma_start3A_157 : memref<6272xf32, #tpu.memory_space<hbm>>) target_semaphore(%run_scoped3A : memref<!tpu.dma_semaphore, #tpu.memory_space<semaphore_mem>>)
      %dma_wait3A_159 = tpu.memref_slice %arg5[%arg0, %mul3A_155] : memref<2x100352xf32, #tpu.memory_space<hbm>> -> memref<1x6272xf32, #tpu.memory_space<hbm>>
      %dma_wait3A_160 = tpu.memref_squeeze %dma_wait3A_159 : memref<1x6272xf32, #tpu.memory_space<hbm>> -> memref<6272xf32, #tpu.memory_space<hbm>>
      %dma_wait3A_161 = tpu.memref_slice %arg14[%mul3A_153] : memref<100352xf32, #tpu.memory_space<vmem_shared>> -> memref<6272xf32, #tpu.memory_space<vmem_shared>>
      tpu.wait_dma2 semaphore(%run_scoped3A : memref<!tpu.dma_semaphore, #tpu.memory_space<semaphore_mem>>) src(%dma_wait3A_161 : memref<6272xf32, #tpu.memory_space<vmem_shared>>) dst(%dma_wait3A_160 : memref<6272xf32, #tpu.memory_space<hbm>>)
      tpu.yield
    }) : () -> ()
    return
  }
}

#map = affine_map<(d0, d1) -> (0)>
#map1 = affine_map<(d0, d1) -> (0, 0)>
module attributes {stable_mosaic.version = 14 : i64} {
  func.func @_hist_body(%arg0: i32, %arg1: i32, %arg2: memref<6400000xi32, #tpu.memory_space<hbm>>, %arg3: memref<2x100352xf32, #tpu.memory_space<hbm>>, %arg4: memref<6272xf32, #tpu.memory_space<vmem>>, %arg5: memref<4096xi32, #tpu.memory_space<vmem>>, %arg6: memref<4096xi32, #tpu.memory_space<vmem>>, %arg7: memref<1024xf32, #tpu.memory_space<vmem>>, %arg8: memref<100352xf32, #tpu.memory_space<vmem_shared>>, %arg9: memref<!tpu.dma_semaphore, #tpu.memory_space<semaphore_mem>>, %arg10: memref<!tpu.dma_semaphore, #tpu.memory_space<semaphore_mem>>, %arg11: memref<!tpu.dma_semaphore, #tpu.memory_space<semaphore_mem>>) attributes {dimension_semantics = [#tpu.dimension_semantics<core_parallel>, #tpu.dimension_semantics<subcore_parallel>], iteration_bounds = array<i64: 2, 16>, scalar_prefetch = 0 : i64, scratch_operands = 8 : i64, tpu.core_type = #tpu.core_type<sc_vector_subcore>, window_params = [{transform_indices = #map}, {transform_indices = #map1}]} {
    %mul3A = arith.constant 2 : i32
    %mul3A_0 = arith.muli %arg1, %mul3A : i32
    %add3A = arith.addi %mul3A_0, %arg0 : i32
    %broadcast_in_dim3A = arith.constant 0.000000e+00 : f32
    %broadcast_in_dim3A_1 = vector.broadcast %broadcast_in_dim3A : f32 to vector<16xf32>
    %scan3A = arith.constant 0 : i32
    %scan3A_2 = arith.constant 392 : i32
    %scan3A_3 = arith.addi %scan3A, %scan3A_2 : i32
    %scan3A_4 = arith.constant 1 : i32
    scf.for %scan3A_147 = %scan3A to %scan3A_3 step %scan3A_4  : i32 {
      %mul3A_148 = arith.constant 1 : i32
      %mul3A_149 = arith.muli %scan3A_147, %mul3A_148 : i32
      %add3A_150 = arith.constant 0 : i32
      %add3A_151 = arith.addi %add3A_150, %mul3A_149 : i32
      %mul3A_152 = arith.constant 16 : i32
      %mul3A_153 = arith.muli %add3A_151, %mul3A_152 : i32
      %swap3A = arith.index_cast %mul3A_153 : i32 to index
      %swap3A_154 = tpu.vector_load %arg4[%swap3A] {strides = array<i32>} : memref<6272xf32, #tpu.memory_space<vmem>>, vector<16xf32>,
      tpu.vector_store %arg4[%swap3A], %broadcast_in_dim3A_1 {strides = array<i32>} : memref<6272xf32, #tpu.memory_space<vmem>>, vector<16xf32>,
    }
    %scan3A_5 = arith.constant 392 : i32
    %broadcast_in_dim3A_6 = arith.constant 1.000000e+00 : f32
    %broadcast_in_dim3A_7 = vector.broadcast %broadcast_in_dim3A_6 : f32 to vector<16xf32>
    %scan3A_8 = arith.constant 0 : i32
    %scan3A_9 = arith.constant 64 : i32
    %scan3A_10 = arith.addi %scan3A_8, %scan3A_9 : i32
    %scan3A_11 = arith.constant 1 : i32
    scf.for %scan3A_147 = %scan3A_8 to %scan3A_10 step %scan3A_11  : i32 {
      %mul3A_148 = arith.constant 1 : i32
      %mul3A_149 = arith.muli %scan3A_147, %mul3A_148 : i32
      %add3A_150 = arith.constant 0 : i32
      %add3A_151 = arith.addi %add3A_150, %mul3A_149 : i32
      %mul3A_152 = arith.constant 16 : i32
      %mul3A_153 = arith.muli %add3A_151, %mul3A_152 : i32
      %swap3A = arith.index_cast %mul3A_153 : i32 to index
      %swap3A_154 = tpu.vector_load %arg7[%swap3A] {strides = array<i32>} : memref<1024xf32, #tpu.memory_space<vmem>>, vector<16xf32>,
      tpu.vector_store %arg7[%swap3A], %broadcast_in_dim3A_7 {strides = array<i32>} : memref<1024xf32, #tpu.memory_space<vmem>>, vector<16xf32>,
    }
    %scan3A_12 = arith.constant 64 : i32
    %mul3A_13 = arith.constant 6272 : i32
    %mul3A_14 = arith.muli %arg1, %mul3A_13 : i32
    "tpu.region"() ({
      %run_scoped3A = tpu.sem_alloc : memref<!tpu.dma_semaphore, #tpu.memory_space<semaphore_mem>>
      %dma_start3A_147 = tpu.memref_slice %arg8[%mul3A_14] : memref<100352xf32, #tpu.memory_space<vmem_shared>> -> memref<6272xf32, #tpu.memory_space<vmem_shared>>
      %dma_start3A_148 = tpu.memref_slice %arg8[%mul3A_14] : memref<100352xf32, #tpu.memory_space<vmem_shared>> -> memref<6272xf32, #tpu.memory_space<vmem_shared>>
      tpu.enqueue_dma source(%arg4 : memref<6272xf32, #tpu.memory_space<vmem>>) target(%dma_start3A_148 : memref<6272xf32, #tpu.memory_space<vmem_shared>>) target_semaphore(%run_scoped3A : memref<!tpu.dma_semaphore, #tpu.memory_space<semaphore_mem>>)
      %dma_wait3A_149 = tpu.memref_slice %arg8[%mul3A_14] : memref<100352xf32, #tpu.memory_space<vmem_shared>> -> memref<6272xf32, #tpu.memory_space<vmem_shared>>
      %dma_wait3A_150 = tpu.memref_slice %arg8[%mul3A_14] : memref<100352xf32, #tpu.memory_space<vmem_shared>> -> memref<6272xf32, #tpu.memory_space<vmem_shared>>
      tpu.wait_dma2 semaphore(%run_scoped3A : memref<!tpu.dma_semaphore, #tpu.memory_space<semaphore_mem>>) src(%arg4 : memref<6272xf32, #tpu.memory_space<vmem>>) dst(%dma_wait3A_150 : memref<6272xf32, #tpu.memory_space<vmem_shared>>)
      tpu.yield
    }) : () -> ()
    %barrier3A = arith.constant 0 : index
    tpu.barrier barrier_id(%barrier3A)
    %lt3A = arith.constant 21 : i32
    %lt3A_15 = arith.cmpi slt, %add3A, %lt3A : i32
    %jit3A = arith.constant 1 : i32
    %jit3A_16 = arith.constant 0 : i32
    %select_n3A = arith.select %lt3A_15, %jit3A, %jit3A_16 : i32
    %add3A_17 = arith.constant 97 : i32
    %add3A_18 = arith.addi %add3A_17, %select_n3A : i32
    %mul3A_19 = arith.constant 97 : i32
    %mul3A_20 = arith.muli %add3A, %mul3A_19 : i32
    %min3A = arith.constant 21 : i32
    %min3A_21 = arith.minsi %add3A, %min3A : i32
    %add3A_22 = arith.addi %mul3A_20, %min3A_21 : i32
    %mul3A_23 = arith.constant 16 : i32
    %mul3A_24 = arith.muli %add3A_22, %mul3A_23 : i32
    %mul3A_25 = arith.constant 16 : i32
    %mul3A_26 = arith.muli %add3A_18, %mul3A_25 : i32
    %jit3A_27 = arith.constant 8 : i32
    %div3A = arith.divsi %mul3A_24, %jit3A_27 : i32
    %sign3A = arith.constant 0 : i32
    %sign3A_28 = arith.cmpi sgt, %mul3A_24, %sign3A : i32
    %sign3A_29 = arith.extui %sign3A_28 : i1 to i32
    %sign3A_30 = arith.constant 0 : i32
    %sign3A_31 = arith.cmpi slt, %mul3A_24, %sign3A_30 : i32
    %sign3A_32 = arith.extui %sign3A_31 : i1 to i32
    %sign3A_33 = arith.subi %sign3A_29, %sign3A_32 : i32
    %sign3A_34 = arith.constant 0 : i32
    %sign3A_35 = arith.cmpi sgt, %jit3A_27, %sign3A_34 : i32
    %sign3A_36 = arith.extui %sign3A_35 : i1 to i32
    %sign3A_37 = arith.constant 0 : i32
    %sign3A_38 = arith.cmpi slt, %jit3A_27, %sign3A_37 : i32
    %sign3A_39 = arith.extui %sign3A_38 : i1 to i32
    %sign3A_40 = arith.subi %sign3A_36, %sign3A_39 : i32
    %ne3A = arith.cmpi ne, %sign3A_33, %sign3A_40 : i32
    %rem3A = arith.remsi %mul3A_24, %jit3A_27 : i32
    %ne3A_41 = arith.constant 0 : i32
    %ne3A_42 = arith.cmpi ne, %rem3A, %ne3A_41 : i32
    %and3A = arith.andi %ne3A, %ne3A_42 : i1
    %sub3A = arith.constant 1 : i32
    %sub3A_43 = arith.subi %div3A, %sub3A : i32
    %select_n3A_44 = arith.select %and3A, %sub3A_43, %div3A : i32
    %jit3A_45 = arith.constant 8 : i32
    %div3A_46 = arith.divsi %mul3A_26, %jit3A_45 : i32
    %sign3A_47 = arith.constant 0 : i32
    %sign3A_48 = arith.cmpi sgt, %mul3A_26, %sign3A_47 : i32
    %sign3A_49 = arith.extui %sign3A_48 : i1 to i32
    %sign3A_50 = arith.constant 0 : i32
    %sign3A_51 = arith.cmpi slt, %mul3A_26, %sign3A_50 : i32
    %sign3A_52 = arith.extui %sign3A_51 : i1 to i32
    %sign3A_53 = arith.subi %sign3A_49, %sign3A_52 : i32
    %sign3A_54 = arith.constant 0 : i32
    %sign3A_55 = arith.cmpi sgt, %jit3A_45, %sign3A_54 : i32
    %sign3A_56 = arith.extui %sign3A_55 : i1 to i32
    %sign3A_57 = arith.constant 0 : i32
    %sign3A_58 = arith.cmpi slt, %jit3A_45, %sign3A_57 : i32
    %sign3A_59 = arith.extui %sign3A_58 : i1 to i32
    %sign3A_60 = arith.subi %sign3A_56, %sign3A_59 : i32
    %ne3A_61 = arith.cmpi ne, %sign3A_53, %sign3A_60 : i32
    %rem3A_62 = arith.remsi %mul3A_26, %jit3A_45 : i32
    %ne3A_63 = arith.constant 0 : i32
    %ne3A_64 = arith.cmpi ne, %rem3A_62, %ne3A_63 : i32
    %and3A_65 = arith.andi %ne3A_61, %ne3A_64 : i1
    %sub3A_66 = arith.constant 1 : i32
    %sub3A_67 = arith.subi %div3A_46, %sub3A_66 : i32
    %select_n3A_68 = arith.select %and3A_65, %sub3A_67, %div3A_46 : i32
    %min3A_69 = arith.constant 0 : i32
    %min3A_70 = arith.constant 48 : i32
    %min3A_71 = arith.minsi %min3A_69, %min3A_70 : i32
    %mul3A_72 = arith.constant 4 : i32
    %mul3A_73 = arith.muli %min3A_71, %mul3A_72 : i32
    %add3A_74 = arith.addi %select_n3A_44, %mul3A_73 : i32
    %min3A_75 = arith.constant 6246 : i32
    %min3A_76 = arith.minsi %add3A_74, %min3A_75 : i32
    %mul3A_77 = arith.constant 1024 : i32
    %mul3A_78 = arith.muli %min3A_76, %mul3A_77 : i32
    %dma_start3A = tpu.memref_slice %arg2[%mul3A_78] : memref<6400000xi32, #tpu.memory_space<hbm>> -> memref<4096xi32, #tpu.memory_space<hbm>>
    %dma_start3A_79 = tpu.memref_slice %arg2[%mul3A_78] : memref<6400000xi32, #tpu.memory_space<hbm>> -> memref<4096xi32, #tpu.memory_space<hbm>>
    tpu.enqueue_dma source(%dma_start3A_79 : memref<4096xi32, #tpu.memory_space<hbm>>) target(%arg5 : memref<4096xi32, #tpu.memory_space<vmem>>) target_semaphore(%arg9 : memref<!tpu.dma_semaphore, #tpu.memory_space<semaphore_mem>>)
    %scan3A_80 = arith.constant 0 : i32
    %scan3A_81 = arith.constant 24 : i32
    %scan3A_82 = arith.addi %scan3A_80, %scan3A_81 : i32
    %scan3A_83 = arith.constant 1 : i32
    scf.for %scan3A_147 = %scan3A_80 to %scan3A_82 step %scan3A_83  : i32 {
      %mul3A_148 = arith.constant 1 : i32
      %mul3A_149 = arith.muli %scan3A_147, %mul3A_148 : i32
      %add3A_150 = arith.constant 0 : i32
      %add3A_151 = arith.addi %add3A_150, %mul3A_149 : i32
      %mul3A_152 = arith.constant 2 : i32
      %mul3A_153 = arith.muli %mul3A_152, %add3A_151 : i32
      %mul3A_154 = arith.constant 4 : i32
      %mul3A_155 = arith.muli %mul3A_153, %mul3A_154 : i32
      %add3A_156 = arith.addi %select_n3A_44, %mul3A_155 : i32
      %min3A_157 = arith.constant 6246 : i32
      %min3A_158 = arith.minsi %add3A_156, %min3A_157 : i32
      %mul3A_159 = arith.constant 1024 : i32
      %mul3A_160 = arith.muli %min3A_158, %mul3A_159 : i32
      %dma_wait3A_161 = tpu.memref_slice %arg2[%mul3A_160] : memref<6400000xi32, #tpu.memory_space<hbm>> -> memref<4096xi32, #tpu.memory_space<hbm>>
      %dma_wait3A_162 = tpu.memref_slice %arg2[%mul3A_160] : memref<6400000xi32, #tpu.memory_space<hbm>> -> memref<4096xi32, #tpu.memory_space<hbm>>
      tpu.wait_dma2 semaphore(%arg9 : memref<!tpu.dma_semaphore, #tpu.memory_space<semaphore_mem>>) src(%dma_wait3A_162 : memref<4096xi32, #tpu.memory_space<hbm>>) dst(%arg5 : memref<4096xi32, #tpu.memory_space<vmem>>)
      %add3A_163 = arith.constant 1 : i32
      %add3A_164 = arith.addi %mul3A_153, %add3A_163 : i32
      %min3A_165 = arith.constant 48 : i32
      %min3A_166 = arith.minsi %add3A_164, %min3A_165 : i32
      %mul3A_167 = arith.constant 4 : i32
      %mul3A_168 = arith.muli %min3A_166, %mul3A_167 : i32
      %add3A_169 = arith.addi %select_n3A_44, %mul3A_168 : i32
      %min3A_170 = arith.constant 6246 : i32
      %min3A_171 = arith.minsi %add3A_169, %min3A_170 : i32
      %mul3A_172 = arith.constant 1024 : i32
      %mul3A_173 = arith.muli %min3A_171, %mul3A_172 : i32
      %dma_start3A_174 = tpu.memref_slice %arg2[%mul3A_173] : memref<6400000xi32, #tpu.memory_space<hbm>> -> memref<4096xi32, #tpu.memory_space<hbm>>
      %dma_start3A_175 = tpu.memref_slice %arg2[%mul3A_173] : memref<6400000xi32, #tpu.memory_space<hbm>> -> memref<4096xi32, #tpu.memory_space<hbm>>
      tpu.enqueue_dma source(%dma_start3A_175 : memref<4096xi32, #tpu.memory_space<hbm>>) target(%arg6 : memref<4096xi32, #tpu.memory_space<vmem>>) target_semaphore(%arg10 : memref<!tpu.dma_semaphore, #tpu.memory_space<semaphore_mem>>)
      %mul3A_176 = arith.constant 4 : i32
      %mul3A_177 = arith.muli %mul3A_153, %mul3A_176 : i32
      %add3A_178 = arith.addi %select_n3A_44, %mul3A_177 : i32
      %mul3A_179 = arith.constant 4 : i32
      %mul3A_180 = arith.muli %mul3A_153, %mul3A_179 : i32
      %add3A_181 = arith.addi %select_n3A_44, %mul3A_180 : i32
      %min3A_182 = arith.constant 6246 : i32
      %min3A_183 = arith.minsi %add3A_181, %min3A_182 : i32
      %sub3A_184 = arith.subi %add3A_178, %min3A_183 : i32
      %mul3A_185 = arith.constant 4 : i32
      %mul3A_186 = arith.muli %mul3A_153, %mul3A_185 : i32
      %sub3A_187 = arith.subi %select_n3A_68, %mul3A_186 : i32
      %min3A_188 = arith.constant 4 : i32
      %min3A_189 = arith.minsi %min3A_188, %sub3A_187 : i32
      %mul3A_190 = arith.constant 1024 : i32
      %mul3A_191 = arith.muli %sub3A_184, %mul3A_190 : i32
      %sub3A_192 = arith.constant 0 : i32
      %sub3A_193 = arith.subi %min3A_189, %sub3A_192 : i32
      %sub3A_194 = arith.constant 1 : i32
      %sub3A_195 = arith.constant 1 : i32
      %sub3A_196 = arith.subi %sub3A_194, %sub3A_195 : i32
      %add3A_197 = arith.addi %sub3A_193, %sub3A_196 : i32
      %div3A_198 = arith.constant 1 : i32
      %div3A_199 = arith.divsi %add3A_197, %div3A_198 : i32
      %while3A_200 = arith.constant 1 : i32
      %while3A_201 = arith.constant 0 : i32
      %while3A_202 = arith.constant 0 : i32
      %while3A_203 = arith.subi %div3A_199, %while3A_202 : i32
      %while3A_204 = arith.addi %while3A_202, %while3A_203 : i32
      %while3A_205 = arith.constant 1 : i32
      %while3A_206 = arith.divsi %while3A_203, %while3A_205 : i32
      %while3A_207 = arith.muli %while3A_206, %while3A_205 : i32
      %while3A_208 = arith.addi %while3A_202, %while3A_207 : i32
      %while3A_209 = arith.constant 1 : i32
      scf.for %while3A_310 = %while3A_202 to %while3A_208 step %while3A_209  : i32 {
        %mul3A_311 = arith.muli %while3A_310, %while3A_200 : i32
        %add3A_312 = arith.addi %while3A_201, %mul3A_311 : i32
        %add3A_313 = arith.addi %sub3A_184, %add3A_312 : i32
        %mul3A_314 = arith.constant 1024 : i32
        %mul3A_315 = arith.muli %add3A_313, %mul3A_314 : i32
        %dma_start3A_316 = tpu.memref_slice %arg5[%mul3A_315] : memref<4096xi32, #tpu.memory_space<vmem>> -> memref<1024xi32, #tpu.memory_space<vmem>>
        %dma_start3A_317 = arith.constant 0 : i32
        %dma_start3A_318 = tpu.memref_slice %arg8[%dma_start3A_317] : memref<100352xf32, #tpu.memory_space<vmem_shared>> -> memref<100352xf32, #tpu.memory_space<vmem_shared>>
        tpu.enqueue_indirect_dma source(%arg7 : memref<1024xf32, #tpu.memory_space<vmem>>) target(%dma_start3A_318 : memref<100352xf32, #tpu.memory_space<vmem_shared>>) offsets(%dma_start3A_316 : memref<1024xi32, #tpu.memory_space<vmem>>) semaphore(%arg11 : memref<!tpu.dma_semaphore, #tpu.memory_space<semaphore_mem>>) {add = true}
      }
      %while3A_210 = arith.constant 1 : i32
      scf.for %while3A_310 = %while3A_208 to %while3A_204 step %while3A_210  : i32 {
        %mul3A_311 = arith.muli %while3A_310, %while3A_200 : i32
        %add3A_312 = arith.addi %while3A_201, %mul3A_311 : i32
        %add3A_313 = arith.addi %sub3A_184, %add3A_312 : i32
        %mul3A_314 = arith.constant 1024 : i32
        %mul3A_315 = arith.muli %add3A_313, %mul3A_314 : i32
        %dma_start3A_316 = tpu.memref_slice %arg5[%mul3A_315] : memref<4096xi32, #tpu.memory_space<vmem>> -> memref<1024xi32, #tpu.memory_space<vmem>>
        %dma_start3A_317 = arith.constant 0 : i32
        %dma_start3A_318 = tpu.memref_slice %arg8[%dma_start3A_317] : memref<100352xf32, #tpu.memory_space<vmem_shared>> -> memref<100352xf32, #tpu.memory_space<vmem_shared>>
        tpu.enqueue_indirect_dma source(%arg7 : memref<1024xf32, #tpu.memory_space<vmem>>) target(%dma_start3A_318 : memref<100352xf32, #tpu.memory_space<vmem_shared>>) offsets(%dma_start3A_316 : memref<1024xi32, #tpu.memory_space<vmem>>) semaphore(%arg11 : memref<!tpu.dma_semaphore, #tpu.memory_space<semaphore_mem>>) {add = true}
      }
      %sub3A_211 = arith.constant 0 : i32
      %sub3A_212 = arith.subi %min3A_189, %sub3A_211 : i32
      %sub3A_213 = arith.constant 1 : i32
      %sub3A_214 = arith.constant 1 : i32
      %sub3A_215 = arith.subi %sub3A_213, %sub3A_214 : i32
      %add3A_216 = arith.addi %sub3A_212, %sub3A_215 : i32
      %div3A_217 = arith.constant 1 : i32
      %div3A_218 = arith.divsi %add3A_216, %div3A_217 : i32
      %while3A_219 = arith.constant 1 : i32
      %while3A_220 = arith.constant 0 : i32
      %while3A_221 = arith.constant 0 : i32
      %while3A_222 = arith.subi %div3A_218, %while3A_221 : i32
      %while3A_223 = arith.addi %while3A_221, %while3A_222 : i32
      %while3A_224 = arith.constant 1 : i32
      %while3A_225 = arith.divsi %while3A_222, %while3A_224 : i32
      %while3A_226 = arith.muli %while3A_225, %while3A_224 : i32
      %while3A_227 = arith.addi %while3A_221, %while3A_226 : i32
      %while3A_228 = arith.constant 1 : i32
      scf.for %while3A_310 = %while3A_221 to %while3A_227 step %while3A_228  : i32 {
        %mul3A_311 = arith.muli %while3A_310, %while3A_219 : i32
        %add3A_312 = arith.addi %while3A_220, %mul3A_311 : i32
        %dma_wait3A_313 = tpu.memref_slice %arg5[%mul3A_191] : memref<4096xi32, #tpu.memory_space<vmem>> -> memref<1024xi32, #tpu.memory_space<vmem>>
        %dma_wait3A_314 = arith.constant 0 : i32
        %dma_wait3A_315 = tpu.memref_slice %arg8[%dma_wait3A_314] : memref<100352xf32, #tpu.memory_space<vmem_shared>> -> memref<100352xf32, #tpu.memory_space<vmem_shared>>
        tpu.wait_indirect_dma semaphore(%arg11 : memref<!tpu.dma_semaphore, #tpu.memory_space<semaphore_mem>>) src(%arg7 : memref<1024xf32, #tpu.memory_space<vmem>>) dst(%dma_wait3A_315 : memref<100352xf32, #tpu.memory_space<vmem_shared>>)
      }
      %while3A_229 = arith.constant 1 : i32
      scf.for %while3A_310 = %while3A_227 to %while3A_223 step %while3A_229  : i32 {
        %mul3A_311 = arith.muli %while3A_310, %while3A_219 : i32
        %add3A_312 = arith.addi %while3A_220, %mul3A_311 : i32
        %dma_wait3A_313 = tpu.memref_slice %arg5[%mul3A_191] : memref<4096xi32, #tpu.memory_space<vmem>> -> memref<1024xi32, #tpu.memory_space<vmem>>
        %dma_wait3A_314 = arith.constant 0 : i32
        %dma_wait3A_315 = tpu.memref_slice %arg8[%dma_wait3A_314] : memref<100352xf32, #tpu.memory_space<vmem_shared>> -> memref<100352xf32, #tpu.memory_space<vmem_shared>>
        tpu.wait_indirect_dma semaphore(%arg11 : memref<!tpu.dma_semaphore, #tpu.memory_space<semaphore_mem>>) src(%arg7 : memref<1024xf32, #tpu.memory_space<vmem>>) dst(%dma_wait3A_315 : memref<100352xf32, #tpu.memory_space<vmem_shared>>)
      }
      %add3A_230 = arith.constant 1 : i32
      %add3A_231 = arith.addi %mul3A_153, %add3A_230 : i32
      %mul3A_232 = arith.constant 4 : i32
      %mul3A_233 = arith.muli %add3A_231, %mul3A_232 : i32
      %add3A_234 = arith.addi %select_n3A_44, %mul3A_233 : i32
      %min3A_235 = arith.constant 6246 : i32
      %min3A_236 = arith.minsi %add3A_234, %min3A_235 : i32
      %mul3A_237 = arith.constant 1024 : i32
      %mul3A_238 = arith.muli %min3A_236, %mul3A_237 : i32
      %dma_wait3A_239 = tpu.memref_slice %arg2[%mul3A_238] : memref<6400000xi32, #tpu.memory_space<hbm>> -> memref<4096xi32, #tpu.memory_space<hbm>>
      %dma_wait3A_240 = tpu.memref_slice %arg2[%mul3A_238] : memref<6400000xi32, #tpu.memory_space<hbm>> -> memref<4096xi32, #tpu.memory_space<hbm>>
      tpu.wait_dma2 semaphore(%arg10 : memref<!tpu.dma_semaphore, #tpu.memory_space<semaphore_mem>>) src(%dma_wait3A_240 : memref<4096xi32, #tpu.memory_space<hbm>>) dst(%arg6 : memref<4096xi32, #tpu.memory_space<vmem>>)
      %add3A_241 = arith.constant 2 : i32
      %add3A_242 = arith.addi %mul3A_153, %add3A_241 : i32
      %min3A_243 = arith.constant 48 : i32
      %min3A_244 = arith.minsi %add3A_242, %min3A_243 : i32
      %mul3A_245 = arith.constant 4 : i32
      %mul3A_246 = arith.muli %min3A_244, %mul3A_245 : i32
      %add3A_247 = arith.addi %select_n3A_44, %mul3A_246 : i32
      %min3A_248 = arith.constant 6246 : i32
      %min3A_249 = arith.minsi %add3A_247, %min3A_248 : i32
      %mul3A_250 = arith.constant 1024 : i32
      %mul3A_251 = arith.muli %min3A_249, %mul3A_250 : i32
      %dma_start3A_252 = tpu.memref_slice %arg2[%mul3A_251] : memref<6400000xi32, #tpu.memory_space<hbm>> -> memref<4096xi32, #tpu.memory_space<hbm>>
      %dma_start3A_253 = tpu.memref_slice %arg2[%mul3A_251] : memref<6400000xi32, #tpu.memory_space<hbm>> -> memref<4096xi32, #tpu.memory_space<hbm>>
      tpu.enqueue_dma source(%dma_start3A_253 : memref<4096xi32, #tpu.memory_space<hbm>>) target(%arg5 : memref<4096xi32, #tpu.memory_space<vmem>>) target_semaphore(%arg9 : memref<!tpu.dma_semaphore, #tpu.memory_space<semaphore_mem>>)
      %add3A_254 = arith.constant 1 : i32
      %add3A_255 = arith.addi %mul3A_153, %add3A_254 : i32
      %mul3A_256 = arith.constant 4 : i32
      %mul3A_257 = arith.muli %add3A_255, %mul3A_256 : i32
      %add3A_258 = arith.addi %select_n3A_44, %mul3A_257 : i32
      %mul3A_259 = arith.constant 4 : i32
      %mul3A_260 = arith.muli %add3A_255, %mul3A_259 : i32
      %add3A_261 = arith.addi %select_n3A_44, %mul3A_260 : i32
      %min3A_262 = arith.constant 6246 : i32
      %min3A_263 = arith.minsi %add3A_261, %min3A_262 : i32
      %sub3A_264 = arith.subi %add3A_258, %min3A_263 : i32
      %mul3A_265 = arith.constant 4 : i32
      %mul3A_266 = arith.muli %add3A_255, %mul3A_265 : i32
      %sub3A_267 = arith.subi %select_n3A_68, %mul3A_266 : i32
      %min3A_268 = arith.constant 4 : i32
      %min3A_269 = arith.minsi %min3A_268, %sub3A_267 : i32
      %mul3A_270 = arith.constant 1024 : i32
      %mul3A_271 = arith.muli %sub3A_264, %mul3A_270 : i32
      %sub3A_272 = arith.constant 0 : i32
      %sub3A_273 = arith.subi %min3A_269, %sub3A_272 : i32
      %sub3A_274 = arith.constant 1 : i32
      %sub3A_275 = arith.constant 1 : i32
      %sub3A_276 = arith.subi %sub3A_274, %sub3A_275 : i32
      %add3A_277 = arith.addi %sub3A_273, %sub3A_276 : i32
      %div3A_278 = arith.constant 1 : i32
      %div3A_279 = arith.divsi %add3A_277, %div3A_278 : i32
      %while3A_280 = arith.constant 1 : i32
      %while3A_281 = arith.constant 0 : i32
      %while3A_282 = arith.constant 0 : i32
      %while3A_283 = arith.subi %div3A_279, %while3A_282 : i32
      %while3A_284 = arith.addi %while3A_282, %while3A_283 : i32
      %while3A_285 = arith.constant 1 : i32
      %while3A_286 = arith.divsi %while3A_283, %while3A_285 : i32
      %while3A_287 = arith.muli %while3A_286, %while3A_285 : i32
      %while3A_288 = arith.addi %while3A_282, %while3A_287 : i32
      %while3A_289 = arith.constant 1 : i32
      scf.for %while3A_310 = %while3A_282 to %while3A_288 step %while3A_289  : i32 {
        %mul3A_311 = arith.muli %while3A_310, %while3A_280 : i32
        %add3A_312 = arith.addi %while3A_281, %mul3A_311 : i32
        %add3A_313 = arith.addi %sub3A_264, %add3A_312 : i32
        %mul3A_314 = arith.constant 1024 : i32
        %mul3A_315 = arith.muli %add3A_313, %mul3A_314 : i32
        %dma_start3A_316 = tpu.memref_slice %arg6[%mul3A_315] : memref<4096xi32, #tpu.memory_space<vmem>> -> memref<1024xi32, #tpu.memory_space<vmem>>
        %dma_start3A_317 = arith.constant 0 : i32
        %dma_start3A_318 = tpu.memref_slice %arg8[%dma_start3A_317] : memref<100352xf32, #tpu.memory_space<vmem_shared>> -> memref<100352xf32, #tpu.memory_space<vmem_shared>>
        tpu.enqueue_indirect_dma source(%arg7 : memref<1024xf32, #tpu.memory_space<vmem>>) target(%dma_start3A_318 : memref<100352xf32, #tpu.memory_space<vmem_shared>>) offsets(%dma_start3A_316 : memref<1024xi32, #tpu.memory_space<vmem>>) semaphore(%arg11 : memref<!tpu.dma_semaphore, #tpu.memory_space<semaphore_mem>>) {add = true}
      }
      %while3A_290 = arith.constant 1 : i32
      scf.for %while3A_310 = %while3A_288 to %while3A_284 step %while3A_290  : i32 {
        %mul3A_311 = arith.muli %while3A_310, %while3A_280 : i32
        %add3A_312 = arith.addi %while3A_281, %mul3A_311 : i32
        %add3A_313 = arith.addi %sub3A_264, %add3A_312 : i32
        %mul3A_314 = arith.constant 1024 : i32
        %mul3A_315 = arith.muli %add3A_313, %mul3A_314 : i32
        %dma_start3A_316 = tpu.memref_slice %arg6[%mul3A_315] : memref<4096xi32, #tpu.memory_space<vmem>> -> memref<1024xi32, #tpu.memory_space<vmem>>
        %dma_start3A_317 = arith.constant 0 : i32
        %dma_start3A_318 = tpu.memref_slice %arg8[%dma_start3A_317] : memref<100352xf32, #tpu.memory_space<vmem_shared>> -> memref<100352xf32, #tpu.memory_space<vmem_shared>>
        tpu.enqueue_indirect_dma source(%arg7 : memref<1024xf32, #tpu.memory_space<vmem>>) target(%dma_start3A_318 : memref<100352xf32, #tpu.memory_space<vmem_shared>>) offsets(%dma_start3A_316 : memref<1024xi32, #tpu.memory_space<vmem>>) semaphore(%arg11 : memref<!tpu.dma_semaphore, #tpu.memory_space<semaphore_mem>>) {add = true}
      }
      %sub3A_291 = arith.constant 0 : i32
      %sub3A_292 = arith.subi %min3A_269, %sub3A_291 : i32
      %sub3A_293 = arith.constant 1 : i32
      %sub3A_294 = arith.constant 1 : i32
      %sub3A_295 = arith.subi %sub3A_293, %sub3A_294 : i32
      %add3A_296 = arith.addi %sub3A_292, %sub3A_295 : i32
      %div3A_297 = arith.constant 1 : i32
      %div3A_298 = arith.divsi %add3A_296, %div3A_297 : i32
      %while3A_299 = arith.constant 1 : i32
      %while3A_300 = arith.constant 0 : i32
      %while3A_301 = arith.constant 0 : i32
      %while3A_302 = arith.subi %div3A_298, %while3A_301 : i32
      %while3A_303 = arith.addi %while3A_301, %while3A_302 : i32
      %while3A_304 = arith.constant 1 : i32
      %while3A_305 = arith.divsi %while3A_302, %while3A_304 : i32
      %while3A_306 = arith.muli %while3A_305, %while3A_304 : i32
      %while3A_307 = arith.addi %while3A_301, %while3A_306 : i32
      %while3A_308 = arith.constant 1 : i32
      scf.for %while3A_310 = %while3A_301 to %while3A_307 step %while3A_308  : i32 {
        %mul3A_311 = arith.muli %while3A_310, %while3A_299 : i32
        %add3A_312 = arith.addi %while3A_300, %mul3A_311 : i32
        %dma_wait3A_313 = tpu.memref_slice %arg6[%mul3A_271] : memref<4096xi32, #tpu.memory_space<vmem>> -> memref<1024xi32, #tpu.memory_space<vmem>>
        %dma_wait3A_314 = arith.constant 0 : i32
        %dma_wait3A_315 = tpu.memref_slice %arg8[%dma_wait3A_314] : memref<100352xf32, #tpu.memory_space<vmem_shared>> -> memref<100352xf32, #tpu.memory_space<vmem_shared>>
        tpu.wait_indirect_dma semaphore(%arg11 : memref<!tpu.dma_semaphore, #tpu.memory_space<semaphore_mem>>) src(%arg7 : memref<1024xf32, #tpu.memory_space<vmem>>) dst(%dma_wait3A_315 : memref<100352xf32, #tpu.memory_space<vmem_shared>>)
      }
      %while3A_309 = arith.constant 1 : i32
      scf.for %while3A_310 = %while3A_307 to %while3A_303 step %while3A_309  : i32 {
        %mul3A_311 = arith.muli %while3A_310, %while3A_299 : i32
        %add3A_312 = arith.addi %while3A_300, %mul3A_311 : i32
        %dma_wait3A_313 = tpu.memref_slice %arg6[%mul3A_271] : memref<4096xi32, #tpu.memory_space<vmem>> -> memref<1024xi32, #tpu.memory_space<vmem>>
        %dma_wait3A_314 = arith.constant 0 : i32
        %dma_wait3A_315 = tpu.memref_slice %arg8[%dma_wait3A_314] : memref<100352xf32, #tpu.memory_space<vmem_shared>> -> memref<100352xf32, #tpu.memory_space<vmem_shared>>
        tpu.wait_indirect_dma semaphore(%arg11 : memref<!tpu.dma_semaphore, #tpu.memory_space<semaphore_mem>>) src(%arg7 : memref<1024xf32, #tpu.memory_space<vmem>>) dst(%dma_wait3A_315 : memref<100352xf32, #tpu.memory_space<vmem_shared>>)
      }
    }
    %scan3A_84 = arith.constant 24 : i32
    %add3A_85 = arith.constant 192 : i32
    %add3A_86 = arith.addi %select_n3A_44, %add3A_85 : i32
    %min3A_87 = arith.constant 6246 : i32
    %min3A_88 = arith.minsi %add3A_86, %min3A_87 : i32
    %mul3A_89 = arith.constant 1024 : i32
    %mul3A_90 = arith.muli %min3A_88, %mul3A_89 : i32
    %dma_wait3A = tpu.memref_slice %arg2[%mul3A_90] : memref<6400000xi32, #tpu.memory_space<hbm>> -> memref<4096xi32, #tpu.memory_space<hbm>>
    %dma_wait3A_91 = tpu.memref_slice %arg2[%mul3A_90] : memref<6400000xi32, #tpu.memory_space<hbm>> -> memref<4096xi32, #tpu.memory_space<hbm>>
    tpu.wait_dma2 semaphore(%arg9 : memref<!tpu.dma_semaphore, #tpu.memory_space<semaphore_mem>>) src(%dma_wait3A_91 : memref<4096xi32, #tpu.memory_space<hbm>>) dst(%arg5 : memref<4096xi32, #tpu.memory_space<vmem>>)
    %add3A_92 = arith.constant 192 : i32
    %add3A_93 = arith.addi %select_n3A_44, %add3A_92 : i32
    %add3A_94 = arith.constant 192 : i32
    %add3A_95 = arith.addi %select_n3A_44, %add3A_94 : i32
    %min3A_96 = arith.constant 6246 : i32
    %min3A_97 = arith.minsi %add3A_95, %min3A_96 : i32
    %sub3A_98 = arith.subi %add3A_93, %min3A_97 : i32
    %sub3A_99 = arith.constant 192 : i32
    %sub3A_100 = arith.subi %select_n3A_68, %sub3A_99 : i32
    %min3A_101 = arith.constant 4 : i32
    %min3A_102 = arith.minsi %min3A_101, %sub3A_100 : i32
    %mul3A_103 = arith.constant 1024 : i32
    %mul3A_104 = arith.muli %sub3A_98, %mul3A_103 : i32
    %sub3A_105 = arith.constant 0 : i32
    %sub3A_106 = arith.subi %min3A_102, %sub3A_105 : i32
    %sub3A_107 = arith.constant 1 : i32
    %sub3A_108 = arith.constant 1 : i32
    %sub3A_109 = arith.subi %sub3A_107, %sub3A_108 : i32
    %add3A_110 = arith.addi %sub3A_106, %sub3A_109 : i32
    %div3A_111 = arith.constant 1 : i32
    %div3A_112 = arith.divsi %add3A_110, %div3A_111 : i32
    %while3A = arith.constant 1 : i32
    %while3A_113 = arith.constant 0 : i32
    %while3A_114 = arith.constant 0 : i32
    %while3A_115 = arith.subi %div3A_112, %while3A_114 : i32
    %while3A_116 = arith.addi %while3A_114, %while3A_115 : i32
    %while3A_117 = arith.constant 1 : i32
    %while3A_118 = arith.divsi %while3A_115, %while3A_117 : i32
    %while3A_119 = arith.muli %while3A_118, %while3A_117 : i32
    %while3A_120 = arith.addi %while3A_114, %while3A_119 : i32
    %while3A_121 = arith.constant 1 : i32
    scf.for %while3A_147 = %while3A_114 to %while3A_120 step %while3A_121  : i32 {
      %mul3A_148 = arith.muli %while3A_147, %while3A : i32
      %add3A_149 = arith.addi %while3A_113, %mul3A_148 : i32
      %add3A_150 = arith.addi %sub3A_98, %add3A_149 : i32
      %mul3A_151 = arith.constant 1024 : i32
      %mul3A_152 = arith.muli %add3A_150, %mul3A_151 : i32
      %dma_start3A_153 = tpu.memref_slice %arg5[%mul3A_152] : memref<4096xi32, #tpu.memory_space<vmem>> -> memref<1024xi32, #tpu.memory_space<vmem>>
      %dma_start3A_154 = arith.constant 0 : i32
      %dma_start3A_155 = tpu.memref_slice %arg8[%dma_start3A_154] : memref<100352xf32, #tpu.memory_space<vmem_shared>> -> memref<100352xf32, #tpu.memory_space<vmem_shared>>
      tpu.enqueue_indirect_dma source(%arg7 : memref<1024xf32, #tpu.memory_space<vmem>>) target(%dma_start3A_155 : memref<100352xf32, #tpu.memory_space<vmem_shared>>) offsets(%dma_start3A_153 : memref<1024xi32, #tpu.memory_space<vmem>>) semaphore(%arg11 : memref<!tpu.dma_semaphore, #tpu.memory_space<semaphore_mem>>) {add = true}
    }
    %while3A_122 = arith.constant 1 : i32
    scf.for %while3A_147 = %while3A_120 to %while3A_116 step %while3A_122  : i32 {
      %mul3A_148 = arith.muli %while3A_147, %while3A : i32
      %add3A_149 = arith.addi %while3A_113, %mul3A_148 : i32
      %add3A_150 = arith.addi %sub3A_98, %add3A_149 : i32
      %mul3A_151 = arith.constant 1024 : i32
      %mul3A_152 = arith.muli %add3A_150, %mul3A_151 : i32
      %dma_start3A_153 = tpu.memref_slice %arg5[%mul3A_152] : memref<4096xi32, #tpu.memory_space<vmem>> -> memref<1024xi32, #tpu.memory_space<vmem>>
      %dma_start3A_154 = arith.constant 0 : i32
      %dma_start3A_155 = tpu.memref_slice %arg8[%dma_start3A_154] : memref<100352xf32, #tpu.memory_space<vmem_shared>> -> memref<100352xf32, #tpu.memory_space<vmem_shared>>
      tpu.enqueue_indirect_dma source(%arg7 : memref<1024xf32, #tpu.memory_space<vmem>>) target(%dma_start3A_155 : memref<100352xf32, #tpu.memory_space<vmem_shared>>) offsets(%dma_start3A_153 : memref<1024xi32, #tpu.memory_space<vmem>>) semaphore(%arg11 : memref<!tpu.dma_semaphore, #tpu.memory_space<semaphore_mem>>) {add = true}
    }
    %sub3A_123 = arith.constant 0 : i32
    %sub3A_124 = arith.subi %min3A_102, %sub3A_123 : i32
    %sub3A_125 = arith.constant 1 : i32
    %sub3A_126 = arith.constant 1 : i32
    %sub3A_127 = arith.subi %sub3A_125, %sub3A_126 : i32
    %add3A_128 = arith.addi %sub3A_124, %sub3A_127 : i32
    %div3A_129 = arith.constant 1 : i32
    %div3A_130 = arith.divsi %add3A_128, %div3A_129 : i32
    %while3A_131 = arith.constant 1 : i32
    %while3A_132 = arith.constant 0 : i32
    %while3A_133 = arith.constant 0 : i32
    %while3A_134 = arith.subi %div3A_130, %while3A_133 : i32
    %while3A_135 = arith.addi %while3A_133, %while3A_134 : i32
    %while3A_136 = arith.constant 1 : i32
    %while3A_137 = arith.divsi %while3A_134, %while3A_136 : i32
    %while3A_138 = arith.muli %while3A_137, %while3A_136 : i32
    %while3A_139 = arith.addi %while3A_133, %while3A_138 : i32
    %while3A_140 = arith.constant 1 : i32
    scf.for %while3A_147 = %while3A_133 to %while3A_139 step %while3A_140  : i32 {
      %mul3A_148 = arith.muli %while3A_147, %while3A_131 : i32
      %add3A_149 = arith.addi %while3A_132, %mul3A_148 : i32
      %dma_wait3A_150 = tpu.memref_slice %arg5[%mul3A_104] : memref<4096xi32, #tpu.memory_space<vmem>> -> memref<1024xi32, #tpu.memory_space<vmem>>
      %dma_wait3A_151 = arith.constant 0 : i32
      %dma_wait3A_152 = tpu.memref_slice %arg8[%dma_wait3A_151] : memref<100352xf32, #tpu.memory_space<vmem_shared>> -> memref<100352xf32, #tpu.memory_space<vmem_shared>>
      tpu.wait_indirect_dma semaphore(%arg11 : memref<!tpu.dma_semaphore, #tpu.memory_space<semaphore_mem>>) src(%arg7 : memref<1024xf32, #tpu.memory_space<vmem>>) dst(%dma_wait3A_152 : memref<100352xf32, #tpu.memory_space<vmem_shared>>)
    }
    %while3A_141 = arith.constant 1 : i32
    scf.for %while3A_147 = %while3A_139 to %while3A_135 step %while3A_141  : i32 {
      %mul3A_148 = arith.muli %while3A_147, %while3A_131 : i32
      %add3A_149 = arith.addi %while3A_132, %mul3A_148 : i32
      %dma_wait3A_150 = tpu.memref_slice %arg5[%mul3A_104] : memref<4096xi32, #tpu.memory_space<vmem>> -> memref<1024xi32, #tpu.memory_space<vmem>>
      %dma_wait3A_151 = arith.constant 0 : i32
      %dma_wait3A_152 = tpu.memref_slice %arg8[%dma_wait3A_151] : memref<100352xf32, #tpu.memory_space<vmem_shared>> -> memref<100352xf32, #tpu.memory_space<vmem_shared>>
      tpu.wait_indirect_dma semaphore(%arg11 : memref<!tpu.dma_semaphore, #tpu.memory_space<semaphore_mem>>) src(%arg7 : memref<1024xf32, #tpu.memory_space<vmem>>) dst(%dma_wait3A_152 : memref<100352xf32, #tpu.memory_space<vmem_shared>>)
    }
    %barrier3A_142 = arith.constant 0 : index
    tpu.barrier barrier_id(%barrier3A_142)
    %mul3A_143 = arith.constant 6272 : i32
    %mul3A_144 = arith.muli %arg1, %mul3A_143 : i32
    %mul3A_145 = arith.constant 6272 : i32
    %mul3A_146 = arith.muli %arg1, %mul3A_145 : i32
    "tpu.region"() ({
      %run_scoped3A = tpu.sem_alloc : memref<!tpu.dma_semaphore, #tpu.memory_space<semaphore_mem>>
      %dma_start3A_147 = tpu.memref_slice %arg3[%arg0, %mul3A_146] : memref<2x100352xf32, #tpu.memory_space<hbm>> -> memref<1x6272xf32, #tpu.memory_space<hbm>>
      %dma_start3A_148 = tpu.memref_squeeze %dma_start3A_147 : memref<1x6272xf32, #tpu.memory_space<hbm>> -> memref<6272xf32, #tpu.memory_space<hbm>>
      %dma_start3A_149 = tpu.memref_slice %arg8[%mul3A_144] : memref<100352xf32, #tpu.memory_space<vmem_shared>> -> memref<6272xf32, #tpu.memory_space<vmem_shared>>
      tpu.enqueue_dma source(%dma_start3A_149 : memref<6272xf32, #tpu.memory_space<vmem_shared>>) target(%dma_start3A_148 : memref<6272xf32, #tpu.memory_space<hbm>>) target_semaphore(%run_scoped3A : memref<!tpu.dma_semaphore, #tpu.memory_space<semaphore_mem>>)
      %dma_wait3A_150 = tpu.memref_slice %arg3[%arg0, %mul3A_146] : memref<2x100352xf32, #tpu.memory_space<hbm>> -> memref<1x6272xf32, #tpu.memory_space<hbm>>
      %dma_wait3A_151 = tpu.memref_squeeze %dma_wait3A_150 : memref<1x6272xf32, #tpu.memory_space<hbm>> -> memref<6272xf32, #tpu.memory_space<hbm>>
      %dma_wait3A_152 = tpu.memref_slice %arg8[%mul3A_144] : memref<100352xf32, #tpu.memory_space<vmem_shared>> -> memref<6272xf32, #tpu.memory_space<vmem_shared>>
      tpu.wait_dma2 semaphore(%run_scoped3A : memref<!tpu.dma_semaphore, #tpu.memory_space<semaphore_mem>>) src(%dma_wait3A_152 : memref<6272xf32, #tpu.memory_space<vmem_shared>>) dst(%dma_wait3A_151 : memref<6272xf32, #tpu.memory_space<hbm>>)
      tpu.yield
    }) : () -> ()
    return
  }
}

#map = affine_map<(d0, d1) -> (0)>
#map1 = affine_map<(d0, d1) -> (0, 0)>
module attributes {stable_mosaic.version = 14 : i64} {
  func.func @_dot_body(%arg0: i32, %arg1: i32, %arg2: memref<6400000xi32, #tpu.memory_space<hbm>>, %arg3: memref<6400000xi32, #tpu.memory_space<hbm>>, %arg4: memref<100352xi32, #tpu.memory_space<hbm>>, %arg5: memref<32x16xf32, #tpu.memory_space<hbm>>, %arg6: memref<100352xi32, #tpu.memory_space<vmem>>, %arg7: memref<4096xi32, #tpu.memory_space<vmem>>, %arg8: memref<4096xi32, #tpu.memory_space<vmem>>, %arg9: memref<4096xi32, #tpu.memory_space<vmem>>, %arg10: memref<4096xi32, #tpu.memory_space<vmem>>, %arg11: memref<16xf32, #tpu.memory_space<vmem>>, %arg12: memref<!tpu.dma_semaphore, #tpu.memory_space<semaphore_mem>>, %arg13: memref<!tpu.dma_semaphore, #tpu.memory_space<semaphore_mem>>, %arg14: memref<!tpu.dma_semaphore, #tpu.memory_space<semaphore_mem>>, %arg15: memref<!tpu.dma_semaphore, #tpu.memory_space<semaphore_mem>>) attributes {dimension_semantics = [#tpu.dimension_semantics<core_parallel>, #tpu.dimension_semantics<subcore_parallel>], iteration_bounds = array<i64: 2, 16>, scalar_prefetch = 0 : i64, scratch_operands = 10 : i64, tpu.core_type = #tpu.core_type<sc_vector_subcore>, window_params = [{transform_indices = #map}, {transform_indices = #map}, {transform_indices = #map}, {transform_indices = #map1}]} {
    %mul3A = arith.constant 2 : i32
    %mul3A_0 = arith.muli %arg1, %mul3A : i32
    %add3A = arith.addi %mul3A_0, %arg0 : i32
    "tpu.region"() ({
      %run_scoped3A = tpu.sem_alloc : memref<!tpu.dma_semaphore, #tpu.memory_space<semaphore_mem>>
      tpu.enqueue_dma source(%arg4 : memref<100352xi32, #tpu.memory_space<hbm>>) target(%arg6 : memref<100352xi32, #tpu.memory_space<vmem>>) target_semaphore(%run_scoped3A : memref<!tpu.dma_semaphore, #tpu.memory_space<semaphore_mem>>)
      tpu.wait_dma2 semaphore(%run_scoped3A : memref<!tpu.dma_semaphore, #tpu.memory_space<semaphore_mem>>) src(%arg4 : memref<100352xi32, #tpu.memory_space<hbm>>) dst(%arg6 : memref<100352xi32, #tpu.memory_space<vmem>>)
      tpu.yield
    }) : () -> ()
    %broadcast_in_dim3A = arith.constant 0.000000e+00 : f32
    %broadcast_in_dim3A_1 = vector.broadcast %broadcast_in_dim3A : f32 to vector<16xf32>
    %swap3A = arith.constant 0 : index
    %swap3A_2 = tpu.vector_load %arg11[%swap3A] {strides = array<i32>} : memref<16xf32, #tpu.memory_space<vmem>>, vector<16xf32>,
    tpu.vector_store %arg11[%swap3A], %broadcast_in_dim3A_1 {strides = array<i32>} : memref<16xf32, #tpu.memory_space<vmem>>, vector<16xf32>,
    %lt3A = arith.constant 21 : i32
    %lt3A_3 = arith.cmpi slt, %add3A, %lt3A : i32
    %jit3A = arith.constant 1 : i32
    %jit3A_4 = arith.constant 0 : i32
    %select_n3A = arith.select %lt3A_3, %jit3A, %jit3A_4 : i32
    %add3A_5 = arith.constant 97 : i32
    %add3A_6 = arith.addi %add3A_5, %select_n3A : i32
    %mul3A_7 = arith.constant 97 : i32
    %mul3A_8 = arith.muli %add3A, %mul3A_7 : i32
    %min3A = arith.constant 21 : i32
    %min3A_9 = arith.minsi %add3A, %min3A : i32
    %add3A_10 = arith.addi %mul3A_8, %min3A_9 : i32
    %mul3A_11 = arith.constant 16 : i32
    %mul3A_12 = arith.muli %add3A_10, %mul3A_11 : i32
    %mul3A_13 = arith.constant 16 : i32
    %mul3A_14 = arith.muli %add3A_6, %mul3A_13 : i32
    %jit3A_15 = arith.constant 8 : i32
    %div3A = arith.divsi %mul3A_12, %jit3A_15 : i32
    %sign3A = arith.constant 0 : i32
    %sign3A_16 = arith.cmpi sgt, %mul3A_12, %sign3A : i32
    %sign3A_17 = arith.extui %sign3A_16 : i1 to i32
    %sign3A_18 = arith.constant 0 : i32
    %sign3A_19 = arith.cmpi slt, %mul3A_12, %sign3A_18 : i32
    %sign3A_20 = arith.extui %sign3A_19 : i1 to i32
    %sign3A_21 = arith.subi %sign3A_17, %sign3A_20 : i32
    %sign3A_22 = arith.constant 0 : i32
    %sign3A_23 = arith.cmpi sgt, %jit3A_15, %sign3A_22 : i32
    %sign3A_24 = arith.extui %sign3A_23 : i1 to i32
    %sign3A_25 = arith.constant 0 : i32
    %sign3A_26 = arith.cmpi slt, %jit3A_15, %sign3A_25 : i32
    %sign3A_27 = arith.extui %sign3A_26 : i1 to i32
    %sign3A_28 = arith.subi %sign3A_24, %sign3A_27 : i32
    %ne3A = arith.cmpi ne, %sign3A_21, %sign3A_28 : i32
    %rem3A = arith.remsi %mul3A_12, %jit3A_15 : i32
    %ne3A_29 = arith.constant 0 : i32
    %ne3A_30 = arith.cmpi ne, %rem3A, %ne3A_29 : i32
    %and3A = arith.andi %ne3A, %ne3A_30 : i1
    %sub3A = arith.constant 1 : i32
    %sub3A_31 = arith.subi %div3A, %sub3A : i32
    %select_n3A_32 = arith.select %and3A, %sub3A_31, %div3A : i32
    %jit3A_33 = arith.constant 8 : i32
    %div3A_34 = arith.divsi %mul3A_14, %jit3A_33 : i32
    %sign3A_35 = arith.constant 0 : i32
    %sign3A_36 = arith.cmpi sgt, %mul3A_14, %sign3A_35 : i32
    %sign3A_37 = arith.extui %sign3A_36 : i1 to i32
    %sign3A_38 = arith.constant 0 : i32
    %sign3A_39 = arith.cmpi slt, %mul3A_14, %sign3A_38 : i32
    %sign3A_40 = arith.extui %sign3A_39 : i1 to i32
    %sign3A_41 = arith.subi %sign3A_37, %sign3A_40 : i32
    %sign3A_42 = arith.constant 0 : i32
    %sign3A_43 = arith.cmpi sgt, %jit3A_33, %sign3A_42 : i32
    %sign3A_44 = arith.extui %sign3A_43 : i1 to i32
    %sign3A_45 = arith.constant 0 : i32
    %sign3A_46 = arith.cmpi slt, %jit3A_33, %sign3A_45 : i32
    %sign3A_47 = arith.extui %sign3A_46 : i1 to i32
    %sign3A_48 = arith.subi %sign3A_44, %sign3A_47 : i32
    %ne3A_49 = arith.cmpi ne, %sign3A_41, %sign3A_48 : i32
    %rem3A_50 = arith.remsi %mul3A_14, %jit3A_33 : i32
    %ne3A_51 = arith.constant 0 : i32
    %ne3A_52 = arith.cmpi ne, %rem3A_50, %ne3A_51 : i32
    %and3A_53 = arith.andi %ne3A_49, %ne3A_52 : i1
    %sub3A_54 = arith.constant 1 : i32
    %sub3A_55 = arith.subi %div3A_34, %sub3A_54 : i32
    %select_n3A_56 = arith.select %and3A_53, %sub3A_55, %div3A_34 : i32
    %min3A_57 = arith.constant 0 : i32
    %min3A_58 = arith.constant 48 : i32
    %min3A_59 = arith.minsi %min3A_57, %min3A_58 : i32
    %mul3A_60 = arith.constant 4 : i32
    %mul3A_61 = arith.muli %min3A_59, %mul3A_60 : i32
    %add3A_62 = arith.addi %select_n3A_32, %mul3A_61 : i32
    %min3A_63 = arith.constant 6246 : i32
    %min3A_64 = arith.minsi %add3A_62, %min3A_63 : i32
    %mul3A_65 = arith.constant 1024 : i32
    %mul3A_66 = arith.muli %min3A_64, %mul3A_65 : i32
    %dma_start3A = tpu.memref_slice %arg2[%mul3A_66] : memref<6400000xi32, #tpu.memory_space<hbm>> -> memref<4096xi32, #tpu.memory_space<hbm>>
    %dma_start3A_67 = tpu.memref_slice %arg2[%mul3A_66] : memref<6400000xi32, #tpu.memory_space<hbm>> -> memref<4096xi32, #tpu.memory_space<hbm>>
    tpu.enqueue_dma source(%dma_start3A_67 : memref<4096xi32, #tpu.memory_space<hbm>>) target(%arg7 : memref<4096xi32, #tpu.memory_space<vmem>>) target_semaphore(%arg12 : memref<!tpu.dma_semaphore, #tpu.memory_space<semaphore_mem>>)
    %mul3A_68 = arith.constant 1024 : i32
    %mul3A_69 = arith.muli %min3A_64, %mul3A_68 : i32
    %dma_start3A_70 = tpu.memref_slice %arg3[%mul3A_69] : memref<6400000xi32, #tpu.memory_space<hbm>> -> memref<4096xi32, #tpu.memory_space<hbm>>
    %dma_start3A_71 = tpu.memref_slice %arg3[%mul3A_69] : memref<6400000xi32, #tpu.memory_space<hbm>> -> memref<4096xi32, #tpu.memory_space<hbm>>
    tpu.enqueue_dma source(%dma_start3A_71 : memref<4096xi32, #tpu.memory_space<hbm>>) target(%arg9 : memref<4096xi32, #tpu.memory_space<vmem>>) target_semaphore(%arg14 : memref<!tpu.dma_semaphore, #tpu.memory_space<semaphore_mem>>)
    %scan3A = arith.constant 0 : i32
    %scan3A_72 = arith.constant 24 : i32
    %scan3A_73 = arith.addi %scan3A, %scan3A_72 : i32
    %scan3A_74 = arith.constant 1 : i32
    scf.for %scan3A_116 = %scan3A to %scan3A_73 step %scan3A_74  : i32 {
      %mul3A_117 = arith.constant 1 : i32
      %mul3A_118 = arith.muli %scan3A_116, %mul3A_117 : i32
      %add3A_119 = arith.constant 0 : i32
      %add3A_120 = arith.addi %add3A_119, %mul3A_118 : i32
      %mul3A_121 = arith.constant 2 : i32
      %mul3A_122 = arith.muli %mul3A_121, %add3A_120 : i32
      %mul3A_123 = arith.constant 4 : i32
      %mul3A_124 = arith.muli %mul3A_122, %mul3A_123 : i32
      %add3A_125 = arith.addi %select_n3A_32, %mul3A_124 : i32
      %min3A_126 = arith.constant 6246 : i32
      %min3A_127 = arith.minsi %add3A_125, %min3A_126 : i32
      %mul3A_128 = arith.constant 1024 : i32
      %mul3A_129 = arith.muli %min3A_127, %mul3A_128 : i32
      %dma_wait3A_130 = tpu.memref_slice %arg2[%mul3A_129] : memref<6400000xi32, #tpu.memory_space<hbm>> -> memref<4096xi32, #tpu.memory_space<hbm>>
      %dma_wait3A_131 = tpu.memref_slice %arg2[%mul3A_129] : memref<6400000xi32, #tpu.memory_space<hbm>> -> memref<4096xi32, #tpu.memory_space<hbm>>
      tpu.wait_dma2 semaphore(%arg12 : memref<!tpu.dma_semaphore, #tpu.memory_space<semaphore_mem>>) src(%dma_wait3A_131 : memref<4096xi32, #tpu.memory_space<hbm>>) dst(%arg7 : memref<4096xi32, #tpu.memory_space<vmem>>)
      %mul3A_132 = arith.constant 1024 : i32
      %mul3A_133 = arith.muli %min3A_127, %mul3A_132 : i32
      %dma_wait3A_134 = tpu.memref_slice %arg3[%mul3A_133] : memref<6400000xi32, #tpu.memory_space<hbm>> -> memref<4096xi32, #tpu.memory_space<hbm>>
      %dma_wait3A_135 = tpu.memref_slice %arg3[%mul3A_133] : memref<6400000xi32, #tpu.memory_space<hbm>> -> memref<4096xi32, #tpu.memory_space<hbm>>
      tpu.wait_dma2 semaphore(%arg14 : memref<!tpu.dma_semaphore, #tpu.memory_space<semaphore_mem>>) src(%dma_wait3A_135 : memref<4096xi32, #tpu.memory_space<hbm>>) dst(%arg9 : memref<4096xi32, #tpu.memory_space<vmem>>)
      %add3A_136 = arith.constant 1 : i32
      %add3A_137 = arith.addi %mul3A_122, %add3A_136 : i32
      %min3A_138 = arith.constant 48 : i32
      %min3A_139 = arith.minsi %add3A_137, %min3A_138 : i32
      %mul3A_140 = arith.constant 4 : i32
      %mul3A_141 = arith.muli %min3A_139, %mul3A_140 : i32
      %add3A_142 = arith.addi %select_n3A_32, %mul3A_141 : i32
      %min3A_143 = arith.constant 6246 : i32
      %min3A_144 = arith.minsi %add3A_142, %min3A_143 : i32
      %mul3A_145 = arith.constant 1024 : i32
      %mul3A_146 = arith.muli %min3A_144, %mul3A_145 : i32
      %dma_start3A_147 = tpu.memref_slice %arg2[%mul3A_146] : memref<6400000xi32, #tpu.memory_space<hbm>> -> memref<4096xi32, #tpu.memory_space<hbm>>
      %dma_start3A_148 = tpu.memref_slice %arg2[%mul3A_146] : memref<6400000xi32, #tpu.memory_space<hbm>> -> memref<4096xi32, #tpu.memory_space<hbm>>
      tpu.enqueue_dma source(%dma_start3A_148 : memref<4096xi32, #tpu.memory_space<hbm>>) target(%arg8 : memref<4096xi32, #tpu.memory_space<vmem>>) target_semaphore(%arg13 : memref<!tpu.dma_semaphore, #tpu.memory_space<semaphore_mem>>)
      %mul3A_149 = arith.constant 1024 : i32
      %mul3A_150 = arith.muli %min3A_144, %mul3A_149 : i32
      %dma_start3A_151 = tpu.memref_slice %arg3[%mul3A_150] : memref<6400000xi32, #tpu.memory_space<hbm>> -> memref<4096xi32, #tpu.memory_space<hbm>>
      %dma_start3A_152 = tpu.memref_slice %arg3[%mul3A_150] : memref<6400000xi32, #tpu.memory_space<hbm>> -> memref<4096xi32, #tpu.memory_space<hbm>>
      tpu.enqueue_dma source(%dma_start3A_152 : memref<4096xi32, #tpu.memory_space<hbm>>) target(%arg10 : memref<4096xi32, #tpu.memory_space<vmem>>) target_semaphore(%arg15 : memref<!tpu.dma_semaphore, #tpu.memory_space<semaphore_mem>>)
      %mul3A_153 = arith.constant 4 : i32
      %mul3A_154 = arith.muli %mul3A_122, %mul3A_153 : i32
      %add3A_155 = arith.addi %select_n3A_32, %mul3A_154 : i32
      %mul3A_156 = arith.constant 4 : i32
      %mul3A_157 = arith.muli %mul3A_122, %mul3A_156 : i32
      %add3A_158 = arith.addi %select_n3A_32, %mul3A_157 : i32
      %min3A_159 = arith.constant 6246 : i32
      %min3A_160 = arith.minsi %add3A_158, %min3A_159 : i32
      %sub3A_161 = arith.subi %add3A_155, %min3A_160 : i32
      %mul3A_162 = arith.constant 4 : i32
      %mul3A_163 = arith.muli %mul3A_122, %mul3A_162 : i32
      %sub3A_164 = arith.subi %select_n3A_56, %mul3A_163 : i32
      %min3A_165 = arith.constant 4 : i32
      %min3A_166 = arith.minsi %min3A_165, %sub3A_164 : i32
      %sub3A_167 = arith.constant 0 : i32
      %sub3A_168 = arith.subi %min3A_166, %sub3A_167 : i32
      %sub3A_169 = arith.constant 1 : i32
      %sub3A_170 = arith.constant 1 : i32
      %sub3A_171 = arith.subi %sub3A_169, %sub3A_170 : i32
      %add3A_172 = arith.addi %sub3A_168, %sub3A_171 : i32
      %div3A_173 = arith.constant 1 : i32
      %div3A_174 = arith.divsi %add3A_172, %div3A_173 : i32
      %while3A_175 = arith.constant 1 : i32
      %while3A_176 = arith.constant 0 : i32
      %while3A_177 = arith.constant 0 : i32
      %while3A_178 = arith.subi %div3A_174, %while3A_177 : i32
      %while3A_179 = arith.addi %while3A_177, %while3A_178 : i32
      %while3A_180 = arith.constant 1 : i32
      %while3A_181 = arith.divsi %while3A_178, %while3A_180 : i32
      %while3A_182 = arith.muli %while3A_181, %while3A_180 : i32
      %while3A_183 = arith.addi %while3A_177, %while3A_182 : i32
      %while3A_184 = arith.constant 1 : i32
      scf.for %while3A_253 = %while3A_177 to %while3A_183 step %while3A_184  : i32 {
        %mul3A_254 = arith.muli %while3A_253, %while3A_175 : i32
        %add3A_255 = arith.addi %while3A_176, %mul3A_254 : i32
        %add3A_256 = arith.addi %sub3A_161, %add3A_255 : i32
        %mul3A_257 = arith.constant 1024 : i32
        %mul3A_258 = arith.muli %add3A_256, %mul3A_257 : i32
        %broadcast_in_dim3A_259 = arith.constant 0.000000e+00 : f32
        %broadcast_in_dim3A_260 = vector.broadcast %broadcast_in_dim3A_259 : f32 to vector<16xf32>
        %parallel_loop3A = arith.constant 0 : i32
        %parallel_loop3A_261 = arith.constant 64 : i32
        %parallel_loop3A_262 = arith.constant 2 : i32
        %parallel_loop3A_263 = scf.for %parallel_loop3A_268 = %parallel_loop3A to %parallel_loop3A_261 step %parallel_loop3A_262 iter_args(%parallel_loop3A_269 = %broadcast_in_dim3A_260) -> (vector<16xf32>)  : i32 {
          %parallel_loop3A_270 = arith.constant 16 : i32
          %parallel_loop3A_271 = arith.muli %parallel_loop3A_268, %parallel_loop3A_270 : i32
          %parallel_loop3A_272 = arith.addi %mul3A_258, %parallel_loop3A_271 : i32
          %parallel_loop3A_273 = arith.index_cast %parallel_loop3A_272 : i32 to index
          %parallel_loop3A_274 = tpu.vector_load %arg7[%parallel_loop3A_273] {strides = array<i32>} : memref<4096xi32, #tpu.memory_space<vmem>>, vector<16xi32>,
          %parallel_loop3A_275 = arith.index_cast %parallel_loop3A_272 : i32 to index
          %parallel_loop3A_276 = tpu.vector_load %arg9[%parallel_loop3A_275] {strides = array<i32>} : memref<4096xi32, #tpu.memory_space<vmem>>, vector<16xi32>,
          %parallel_loop3A_277 = tpu.vector_load_idx %arg6[%parallel_loop3A_274] : memref<100352xi32, #tpu.memory_space<vmem>>[vector<16xi32>], vector<16xi32>,
          %parallel_loop3A_278 = tpu.vector_load_idx %arg6[%parallel_loop3A_276] : memref<100352xi32, #tpu.memory_space<vmem>>[vector<16xi32>], vector<16xi32>,
          %parallel_loop3A_279 = arith.constant 16 : i32
          %parallel_loop3A_280 = vector.broadcast %parallel_loop3A_279 : i32 to vector<16xi32>
          %parallel_loop3A_281 = arith.shrsi %parallel_loop3A_277, %parallel_loop3A_280 : vector<16xi32>
          %parallel_loop3A_282 = arith.constant 16 : i32
          %parallel_loop3A_283 = vector.broadcast %parallel_loop3A_282 : i32 to vector<16xi32>
          %parallel_loop3A_284 = arith.shli %parallel_loop3A_278, %parallel_loop3A_283 : vector<16xi32>
          %parallel_loop3A_285 = arith.constant 16 : i32
          %parallel_loop3A_286 = vector.broadcast %parallel_loop3A_285 : i32 to vector<16xi32>
          %parallel_loop3A_287 = arith.shrsi %parallel_loop3A_284, %parallel_loop3A_286 : vector<16xi32>
          %parallel_loop3A_288 = arith.sitofp %parallel_loop3A_281 : vector<16xi32> to vector<16xf32>
          %parallel_loop3A_289 = arith.sitofp %parallel_loop3A_287 : vector<16xi32> to vector<16xf32>
          %parallel_loop3A_290 = arith.mulf %parallel_loop3A_288, %parallel_loop3A_289 : vector<16xf32>
          %parallel_loop3A_291 = arith.constant 1 : i32
          %parallel_loop3A_292 = arith.addi %parallel_loop3A_268, %parallel_loop3A_291 : i32
          %parallel_loop3A_293 = arith.constant 16 : i32
          %parallel_loop3A_294 = arith.muli %parallel_loop3A_292, %parallel_loop3A_293 : i32
          %parallel_loop3A_295 = arith.addi %mul3A_258, %parallel_loop3A_294 : i32
          %parallel_loop3A_296 = arith.index_cast %parallel_loop3A_295 : i32 to index
          %parallel_loop3A_297 = tpu.vector_load %arg7[%parallel_loop3A_296] {strides = array<i32>} : memref<4096xi32, #tpu.memory_space<vmem>>, vector<16xi32>,
          %parallel_loop3A_298 = arith.index_cast %parallel_loop3A_295 : i32 to index
          %parallel_loop3A_299 = tpu.vector_load %arg9[%parallel_loop3A_298] {strides = array<i32>} : memref<4096xi32, #tpu.memory_space<vmem>>, vector<16xi32>,
          %parallel_loop3A_300 = tpu.vector_load_idx %arg6[%parallel_loop3A_297] : memref<100352xi32, #tpu.memory_space<vmem>>[vector<16xi32>], vector<16xi32>,
          %parallel_loop3A_301 = tpu.vector_load_idx %arg6[%parallel_loop3A_299] : memref<100352xi32, #tpu.memory_space<vmem>>[vector<16xi32>], vector<16xi32>,
          %parallel_loop3A_302 = arith.constant 16 : i32
          %parallel_loop3A_303 = vector.broadcast %parallel_loop3A_302 : i32 to vector<16xi32>
          %parallel_loop3A_304 = arith.shrsi %parallel_loop3A_300, %parallel_loop3A_303 : vector<16xi32>
          %parallel_loop3A_305 = arith.constant 16 : i32
          %parallel_loop3A_306 = vector.broadcast %parallel_loop3A_305 : i32 to vector<16xi32>
          %parallel_loop3A_307 = arith.shli %parallel_loop3A_301, %parallel_loop3A_306 : vector<16xi32>
          %parallel_loop3A_308 = arith.constant 16 : i32
          %parallel_loop3A_309 = vector.broadcast %parallel_loop3A_308 : i32 to vector<16xi32>
          %parallel_loop3A_310 = arith.shrsi %parallel_loop3A_307, %parallel_loop3A_309 : vector<16xi32>
          %parallel_loop3A_311 = arith.sitofp %parallel_loop3A_304 : vector<16xi32> to vector<16xf32>
          %parallel_loop3A_312 = arith.sitofp %parallel_loop3A_310 : vector<16xi32> to vector<16xf32>
          %parallel_loop3A_313 = arith.mulf %parallel_loop3A_311, %parallel_loop3A_312 : vector<16xf32>
          %parallel_loop3A_314 = arith.addf %parallel_loop3A_290, %parallel_loop3A_313 : vector<16xf32>
          %parallel_loop3A_315 = arith.addf %parallel_loop3A_269, %parallel_loop3A_314 : vector<16xf32>
          scf.yield %parallel_loop3A_315 : vector<16xf32>
        } {sc.loop_unroll_factor = 8 : i64, sc.parallel_access}
        %get3A = arith.constant 0 : index
        %get3A_264 = tpu.vector_load %arg11[%get3A] {strides = array<i32>} : memref<16xf32, #tpu.memory_space<vmem>>, vector<16xf32>,
        %add3A_265 = arith.addf %get3A_264, %parallel_loop3A_263 : vector<16xf32>
        %swap3A_266 = arith.constant 0 : index
        %swap3A_267 = tpu.vector_load %arg11[%swap3A_266] {strides = array<i32>} : memref<16xf32, #tpu.memory_space<vmem>>, vector<16xf32>,
        tpu.vector_store %arg11[%swap3A_266], %add3A_265 {strides = array<i32>} : memref<16xf32, #tpu.memory_space<vmem>>, vector<16xf32>,
      }
      %while3A_185 = arith.constant 1 : i32
      scf.for %while3A_253 = %while3A_183 to %while3A_179 step %while3A_185  : i32 {
        %mul3A_254 = arith.muli %while3A_253, %while3A_175 : i32
        %add3A_255 = arith.addi %while3A_176, %mul3A_254 : i32
        %add3A_256 = arith.addi %sub3A_161, %add3A_255 : i32
        %mul3A_257 = arith.constant 1024 : i32
        %mul3A_258 = arith.muli %add3A_256, %mul3A_257 : i32
        %broadcast_in_dim3A_259 = arith.constant 0.000000e+00 : f32
        %broadcast_in_dim3A_260 = vector.broadcast %broadcast_in_dim3A_259 : f32 to vector<16xf32>
        %parallel_loop3A = arith.constant 0 : i32
        %parallel_loop3A_261 = arith.constant 64 : i32
        %parallel_loop3A_262 = arith.constant 2 : i32
        %parallel_loop3A_263 = scf.for %parallel_loop3A_268 = %parallel_loop3A to %parallel_loop3A_261 step %parallel_loop3A_262 iter_args(%parallel_loop3A_269 = %broadcast_in_dim3A_260) -> (vector<16xf32>)  : i32 {
          %parallel_loop3A_270 = arith.constant 16 : i32
          %parallel_loop3A_271 = arith.muli %parallel_loop3A_268, %parallel_loop3A_270 : i32
          %parallel_loop3A_272 = arith.addi %mul3A_258, %parallel_loop3A_271 : i32
          %parallel_loop3A_273 = arith.index_cast %parallel_loop3A_272 : i32 to index
          %parallel_loop3A_274 = tpu.vector_load %arg7[%parallel_loop3A_273] {strides = array<i32>} : memref<4096xi32, #tpu.memory_space<vmem>>, vector<16xi32>,
          %parallel_loop3A_275 = arith.index_cast %parallel_loop3A_272 : i32 to index
          %parallel_loop3A_276 = tpu.vector_load %arg9[%parallel_loop3A_275] {strides = array<i32>} : memref<4096xi32, #tpu.memory_space<vmem>>, vector<16xi32>,
          %parallel_loop3A_277 = tpu.vector_load_idx %arg6[%parallel_loop3A_274] : memref<100352xi32, #tpu.memory_space<vmem>>[vector<16xi32>], vector<16xi32>,
          %parallel_loop3A_278 = tpu.vector_load_idx %arg6[%parallel_loop3A_276] : memref<100352xi32, #tpu.memory_space<vmem>>[vector<16xi32>], vector<16xi32>,
          %parallel_loop3A_279 = arith.constant 16 : i32
          %parallel_loop3A_280 = vector.broadcast %parallel_loop3A_279 : i32 to vector<16xi32>
          %parallel_loop3A_281 = arith.shrsi %parallel_loop3A_277, %parallel_loop3A_280 : vector<16xi32>
          %parallel_loop3A_282 = arith.constant 16 : i32
          %parallel_loop3A_283 = vector.broadcast %parallel_loop3A_282 : i32 to vector<16xi32>
          %parallel_loop3A_284 = arith.shli %parallel_loop3A_278, %parallel_loop3A_283 : vector<16xi32>
          %parallel_loop3A_285 = arith.constant 16 : i32
          %parallel_loop3A_286 = vector.broadcast %parallel_loop3A_285 : i32 to vector<16xi32>
          %parallel_loop3A_287 = arith.shrsi %parallel_loop3A_284, %parallel_loop3A_286 : vector<16xi32>
          %parallel_loop3A_288 = arith.sitofp %parallel_loop3A_281 : vector<16xi32> to vector<16xf32>
          %parallel_loop3A_289 = arith.sitofp %parallel_loop3A_287 : vector<16xi32> to vector<16xf32>
          %parallel_loop3A_290 = arith.mulf %parallel_loop3A_288, %parallel_loop3A_289 : vector<16xf32>
          %parallel_loop3A_291 = arith.constant 1 : i32
          %parallel_loop3A_292 = arith.addi %parallel_loop3A_268, %parallel_loop3A_291 : i32
          %parallel_loop3A_293 = arith.constant 16 : i32
          %parallel_loop3A_294 = arith.muli %parallel_loop3A_292, %parallel_loop3A_293 : i32
          %parallel_loop3A_295 = arith.addi %mul3A_258, %parallel_loop3A_294 : i32
          %parallel_loop3A_296 = arith.index_cast %parallel_loop3A_295 : i32 to index
          %parallel_loop3A_297 = tpu.vector_load %arg7[%parallel_loop3A_296] {strides = array<i32>} : memref<4096xi32, #tpu.memory_space<vmem>>, vector<16xi32>,
          %parallel_loop3A_298 = arith.index_cast %parallel_loop3A_295 : i32 to index
          %parallel_loop3A_299 = tpu.vector_load %arg9[%parallel_loop3A_298] {strides = array<i32>} : memref<4096xi32, #tpu.memory_space<vmem>>, vector<16xi32>,
          %parallel_loop3A_300 = tpu.vector_load_idx %arg6[%parallel_loop3A_297] : memref<100352xi32, #tpu.memory_space<vmem>>[vector<16xi32>], vector<16xi32>,
          %parallel_loop3A_301 = tpu.vector_load_idx %arg6[%parallel_loop3A_299] : memref<100352xi32, #tpu.memory_space<vmem>>[vector<16xi32>], vector<16xi32>,
          %parallel_loop3A_302 = arith.constant 16 : i32
          %parallel_loop3A_303 = vector.broadcast %parallel_loop3A_302 : i32 to vector<16xi32>
          %parallel_loop3A_304 = arith.shrsi %parallel_loop3A_300, %parallel_loop3A_303 : vector<16xi32>
          %parallel_loop3A_305 = arith.constant 16 : i32
          %parallel_loop3A_306 = vector.broadcast %parallel_loop3A_305 : i32 to vector<16xi32>
          %parallel_loop3A_307 = arith.shli %parallel_loop3A_301, %parallel_loop3A_306 : vector<16xi32>
          %parallel_loop3A_308 = arith.constant 16 : i32
          %parallel_loop3A_309 = vector.broadcast %parallel_loop3A_308 : i32 to vector<16xi32>
          %parallel_loop3A_310 = arith.shrsi %parallel_loop3A_307, %parallel_loop3A_309 : vector<16xi32>
          %parallel_loop3A_311 = arith.sitofp %parallel_loop3A_304 : vector<16xi32> to vector<16xf32>
          %parallel_loop3A_312 = arith.sitofp %parallel_loop3A_310 : vector<16xi32> to vector<16xf32>
          %parallel_loop3A_313 = arith.mulf %parallel_loop3A_311, %parallel_loop3A_312 : vector<16xf32>
          %parallel_loop3A_314 = arith.addf %parallel_loop3A_290, %parallel_loop3A_313 : vector<16xf32>
          %parallel_loop3A_315 = arith.addf %parallel_loop3A_269, %parallel_loop3A_314 : vector<16xf32>
          scf.yield %parallel_loop3A_315 : vector<16xf32>
        } {sc.loop_unroll_factor = 8 : i64, sc.parallel_access}
        %get3A = arith.constant 0 : index
        %get3A_264 = tpu.vector_load %arg11[%get3A] {strides = array<i32>} : memref<16xf32, #tpu.memory_space<vmem>>, vector<16xf32>,
        %add3A_265 = arith.addf %get3A_264, %parallel_loop3A_263 : vector<16xf32>
        %swap3A_266 = arith.constant 0 : index
        %swap3A_267 = tpu.vector_load %arg11[%swap3A_266] {strides = array<i32>} : memref<16xf32, #tpu.memory_space<vmem>>, vector<16xf32>,
        tpu.vector_store %arg11[%swap3A_266], %add3A_265 {strides = array<i32>} : memref<16xf32, #tpu.memory_space<vmem>>, vector<16xf32>,
      }
      %add3A_186 = arith.constant 1 : i32
      %add3A_187 = arith.addi %mul3A_122, %add3A_186 : i32
      %mul3A_188 = arith.constant 4 : i32
      %mul3A_189 = arith.muli %add3A_187, %mul3A_188 : i32
      %add3A_190 = arith.addi %select_n3A_32, %mul3A_189 : i32
      %min3A_191 = arith.constant 6246 : i32
      %min3A_192 = arith.minsi %add3A_190, %min3A_191 : i32
      %mul3A_193 = arith.constant 1024 : i32
      %mul3A_194 = arith.muli %min3A_192, %mul3A_193 : i32
      %dma_wait3A_195 = tpu.memref_slice %arg2[%mul3A_194] : memref<6400000xi32, #tpu.memory_space<hbm>> -> memref<4096xi32, #tpu.memory_space<hbm>>
      %dma_wait3A_196 = tpu.memref_slice %arg2[%mul3A_194] : memref<6400000xi32, #tpu.memory_space<hbm>> -> memref<4096xi32, #tpu.memory_space<hbm>>
      tpu.wait_dma2 semaphore(%arg13 : memref<!tpu.dma_semaphore, #tpu.memory_space<semaphore_mem>>) src(%dma_wait3A_196 : memref<4096xi32, #tpu.memory_space<hbm>>) dst(%arg8 : memref<4096xi32, #tpu.memory_space<vmem>>)
      %mul3A_197 = arith.constant 1024 : i32
      %mul3A_198 = arith.muli %min3A_192, %mul3A_197 : i32
      %dma_wait3A_199 = tpu.memref_slice %arg3[%mul3A_198] : memref<6400000xi32, #tpu.memory_space<hbm>> -> memref<4096xi32, #tpu.memory_space<hbm>>
      %dma_wait3A_200 = tpu.memref_slice %arg3[%mul3A_198] : memref<6400000xi32, #tpu.memory_space<hbm>> -> memref<4096xi32, #tpu.memory_space<hbm>>
      tpu.wait_dma2 semaphore(%arg15 : memref<!tpu.dma_semaphore, #tpu.memory_space<semaphore_mem>>) src(%dma_wait3A_200 : memref<4096xi32, #tpu.memory_space<hbm>>) dst(%arg10 : memref<4096xi32, #tpu.memory_space<vmem>>)
      %add3A_201 = arith.constant 2 : i32
      %add3A_202 = arith.addi %mul3A_122, %add3A_201 : i32
      %min3A_203 = arith.constant 48 : i32
      %min3A_204 = arith.minsi %add3A_202, %min3A_203 : i32
      %mul3A_205 = arith.constant 4 : i32
      %mul3A_206 = arith.muli %min3A_204, %mul3A_205 : i32
      %add3A_207 = arith.addi %select_n3A_32, %mul3A_206 : i32
      %min3A_208 = arith.constant 6246 : i32
      %min3A_209 = arith.minsi %add3A_207, %min3A_208 : i32
      %mul3A_210 = arith.constant 1024 : i32
      %mul3A_211 = arith.muli %min3A_209, %mul3A_210 : i32
      %dma_start3A_212 = tpu.memref_slice %arg2[%mul3A_211] : memref<6400000xi32, #tpu.memory_space<hbm>> -> memref<4096xi32, #tpu.memory_space<hbm>>
      %dma_start3A_213 = tpu.memref_slice %arg2[%mul3A_211] : memref<6400000xi32, #tpu.memory_space<hbm>> -> memref<4096xi32, #tpu.memory_space<hbm>>
      tpu.enqueue_dma source(%dma_start3A_213 : memref<4096xi32, #tpu.memory_space<hbm>>) target(%arg7 : memref<4096xi32, #tpu.memory_space<vmem>>) target_semaphore(%arg12 : memref<!tpu.dma_semaphore, #tpu.memory_space<semaphore_mem>>)
      %mul3A_214 = arith.constant 1024 : i32
      %mul3A_215 = arith.muli %min3A_209, %mul3A_214 : i32
      %dma_start3A_216 = tpu.memref_slice %arg3[%mul3A_215] : memref<6400000xi32, #tpu.memory_space<hbm>> -> memref<4096xi32, #tpu.memory_space<hbm>>
      %dma_start3A_217 = tpu.memref_slice %arg3[%mul3A_215] : memref<6400000xi32, #tpu.memory_space<hbm>> -> memref<4096xi32, #tpu.memory_space<hbm>>
      tpu.enqueue_dma source(%dma_start3A_217 : memref<4096xi32, #tpu.memory_space<hbm>>) target(%arg9 : memref<4096xi32, #tpu.memory_space<vmem>>) target_semaphore(%arg14 : memref<!tpu.dma_semaphore, #tpu.memory_space<semaphore_mem>>)
      %add3A_218 = arith.constant 1 : i32
      %add3A_219 = arith.addi %mul3A_122, %add3A_218 : i32
      %mul3A_220 = arith.constant 4 : i32
      %mul3A_221 = arith.muli %add3A_219, %mul3A_220 : i32
      %add3A_222 = arith.addi %select_n3A_32, %mul3A_221 : i32
      %mul3A_223 = arith.constant 4 : i32
      %mul3A_224 = arith.muli %add3A_219, %mul3A_223 : i32
      %add3A_225 = arith.addi %select_n3A_32, %mul3A_224 : i32
      %min3A_226 = arith.constant 6246 : i32
      %min3A_227 = arith.minsi %add3A_225, %min3A_226 : i32
      %sub3A_228 = arith.subi %add3A_222, %min3A_227 : i32
      %mul3A_229 = arith.constant 4 : i32
      %mul3A_230 = arith.muli %add3A_219, %mul3A_229 : i32
      %sub3A_231 = arith.subi %select_n3A_56, %mul3A_230 : i32
      %min3A_232 = arith.constant 4 : i32
      %min3A_233 = arith.minsi %min3A_232, %sub3A_231 : i32
      %sub3A_234 = arith.constant 0 : i32
      %sub3A_235 = arith.subi %min3A_233, %sub3A_234 : i32
      %sub3A_236 = arith.constant 1 : i32
      %sub3A_237 = arith.constant 1 : i32
      %sub3A_238 = arith.subi %sub3A_236, %sub3A_237 : i32
      %add3A_239 = arith.addi %sub3A_235, %sub3A_238 : i32
      %div3A_240 = arith.constant 1 : i32
      %div3A_241 = arith.divsi %add3A_239, %div3A_240 : i32
      %while3A_242 = arith.constant 1 : i32
      %while3A_243 = arith.constant 0 : i32
      %while3A_244 = arith.constant 0 : i32
      %while3A_245 = arith.subi %div3A_241, %while3A_244 : i32
      %while3A_246 = arith.addi %while3A_244, %while3A_245 : i32
      %while3A_247 = arith.constant 1 : i32
      %while3A_248 = arith.divsi %while3A_245, %while3A_247 : i32
      %while3A_249 = arith.muli %while3A_248, %while3A_247 : i32
      %while3A_250 = arith.addi %while3A_244, %while3A_249 : i32
      %while3A_251 = arith.constant 1 : i32
      scf.for %while3A_253 = %while3A_244 to %while3A_250 step %while3A_251  : i32 {
        %mul3A_254 = arith.muli %while3A_253, %while3A_242 : i32
        %add3A_255 = arith.addi %while3A_243, %mul3A_254 : i32
        %add3A_256 = arith.addi %sub3A_228, %add3A_255 : i32
        %mul3A_257 = arith.constant 1024 : i32
        %mul3A_258 = arith.muli %add3A_256, %mul3A_257 : i32
        %broadcast_in_dim3A_259 = arith.constant 0.000000e+00 : f32
        %broadcast_in_dim3A_260 = vector.broadcast %broadcast_in_dim3A_259 : f32 to vector<16xf32>
        %parallel_loop3A = arith.constant 0 : i32
        %parallel_loop3A_261 = arith.constant 64 : i32
        %parallel_loop3A_262 = arith.constant 2 : i32
        %parallel_loop3A_263 = scf.for %parallel_loop3A_268 = %parallel_loop3A to %parallel_loop3A_261 step %parallel_loop3A_262 iter_args(%parallel_loop3A_269 = %broadcast_in_dim3A_260) -> (vector<16xf32>)  : i32 {
          %parallel_loop3A_270 = arith.constant 16 : i32
          %parallel_loop3A_271 = arith.muli %parallel_loop3A_268, %parallel_loop3A_270 : i32
          %parallel_loop3A_272 = arith.addi %mul3A_258, %parallel_loop3A_271 : i32
          %parallel_loop3A_273 = arith.index_cast %parallel_loop3A_272 : i32 to index
          %parallel_loop3A_274 = tpu.vector_load %arg8[%parallel_loop3A_273] {strides = array<i32>} : memref<4096xi32, #tpu.memory_space<vmem>>, vector<16xi32>,
          %parallel_loop3A_275 = arith.index_cast %parallel_loop3A_272 : i32 to index
          %parallel_loop3A_276 = tpu.vector_load %arg10[%parallel_loop3A_275] {strides = array<i32>} : memref<4096xi32, #tpu.memory_space<vmem>>, vector<16xi32>,
          %parallel_loop3A_277 = tpu.vector_load_idx %arg6[%parallel_loop3A_274] : memref<100352xi32, #tpu.memory_space<vmem>>[vector<16xi32>], vector<16xi32>,
          %parallel_loop3A_278 = tpu.vector_load_idx %arg6[%parallel_loop3A_276] : memref<100352xi32, #tpu.memory_space<vmem>>[vector<16xi32>], vector<16xi32>,
          %parallel_loop3A_279 = arith.constant 16 : i32
          %parallel_loop3A_280 = vector.broadcast %parallel_loop3A_279 : i32 to vector<16xi32>
          %parallel_loop3A_281 = arith.shrsi %parallel_loop3A_277, %parallel_loop3A_280 : vector<16xi32>
          %parallel_loop3A_282 = arith.constant 16 : i32
          %parallel_loop3A_283 = vector.broadcast %parallel_loop3A_282 : i32 to vector<16xi32>
          %parallel_loop3A_284 = arith.shli %parallel_loop3A_278, %parallel_loop3A_283 : vector<16xi32>
          %parallel_loop3A_285 = arith.constant 16 : i32
          %parallel_loop3A_286 = vector.broadcast %parallel_loop3A_285 : i32 to vector<16xi32>
          %parallel_loop3A_287 = arith.shrsi %parallel_loop3A_284, %parallel_loop3A_286 : vector<16xi32>
          %parallel_loop3A_288 = arith.sitofp %parallel_loop3A_281 : vector<16xi32> to vector<16xf32>
          %parallel_loop3A_289 = arith.sitofp %parallel_loop3A_287 : vector<16xi32> to vector<16xf32>
          %parallel_loop3A_290 = arith.mulf %parallel_loop3A_288, %parallel_loop3A_289 : vector<16xf32>
          %parallel_loop3A_291 = arith.constant 1 : i32
          %parallel_loop3A_292 = arith.addi %parallel_loop3A_268, %parallel_loop3A_291 : i32
          %parallel_loop3A_293 = arith.constant 16 : i32
          %parallel_loop3A_294 = arith.muli %parallel_loop3A_292, %parallel_loop3A_293 : i32
          %parallel_loop3A_295 = arith.addi %mul3A_258, %parallel_loop3A_294 : i32
          %parallel_loop3A_296 = arith.index_cast %parallel_loop3A_295 : i32 to index
          %parallel_loop3A_297 = tpu.vector_load %arg8[%parallel_loop3A_296] {strides = array<i32>} : memref<4096xi32, #tpu.memory_space<vmem>>, vector<16xi32>,
          %parallel_loop3A_298 = arith.index_cast %parallel_loop3A_295 : i32 to index
          %parallel_loop3A_299 = tpu.vector_load %arg10[%parallel_loop3A_298] {strides = array<i32>} : memref<4096xi32, #tpu.memory_space<vmem>>, vector<16xi32>,
          %parallel_loop3A_300 = tpu.vector_load_idx %arg6[%parallel_loop3A_297] : memref<100352xi32, #tpu.memory_space<vmem>>[vector<16xi32>], vector<16xi32>,
          %parallel_loop3A_301 = tpu.vector_load_idx %arg6[%parallel_loop3A_299] : memref<100352xi32, #tpu.memory_space<vmem>>[vector<16xi32>], vector<16xi32>,
          %parallel_loop3A_302 = arith.constant 16 : i32
          %parallel_loop3A_303 = vector.broadcast %parallel_loop3A_302 : i32 to vector<16xi32>
          %parallel_loop3A_304 = arith.shrsi %parallel_loop3A_300, %parallel_loop3A_303 : vector<16xi32>
          %parallel_loop3A_305 = arith.constant 16 : i32
          %parallel_loop3A_306 = vector.broadcast %parallel_loop3A_305 : i32 to vector<16xi32>
          %parallel_loop3A_307 = arith.shli %parallel_loop3A_301, %parallel_loop3A_306 : vector<16xi32>
          %parallel_loop3A_308 = arith.constant 16 : i32
          %parallel_loop3A_309 = vector.broadcast %parallel_loop3A_308 : i32 to vector<16xi32>
          %parallel_loop3A_310 = arith.shrsi %parallel_loop3A_307, %parallel_loop3A_309 : vector<16xi32>
          %parallel_loop3A_311 = arith.sitofp %parallel_loop3A_304 : vector<16xi32> to vector<16xf32>
          %parallel_loop3A_312 = arith.sitofp %parallel_loop3A_310 : vector<16xi32> to vector<16xf32>
          %parallel_loop3A_313 = arith.mulf %parallel_loop3A_311, %parallel_loop3A_312 : vector<16xf32>
          %parallel_loop3A_314 = arith.addf %parallel_loop3A_290, %parallel_loop3A_313 : vector<16xf32>
          %parallel_loop3A_315 = arith.addf %parallel_loop3A_269, %parallel_loop3A_314 : vector<16xf32>
          scf.yield %parallel_loop3A_315 : vector<16xf32>
        } {sc.loop_unroll_factor = 8 : i64, sc.parallel_access}
        %get3A = arith.constant 0 : index
        %get3A_264 = tpu.vector_load %arg11[%get3A] {strides = array<i32>} : memref<16xf32, #tpu.memory_space<vmem>>, vector<16xf32>,
        %add3A_265 = arith.addf %get3A_264, %parallel_loop3A_263 : vector<16xf32>
        %swap3A_266 = arith.constant 0 : index
        %swap3A_267 = tpu.vector_load %arg11[%swap3A_266] {strides = array<i32>} : memref<16xf32, #tpu.memory_space<vmem>>, vector<16xf32>,
        tpu.vector_store %arg11[%swap3A_266], %add3A_265 {strides = array<i32>} : memref<16xf32, #tpu.memory_space<vmem>>, vector<16xf32>,
      }
      %while3A_252 = arith.constant 1 : i32
      scf.for %while3A_253 = %while3A_250 to %while3A_246 step %while3A_252  : i32 {
        %mul3A_254 = arith.muli %while3A_253, %while3A_242 : i32
        %add3A_255 = arith.addi %while3A_243, %mul3A_254 : i32
        %add3A_256 = arith.addi %sub3A_228, %add3A_255 : i32
        %mul3A_257 = arith.constant 1024 : i32
        %mul3A_258 = arith.muli %add3A_256, %mul3A_257 : i32
        %broadcast_in_dim3A_259 = arith.constant 0.000000e+00 : f32
        %broadcast_in_dim3A_260 = vector.broadcast %broadcast_in_dim3A_259 : f32 to vector<16xf32>
        %parallel_loop3A = arith.constant 0 : i32
        %parallel_loop3A_261 = arith.constant 64 : i32
        %parallel_loop3A_262 = arith.constant 2 : i32
        %parallel_loop3A_263 = scf.for %parallel_loop3A_268 = %parallel_loop3A to %parallel_loop3A_261 step %parallel_loop3A_262 iter_args(%parallel_loop3A_269 = %broadcast_in_dim3A_260) -> (vector<16xf32>)  : i32 {
          %parallel_loop3A_270 = arith.constant 16 : i32
          %parallel_loop3A_271 = arith.muli %parallel_loop3A_268, %parallel_loop3A_270 : i32
          %parallel_loop3A_272 = arith.addi %mul3A_258, %parallel_loop3A_271 : i32
          %parallel_loop3A_273 = arith.index_cast %parallel_loop3A_272 : i32 to index
          %parallel_loop3A_274 = tpu.vector_load %arg8[%parallel_loop3A_273] {strides = array<i32>} : memref<4096xi32, #tpu.memory_space<vmem>>, vector<16xi32>,
          %parallel_loop3A_275 = arith.index_cast %parallel_loop3A_272 : i32 to index
          %parallel_loop3A_276 = tpu.vector_load %arg10[%parallel_loop3A_275] {strides = array<i32>} : memref<4096xi32, #tpu.memory_space<vmem>>, vector<16xi32>,
          %parallel_loop3A_277 = tpu.vector_load_idx %arg6[%parallel_loop3A_274] : memref<100352xi32, #tpu.memory_space<vmem>>[vector<16xi32>], vector<16xi32>,
          %parallel_loop3A_278 = tpu.vector_load_idx %arg6[%parallel_loop3A_276] : memref<100352xi32, #tpu.memory_space<vmem>>[vector<16xi32>], vector<16xi32>,
          %parallel_loop3A_279 = arith.constant 16 : i32
          %parallel_loop3A_280 = vector.broadcast %parallel_loop3A_279 : i32 to vector<16xi32>
          %parallel_loop3A_281 = arith.shrsi %parallel_loop3A_277, %parallel_loop3A_280 : vector<16xi32>
          %parallel_loop3A_282 = arith.constant 16 : i32
          %parallel_loop3A_283 = vector.broadcast %parallel_loop3A_282 : i32 to vector<16xi32>
          %parallel_loop3A_284 = arith.shli %parallel_loop3A_278, %parallel_loop3A_283 : vector<16xi32>
          %parallel_loop3A_285 = arith.constant 16 : i32
          %parallel_loop3A_286 = vector.broadcast %parallel_loop3A_285 : i32 to vector<16xi32>
          %parallel_loop3A_287 = arith.shrsi %parallel_loop3A_284, %parallel_loop3A_286 : vector<16xi32>
          %parallel_loop3A_288 = arith.sitofp %parallel_loop3A_281 : vector<16xi32> to vector<16xf32>
          %parallel_loop3A_289 = arith.sitofp %parallel_loop3A_287 : vector<16xi32> to vector<16xf32>
          %parallel_loop3A_290 = arith.mulf %parallel_loop3A_288, %parallel_loop3A_289 : vector<16xf32>
          %parallel_loop3A_291 = arith.constant 1 : i32
          %parallel_loop3A_292 = arith.addi %parallel_loop3A_268, %parallel_loop3A_291 : i32
          %parallel_loop3A_293 = arith.constant 16 : i32
          %parallel_loop3A_294 = arith.muli %parallel_loop3A_292, %parallel_loop3A_293 : i32
          %parallel_loop3A_295 = arith.addi %mul3A_258, %parallel_loop3A_294 : i32
          %parallel_loop3A_296 = arith.index_cast %parallel_loop3A_295 : i32 to index
          %parallel_loop3A_297 = tpu.vector_load %arg8[%parallel_loop3A_296] {strides = array<i32>} : memref<4096xi32, #tpu.memory_space<vmem>>, vector<16xi32>,
          %parallel_loop3A_298 = arith.index_cast %parallel_loop3A_295 : i32 to index
          %parallel_loop3A_299 = tpu.vector_load %arg10[%parallel_loop3A_298] {strides = array<i32>} : memref<4096xi32, #tpu.memory_space<vmem>>, vector<16xi32>,
          %parallel_loop3A_300 = tpu.vector_load_idx %arg6[%parallel_loop3A_297] : memref<100352xi32, #tpu.memory_space<vmem>>[vector<16xi32>], vector<16xi32>,
          %parallel_loop3A_301 = tpu.vector_load_idx %arg6[%parallel_loop3A_299] : memref<100352xi32, #tpu.memory_space<vmem>>[vector<16xi32>], vector<16xi32>,
          %parallel_loop3A_302 = arith.constant 16 : i32
          %parallel_loop3A_303 = vector.broadcast %parallel_loop3A_302 : i32 to vector<16xi32>
          %parallel_loop3A_304 = arith.shrsi %parallel_loop3A_300, %parallel_loop3A_303 : vector<16xi32>
          %parallel_loop3A_305 = arith.constant 16 : i32
          %parallel_loop3A_306 = vector.broadcast %parallel_loop3A_305 : i32 to vector<16xi32>
          %parallel_loop3A_307 = arith.shli %parallel_loop3A_301, %parallel_loop3A_306 : vector<16xi32>
          %parallel_loop3A_308 = arith.constant 16 : i32
          %parallel_loop3A_309 = vector.broadcast %parallel_loop3A_308 : i32 to vector<16xi32>
          %parallel_loop3A_310 = arith.shrsi %parallel_loop3A_307, %parallel_loop3A_309 : vector<16xi32>
          %parallel_loop3A_311 = arith.sitofp %parallel_loop3A_304 : vector<16xi32> to vector<16xf32>
          %parallel_loop3A_312 = arith.sitofp %parallel_loop3A_310 : vector<16xi32> to vector<16xf32>
          %parallel_loop3A_313 = arith.mulf %parallel_loop3A_311, %parallel_loop3A_312 : vector<16xf32>
          %parallel_loop3A_314 = arith.addf %parallel_loop3A_290, %parallel_loop3A_313 : vector<16xf32>
          %parallel_loop3A_315 = arith.addf %parallel_loop3A_269, %parallel_loop3A_314 : vector<16xf32>
          scf.yield %parallel_loop3A_315 : vector<16xf32>
        } {sc.loop_unroll_factor = 8 : i64, sc.parallel_access}
        %get3A = arith.constant 0 : index
        %get3A_264 = tpu.vector_load %arg11[%get3A] {strides = array<i32>} : memref<16xf32, #tpu.memory_space<vmem>>, vector<16xf32>,
        %add3A_265 = arith.addf %get3A_264, %parallel_loop3A_263 : vector<16xf32>
        %swap3A_266 = arith.constant 0 : index
        %swap3A_267 = tpu.vector_load %arg11[%swap3A_266] {strides = array<i32>} : memref<16xf32, #tpu.memory_space<vmem>>, vector<16xf32>,
        tpu.vector_store %arg11[%swap3A_266], %add3A_265 {strides = array<i32>} : memref<16xf32, #tpu.memory_space<vmem>>, vector<16xf32>,
      }
    }
    %scan3A_75 = arith.constant 24 : i32
    %add3A_76 = arith.constant 192 : i32
    %add3A_77 = arith.addi %select_n3A_32, %add3A_76 : i32
    %min3A_78 = arith.constant 6246 : i32
    %min3A_79 = arith.minsi %add3A_77, %min3A_78 : i32
    %mul3A_80 = arith.constant 1024 : i32
    %mul3A_81 = arith.muli %min3A_79, %mul3A_80 : i32
    %dma_wait3A = tpu.memref_slice %arg2[%mul3A_81] : memref<6400000xi32, #tpu.memory_space<hbm>> -> memref<4096xi32, #tpu.memory_space<hbm>>
    %dma_wait3A_82 = tpu.memref_slice %arg2[%mul3A_81] : memref<6400000xi32, #tpu.memory_space<hbm>> -> memref<4096xi32, #tpu.memory_space<hbm>>
    tpu.wait_dma2 semaphore(%arg12 : memref<!tpu.dma_semaphore, #tpu.memory_space<semaphore_mem>>) src(%dma_wait3A_82 : memref<4096xi32, #tpu.memory_space<hbm>>) dst(%arg7 : memref<4096xi32, #tpu.memory_space<vmem>>)
    %mul3A_83 = arith.constant 1024 : i32
    %mul3A_84 = arith.muli %min3A_79, %mul3A_83 : i32
    %dma_wait3A_85 = tpu.memref_slice %arg3[%mul3A_84] : memref<6400000xi32, #tpu.memory_space<hbm>> -> memref<4096xi32, #tpu.memory_space<hbm>>
    %dma_wait3A_86 = tpu.memref_slice %arg3[%mul3A_84] : memref<6400000xi32, #tpu.memory_space<hbm>> -> memref<4096xi32, #tpu.memory_space<hbm>>
    tpu.wait_dma2 semaphore(%arg14 : memref<!tpu.dma_semaphore, #tpu.memory_space<semaphore_mem>>) src(%dma_wait3A_86 : memref<4096xi32, #tpu.memory_space<hbm>>) dst(%arg9 : memref<4096xi32, #tpu.memory_space<vmem>>)
    %add3A_87 = arith.constant 192 : i32
    %add3A_88 = arith.addi %select_n3A_32, %add3A_87 : i32
    %add3A_89 = arith.constant 192 : i32
    %add3A_90 = arith.addi %select_n3A_32, %add3A_89 : i32
    %min3A_91 = arith.constant 6246 : i32
    %min3A_92 = arith.minsi %add3A_90, %min3A_91 : i32
    %sub3A_93 = arith.subi %add3A_88, %min3A_92 : i32
    %sub3A_94 = arith.constant 192 : i32
    %sub3A_95 = arith.subi %select_n3A_56, %sub3A_94 : i32
    %min3A_96 = arith.constant 4 : i32
    %min3A_97 = arith.minsi %min3A_96, %sub3A_95 : i32
    %sub3A_98 = arith.constant 0 : i32
    %sub3A_99 = arith.subi %min3A_97, %sub3A_98 : i32
    %sub3A_100 = arith.constant 1 : i32
    %sub3A_101 = arith.constant 1 : i32
    %sub3A_102 = arith.subi %sub3A_100, %sub3A_101 : i32
    %add3A_103 = arith.addi %sub3A_99, %sub3A_102 : i32
    %div3A_104 = arith.constant 1 : i32
    %div3A_105 = arith.divsi %add3A_103, %div3A_104 : i32
    %while3A = arith.constant 1 : i32
    %while3A_106 = arith.constant 0 : i32
    %while3A_107 = arith.constant 0 : i32
    %while3A_108 = arith.subi %div3A_105, %while3A_107 : i32
    %while3A_109 = arith.addi %while3A_107, %while3A_108 : i32
    %while3A_110 = arith.constant 1 : i32
    %while3A_111 = arith.divsi %while3A_108, %while3A_110 : i32
    %while3A_112 = arith.muli %while3A_111, %while3A_110 : i32
    %while3A_113 = arith.addi %while3A_107, %while3A_112 : i32
    %while3A_114 = arith.constant 1 : i32
    scf.for %while3A_116 = %while3A_107 to %while3A_113 step %while3A_114  : i32 {
      %mul3A_117 = arith.muli %while3A_116, %while3A : i32
      %add3A_118 = arith.addi %while3A_106, %mul3A_117 : i32
      %add3A_119 = arith.addi %sub3A_93, %add3A_118 : i32
      %mul3A_120 = arith.constant 1024 : i32
      %mul3A_121 = arith.muli %add3A_119, %mul3A_120 : i32
      %broadcast_in_dim3A_122 = arith.constant 0.000000e+00 : f32
      %broadcast_in_dim3A_123 = vector.broadcast %broadcast_in_dim3A_122 : f32 to vector<16xf32>
      %parallel_loop3A = arith.constant 0 : i32
      %parallel_loop3A_124 = arith.constant 64 : i32
      %parallel_loop3A_125 = arith.constant 2 : i32
      %parallel_loop3A_126 = scf.for %parallel_loop3A_131 = %parallel_loop3A to %parallel_loop3A_124 step %parallel_loop3A_125 iter_args(%parallel_loop3A_132 = %broadcast_in_dim3A_123) -> (vector<16xf32>)  : i32 {
        %parallel_loop3A_133 = arith.constant 16 : i32
        %parallel_loop3A_134 = arith.muli %parallel_loop3A_131, %parallel_loop3A_133 : i32
        %parallel_loop3A_135 = arith.addi %mul3A_121, %parallel_loop3A_134 : i32
        %parallel_loop3A_136 = arith.index_cast %parallel_loop3A_135 : i32 to index
        %parallel_loop3A_137 = tpu.vector_load %arg7[%parallel_loop3A_136] {strides = array<i32>} : memref<4096xi32, #tpu.memory_space<vmem>>, vector<16xi32>,
        %parallel_loop3A_138 = arith.index_cast %parallel_loop3A_135 : i32 to index
        %parallel_loop3A_139 = tpu.vector_load %arg9[%parallel_loop3A_138] {strides = array<i32>} : memref<4096xi32, #tpu.memory_space<vmem>>, vector<16xi32>,
        %parallel_loop3A_140 = tpu.vector_load_idx %arg6[%parallel_loop3A_137] : memref<100352xi32, #tpu.memory_space<vmem>>[vector<16xi32>], vector<16xi32>,
        %parallel_loop3A_141 = tpu.vector_load_idx %arg6[%parallel_loop3A_139] : memref<100352xi32, #tpu.memory_space<vmem>>[vector<16xi32>], vector<16xi32>,
        %parallel_loop3A_142 = arith.constant 16 : i32
        %parallel_loop3A_143 = vector.broadcast %parallel_loop3A_142 : i32 to vector<16xi32>
        %parallel_loop3A_144 = arith.shrsi %parallel_loop3A_140, %parallel_loop3A_143 : vector<16xi32>
        %parallel_loop3A_145 = arith.constant 16 : i32
        %parallel_loop3A_146 = vector.broadcast %parallel_loop3A_145 : i32 to vector<16xi32>
        %parallel_loop3A_147 = arith.shli %parallel_loop3A_141, %parallel_loop3A_146 : vector<16xi32>
        %parallel_loop3A_148 = arith.constant 16 : i32
        %parallel_loop3A_149 = vector.broadcast %parallel_loop3A_148 : i32 to vector<16xi32>
        %parallel_loop3A_150 = arith.shrsi %parallel_loop3A_147, %parallel_loop3A_149 : vector<16xi32>
        %parallel_loop3A_151 = arith.sitofp %parallel_loop3A_144 : vector<16xi32> to vector<16xf32>
        %parallel_loop3A_152 = arith.sitofp %parallel_loop3A_150 : vector<16xi32> to vector<16xf32>
        %parallel_loop3A_153 = arith.mulf %parallel_loop3A_151, %parallel_loop3A_152 : vector<16xf32>
        %parallel_loop3A_154 = arith.constant 1 : i32
        %parallel_loop3A_155 = arith.addi %parallel_loop3A_131, %parallel_loop3A_154 : i32
        %parallel_loop3A_156 = arith.constant 16 : i32
        %parallel_loop3A_157 = arith.muli %parallel_loop3A_155, %parallel_loop3A_156 : i32
        %parallel_loop3A_158 = arith.addi %mul3A_121, %parallel_loop3A_157 : i32
        %parallel_loop3A_159 = arith.index_cast %parallel_loop3A_158 : i32 to index
        %parallel_loop3A_160 = tpu.vector_load %arg7[%parallel_loop3A_159] {strides = array<i32>} : memref<4096xi32, #tpu.memory_space<vmem>>, vector<16xi32>,
        %parallel_loop3A_161 = arith.index_cast %parallel_loop3A_158 : i32 to index
        %parallel_loop3A_162 = tpu.vector_load %arg9[%parallel_loop3A_161] {strides = array<i32>} : memref<4096xi32, #tpu.memory_space<vmem>>, vector<16xi32>,
        %parallel_loop3A_163 = tpu.vector_load_idx %arg6[%parallel_loop3A_160] : memref<100352xi32, #tpu.memory_space<vmem>>[vector<16xi32>], vector<16xi32>,
        %parallel_loop3A_164 = tpu.vector_load_idx %arg6[%parallel_loop3A_162] : memref<100352xi32, #tpu.memory_space<vmem>>[vector<16xi32>], vector<16xi32>,
        %parallel_loop3A_165 = arith.constant 16 : i32
        %parallel_loop3A_166 = vector.broadcast %parallel_loop3A_165 : i32 to vector<16xi32>
        %parallel_loop3A_167 = arith.shrsi %parallel_loop3A_163, %parallel_loop3A_166 : vector<16xi32>
        %parallel_loop3A_168 = arith.constant 16 : i32
        %parallel_loop3A_169 = vector.broadcast %parallel_loop3A_168 : i32 to vector<16xi32>
        %parallel_loop3A_170 = arith.shli %parallel_loop3A_164, %parallel_loop3A_169 : vector<16xi32>
        %parallel_loop3A_171 = arith.constant 16 : i32
        %parallel_loop3A_172 = vector.broadcast %parallel_loop3A_171 : i32 to vector<16xi32>
        %parallel_loop3A_173 = arith.shrsi %parallel_loop3A_170, %parallel_loop3A_172 : vector<16xi32>
        %parallel_loop3A_174 = arith.sitofp %parallel_loop3A_167 : vector<16xi32> to vector<16xf32>
        %parallel_loop3A_175 = arith.sitofp %parallel_loop3A_173 : vector<16xi32> to vector<16xf32>
        %parallel_loop3A_176 = arith.mulf %parallel_loop3A_174, %parallel_loop3A_175 : vector<16xf32>
        %parallel_loop3A_177 = arith.addf %parallel_loop3A_153, %parallel_loop3A_176 : vector<16xf32>
        %parallel_loop3A_178 = arith.addf %parallel_loop3A_132, %parallel_loop3A_177 : vector<16xf32>
        scf.yield %parallel_loop3A_178 : vector<16xf32>
      } {sc.loop_unroll_factor = 8 : i64, sc.parallel_access}
      %get3A = arith.constant 0 : index
      %get3A_127 = tpu.vector_load %arg11[%get3A] {strides = array<i32>} : memref<16xf32, #tpu.memory_space<vmem>>, vector<16xf32>,
      %add3A_128 = arith.addf %get3A_127, %parallel_loop3A_126 : vector<16xf32>
      %swap3A_129 = arith.constant 0 : index
      %swap3A_130 = tpu.vector_load %arg11[%swap3A_129] {strides = array<i32>} : memref<16xf32, #tpu.memory_space<vmem>>, vector<16xf32>,
      tpu.vector_store %arg11[%swap3A_129], %add3A_128 {strides = array<i32>} : memref<16xf32, #tpu.memory_space<vmem>>, vector<16xf32>,
    }
    %while3A_115 = arith.constant 1 : i32
    scf.for %while3A_116 = %while3A_113 to %while3A_109 step %while3A_115  : i32 {
      %mul3A_117 = arith.muli %while3A_116, %while3A : i32
      %add3A_118 = arith.addi %while3A_106, %mul3A_117 : i32
      %add3A_119 = arith.addi %sub3A_93, %add3A_118 : i32
      %mul3A_120 = arith.constant 1024 : i32
      %mul3A_121 = arith.muli %add3A_119, %mul3A_120 : i32
      %broadcast_in_dim3A_122 = arith.constant 0.000000e+00 : f32
      %broadcast_in_dim3A_123 = vector.broadcast %broadcast_in_dim3A_122 : f32 to vector<16xf32>
      %parallel_loop3A = arith.constant 0 : i32
      %parallel_loop3A_124 = arith.constant 64 : i32
      %parallel_loop3A_125 = arith.constant 2 : i32
      %parallel_loop3A_126 = scf.for %parallel_loop3A_131 = %parallel_loop3A to %parallel_loop3A_124 step %parallel_loop3A_125 iter_args(%parallel_loop3A_132 = %broadcast_in_dim3A_123) -> (vector<16xf32>)  : i32 {
        %parallel_loop3A_133 = arith.constant 16 : i32
        %parallel_loop3A_134 = arith.muli %parallel_loop3A_131, %parallel_loop3A_133 : i32
        %parallel_loop3A_135 = arith.addi %mul3A_121, %parallel_loop3A_134 : i32
        %parallel_loop3A_136 = arith.index_cast %parallel_loop3A_135 : i32 to index
        %parallel_loop3A_137 = tpu.vector_load %arg7[%parallel_loop3A_136] {strides = array<i32>} : memref<4096xi32, #tpu.memory_space<vmem>>, vector<16xi32>,
        %parallel_loop3A_138 = arith.index_cast %parallel_loop3A_135 : i32 to index
        %parallel_loop3A_139 = tpu.vector_load %arg9[%parallel_loop3A_138] {strides = array<i32>} : memref<4096xi32, #tpu.memory_space<vmem>>, vector<16xi32>,
        %parallel_loop3A_140 = tpu.vector_load_idx %arg6[%parallel_loop3A_137] : memref<100352xi32, #tpu.memory_space<vmem>>[vector<16xi32>], vector<16xi32>,
        %parallel_loop3A_141 = tpu.vector_load_idx %arg6[%parallel_loop3A_139] : memref<100352xi32, #tpu.memory_space<vmem>>[vector<16xi32>], vector<16xi32>,
        %parallel_loop3A_142 = arith.constant 16 : i32
        %parallel_loop3A_143 = vector.broadcast %parallel_loop3A_142 : i32 to vector<16xi32>
        %parallel_loop3A_144 = arith.shrsi %parallel_loop3A_140, %parallel_loop3A_143 : vector<16xi32>
        %parallel_loop3A_145 = arith.constant 16 : i32
        %parallel_loop3A_146 = vector.broadcast %parallel_loop3A_145 : i32 to vector<16xi32>
        %parallel_loop3A_147 = arith.shli %parallel_loop3A_141, %parallel_loop3A_146 : vector<16xi32>
        %parallel_loop3A_148 = arith.constant 16 : i32
        %parallel_loop3A_149 = vector.broadcast %parallel_loop3A_148 : i32 to vector<16xi32>
        %parallel_loop3A_150 = arith.shrsi %parallel_loop3A_147, %parallel_loop3A_149 : vector<16xi32>
        %parallel_loop3A_151 = arith.sitofp %parallel_loop3A_144 : vector<16xi32> to vector<16xf32>
        %parallel_loop3A_152 = arith.sitofp %parallel_loop3A_150 : vector<16xi32> to vector<16xf32>
        %parallel_loop3A_153 = arith.mulf %parallel_loop3A_151, %parallel_loop3A_152 : vector<16xf32>
        %parallel_loop3A_154 = arith.constant 1 : i32
        %parallel_loop3A_155 = arith.addi %parallel_loop3A_131, %parallel_loop3A_154 : i32
        %parallel_loop3A_156 = arith.constant 16 : i32
        %parallel_loop3A_157 = arith.muli %parallel_loop3A_155, %parallel_loop3A_156 : i32
        %parallel_loop3A_158 = arith.addi %mul3A_121, %parallel_loop3A_157 : i32
        %parallel_loop3A_159 = arith.index_cast %parallel_loop3A_158 : i32 to index
        %parallel_loop3A_160 = tpu.vector_load %arg7[%parallel_loop3A_159] {strides = array<i32>} : memref<4096xi32, #tpu.memory_space<vmem>>, vector<16xi32>,
        %parallel_loop3A_161 = arith.index_cast %parallel_loop3A_158 : i32 to index
        %parallel_loop3A_162 = tpu.vector_load %arg9[%parallel_loop3A_161] {strides = array<i32>} : memref<4096xi32, #tpu.memory_space<vmem>>, vector<16xi32>,
        %parallel_loop3A_163 = tpu.vector_load_idx %arg6[%parallel_loop3A_160] : memref<100352xi32, #tpu.memory_space<vmem>>[vector<16xi32>], vector<16xi32>,
        %parallel_loop3A_164 = tpu.vector_load_idx %arg6[%parallel_loop3A_162] : memref<100352xi32, #tpu.memory_space<vmem>>[vector<16xi32>], vector<16xi32>,
        %parallel_loop3A_165 = arith.constant 16 : i32
        %parallel_loop3A_166 = vector.broadcast %parallel_loop3A_165 : i32 to vector<16xi32>
        %parallel_loop3A_167 = arith.shrsi %parallel_loop3A_163, %parallel_loop3A_166 : vector<16xi32>
        %parallel_loop3A_168 = arith.constant 16 : i32
        %parallel_loop3A_169 = vector.broadcast %parallel_loop3A_168 : i32 to vector<16xi32>
        %parallel_loop3A_170 = arith.shli %parallel_loop3A_164, %parallel_loop3A_169 : vector<16xi32>
        %parallel_loop3A_171 = arith.constant 16 : i32
        %parallel_loop3A_172 = vector.broadcast %parallel_loop3A_171 : i32 to vector<16xi32>
        %parallel_loop3A_173 = arith.shrsi %parallel_loop3A_170, %parallel_loop3A_172 : vector<16xi32>
        %parallel_loop3A_174 = arith.sitofp %parallel_loop3A_167 : vector<16xi32> to vector<16xf32>
        %parallel_loop3A_175 = arith.sitofp %parallel_loop3A_173 : vector<16xi32> to vector<16xf32>
        %parallel_loop3A_176 = arith.mulf %parallel_loop3A_174, %parallel_loop3A_175 : vector<16xf32>
        %parallel_loop3A_177 = arith.addf %parallel_loop3A_153, %parallel_loop3A_176 : vector<16xf32>
        %parallel_loop3A_178 = arith.addf %parallel_loop3A_132, %parallel_loop3A_177 : vector<16xf32>
        scf.yield %parallel_loop3A_178 : vector<16xf32>
      } {sc.loop_unroll_factor = 8 : i64, sc.parallel_access}
      %get3A = arith.constant 0 : index
      %get3A_127 = tpu.vector_load %arg11[%get3A] {strides = array<i32>} : memref<16xf32, #tpu.memory_space<vmem>>, vector<16xf32>,
      %add3A_128 = arith.addf %get3A_127, %parallel_loop3A_126 : vector<16xf32>
      %swap3A_129 = arith.constant 0 : index
      %swap3A_130 = tpu.vector_load %arg11[%swap3A_129] {strides = array<i32>} : memref<16xf32, #tpu.memory_space<vmem>>, vector<16xf32>,
      tpu.vector_store %arg11[%swap3A_129], %add3A_128 {strides = array<i32>} : memref<16xf32, #tpu.memory_space<vmem>>, vector<16xf32>,
    }
    "tpu.region"() ({
      %run_scoped3A = tpu.sem_alloc : memref<!tpu.dma_semaphore, #tpu.memory_space<semaphore_mem>>
      %dma_start3A_116 = arith.constant 0 : i32
      %dma_start3A_117 = tpu.memref_slice %arg5[%add3A, %dma_start3A_116] : memref<32x16xf32, #tpu.memory_space<hbm>> -> memref<1x16xf32, #tpu.memory_space<hbm>>
      %dma_start3A_118 = tpu.memref_squeeze %dma_start3A_117 : memref<1x16xf32, #tpu.memory_space<hbm>> -> memref<16xf32, #tpu.memory_space<hbm>>
      %dma_start3A_119 = arith.constant 0 : i32
      %dma_start3A_120 = tpu.memref_slice %arg5[%add3A, %dma_start3A_119] : memref<32x16xf32, #tpu.memory_space<hbm>> -> memref<1x16xf32, #tpu.memory_space<hbm>>
      %dma_start3A_121 = tpu.memref_squeeze %dma_start3A_120 : memref<1x16xf32, #tpu.memory_space<hbm>> -> memref<16xf32, #tpu.memory_space<hbm>>
      tpu.enqueue_dma source(%arg11 : memref<16xf32, #tpu.memory_space<vmem>>) target(%dma_start3A_121 : memref<16xf32, #tpu.memory_space<hbm>>) target_semaphore(%run_scoped3A : memref<!tpu.dma_semaphore, #tpu.memory_space<semaphore_mem>>)
      %dma_wait3A_122 = arith.constant 0 : i32
      %dma_wait3A_123 = tpu.memref_slice %arg5[%add3A, %dma_wait3A_122] : memref<32x16xf32, #tpu.memory_space<hbm>> -> memref<1x16xf32, #tpu.memory_space<hbm>>
      %dma_wait3A_124 = tpu.memref_squeeze %dma_wait3A_123 : memref<1x16xf32, #tpu.memory_space<hbm>> -> memref<16xf32, #tpu.memory_space<hbm>>
      %dma_wait3A_125 = arith.constant 0 : i32
      %dma_wait3A_126 = tpu.memref_slice %arg5[%add3A, %dma_wait3A_125] : memref<32x16xf32, #tpu.memory_space<hbm>> -> memref<1x16xf32, #tpu.memory_space<hbm>>
      %dma_wait3A_127 = tpu.memref_squeeze %dma_wait3A_126 : memref<1x16xf32, #tpu.memory_space<hbm>> -> memref<16xf32, #tpu.memory_space<hbm>>
      tpu.wait_dma2 semaphore(%run_scoped3A : memref<!tpu.dma_semaphore, #tpu.memory_space<semaphore_mem>>) src(%arg11 : memref<16xf32, #tpu.memory_space<vmem>>) dst(%dma_wait3A_127 : memref<16xf32, #tpu.memory_space<hbm>>)
      tpu.yield
    }) : () -> ()
    return
  }
}

module attributes {stable_mosaic.version = 14 : i64} {
  func.func @_node1_body(%arg0: memref<2x784x128xf32, #tpu.memory_space<vmem>>, %arg1: memref<784x128xf32, #tpu.memory_space<vmem>>, %arg2: memref<784x128xf32, #tpu.memory_space<vmem>>, %arg3: memref<784x128xf32, #tpu.memory_space<vmem>>, %arg4: memref<784x128xf32, #tpu.memory_space<vmem>>) attributes {dimension_semantics = [], scalar_prefetch = 0 : i64, scratch_operands = 0 : i64, tpu.core_type = #tpu.core_type<tc>} {
    %get3A = arith.constant 0 : index
    %get3A_0 = arith.constant 0 : index
    %get3A_1 = arith.constant 0 : index
    %get3A_2 = vector.load %arg0[%get3A, %get3A_0, %get3A_1] : memref<2x784x128xf32, #tpu.memory_space<vmem>>, vector<2x784x128xf32>
    %slice3A = vector.extract_strided_slice %get3A_2 {offsets = [0, 0, 0], sizes = [1, 784, 128], strides = [1, 1, 1]} : vector<2x784x128xf32> to vector<1x784x128xf32>
    %squeeze3A = vector.shape_cast %slice3A : vector<1x784x128xf32> to vector<784x128xf32>
    %slice3A_3 = vector.extract_strided_slice %get3A_2 {offsets = [1, 0, 0], sizes = [1, 784, 128], strides = [1, 1, 1]} : vector<2x784x128xf32> to vector<1x784x128xf32>
    %squeeze3A_4 = vector.shape_cast %slice3A_3 : vector<1x784x128xf32> to vector<784x128xf32>
    %add3A = arith.addf %squeeze3A, %squeeze3A_4 : vector<784x128xf32>
    %add3A_5 = arith.constant 1.000000e+00 : f32
    %add3A_6 = vector.broadcast %add3A_5 : f32 to vector<784x128xf32>
    %add3A_7 = arith.addf %add3A, %add3A_6 : vector<784x128xf32>
    %rsqrt3A = math.rsqrt %add3A_7 : vector<784x128xf32>
    %get3A_8 = arith.constant 0 : index
    %get3A_9 = arith.constant 0 : index
    %get3A_10 = vector.load %arg1[%get3A_8, %get3A_9] : memref<784x128xf32, #tpu.memory_space<vmem>>, vector<784x128xf32>
    %swap3A = arith.constant 0 : index
    %swap3A_11 = arith.constant 0 : index
    %swap3A_12 = vector.load %arg2[%swap3A, %swap3A_11] : memref<784x128xf32, #tpu.memory_space<vmem>>, vector<784x128xf32>
    tpu.vector_store %arg2[%swap3A, %swap3A_11], %rsqrt3A {strides = array<i32>} : memref<784x128xf32, #tpu.memory_space<vmem>>, vector<784x128xf32>,
    %mul3A = arith.mulf %get3A_10, %rsqrt3A : vector<784x128xf32>
    %swap3A_13 = arith.constant 0 : index
    %swap3A_14 = arith.constant 0 : index
    %swap3A_15 = vector.load %arg3[%swap3A_13, %swap3A_14] : memref<784x128xf32, #tpu.memory_space<vmem>>, vector<784x128xf32>
    tpu.vector_store %arg3[%swap3A_13, %swap3A_14], %mul3A {strides = array<i32>} : memref<784x128xf32, #tpu.memory_space<vmem>>, vector<784x128xf32>,
    %mul3A_16 = arith.mulf %get3A_10, %rsqrt3A : vector<784x128xf32>
    %mul3A_17 = arith.mulf %mul3A_16, %rsqrt3A : vector<784x128xf32>
    %swap3A_18 = arith.constant 0 : index
    %swap3A_19 = arith.constant 0 : index
    %swap3A_20 = vector.load %arg4[%swap3A_18, %swap3A_19] : memref<784x128xf32, #tpu.memory_space<vmem>>, vector<784x128xf32>
    tpu.vector_store %arg4[%swap3A_18, %swap3A_19], %mul3A_17 {strides = array<i32>} : memref<784x128xf32, #tpu.memory_space<vmem>>, vector<784x128xf32>,
    return
  }
}

module attributes {stable_mosaic.version = 14 : i64} {
  func.func @_node2_body(%arg0: memref<2x784x128xf32, #tpu.memory_space<vmem>>, %arg1: memref<784x128xf32, #tpu.memory_space<vmem>>, %arg2: memref<784x128xf32, #tpu.memory_space<vmem>>, %arg3: memref<784x128xf32, #tpu.memory_space<vmem>>, %arg4: memref<1x1xf32, #tpu.memory_space<smem>>, %arg5: memref<1x1xf32, #tpu.memory_space<smem>>, %arg6: memref<784x128xi32, #tpu.memory_space<vmem>>, %arg7: memref<1x1xf32, #tpu.memory_space<smem>>, %arg8: memref<1x1xf32, #tpu.memory_space<smem>>, %arg9: memref<1x1xf32, #tpu.memory_space<smem>>) attributes {dimension_semantics = [], scalar_prefetch = 0 : i64, scratch_operands = 0 : i64, tpu.core_type = #tpu.core_type<tc>} {
    %get3A = arith.constant 0 : index
    %get3A_0 = arith.constant 0 : index
    %get3A_1 = arith.constant 0 : index
    %get3A_2 = vector.load %arg0[%get3A, %get3A_0, %get3A_1] : memref<2x784x128xf32, #tpu.memory_space<vmem>>, vector<1x784x128xf32>
    %get3A_3 = vector.shape_cast %get3A_2 : vector<1x784x128xf32> to vector<784x128xf32>
    %get3A_4 = arith.constant 1 : index
    %get3A_5 = arith.constant 0 : index
    %get3A_6 = arith.constant 0 : index
    %get3A_7 = vector.load %arg0[%get3A_4, %get3A_5, %get3A_6] : memref<2x784x128xf32, #tpu.memory_space<vmem>>, vector<1x784x128xf32>
    %get3A_8 = vector.shape_cast %get3A_7 : vector<1x784x128xf32> to vector<784x128xf32>
    %add3A = arith.addf %get3A_3, %get3A_8 : vector<784x128xf32>
    %get3A_9 = arith.constant 0 : index
    %get3A_10 = arith.constant 0 : index
    %get3A_11 = vector.load %arg1[%get3A_9, %get3A_10] : memref<784x128xf32, #tpu.memory_space<vmem>>, vector<784x128xf32>
    %get3A_12 = arith.constant 0 : index
    %get3A_13 = arith.constant 0 : index
    %get3A_14 = memref.load %arg4[%get3A_12, %get3A_13] : memref<1x1xf32, #tpu.memory_space<smem>>
    %get3A_15 = arith.constant 0 : index
    %get3A_16 = arith.constant 0 : index
    %get3A_17 = memref.load %arg5[%get3A_15, %get3A_16] : memref<1x1xf32, #tpu.memory_space<smem>>
    %mul3A = arith.mulf %get3A_11, %add3A : vector<784x128xf32>
    %get3A_18 = arith.constant 0 : index
    %get3A_19 = arith.constant 0 : index
    %get3A_20 = vector.load %arg2[%get3A_18, %get3A_19] : memref<784x128xf32, #tpu.memory_space<vmem>>, vector<784x128xf32>
    %add3A_21 = arith.addf %mul3A, %get3A_20 : vector<784x128xf32>
    %mul3A_22 = vector.broadcast %get3A_14 : f32 to vector<784x128xf32>
    %mul3A_23 = arith.mulf %mul3A_22, %add3A_21 : vector<784x128xf32>
    %add3A_24 = vector.broadcast %get3A_17 : f32 to vector<784x128xf32>
    %add3A_25 = arith.addf %mul3A_23, %add3A_24 : vector<784x128xf32>
    %max3A = arith.constant 0.000000e+00 : f32
    %max3A_26 = vector.broadcast %max3A : f32 to vector<784x128xf32>
    %max3A_27 = arith.maximumf %add3A_25, %max3A_26 : vector<784x128xf32>
    %get3A_28 = arith.constant 0 : index
    %get3A_29 = arith.constant 0 : index
    %get3A_30 = vector.load %arg3[%get3A_28, %get3A_29] : memref<784x128xf32, #tpu.memory_space<vmem>>, vector<784x128xf32>
    %mul3A_31 = arith.mulf %max3A_27, %get3A_11 : vector<784x128xf32>
    %mul3A_32 = arith.mulf %get3A_30, %get3A_11 : vector<784x128xf32>
    %abs3A = math.absf %mul3A_31 : vector<784x128xf32>
    %reduce_max3A = vector.shape_cast %abs3A : vector<784x128xf32> to vector<1x784x128xf32>
    %reduce_max3A_33 = arith.constant dense<0xFF800000> : vector<1xf32>
    %reduce_max3A_34 = vector.multi_reduction <maximumf>, %reduce_max3A, %reduce_max3A_33 [1, 2] : vector<1x784x128xf32> to vector<1xf32>
    %reduce_max3A_35 = vector.shape_cast %reduce_max3A_34 : vector<1xf32> to vector<1x1x1xf32>
    %reduce_max3A_36 = vector.extract %reduce_max3A_35[0, 0, 0] : f32 from vector<1x1x1xf32>
    %max3A_37 = arith.constant 1.000000e-30 : f32
    %max3A_38 = arith.maximumf %reduce_max3A_36, %max3A_37 : f32
    %abs3A_39 = math.absf %mul3A_32 : vector<784x128xf32>
    %reduce_max3A_40 = vector.shape_cast %abs3A_39 : vector<784x128xf32> to vector<1x784x128xf32>
    %reduce_max3A_41 = arith.constant dense<0xFF800000> : vector<1xf32>
    %reduce_max3A_42 = vector.multi_reduction <maximumf>, %reduce_max3A_40, %reduce_max3A_41 [1, 2] : vector<1x784x128xf32> to vector<1xf32>
    %reduce_max3A_43 = vector.shape_cast %reduce_max3A_42 : vector<1xf32> to vector<1x1x1xf32>
    %reduce_max3A_44 = vector.extract %reduce_max3A_43[0, 0, 0] : f32 from vector<1x1x1xf32>
    %max3A_45 = arith.constant 1.000000e-30 : f32
    %max3A_46 = arith.maximumf %reduce_max3A_44, %max3A_45 : f32
    %div3A = arith.constant 3.276700e+04 : f32
    %div3A_47 = arith.divf %div3A, %max3A_38 : f32
    %mul3A_48 = vector.broadcast %div3A_47 : f32 to vector<784x128xf32>
    %mul3A_49 = arith.mulf %mul3A_31, %mul3A_48 : vector<784x128xf32>
    %round3A = math.roundeven %mul3A_49 : vector<784x128xf32>
    %convert_element_type3A = arith.fptosi %round3A : vector<784x128xf32> to vector<784x128xi32>
    %div3A_50 = arith.constant 3.276700e+04 : f32
    %div3A_51 = arith.divf %div3A_50, %max3A_46 : f32
    %mul3A_52 = vector.broadcast %div3A_51 : f32 to vector<784x128xf32>
    %mul3A_53 = arith.mulf %mul3A_32, %mul3A_52 : vector<784x128xf32>
    %round3A_54 = math.roundeven %mul3A_53 : vector<784x128xf32>
    %convert_element_type3A_55 = arith.fptosi %round3A_54 : vector<784x128xf32> to vector<784x128xi32>
    %shift_left3A = arith.constant 16 : i32
    %shift_left3A_56 = vector.broadcast %shift_left3A : i32 to vector<784x128xi32>
    %shift_left3A_57 = arith.shli %convert_element_type3A, %shift_left3A_56 : vector<784x128xi32>
    %and3A = arith.constant 65535 : i32
    %and3A_58 = vector.broadcast %and3A : i32 to vector<784x128xi32>
    %and3A_59 = arith.andi %convert_element_type3A_55, %and3A_58 : vector<784x128xi32>
    %or3A = arith.ori %shift_left3A_57, %and3A_59 : vector<784x128xi32>
    %swap3A = arith.constant 0 : index
    %swap3A_60 = arith.constant 0 : index
    %swap3A_61 = vector.load %arg6[%swap3A, %swap3A_60] : memref<784x128xi32, #tpu.memory_space<vmem>>, vector<784x128xi32>
    tpu.vector_store %arg6[%swap3A, %swap3A_60], %or3A {strides = array<i32>} : memref<784x128xi32, #tpu.memory_space<vmem>>, vector<784x128xi32>,
    %mul3A_62 = arith.mulf %get3A_30, %max3A_27 : vector<784x128xf32>
    %mul3A_63 = arith.mulf %mul3A_62, %get3A_11 : vector<784x128xf32>
    %mul3A_64 = arith.mulf %mul3A_63, %get3A_11 : vector<784x128xf32>
    %reduce_sum3A = vector.shape_cast %mul3A_64 : vector<784x128xf32> to vector<1x784x128xf32>
    %reduce_sum3A_65 = arith.constant dense<0.000000e+00> : vector<1xf32>
    %reduce_sum3A_66 = vector.multi_reduction <add>, %reduce_sum3A, %reduce_sum3A_65 [1, 2] : vector<1x784x128xf32> to vector<1xf32>
    %reduce_sum3A_67 = vector.shape_cast %reduce_sum3A_66 : vector<1xf32> to vector<1x1x1xf32>
    %reduce_sum3A_68 = vector.extract %reduce_sum3A_67[0, 0, 0] : f32 from vector<1x1x1xf32>
    %swap3A_69 = arith.constant 0 : index
    %swap3A_70 = arith.constant 0 : index
    %swap3A_71 = memref.load %arg7[%swap3A_69, %swap3A_70] : memref<1x1xf32, #tpu.memory_space<smem>>
    memref.store %reduce_sum3A_68, %arg7[%swap3A_69, %swap3A_70] : memref<1x1xf32, #tpu.memory_space<smem>>
    %reduce_sum3A_72 = vector.shape_cast %get3A_30 : vector<784x128xf32> to vector<1x784x128xf32>
    %reduce_sum3A_73 = arith.constant dense<0.000000e+00> : vector<1xf32>
    %reduce_sum3A_74 = vector.multi_reduction <add>, %reduce_sum3A_72, %reduce_sum3A_73 [1, 2] : vector<1x784x128xf32> to vector<1xf32>
    %reduce_sum3A_75 = vector.shape_cast %reduce_sum3A_74 : vector<1xf32> to vector<1x1x1xf32>
    %reduce_sum3A_76 = vector.extract %reduce_sum3A_75[0, 0, 0] : f32 from vector<1x1x1xf32>
    %swap3A_77 = arith.constant 0 : index
    %swap3A_78 = arith.constant 0 : index
    %swap3A_79 = memref.load %arg8[%swap3A_77, %swap3A_78] : memref<1x1xf32, #tpu.memory_space<smem>>
    memref.store %reduce_sum3A_76, %arg8[%swap3A_77, %swap3A_78] : memref<1x1xf32, #tpu.memory_space<smem>>
    %mul3A_80 = arith.mulf %max3A_38, %max3A_46 : f32
    %div3A_81 = arith.constant 1.07367629E+9 : f32
    %div3A_82 = arith.divf %mul3A_80, %div3A_81 : f32
    %swap3A_83 = arith.constant 0 : index
    %swap3A_84 = arith.constant 0 : index
    %swap3A_85 = memref.load %arg9[%swap3A_83, %swap3A_84] : memref<1x1xf32, #tpu.memory_space<smem>>
    memref.store %div3A_82, %arg9[%swap3A_83, %swap3A_84] : memref<1x1xf32, #tpu.memory_space<smem>>
    return
  }
}

module attributes {stable_mosaic.version = 14 : i64} {
  func.func @_final_body(%arg0: memref<4x128xf32, #tpu.memory_space<vmem>>, %arg1: memref<1x1xf32, #tpu.memory_space<smem>>, %arg2: memref<1x1xf32, #tpu.memory_space<smem>>, %arg3: memref<1x1xf32, #tpu.memory_space<smem>>, %arg4: memref<1x1xf32, #tpu.memory_space<smem>>, %arg5: memref<1x1xf32, #tpu.memory_space<smem>>, %arg6: memref<1x1xf32, #tpu.memory_space<smem>>, %arg7: memref<1x1xf32, #tpu.memory_space<smem>>) attributes {dimension_semantics = [], scalar_prefetch = 0 : i64, scratch_operands = 0 : i64, tpu.core_type = #tpu.core_type<tc>} {
    %get3A = arith.constant 0 : index
    %get3A_0 = arith.constant 0 : index
    %get3A_1 = vector.load %arg0[%get3A, %get3A_0] : memref<4x128xf32, #tpu.memory_space<vmem>>, vector<4x128xf32>
    %reduce_sum3A = vector.shape_cast %get3A_1 : vector<4x128xf32> to vector<1x4x128xf32>
    %reduce_sum3A_2 = arith.constant dense<0.000000e+00> : vector<1xf32>
    %reduce_sum3A_3 = vector.multi_reduction <add>, %reduce_sum3A, %reduce_sum3A_2 [1, 2] : vector<1x4x128xf32> to vector<1xf32>
    %reduce_sum3A_4 = vector.shape_cast %reduce_sum3A_3 : vector<1xf32> to vector<1x1x1xf32>
    %reduce_sum3A_5 = vector.extract %reduce_sum3A_4[0, 0, 0] : f32 from vector<1x1x1xf32>
    %get3A_6 = arith.constant 0 : index
    %get3A_7 = arith.constant 0 : index
    %get3A_8 = memref.load %arg3[%get3A_6, %get3A_7] : memref<1x1xf32, #tpu.memory_space<smem>>
    %mul3A = arith.mulf %reduce_sum3A_5, %get3A_8 : f32
    %get3A_9 = arith.constant 0 : index
    %get3A_10 = arith.constant 0 : index
    %get3A_11 = memref.load %arg4[%get3A_9, %get3A_10] : memref<1x1xf32, #tpu.memory_space<smem>>
    %get3A_12 = arith.constant 0 : index
    %get3A_13 = arith.constant 0 : index
    %get3A_14 = memref.load %arg1[%get3A_12, %get3A_13] : memref<1x1xf32, #tpu.memory_space<smem>>
    %add3A = arith.addf %mul3A, %get3A_14 : f32
    %mul3A_15 = arith.mulf %get3A_11, %add3A : f32
    %get3A_16 = arith.constant 0 : index
    %get3A_17 = arith.constant 0 : index
    %get3A_18 = memref.load %arg5[%get3A_16, %get3A_17] : memref<1x1xf32, #tpu.memory_space<smem>>
    %get3A_19 = arith.constant 0 : index
    %get3A_20 = arith.constant 0 : index
    %get3A_21 = memref.load %arg2[%get3A_19, %get3A_20] : memref<1x1xf32, #tpu.memory_space<smem>>
    %mul3A_22 = arith.mulf %get3A_18, %get3A_21 : f32
    %add3A_23 = arith.addf %mul3A_15, %mul3A_22 : f32
    %get3A_24 = arith.constant 0 : index
    %get3A_25 = arith.constant 0 : index
    %get3A_26 = memref.load %arg6[%get3A_24, %get3A_25] : memref<1x1xf32, #tpu.memory_space<smem>>
    %add3A_27 = arith.addf %add3A_23, %get3A_26 : f32
    %swap3A = arith.constant 0 : index
    %swap3A_28 = arith.constant 0 : index
    %swap3A_29 = memref.load %arg7[%swap3A, %swap3A_28] : memref<1x1xf32, #tpu.memory_space<smem>>
    memref.store %add3A_27, %arg7[%swap3A, %swap3A_28] : memref<1x1xf32, #tpu.memory_space<smem>>
    return
  }
}

</mosaic_0001>

<sc_bundles>
// kernel: kernel.11.cloned.1.call-start
scs
__scs_entry_jumppad:
0x0: {  	(pc) =	sbr.rel $0x88, $3  }
0x1: {  	(tag) =	ssettag $0x0;
	lr =	simm.s32 $0x1  }
0x2: {  	[smem:$0x3F99] =	sst lr;
	_ =	strace $0xD0000000  }
0x3: {  	_ = 	snop  }
0x4: {  	_ = 	snop  }
0x5: {  	_ = 	snop  }
0x6: {  	_ = 	snop  }
0x7: {  	_ = 	snop  }
__scs_overlays_trampoline_lowered:
0x8: {  	[smem:$0x3FA8] =	sst s0  }
0x9: {  	[smem:$0x3FA9] =	sst s1  }
0xa: {  	[smem:$0x3FAA] =	sst s2  }
0xb: {  	[smem:$0x3FAB] =	sst s3  }
0xc: {  	[smem:$0x3FAC] =	sst s4  }
0xd: {  	[smem:$0x3FAD] =	sst s5  }
0xe: {  	[smem:$0x3FAE] =	sst s6  }
0xf: {  	[smem:$0x3FAF] =	sst s7  }
0x10: {  	[smem:$0x3FB0] =	sst s8  }
0x11: {  	[smem:$0x3FB1] =	sst s9;
	s0 =	simm.s32 @!p0 $0x0  }
0x12: {  	s1 =	sld [smem:$0x3F97];
	s0 =	simm.s32 @p0 $0x1  }
0x13: {  	[smem:$0x3FB2] =	sst s0;
	s0 =	simm.s32 @!p1 $0x0  }
0x14: {  	s2 =	sld [smem:$0x3F96];
	s0 =	simm.s32 @p1 $0x1  }
0x15: {  	[smem:$0x3FB3] =	sst s0;
	s0 =	simm.s32 @!p2 $0x0  }
0x16: {  	s3 =	sld [smem:$0x3FDB];
	s0 =	simm.s32 @p2 $0x1  }
0x17: {  	s4 =	simm.s32 $0x1BF5;
	[smem:$0x3FB5] =	sst s0  }
0x18: {  	s0 =	sld [smem:$0x3F98];
	_ =	swait.ge [sflag:s4], $0x0  }
0x19: {  	s7 =	sld [smem:$0x3F99]  }
0x1a: {  	s8 =	sadd.s32 $0xFFFFE003, lr  }
0x1b: {  	s9 =	sadd.s32 $0xFFFFFEF7, lr;
	s5 =	simm.s32 $0xFFFFFFFF;
	p2 =	slt.u32 s8, $0xFFFFF086  }
0x1c: {  	p1 =	slt.u32 s9, $0xF7A;
	s5 =	simm.s32 @!p2 $0x0  }
0x1d: {  	s5 =	simm.s32 @p1 $0x1;
	p0 =	seq.s32 s7, s2  }
0x1e: {  	s7 =	smul.u32 @!p0 $0xF7A, s2;
	p2 =	seq.s32 @!p0 s5, $0x0  }
0x1f: {  	s9 =	smul.u32 $0xF7A, s1;
	s8 =	simm.s32 @!p0 $0x1BF5;
	p2 =	por !p2, p0  }
0x20: {  	[sflag:s8] =	ssyncset.s32 @!p0 $0xFFFFF086;
	s6 =	sadd.s32 @!p0 s3, s7;
	s7 =	simm.s32 @!p0 $0x108  }
0x21: {  	s3 =	sadd.s32 s3, s9;
	s6 =	sadd.s32 @!p0 $0x88, s6;
	s7 =	simm.s32 @p2 $0x1082  }
0x22: {  	[simem:s7], [sflag:s8] =	dma.local @!p0 [hbm:s6], $0xF7A  }
0x23: {  	s9 =	sor.u32 $0xD0000000, s2;
	s6 =	simm.s32 $0x108;
	_ =	swait.ge @!p0 [sflag:s8], $0x0  }
0x24: {  	s3 =	sadd.s32 $0x88, s3;
	s6 =	simm.s32 @!p1 $0x1082;
	[sflag:s4] =	ssyncset.s32 $0xFFFFF086  }
0x25: {  	[simem:s6], [sflag:s4] =	dma.local [hbm:s3], $0xF7A  }
0x26: {  	[smem:$0x3F99] =	sst s1;
	(tag) =	ssettag s2;
	_ =	strace s9  }
0x27: {  	s1 =	sld [smem:$0x3FA9]  }
0x28: {  	s2 =	sld [smem:$0x3FAA]  }
0x29: {  	s4 =	sld [smem:$0x3FAC]  }
0x2a: {  	p0 =	seq.s32 s5, $0x0;
	s5 =	sld [smem:$0x3FAD]  }
0x2b: {  	s6 =	sld [smem:$0x3FAE]  }
0x2c: {  	s7 =	sld [smem:$0x3FAF]  }
0x2d: {  	s3 =	simm.s32 $0x108;
	s8 =	sld [smem:$0x3FB0]  }
0x2e: {  	s3 =	simm.s32 @!p0 $0x1082;
	s9 =	sld [smem:$0x3FB1]  }
0x2f: {  	lr =	sadd.s32 s0, s3;
	s0 =	sld [smem:$0x3FA8]  }
0x30: {  	s3 =	sld [smem:$0x3FAB]  }
0x31: {  	[smem:$0x3FB4] =	sst s10  }
0x32: {  	s10 =	sld [smem:$0x3FB2];
	_ =	sdelay $0x3  }
0x33: {  	p0 =	seq.s32 s10, $0x1;
	s10 =	sld [smem:$0x3FB4];
	_ =	sdelay $0x3  }
0x34: {  	[smem:$0x3FB4] =	sst s10  }
0x35: {  	s10 =	sld [smem:$0x3FB3];
	_ =	sdelay $0x3  }
0x36: {  	p1 =	seq.s32 s10, $0x1;
	s10 =	sld [smem:$0x3FB4];
	_ =	sdelay $0x3  }
0x37: {  	[smem:$0x3FB4] =	sst s10  }
0x38: {  	s10 =	sld [smem:$0x3FB5]  }
0x39: {  	_ = 	snop;
	(pc) =	sbr.ind lr, $3  }
0x3a: {  	_ = 	snop  }
0x3b: {  	_ = 	snop  }
0x3c: {  	p2 =	seq.s32 s10, $0x1;
	s10 =	sld [smem:$0x3FB4]  }
0x3d: {  	_ =	shalt  }
0x3e: {  	_ =	shalt  }
0x3f: {  	_ =	shalt  }
0x40: {  	_ =	shalt  }
0x41: {  	_ =	shalt  }
0x42: {  	_ =	shalt  }
0x43: {  	_ =	shalt  }
0x44: {  	_ =	shalt  }
0x45: {  	_ =	shalt  }
0x46: {  	_ =	shalt  }
0x47: {  	_ =	shalt  }
0x48: {  	_ =	shalt  }
0x49: {  	_ =	shalt  }
0x4a: {  	_ =	shalt  }
0x4b: {  	_ =	shalt  }
0x4c: {  	_ =	shalt  }
0x4d: {  	_ =	shalt  }
0x4e: {  	_ =	shalt  }
0x4f: {  	_ =	shalt  }
0x50: {  	_ =	shalt  }
0x51: {  	_ =	shalt  }
0x52: {  	_ =	shalt  }
0x53: {  	_ =	shalt  }
0x54: {  	_ =	shalt  }
0x55: {  	_ =	shalt  }
0x56: {  	_ =	shalt  }
0x57: {  	_ =	shalt  }
0x58: {  	_ =	shalt  }
0x59: {  	_ =	shalt  }
0x5a: {  	_ =	shalt  }
0x5b: {  	_ =	shalt  }
0x5c: {  	_ =	shalt  }
0x5d: {  	_ =	shalt  }
0x5e: {  	_ =	shalt  }
0x5f: {  	_ =	shalt  }
0x60: {  	_ =	shalt  }
0x61: {  	_ =	shalt  }
0x62: {  	_ =	shalt  }
0x63: {  	_ =	shalt  }
0x64: {  	_ =	shalt  }
0x65: {  	_ =	shalt  }
0x66: {  	_ =	shalt  }
0x67: {  	_ =	shalt  }
0x68: {  	_ =	shalt  }
0x69: {  	_ =	shalt  }
0x6a: {  	_ =	shalt  }
0x6b: {  	_ =	shalt  }
0x6c: {  	_ =	shalt  }
0x6d: {  	_ =	shalt  }
0x6e: {  	_ =	shalt  }
0x6f: {  	_ =	shalt  }
0x70: {  	_ =	shalt  }
0x71: {  	_ =	shalt  }
0x72: {  	_ =	shalt  }
0x73: {  	_ =	shalt  }
0x74: {  	_ =	shalt  }
0x75: {  	_ =	shalt  }
0x76: {  	_ =	shalt  }
0x77: {  	_ =	shalt  }
0x78: {  	_ =	shalt  }
0x79: {  	_ =	shalt  }
0x7a: {  	_ =	shalt  }
0x7b: {  	_ =	shalt  }
0x7c: {  	_ =	shalt  }
0x7d: {  	_ =	shalt  }
0x7e: {  	_ =	shalt  }
0x7f: {  	_ =	shalt  }
0x80: {  	_ =	shalt  }
0x81: {  	_ =	shalt  }
0x82: {  	_ =	shalt  }
0x83: {  	_ =	shalt  }
0x84: {  	_ =	shalt  }
0x85: {  	_ =	shalt  }
0x86: {  	_ =	shalt  }
0x87: {  	_ =	shalt  }
.Lfunc_end0:
.L_simem_size_0:
called_computation.1_lowered:
.L_overlay_start_0:
0x88: {  	s2 =	sld [smem:$0x3FD9]  }
0x89: {  	s3 =	sld [smem:$0x3FFE];
	_ =	sdelay $0x1  }
0x8a: {  	s1 =	srdreg.scid  }
0x8b: {  	s0 =	sand.u32 $0x1, s1  }
0x8c: {  	s16 =	sshll.u32 s0, $0xA;
	s2 =	sadd.s32 s3, s2  }
0x8d: {  	s2 =	sadd.s32 s2, s16  }
0x8e: {  	[smem:$0x3FC0] =	sst s2  }
0x8f: {  	_ = 	snop  }
0x90: {  	(tm) =	ssettm $0x1  }
0x91: {  	s17 =	sld [smem:$0x3FFB];
	_ =	sdelay $0x3  }
0x92: {  	_ =	strace s17  }
0x93: {  	s2 =	sld [smem:$0x3FFC];
	_ =	sdelay $0x3  }
0x94: {  	_ =	strace s2  }
0x95: {  	s2 =	sld [smem:$0x3FFD];
	_ =	sdelay $0x3  }
0x96: {  	_ =	strace s2  }
0x97: {  	_ =	strace $0x8FFFFFFF  }
0x98: {  	s18 =	sld [smem:$0x3FDB];
	_ =	sdelay $0x1  }
0x99: {  	s19 =	simm.s32 $_scs_section_size  }
0x9a: {  	s4 =	simm.s32 $_size__tile_overlayer_lowered;
	s5 =	simm.s32 $_tile_overlayer_lowered  }
0x9b: {  	s22 =	simm.s32 $0x1BFF;
	s21 =	sshll.u32 s5, $0x1;
	s2 =	sadd.s32 s19, s18  }
0x9c: {  	s6 =	simm.s32 $0x0;
	s20 =	sshll.u32 s4, $0x1;
	s4 =	sadd.s32 s21, s2  }
0x9d: {  	[timem:s6], [sflag:s22] =	dma.local [hbm:s4], s20  }
0x9e: {  	_ =	swait.ge [sflag:s22], s20  }
0x9f: {  	s3 =	ssub.s32 $0x0, s20;
	[sflag:s22] =	ssyncset.done $0x0  }
0xa0: {  	[sflag:s22] =	ssyncadd.s32 s3;
	_ =	sdelay $0x1  }
0xa1: {  	s23 =	simm.s32 $0x1B8B  }
0xa2: {  	_ =	swait.ge [sflag:s23], $0x1  }
0xa3: {  	[sflag:s23] =	ssyncset.done $0x0  }
0xa4: {  	s25 =	simm.s32 $0x1B8E;
	s24 =	sld [smem:$0x3FFE];
	[sflag:s23] =	ssyncadd.s32 $0xFFFFFFFF  }
0xa5: {  	s26 =	simm.s32 $execute0_lowered;
	[smem:$0x3FD2] =	sst s25  }
0xa6: {  	s4 =	sshll.u32 s26, $0x1;
	_ =	strace $0x80000049;
	[dreg:$0x1] =	wrdreg $0xFFFFFFFF  }
0xa7: {  	s28 =	simm.s32 $_size_execute0_lowered;
	s2 =	sadd.s32 s2, s4;
	[dreg:$0x0] =	wrdreg $0x0  }
0xa8: {  	s4 =	sshll.u32 s28, $0x1;
	[dreg:$0x2] =	wrdreg s2  }
0xa9: {  	[dreg:$0x3] =	wrdreg s4  }
0xaa: {  	[dreg:$0x4] =	wrdreg $0xC0  }
0xab: {  	_ =	task [dreg:s6], $0x5FFFF  }
0xac: {  	[dreg:$0x1] =	wrdreg $0xFFFFFFFF  }
0xad: {  	[dreg:$0x0] =	wrdreg $0x60  }
0xae: {  	[dreg:$0x2] =	wrdreg s24  }
0xaf: {  	[dreg:$0x3] =	wrdreg $0x1D3800  }
0xb0: {  	[dreg:$0x4] =	wrdreg $0x9  }
0xb1: {  	_ =	task.clear_ibuf [dreg:s6], $0x5FFFF;
	_ =	strace $0x90000049  }
0xb2: {  	s29 =	simm.s32 $0x9;
	_ =	strace $0x8000004B  }
0xb3: {  	_ =	swait.ge [sflag:s29], $0x1  }
0xb4: {  	[sflag:s29] =	ssyncadd.s32 $0xFFFFFFFF  }
0xb5: {  	_ =	strace $0x9000004B  }
0xb6: {  	_ =	sfence  }
0xb7: {  	s30 =	sld [smem:$0x0];
	_ =	sdelay $0x2  }
0xb8: {  	s31 =	sshll.u32 s1, $0xD;
	s1 =	sshrl.u32 s1, $0x2  }
0xb9: {  	s3 =	sand.u32 $0x4000, s31;
	s1 =	sadd.s32 s1, s30  }
0xba: {  	s0 =	sor.u32 s3, s0;
	s1 =	sshll.u32 s1, $0x11  }
0xbb: {  	s0 =	sor.u32 s1, s0  }
0xbc: {  	s0 =	sadd.s32 $0x8F2B, s0  }
0xbd: {  	[sflag:s0] =	ssyncadd.remote.s32 $0x1  }
0xbe: {  	_ =	sfence.sel $0xFFFF  }
0xbf: {  	[dreg:$0x0] =	wrdreg $0xFFFFFFFF;
	(pc) =	sbr.abs _section_cstart, $3  }
0xc0: {  	[dreg:$0x1] =	wrdreg $0xFFFFFFFF  }
0xc1: {  	_ =	task.clear_ibuf [dreg:s6], $0x2FFFF;
	_ =	strace $0x9FFFFFFF  }
0xc2: {  	(tm) =	ssettm $0x7FFFFFFF  }
0xc3: {  	_ =	shalt  }
tec
execute0_lowered:
.L_overlay_start_1:
0x0: {  	(tag) =	ssettag $0x1  }
0x1: {  	s0 =	rddreg [dreg:$0x0]  }
0x2: {  	s1 =	rddreg [dreg:$0x1];
	s3 =	simm.s32 $0x0;
	s2 =	srdreg.scid  }
0x3: {  	s17 =	stileid.u32;
	s13 =	simm.s32 $0x2;
	s28 =	simm.s32 $0x18800  }
0x4: {  	s29 =	simm.s32 $0x18B80;
	s30 =	simm.s32 $0x1AB80;
	s31 =	simm.s32 $0x1  }
0x5: {  	[smem:$0x7FF] =	sst s3;
	s4 =	sadd.s32 $0xC4600, s0;
	s6 =	smul.u32 $0x3100, s17  }
0x6: {  	s2 =	sand.u32 $0x1, s2;
	s5 =	sadd.s32 $0x1000, s0;
	s19 =	smul.u32 $0x6200, s17  }
0x7: {  	s8 =	sshll.u32 s17, $0x1;
	s20 =	sadd.s32 $0x187C00, s0;
	s15 =	smul.u32 $0xC2, s17  }
0x8: {  	_ =	strace $0x8000004A;
	s7 =	sshll.u32 s2, $0x7;
	s16 =	smul.u32 $0x61, s2  }
0x9: {  	s9 =	sor.u32 s2, s8;
	s22 =	ssub.s32 $0x2, s2;
	s2 =	smul.u32 $0xC2000, s2  }
0xa: {  	[dreg:$0x3] =	wrdreg s20;
	s6 =	sor.u32 s7, s6;
	s21 =	smul.u32 $0x61, s9  }
0xb: {  	s10 =	smin.u32 s9, $0x15;
	s11 =	sshrl.u32 s22, $0x1;
	s7 =	sshrl.u32 s19, $0x2  }
0xc: {  	p0 =	slt.u32 s9, $0x15;
	s6 =	sshrl.u32 s6, $0x3;
	s7 =	sadd.s32 s7, s1  }
0xd: {  	s13 =	simm.s32 @!p0 $0x1;
	s26 =	sadd.s32 s15, s10;
	s15 =	smul.u32 $0x184000, s17  }
0xe: {  	s19 =	sshll.u32 s10, $0xD;
	s0 =	sadd.s32 s6, s0;
	s12 =	sadd.s32 s10, s21  }
0xf: {  	s6 =	ssub.s32 s22, s11;
	s17 =	sadd.s32 $0x310, s7;
	s18 =	sadd.s32 $0x620, s7  }
0x10: {  	s20 =	sadd.s32 $0x930, s7;
	s22 =	sadd.s32 $0xC40, s7;
	[dreg:$0x8] =	wrdreg s17  }
0x11: {  	s10 =	simm.s32 $0x1CB80;
	s8 =	sshll.u32 s12, $0x1;
	[dreg:$0x9] =	wrdreg s18  }
0x12: {  	s23 =	sshll.u32 s12, $0x8;
	s0 =	sadd.s32 $0x18AE00, s0;
	[dreg:$0xa] =	wrdreg s20  }
0x13: {  	s6 =	smax.u32 s6, $0x1;
	[dreg:$0xb] =	wrdreg s22;
	s17 =	simm.s32 $0x4  }
0x14: {  	s18 =	simm.s32 $0x0;
	s24 =	sadd.s32 $0xC0, s8;
	s12 =	sadd.s32 s4, s23  }
0x15: {  	s9 =	sadd.s32 s5, s23;
	[dreg:$0x6] =	wrdreg s0;
	s25 =	smax.u32 s24, $0x1866  }
0x16: {  	s11 =	sadd.s32 $0x8, s8;
	[dreg:$0x5] =	wrdreg s9;
	s9 =	sshll.u32 s25, $0xA  }
0x17: {  	[dreg:$0x7] =	wrdreg s6;
	s14 =	sadd.s32 $0xFF9E6800, s9;
	s9 =	sadd.s32 s16, s26  }
0x18: {  	s0 =	sadd.s32 s2, s15;
	s23 =	sadd.s32 $0xF50, s7;
	s16 =	sshll.u32 s9, $0x1  }
0x19: {  	s15 =	simm.s32 $0x1CF80;
	[dreg:$0x4] =	wrdreg s12;
	s6 =	sadd.s32 $0xC0, s16  }
0x1a: {  	s12 =	simm.s32 $0x2;
	s0 =	sadd.s32 s19, s0;
	s6 =	smin.u32 s6, $0x1866  }
0x1b: {  	[dreg:$0xc] =	wrdreg s23;
	s24 =	sadd.s32 $0x1260, s7;
	s21 =	sshll.u32 s6, $0xC  }
0x1c: {  	[dreg:$0xd] =	wrdreg s24;
	s26 =	sadd.s32 $0x1570, s7;
	s0 =	ssub.s32 s0, s21  }
0x1d: {  	[dreg:$0xe] =	wrdreg s26;
	s26 =	simm.s32 $0x6;
	s25 =	sadd.s32 $0xC0000, s0  }
0x1e: {  	s9 =	simm.s32 $0x400;
	s0 =	sadd.s32 $0xC1000, s0;
	s2 =	sshra.s32 s25, $0x2  }
0x1f: {  	s16 =	simm.s32 $0x5;
	s0 =	sshra.s32 s0, $0x2;
	s2 =	sadd.s32 $0x18B80, s2  }
0x20: {  	s6 =	simm.s32 $0x1BB80;
	s0 =	sadd.s32 $0x18B80, s0;
	[dreg:$0xf] =	wrdreg s2  }
0x21: {  	v0 =	vimm.f32 $0.0e+00;
	[dreg:$0x10] =	wrdreg s0;
	s0 =	simm.s32 $0x3;
	s2 =	simm.s32 $0x19B80  }
.LBB2_1:
0x22: {  	s19 =	rddreg [dreg:$0x3]  }
0x23: {  	[tilespmem:s3], [sflag:$0x6] =	stream.linear.gather [hbm4b:s19+s3], $0x18800, $0x38;
	[tilespmem:$0x1EC00] =	vst v63  }
0x24: {  	_ =	swait.ge [sflag:s26], $0x18800  }
0x25: {  	[sflag:s26] =	ssyncset.done $0x0  }
0x26: {  	[sflag:s26] =	ssyncadd.s32 $0xFFFE7800  }
0x27: {  	[tilespmem:$0x18800] =	vst v0  }
0x28: {  	[tilespmem:$0x18810] =	vst v0  }
0x29: {  	[tilespmem:$0x18820] =	vst v0  }
0x2a: {  	[tilespmem:$0x18830] =	vst v0  }
0x2b: {  	[tilespmem:$0x18840] =	vst v0  }
0x2c: {  	[tilespmem:$0x18850] =	vst v0  }
0x2d: {  	[tilespmem:$0x18860] =	vst v0  }
0x2e: {  	[tilespmem:$0x18870] =	vst v0  }
0x2f: {  	[tilespmem:$0x18880] =	vst v0  }
0x30: {  	[tilespmem:$0x18890] =	vst v0  }
0x31: {  	[tilespmem:$0x188A0] =	vst v0  }
0x32: {  	[tilespmem:$0x188B0] =	vst v0  }
0x33: {  	[tilespmem:$0x188C0] =	vst v0  }
0x34: {  	[tilespmem:$0x188D0] =	vst v0  }
0x35: {  	[tilespmem:$0x188E0] =	vst v0  }
0x36: {  	[tilespmem:$0x188F0] =	vst v0  }
0x37: {  	[tilespmem:$0x18900] =	vst v0  }
0x38: {  	[tilespmem:$0x18910] =	vst v0  }
0x39: {  	[tilespmem:$0x18920] =	vst v0  }
0x3a: {  	[tilespmem:$0x18930] =	vst v0  }
0x3b: {  	[tilespmem:$0x18940] =	vst v0  }
0x3c: {  	[tilespmem:$0x18950] =	vst v0  }
0x3d: {  	[tilespmem:$0x18960] =	vst v0  }
0x3e: {  	[tilespmem:$0x18970] =	vst v0  }
0x3f: {  	[tilespmem:$0x18980] =	vst v0  }
0x40: {  	[tilespmem:$0x18990] =	vst v0  }
0x41: {  	[tilespmem:$0x189A0] =	vst v0  }
0x42: {  	[tilespmem:$0x189B0] =	vst v0  }
0x43: {  	[tilespmem:$0x189C0] =	vst v0  }
0x44: {  	[tilespmem:$0x189D0] =	vst v0  }
0x45: {  	[tilespmem:$0x189E0] =	vst v0  }
0x46: {  	[tilespmem:$0x189F0] =	vst v0  }
0x47: {  	[tilespmem:$0x18A00] =	vst v0  }
0x48: {  	[tilespmem:$0x18A10] =	vst v0  }
0x49: {  	[tilespmem:$0x18A20] =	vst v0  }
0x4a: {  	[tilespmem:$0x18A30] =	vst v0  }
0x4b: {  	[tilespmem:$0x18A40] =	vst v0  }
0x4c: {  	[tilespmem:$0x18A50] =	vst v0  }
0x4d: {  	[tilespmem:$0x18A60] =	vst v0  }
0x4e: {  	[tilespmem:$0x18A70] =	vst v0  }
0x4f: {  	[tilespmem:$0x18A80] =	vst v0  }
0x50: {  	[tilespmem:$0x18A90] =	vst v0  }
0x51: {  	[tilespmem:$0x18AA0] =	vst v0  }
0x52: {  	[tilespmem:$0x18AB0] =	vst v0  }
0x53: {  	[tilespmem:$0x18AC0] =	vst v0  }
0x54: {  	[tilespmem:$0x18AD0] =	vst v0  }
0x55: {  	[tilespmem:$0x18AE0] =	vst v0  }
0x56: {  	[tilespmem:$0x18AF0] =	vst v0  }
0x57: {  	[tilespmem:$0x18B00] =	vst v0  }
0x58: {  	[spmem:s7] =	stream.linear.scatter [tilespmem:s28], [sflag:$0x6], $0x310, $0x38;
	[tilespmem:$0x1EC00] =	vst v63  }
0x59: {  	_ =	swait.ge [sflag:s26], $0x310  }
0x5a: {  	[sflag:s26] =	ssyncset.done $0x0  }
0x5b: {  	s23 =	rddreg [dreg:$0x8];
	[sflag:s26] =	ssyncadd.s32 $0xFFFFFCF0  }
0x5c: {  	[spmem:s23] =	stream.linear.scatter [tilespmem:s28], [sflag:$0x6], $0x310, $0x38;
	[tilespmem:$0x1EC00] =	vst v63  }
0x5d: {  	_ =	swait.ge [sflag:s26], $0x310  }
0x5e: {  	[sflag:s26] =	ssyncset.done $0x0  }
0x5f: {  	s24 =	rddreg [dreg:$0x9];
	[sflag:s26] =	ssyncadd.s32 $0xFFFFFCF0  }
0x60: {  	[spmem:s24] =	stream.linear.scatter [tilespmem:s28], [sflag:$0x6], $0x310, $0x38;
	[tilespmem:$0x1EC00] =	vst v63  }
0x61: {  	_ =	swait.ge [sflag:s26], $0x310  }
0x62: {  	[sflag:s26] =	ssyncset.done $0x0  }
0x63: {  	s25 =	rddreg [dreg:$0xa];
	[sflag:s26] =	ssyncadd.s32 $0xFFFFFCF0  }
0x64: {  	[spmem:s25] =	stream.linear.scatter [tilespmem:s28], [sflag:$0x6], $0x310, $0x38;
	[tilespmem:$0x1EC00] =	vst v63  }
0x65: {  	_ =	swait.ge [sflag:s26], $0x310  }
0x66: {  	[sflag:s26] =	ssyncset.done $0x0  }
0x67: {  	s20 =	rddreg [dreg:$0xb];
	[sflag:s26] =	ssyncadd.s32 $0xFFFFFCF0  }
0x68: {  	[spmem:s20] =	stream.linear.scatter [tilespmem:s28], [sflag:$0x6], $0x310, $0x38;
	[tilespmem:$0x1EC00] =	vst v63  }
0x69: {  	_ =	swait.ge [sflag:s26], $0x310  }
0x6a: {  	[sflag:s26] =	ssyncset.done $0x0  }
0x6b: {  	s21 =	rddreg [dreg:$0xc];
	[sflag:s26] =	ssyncadd.s32 $0xFFFFFCF0  }
0x6c: {  	[spmem:s21] =	stream.linear.scatter [tilespmem:s28], [sflag:$0x6], $0x310, $0x38;
	[tilespmem:$0x1EC00] =	vst v63  }
0x6d: {  	_ =	swait.ge [sflag:s26], $0x310  }
0x6e: {  	[sflag:s26] =	ssyncset.done $0x0  }
0x6f: {  	s22 =	rddreg [dreg:$0xd];
	[sflag:s26] =	ssyncadd.s32 $0xFFFFFCF0  }
0x70: {  	[spmem:s22] =	stream.linear.scatter [tilespmem:s28], [sflag:$0x6], $0x310, $0x38;
	[tilespmem:$0x1EC00] =	vst v63  }
0x71: {  	_ =	swait.ge [sflag:s26], $0x310  }
0x72: {  	[sflag:s26] =	ssyncset.done $0x0  }
0x73: {  	s23 =	rddreg [dreg:$0xe];
	[sflag:s26] =	ssyncadd.s32 $0xFFFFFCF0  }
0x74: {  	[spmem:s23] =	stream.linear.scatter [tilespmem:s28], [sflag:$0x6], $0x310, $0x38;
	[tilespmem:$0x1EC00] =	vst v63  }
0x75: {  	_ =	swait.ge [sflag:s26], $0x310  }
0x76: {  	[sflag:s26] =	ssyncset.done $0x0  }
0x77: {  	[sflag:s26] =	ssyncadd.s32 $0xFFFFFCF0  }
0x78: {  	[bflag:$0x0] =	sbarrier.arrive $0xFFFF  }
0x79: {  	s24 =	rddreg [dreg:$0x4]  }
0x7a: {  	[tilespmem:s29], [sflag:$0x1] =	stream.linear.gather [hbm4b:s24+s3], $0x1000, $0x38;
	[tilespmem:$0x1EC00] =	vst v63  }
0x7b: {  	s19 =	simm.s32 $0x0;
	s25 =	rddreg [dreg:$0x5]  }
0x7c: {  	[tilespmem:s30], [sflag:$0x3] =	stream.linear.gather [hbm4b:s25+s3], $0x1000, $0x38;
	[tilespmem:$0x1EC00] =	vst v63  }
.LBB2_2:
0x7d: {  	_ =	swait.ge [sflag:s31], $0x1000  }
0x7e: {  	s20 =	sshll.u32 s19, $0x3;
	[sflag:s31] =	ssyncset.done $0x0  }
0x7f: {  	s21 =	sadd.s32 s20, s8;
	[sflag:s31] =	ssyncadd.s32 $0xFFFFF000  }
0x80: {  	s21 =	sshll.u32 s21, $0x7;
	_ =	swait.ge [sflag:s0], $0x1000  }
0x81: {  	s21 =	sadd.s32 $0x200, s21;
	[sflag:s0] =	ssyncset.done $0x0  }
0x82: {  	s24 =	simm.s32 $0x0;
	s22 =	sadd.s32 s4, s21;
	[sflag:s0] =	ssyncadd.s32 $0xFFFFF000  }
0x83: {  	[tilespmem:s2], [sflag:$0x2] =	stream.linear.gather [hbm4b:s22+s24], $0x1000, $0x38;
	[tilespmem:$0x1EC00] =	vst v63  }
0x84: {  	p1 =	por $0x0, $0x0;
	s21 =	sadd.s32 s5, s21  }
0x85: {  	[tilespmem:s6], [sflag:$0x4] =	stream.linear.gather [hbm4b:s21+s24], $0x1000, $0x38;
	[tilespmem:$0x1EC00] =	vst v63  }
.LBB2_3:
0x86: {  	s21 =	sshll.u32 s24, $0x2  }
0x87: {  	s22 =	sshra.s32 s21, $0x2  }
0x88: {  	s25 =	sadd.s32 $0x18C00, s22  }
0x89: {  	v1 =	vld [tilespmem:s25+$0x70]  }
0x8a: {  	v2 =	vld [tilespmem:s25+$0xFFFFFF90]  }
0x8b: {  	v3 =	vld [tilespmem:s25+$0xFFFFFFA0]  }
0x8c: {  	v4 =	vld [tilespmem:s25+$0xFFFFFFB0]  }
0x8d: {  	v5 =	vld [tilespmem:s25+$0xFFFFFFC0]  }
0x8e: {  	v6 =	vld [tilespmem:s25+$0xFFFFFFD0]  }
0x8f: {  	v7 =	vld [tilespmem:s25+$0xFFFFFFE0]  }
0x90: {  	v8 =	vld [tilespmem:s25+$0xFFFFFFF0]  }
0x91: {  	v9 =	vld [tilespmem:s25+$0x0]  }
0x92: {  	v10 =	vld [tilespmem:s25+$0x10]  }
0x93: {  	v11 =	vld [tilespmem:s25+$0x20]  }
0x94: {  	v12 =	vld [tilespmem:s25+$0x30]  }
0x95: {  	v13 =	vld [tilespmem:s25+$0x40]  }
0x96: {  	v14 =	vld [tilespmem:s25+$0x50]  }
0x97: {  	v15 =	vld [tilespmem:s25+$0x60]  }
0x98: {  	v16 =	vld [tilespmem:s25+$0xFFFFFF80]  }
0x99: {  	v1 =	vld.idx.msk [tilespmem:v1+s3+$0x0], $0xffff  }
0x9a: {  	v2 =	vld.idx.msk [tilespmem:v2+s3+$0x0], $0xffff  }
0x9b: {  	v3 =	vld.idx.msk [tilespmem:v3+s3+$0x0], $0xffff  }
0x9c: {  	v4 =	vld.idx.msk [tilespmem:v4+s3+$0x0], $0xffff  }
0x9d: {  	v5 =	vld.idx.msk [tilespmem:v5+s3+$0x0], $0xffff  }
0x9e: {  	s23 =	simm.s32 $0x1CC00;
	v6 =	vld.idx.msk [tilespmem:v6+s3+$0x0], $0xffff  }
0x9f: {  	v7 =	vld.idx.msk [tilespmem:v7+s3+$0x0], $0xffff;
	[tilespmem:s23+$0x70] =	vst v1  }
0xa0: {  	v8 =	vld.idx.msk [tilespmem:v8+s3+$0x0], $0xffff;
	[tilespmem:s23+$0xFFFFFF90] =	vst v2  }
0xa1: {  	v16 =	vld.idx.msk [tilespmem:v16+s3+$0x0], $0xffff;
	[tilespmem:s23+$0xFFFFFFA0] =	vst v3  }
0xa2: {  	v9 =	vld.idx.msk [tilespmem:v9+s3+$0x0], $0xffff;
	[tilespmem:s23+$0xFFFFFFB0] =	vst v4  }
0xa3: {  	[tilespmem:s23+$0xFFFFFFC0] =	vst v5;
	v1 =	vld.idx.msk [tilespmem:v10+s3+$0x0], $0xffff  }
0xa4: {  	[tilespmem:s23+$0xFFFFFFD0] =	vst v6;
	v2 =	vld.idx.msk [tilespmem:v11+s3+$0x0], $0xffff  }
0xa5: {  	[tilespmem:s23+$0xFFFFFFE0] =	vst v7;
	v3 =	vld.idx.msk [tilespmem:v12+s3+$0x0], $0xffff  }
0xa6: {  	[tilespmem:s23+$0xFFFFFFF0] =	vst v8;
	v4 =	vld.idx.msk [tilespmem:v13+s3+$0x0], $0xffff  }
0xa7: {  	[tilespmem:s23+$0xFFFFFF80] =	vst v16;
	v5 =	vld.idx.msk [tilespmem:v14+s3+$0x0], $0xffff  }
0xa8: {  	p0 =	por p1, p1;
	s21 =	simm.s32 $0x0;
	s25 =	sadd.s32 $0x100, s25;
	[tilespmem:s23+$0x0] =	vst v9;
	v6 =	vld.idx.msk [tilespmem:v15+s3+$0x0], $0xffff  }
.LBB2_4:
0xa9: {  	v7 =	vld [tilespmem:s25+$0x70];
	s21 =	sadd.s32 $0x10, s21;
	[tilespmem:s23+$0x10] =	vst v1  }
0xaa: {  	v1 =	vld [tilespmem:s25+$0xFFFFFF90];
	p1 =	slt.u32 s21, $0x30;
	[tilespmem:s23+$0x20] =	vst v2  }
0xab: {  	v2 =	vld [tilespmem:s25+$0xFFFFFFA0];
	[tilespmem:s23+$0x30] =	vst v3  }
0xac: {  	v3 =	vld [tilespmem:s25+$0xFFFFFFB0];
	[tilespmem:s23+$0x40] =	vst v4  }
0xad: {  	v4 =	vld [tilespmem:s25+$0xFFFFFFC0];
	[tilespmem:s23+$0x50] =	vst v5  }
0xae: {  	v5 =	vld [tilespmem:s25+$0xFFFFFFD0];
	[tilespmem:s23+$0x60] =	vst v6  }
0xaf: {  	v6 =	vld [tilespmem:s25+$0xFFFFFFE0]  }
0xb0: {  	v8 =	vld [tilespmem:s25+$0xFFFFFFF0]  }
0xb1: {  	v7 =	vld.idx.msk [tilespmem:v7+s3+$0x0], $0xffff  }
0xb2: {  	v9 =	vld [tilespmem:s25+$0x0]  }
0xb3: {  	v10 =	vld [tilespmem:s25+$0x10]  }
0xb4: {  	v11 =	vld [tilespmem:s25+$0x20]  }
0xb5: {  	v12 =	vld [tilespmem:s25+$0x30]  }
0xb6: {  	s23 =	sadd.s32 $0x100, s23;
	v13 =	vld [tilespmem:s25+$0x40]  }
0xb7: {  	v14 =	vld [tilespmem:s25+$0x50];
	[tilespmem:s23+$0x70] =	vst v7  }
0xb8: {  	v7 =	vld [tilespmem:s25+$0x60]  }
0xb9: {  	v15 =	vld [tilespmem:s25+$0xFFFFFF80]  }
0xba: {  	v1 =	vld.idx.msk [tilespmem:v1+s3+$0x0], $0xffff  }
0xbb: {  	v2 =	vld.idx.msk [tilespmem:v2+s3+$0x0], $0xffff  }
0xbc: {  	v3 =	vld.idx.msk [tilespmem:v3+s3+$0x0], $0xffff  }
0xbd: {  	v4 =	vld.idx.msk [tilespmem:v4+s3+$0x0], $0xffff  }
0xbe: {  	v5 =	vld.idx.msk [tilespmem:v5+s3+$0x0], $0xffff  }
0xbf: {  	v6 =	vld.idx.msk [tilespmem:v6+s3+$0x0], $0xffff  }
0xc0: {  	[tilespmem:s23+$0xFFFFFF90] =	vst v1;
	v8 =	vld.idx.msk [tilespmem:v8+s3+$0x0], $0xffff  }
0xc1: {  	v15 =	vld.idx.msk [tilespmem:v15+s3+$0x0], $0xffff;
	[tilespmem:s23+$0xFFFFFFA0] =	vst v2  }
0xc2: {  	[tilespmem:s23+$0xFFFFFFB0] =	vst v3;
	v9 =	vld.idx.msk [tilespmem:v9+s3+$0x0], $0xffff  }
0xc3: {  	[tilespmem:s23+$0xFFFFFFC0] =	vst v4;
	v1 =	vld.idx.msk [tilespmem:v10+s3+$0x0], $0xffff  }
.Ltmp0:
0xc4: {  	[tilespmem:s23+$0xFFFFFFD0] =	vst v5;
	v2 =	vld.idx.msk [tilespmem:v11+s3+$0x0], $0xffff;
	(pc) =	sbr.rel @p1 .LBB2_4-.Ltmp0, $4  }
0xc5: {  	[tilespmem:s23+$0xFFFFFFE0] =	vst v6;
	v3 =	vld.idx.msk [tilespmem:v12+s3+$0x0], $0xffff  }
0xc6: {  	[tilespmem:s23+$0xFFFFFFF0] =	vst v8;
	v4 =	vld.idx.msk [tilespmem:v13+s3+$0x0], $0xffff  }
0xc7: {  	[tilespmem:s23+$0xFFFFFF80] =	vst v15;
	v5 =	vld.idx.msk [tilespmem:v14+s3+$0x0], $0xffff  }
0xc8: {  	s25 =	sadd.s32 $0x100, s25;
	[tilespmem:s23+$0x0] =	vst v9;
	v6 =	vld.idx.msk [tilespmem:v7+s3+$0x0], $0xffff  }
0xc9: {  	[tilespmem:s23+$0x10] =	vst v1  }
0xca: {  	[tilespmem:s23+$0x20] =	vst v2  }
0xcb: {  	[tilespmem:s23+$0x30] =	vst v3  }
0xcc: {  	[tilespmem:s23+$0x40] =	vst v4  }
0xcd: {  	[tilespmem:s23+$0x50] =	vst v5  }
0xce: {  	s21 =	sadd.s32 $0x1AB80, s24;
	s25 =	sadd.s32 $0x19070, s22;
	[tilespmem:s23+$0x60] =	vst v6  }
0xcf: {  	[spmem:s1] =	stream.indirect.scatter.add.f32 [tilespmem:s10], [sflag:$0x5], $0x1, s21, s9, $0xb8;
	[tilespmem:$0x1EC00] =	vst v63  }
0xd0: {  	v1 =	vld [tilespmem:s25+$0x0]  }
0xd1: {  	v2 =	vld [tilespmem:s25+$0xFFFFFF20]  }
0xd2: {  	v3 =	vld [tilespmem:s25+$0xFFFFFF30]  }
0xd3: {  	v4 =	vld [tilespmem:s25+$0xFFFFFF40]  }
0xd4: {  	v5 =	vld [tilespmem:s25+$0xFFFFFF50]  }
0xd5: {  	v6 =	vld [tilespmem:s25+$0xFFFFFF60]  }
0xd6: {  	v7 =	vld [tilespmem:s25+$0xFFFFFF70]  }
0xd7: {  	v8 =	vld [tilespmem:s25+$0xFFFFFF80]  }
0xd8: {  	v9 =	vld [tilespmem:s25+$0xFFFFFF90]  }
0xd9: {  	v10 =	vld [tilespmem:s25+$0xFFFFFFA0]  }
0xda: {  	v11 =	vld [tilespmem:s25+$0xFFFFFFB0]  }
0xdb: {  	v12 =	vld [tilespmem:s25+$0xFFFFFFC0]  }
0xdc: {  	v13 =	vld [tilespmem:s25+$0xFFFFFFD0]  }
0xdd: {  	v14 =	vld [tilespmem:s25+$0xFFFFFFE0]  }
0xde: {  	v15 =	vld [tilespmem:s25+$0xFFFFFFF0]  }
0xdf: {  	v16 =	vld [tilespmem:s25+$0xFFFFFF10]  }
0xe0: {  	v1 =	vld.idx.msk [tilespmem:v1+s3+$0x0], $0xffff  }
0xe1: {  	v2 =	vld.idx.msk [tilespmem:v2+s3+$0x0], $0xffff  }
0xe2: {  	v3 =	vld.idx.msk [tilespmem:v3+s3+$0x0], $0xffff  }
0xe3: {  	v4 =	vld.idx.msk [tilespmem:v4+s3+$0x0], $0xffff  }
0xe4: {  	v5 =	vld.idx.msk [tilespmem:v5+s3+$0x0], $0xffff  }
0xe5: {  	s22 =	simm.s32 $0x1D000;
	v6 =	vld.idx.msk [tilespmem:v6+s3+$0x0], $0xffff  }
0xe6: {  	v7 =	vld.idx.msk [tilespmem:v7+s3+$0x0], $0xffff;
	[tilespmem:s22+$0x70] =	vst v1  }
0xe7: {  	v8 =	vld.idx.msk [tilespmem:v8+s3+$0x0], $0xffff;
	[tilespmem:s22+$0xFFFFFF90] =	vst v2  }
0xe8: {  	v16 =	vld.idx.msk [tilespmem:v16+s3+$0x0], $0xffff;
	[tilespmem:s22+$0xFFFFFFA0] =	vst v3  }
0xe9: {  	v9 =	vld.idx.msk [tilespmem:v9+s3+$0x0], $0xffff;
	[tilespmem:s22+$0xFFFFFFB0] =	vst v4  }
0xea: {  	[tilespmem:s22+$0xFFFFFFC0] =	vst v5;
	v1 =	vld.idx.msk [tilespmem:v10+s3+$0x0], $0xffff  }
0xeb: {  	[tilespmem:s22+$0xFFFFFFD0] =	vst v6;
	v2 =	vld.idx.msk [tilespmem:v11+s3+$0x0], $0xffff  }
0xec: {  	[tilespmem:s22+$0xFFFFFFE0] =	vst v7;
	v3 =	vld.idx.msk [tilespmem:v12+s3+$0x0], $0xffff  }
0xed: {  	[tilespmem:s22+$0xFFFFFFF0] =	vst v8;
	v4 =	vld.idx.msk [tilespmem:v13+s3+$0x0], $0xffff  }
0xee: {  	[tilespmem:s22+$0xFFFFFF80] =	vst v16;
	v5 =	vld.idx.msk [tilespmem:v14+s3+$0x0], $0xffff  }
0xef: {  	s23 =	sor.u32 $0x400, s24;
	s24 =	sadd.s32 $0x100, s25;
	s21 =	simm.s32 $0x0;
	[tilespmem:s22+$0x0] =	vst v9;
	v6 =	vld.idx.msk [tilespmem:v15+s3+$0x0], $0xffff  }
.LBB2_6:
0xf0: {  	v7 =	vld [tilespmem:s24+$0x0];
	s21 =	sadd.s32 $0x10, s21;
	[tilespmem:s22+$0x10] =	vst v1  }
0xf1: {  	v1 =	vld [tilespmem:s24+$0xFFFFFF20];
	p1 =	slt.u32 s21, $0x30;
	[tilespmem:s22+$0x20] =	vst v2  }
0xf2: {  	v2 =	vld [tilespmem:s24+$0xFFFFFF30];
	[tilespmem:s22+$0x30] =	vst v3  }
0xf3: {  	v3 =	vld [tilespmem:s24+$0xFFFFFF40];
	[tilespmem:s22+$0x40] =	vst v4  }
0xf4: {  	v4 =	vld [tilespmem:s24+$0xFFFFFF50];
	[tilespmem:s22+$0x50] =	vst v5  }
0xf5: {  	v5 =	vld [tilespmem:s24+$0xFFFFFF60];
	[tilespmem:s22+$0x60] =	vst v6  }
0xf6: {  	v6 =	vld [tilespmem:s24+$0xFFFFFF70]  }
0xf7: {  	v8 =	vld [tilespmem:s24+$0xFFFFFF80]  }
0xf8: {  	v7 =	vld.idx.msk [tilespmem:v7+s3+$0x0], $0xffff  }
0xf9: {  	v9 =	vld [tilespmem:s24+$0xFFFFFF90]  }
0xfa: {  	v10 =	vld [tilespmem:s24+$0xFFFFFFA0]  }
0xfb: {  	v11 =	vld [tilespmem:s24+$0xFFFFFFB0]  }
0xfc: {  	v12 =	vld [tilespmem:s24+$0xFFFFFFC0]  }
0xfd: {  	s22 =	sadd.s32 $0x100, s22;
	v13 =	vld [tilespmem:s24+$0xFFFFFFD0]  }
0xfe: {  	v14 =	vld [tilespmem:s24+$0xFFFFFFE0];
	[tilespmem:s22+$0x70] =	vst v7  }
0xff: {  	v7 =	vld [tilespmem:s24+$0xFFFFFFF0]  }
0x100: {  	v15 =	vld [tilespmem:s24+$0xFFFFFF10]  }
0x101: {  	v1 =	vld.idx.msk [tilespmem:v1+s3+$0x0], $0xffff  }
0x102: {  	v2 =	vld.idx.msk [tilespmem:v2+s3+$0x0], $0xffff  }
0x103: {  	v3 =	vld.idx.msk [tilespmem:v3+s3+$0x0], $0xffff  }
0x104: {  	v4 =	vld.idx.msk [tilespmem:v4+s3+$0x0], $0xffff  }
0x105: {  	v5 =	vld.idx.msk [tilespmem:v5+s3+$0x0], $0xffff  }
0x106: {  	v6 =	vld.idx.msk [tilespmem:v6+s3+$0x0], $0xffff  }
0x107: {  	[tilespmem:s22+$0xFFFFFF90] =	vst v1;
	v8 =	vld.idx.msk [tilespmem:v8+s3+$0x0], $0xffff  }
0x108: {  	v15 =	vld.idx.msk [tilespmem:v15+s3+$0x0], $0xffff;
	[tilespmem:s22+$0xFFFFFFA0] =	vst v2  }
0x109: {  	[tilespmem:s22+$0xFFFFFFB0] =	vst v3;
	v9 =	vld.idx.msk [tilespmem:v9+s3+$0x0], $0xffff  }
0x10a: {  	[tilespmem:s22+$0xFFFFFFC0] =	vst v4;
	v1 =	vld.idx.msk [tilespmem:v10+s3+$0x0], $0xffff  }
.Ltmp1:
0x10b: {  	[tilespmem:s22+$0xFFFFFFD0] =	vst v5;
	v2 =	vld.idx.msk [tilespmem:v11+s3+$0x0], $0xffff;
	(pc) =	sbr.rel @p1 .LBB2_6-.Ltmp1, $4  }
0x10c: {  	[tilespmem:s22+$0xFFFFFFE0] =	vst v6;
	v3 =	vld.idx.msk [tilespmem:v12+s3+$0x0], $0xffff  }
0x10d: {  	[tilespmem:s22+$0xFFFFFFF0] =	vst v8;
	v4 =	vld.idx.msk [tilespmem:v13+s3+$0x0], $0xffff  }
0x10e: {  	[tilespmem:s22+$0xFFFFFF80] =	vst v15;
	v5 =	vld.idx.msk [tilespmem:v14+s3+$0x0], $0xffff  }
0x10f: {  	s24 =	sadd.s32 $0x100, s24;
	[tilespmem:s22+$0x0] =	vst v9;
	v6 =	vld.idx.msk [tilespmem:v7+s3+$0x0], $0xffff  }
0x110: {  	[tilespmem:s22+$0x10] =	vst v1  }
0x111: {  	[tilespmem:s22+$0x20] =	vst v2  }
0x112: {  	[tilespmem:s22+$0x30] =	vst v3  }
0x113: {  	[tilespmem:s22+$0x40] =	vst v4  }
0x114: {  	[tilespmem:s22+$0x50] =	vst v5  }
0x115: {  	s21 =	sadd.s32 $0x1AB80, s23;
	[tilespmem:s22+$0x60] =	vst v6  }
0x116: {  	[spmem:s1] =	stream.indirect.scatter.add.f32 [tilespmem:s15], [sflag:$0x5], $0x1, s21, s9, $0xb8;
	[tilespmem:$0x1EC00] =	vst v63  }
0x117: {  	_ =	swait.ge [sflag:s16], $0x400  }
.Ltmp2:
0x118: {  	[sflag:s16] =	ssyncset.done $0x0;
	(pc) =	sbr.rel @!p0 .LBB2_3-.Ltmp2, $4  }
0x119: {  	[sflag:s16] =	ssyncadd.s32 $0xFFFFFC00  }
0x11a: {  	_ =	swait.ge [sflag:s16], $0x400  }
0x11b: {  	[sflag:s16] =	ssyncset.done $0x0  }
0x11c: {  	s24 =	simm.s32 $0x800;
	p1 =	por $0x1, $0x1;
	[sflag:s16] =	ssyncadd.s32 $0xFFFFFC00  }
0x11d: {  	_ =	swait.ge [sflag:s12], $0x1000  }
0x11e: {  	s20 =	sadd.s32 s20, s11;
	[sflag:s12] =	ssyncset.done $0x0  }
0x11f: {  	p0 =	slt.s32 s20, $0x1866;
	[sflag:s12] =	ssyncadd.s32 $0xFFFFF000  }
0x120: {  	s20 =	simm.s32 @!p0 $0x1866;
	_ =	swait.ge [sflag:s17], $0x1000  }
0x121: {  	s21 =	sshll.u32 s20, $0x7;
	[sflag:s17] =	ssyncset.done $0x0  }
0x122: {  	s20 =	simm.s32 $0x0;
	s22 =	sadd.s32 s4, s21;
	[sflag:s17] =	ssyncadd.s32 $0xFFFFF000  }
0x123: {  	[tilespmem:s29], [sflag:$0x1] =	stream.linear.gather [hbm4b:s22+s20], $0x1000, $0x38;
	[tilespmem:$0x1EC00] =	vst v63  }
0x124: {  	p1 =	por $0x0, $0x0;
	s21 =	sadd.s32 s5, s21  }
0x125: {  	[tilespmem:s30], [sflag:$0x3] =	stream.linear.gather [hbm4b:s21+s20], $0x1000, $0x38;
	[tilespmem:$0x1EC00] =	vst v63  }
.LBB2_9:
0x126: {  	s21 =	sshll.u32 s20, $0x2  }
0x127: {  	s22 =	sshra.s32 s21, $0x2  }
0x128: {  	s24 =	sadd.s32 $0x19C00, s22  }
0x129: {  	v1 =	vld [tilespmem:s24+$0x70]  }
0x12a: {  	v2 =	vld [tilespmem:s24+$0xFFFFFF90]  }
0x12b: {  	v3 =	vld [tilespmem:s24+$0xFFFFFFA0]  }
0x12c: {  	v4 =	vld [tilespmem:s24+$0xFFFFFFB0]  }
0x12d: {  	v5 =	vld [tilespmem:s24+$0xFFFFFFC0]  }
0x12e: {  	v6 =	vld [tilespmem:s24+$0xFFFFFFD0]  }
0x12f: {  	v7 =	vld [tilespmem:s24+$0xFFFFFFE0]  }
0x130: {  	v8 =	vld [tilespmem:s24+$0xFFFFFFF0]  }
0x131: {  	v9 =	vld [tilespmem:s24+$0x0]  }
0x132: {  	v10 =	vld [tilespmem:s24+$0x10]  }
0x133: {  	v11 =	vld [tilespmem:s24+$0x20]  }
0x134: {  	v12 =	vld [tilespmem:s24+$0x30]  }
0x135: {  	v13 =	vld [tilespmem:s24+$0x40]  }
0x136: {  	v14 =	vld [tilespmem:s24+$0x50]  }
0x137: {  	v15 =	vld [tilespmem:s24+$0x60]  }
0x138: {  	v16 =	vld [tilespmem:s24+$0xFFFFFF80]  }
0x139: {  	v1 =	vld.idx.msk [tilespmem:v1+s3+$0x0], $0xffff  }
0x13a: {  	v2 =	vld.idx.msk [tilespmem:v2+s3+$0x0], $0xffff  }
0x13b: {  	v3 =	vld.idx.msk [tilespmem:v3+s3+$0x0], $0xffff  }
0x13c: {  	v4 =	vld.idx.msk [tilespmem:v4+s3+$0x0], $0xffff  }
0x13d: {  	v5 =	vld.idx.msk [tilespmem:v5+s3+$0x0], $0xffff  }
0x13e: {  	s23 =	simm.s32 $0x1CC00;
	v6 =	vld.idx.msk [tilespmem:v6+s3+$0x0], $0xffff  }
0x13f: {  	v7 =	vld.idx.msk [tilespmem:v7+s3+$0x0], $0xffff;
	[tilespmem:s23+$0x70] =	vst v1  }
0x140: {  	v8 =	vld.idx.msk [tilespmem:v8+s3+$0x0], $0xffff;
	[tilespmem:s23+$0xFFFFFF90] =	vst v2  }
0x141: {  	v16 =	vld.idx.msk [tilespmem:v16+s3+$0x0], $0xffff;
	[tilespmem:s23+$0xFFFFFFA0] =	vst v3  }
0x142: {  	v9 =	vld.idx.msk [tilespmem:v9+s3+$0x0], $0xffff;
	[tilespmem:s23+$0xFFFFFFB0] =	vst v4  }
0x143: {  	[tilespmem:s23+$0xFFFFFFC0] =	vst v5;
	v1 =	vld.idx.msk [tilespmem:v10+s3+$0x0], $0xffff  }
0x144: {  	[tilespmem:s23+$0xFFFFFFD0] =	vst v6;
	v2 =	vld.idx.msk [tilespmem:v11+s3+$0x0], $0xffff  }
0x145: {  	[tilespmem:s23+$0xFFFFFFE0] =	vst v7;
	v3 =	vld.idx.msk [tilespmem:v12+s3+$0x0], $0xffff  }
0x146: {  	[tilespmem:s23+$0xFFFFFFF0] =	vst v8;
	v4 =	vld.idx.msk [tilespmem:v13+s3+$0x0], $0xffff  }
0x147: {  	[tilespmem:s23+$0xFFFFFF80] =	vst v16;
	v5 =	vld.idx.msk [tilespmem:v14+s3+$0x0], $0xffff  }
0x148: {  	p0 =	por p1, p1;
	s21 =	simm.s32 $0x0;
	s24 =	sadd.s32 $0x100, s24;
	[tilespmem:s23+$0x0] =	vst v9;
	v6 =	vld.idx.msk [tilespmem:v15+s3+$0x0], $0xffff  }
.LBB2_10:
0x149: {  	v7 =	vld [tilespmem:s24+$0x70];
	s21 =	sadd.s32 $0x10, s21;
	[tilespmem:s23+$0x10] =	vst v1  }
0x14a: {  	v1 =	vld [tilespmem:s24+$0xFFFFFF90];
	p1 =	slt.u32 s21, $0x30;
	[tilespmem:s23+$0x20] =	vst v2  }
0x14b: {  	v2 =	vld [tilespmem:s24+$0xFFFFFFA0];
	[tilespmem:s23+$0x30] =	vst v3  }
0x14c: {  	v3 =	vld [tilespmem:s24+$0xFFFFFFB0];
	[tilespmem:s23+$0x40] =	vst v4  }
0x14d: {  	v4 =	vld [tilespmem:s24+$0xFFFFFFC0];
	[tilespmem:s23+$0x50] =	vst v5  }
0x14e: {  	v5 =	vld [tilespmem:s24+$0xFFFFFFD0];
	[tilespmem:s23+$0x60] =	vst v6  }
0x14f: {  	v6 =	vld [tilespmem:s24+$0xFFFFFFE0]  }
0x150: {  	v8 =	vld [tilespmem:s24+$0xFFFFFFF0]  }
0x151: {  	v7 =	vld.idx.msk [tilespmem:v7+s3+$0x0], $0xffff  }
0x152: {  	v9 =	vld [tilespmem:s24+$0x0]  }
0x153: {  	v10 =	vld [tilespmem:s24+$0x10]  }
0x154: {  	v11 =	vld [tilespmem:s24+$0x20]  }
0x155: {  	v12 =	vld [tilespmem:s24+$0x30]  }
0x156: {  	s23 =	sadd.s32 $0x100, s23;
	v13 =	vld [tilespmem:s24+$0x40]  }
0x157: {  	v14 =	vld [tilespmem:s24+$0x50];
	[tilespmem:s23+$0x70] =	vst v7  }
0x158: {  	v7 =	vld [tilespmem:s24+$0x60]  }
0x159: {  	v15 =	vld [tilespmem:s24+$0xFFFFFF80]  }
0x15a: {  	v1 =	vld.idx.msk [tilespmem:v1+s3+$0x0], $0xffff  }
0x15b: {  	v2 =	vld.idx.msk [tilespmem:v2+s3+$0x0], $0xffff  }
0x15c: {  	v3 =	vld.idx.msk [tilespmem:v3+s3+$0x0], $0xffff  }
0x15d: {  	v4 =	vld.idx.msk [tilespmem:v4+s3+$0x0], $0xffff  }
0x15e: {  	v5 =	vld.idx.msk [tilespmem:v5+s3+$0x0], $0xffff  }
0x15f: {  	v6 =	vld.idx.msk [tilespmem:v6+s3+$0x0], $0xffff  }
0x160: {  	[tilespmem:s23+$0xFFFFFF90] =	vst v1;
	v8 =	vld.idx.msk [tilespmem:v8+s3+$0x0], $0xffff  }
0x161: {  	v15 =	vld.idx.msk [tilespmem:v15+s3+$0x0], $0xffff;
	[tilespmem:s23+$0xFFFFFFA0] =	vst v2  }
0x162: {  	[tilespmem:s23+$0xFFFFFFB0] =	vst v3;
	v9 =	vld.idx.msk [tilespmem:v9+s3+$0x0], $0xffff  }
0x163: {  	[tilespmem:s23+$0xFFFFFFC0] =	vst v4;
	v1 =	vld.idx.msk [tilespmem:v10+s3+$0x0], $0xffff  }
.Ltmp3:
0x164: {  	[tilespmem:s23+$0xFFFFFFD0] =	vst v5;
	v2 =	vld.idx.msk [tilespmem:v11+s3+$0x0], $0xffff;
	(pc) =	sbr.rel @p1 .LBB2_10-.Ltmp3, $4  }
0x165: {  	[tilespmem:s23+$0xFFFFFFE0] =	vst v6;
	v3 =	vld.idx.msk [tilespmem:v12+s3+$0x0], $0xffff  }
0x166: {  	[tilespmem:s23+$0xFFFFFFF0] =	vst v8;
	v4 =	vld.idx.msk [tilespmem:v13+s3+$0x0], $0xffff  }
0x167: {  	[tilespmem:s23+$0xFFFFFF80] =	vst v15;
	v5 =	vld.idx.msk [tilespmem:v14+s3+$0x0], $0xffff  }
0x168: {  	s24 =	sadd.s32 $0x100, s24;
	[tilespmem:s23+$0x0] =	vst v9;
	v6 =	vld.idx.msk [tilespmem:v7+s3+$0x0], $0xffff  }
0x169: {  	[tilespmem:s23+$0x10] =	vst v1  }
0x16a: {  	[tilespmem:s23+$0x20] =	vst v2  }
0x16b: {  	[tilespmem:s23+$0x30] =	vst v3  }
0x16c: {  	[tilespmem:s23+$0x40] =	vst v4  }
0x16d: {  	[tilespmem:s23+$0x50] =	vst v5  }
0x16e: {  	s21 =	sadd.s32 $0x1BB80, s20;
	s25 =	sadd.s32 $0x1A070, s22;
	[tilespmem:s23+$0x60] =	vst v6  }
0x16f: {  	[spmem:s1] =	stream.indirect.scatter.add.f32 [tilespmem:s10], [sflag:$0x5], $0x1, s21, s9, $0xb8;
	[tilespmem:$0x1EC00] =	vst v63  }
0x170: {  	v1 =	vld [tilespmem:s25+$0x0]  }
0x171: {  	v2 =	vld [tilespmem:s25+$0xFFFFFF20]  }
0x172: {  	v3 =	vld [tilespmem:s25+$0xFFFFFF30]  }
0x173: {  	v4 =	vld [tilespmem:s25+$0xFFFFFF40]  }
0x174: {  	v5 =	vld [tilespmem:s25+$0xFFFFFF50]  }
0x175: {  	v6 =	vld [tilespmem:s25+$0xFFFFFF60]  }
0x176: {  	v7 =	vld [tilespmem:s25+$0xFFFFFF70]  }
0x177: {  	v8 =	vld [tilespmem:s25+$0xFFFFFF80]  }
0x178: {  	v9 =	vld [tilespmem:s25+$0xFFFFFF90]  }
0x179: {  	v10 =	vld [tilespmem:s25+$0xFFFFFFA0]  }
0x17a: {  	v11 =	vld [tilespmem:s25+$0xFFFFFFB0]  }
0x17b: {  	v12 =	vld [tilespmem:s25+$0xFFFFFFC0]  }
0x17c: {  	v13 =	vld [tilespmem:s25+$0xFFFFFFD0]  }
0x17d: {  	v14 =	vld [tilespmem:s25+$0xFFFFFFE0]  }
0x17e: {  	v15 =	vld [tilespmem:s25+$0xFFFFFFF0]  }
0x17f: {  	v16 =	vld [tilespmem:s25+$0xFFFFFF10]  }
0x180: {  	v1 =	vld.idx.msk [tilespmem:v1+s3+$0x0], $0xffff  }
0x181: {  	v2 =	vld.idx.msk [tilespmem:v2+s3+$0x0], $0xffff  }
0x182: {  	v3 =	vld.idx.msk [tilespmem:v3+s3+$0x0], $0xffff  }
0x183: {  	v4 =	vld.idx.msk [tilespmem:v4+s3+$0x0], $0xffff  }
0x184: {  	v5 =	vld.idx.msk [tilespmem:v5+s3+$0x0], $0xffff  }
0x185: {  	s22 =	simm.s32 $0x1D000;
	v6 =	vld.idx.msk [tilespmem:v6+s3+$0x0], $0xffff  }
0x186: {  	v7 =	vld.idx.msk [tilespmem:v7+s3+$0x0], $0xffff;
	[tilespmem:s22+$0x70] =	vst v1  }
0x187: {  	v8 =	vld.idx.msk [tilespmem:v8+s3+$0x0], $0xffff;
	[tilespmem:s22+$0xFFFFFF90] =	vst v2  }
0x188: {  	v16 =	vld.idx.msk [tilespmem:v16+s3+$0x0], $0xffff;
	[tilespmem:s22+$0xFFFFFFA0] =	vst v3  }
0x189: {  	v9 =	vld.idx.msk [tilespmem:v9+s3+$0x0], $0xffff;
	[tilespmem:s22+$0xFFFFFFB0] =	vst v4  }
0x18a: {  	[tilespmem:s22+$0xFFFFFFC0] =	vst v5;
	v1 =	vld.idx.msk [tilespmem:v10+s3+$0x0], $0xffff  }
0x18b: {  	[tilespmem:s22+$0xFFFFFFD0] =	vst v6;
	v2 =	vld.idx.msk [tilespmem:v11+s3+$0x0], $0xffff  }
0x18c: {  	[tilespmem:s22+$0xFFFFFFE0] =	vst v7;
	v3 =	vld.idx.msk [tilespmem:v12+s3+$0x0], $0xffff  }
0x18d: {  	[tilespmem:s22+$0xFFFFFFF0] =	vst v8;
	v4 =	vld.idx.msk [tilespmem:v13+s3+$0x0], $0xffff  }
0x18e: {  	[tilespmem:s22+$0xFFFFFF80] =	vst v16;
	v5 =	vld.idx.msk [tilespmem:v14+s3+$0x0], $0xffff  }
0x18f: {  	s20 =	sor.u32 $0x400, s20;
	s23 =	sadd.s32 $0x100, s25;
	s21 =	simm.s32 $0x0;
	[tilespmem:s22+$0x0] =	vst v9;
	v6 =	vld.idx.msk [tilespmem:v15+s3+$0x0], $0xffff  }
.LBB2_12:
0x190: {  	v7 =	vld [tilespmem:s23+$0x0];
	s21 =	sadd.s32 $0x10, s21;
	[tilespmem:s22+$0x10] =	vst v1  }
0x191: {  	v1 =	vld [tilespmem:s23+$0xFFFFFF20];
	p1 =	slt.u32 s21, $0x30;
	[tilespmem:s22+$0x20] =	vst v2  }
0x192: {  	v2 =	vld [tilespmem:s23+$0xFFFFFF30];
	[tilespmem:s22+$0x30] =	vst v3  }
0x193: {  	v3 =	vld [tilespmem:s23+$0xFFFFFF40];
	[tilespmem:s22+$0x40] =	vst v4  }
0x194: {  	v4 =	vld [tilespmem:s23+$0xFFFFFF50];
	[tilespmem:s22+$0x50] =	vst v5  }
0x195: {  	v5 =	vld [tilespmem:s23+$0xFFFFFF60];
	[tilespmem:s22+$0x60] =	vst v6  }
0x196: {  	v6 =	vld [tilespmem:s23+$0xFFFFFF70]  }
0x197: {  	v8 =	vld [tilespmem:s23+$0xFFFFFF80]  }
0x198: {  	v7 =	vld.idx.msk [tilespmem:v7+s3+$0x0], $0xffff  }
0x199: {  	v9 =	vld [tilespmem:s23+$0xFFFFFF90]  }
0x19a: {  	v10 =	vld [tilespmem:s23+$0xFFFFFFA0]  }
0x19b: {  	v11 =	vld [tilespmem:s23+$0xFFFFFFB0]  }
0x19c: {  	v12 =	vld [tilespmem:s23+$0xFFFFFFC0]  }
0x19d: {  	s22 =	sadd.s32 $0x100, s22;
	v13 =	vld [tilespmem:s23+$0xFFFFFFD0]  }
0x19e: {  	v14 =	vld [tilespmem:s23+$0xFFFFFFE0];
	[tilespmem:s22+$0x70] =	vst v7  }
0x19f: {  	v7 =	vld [tilespmem:s23+$0xFFFFFFF0]  }
0x1a0: {  	v15 =	vld [tilespmem:s23+$0xFFFFFF10]  }
0x1a1: {  	v1 =	vld.idx.msk [tilespmem:v1+s3+$0x0], $0xffff  }
0x1a2: {  	v2 =	vld.idx.msk [tilespmem:v2+s3+$0x0], $0xffff  }
0x1a3: {  	v3 =	vld.idx.msk [tilespmem:v3+s3+$0x0], $0xffff  }
0x1a4: {  	v4 =	vld.idx.msk [tilespmem:v4+s3+$0x0], $0xffff  }
0x1a5: {  	v5 =	vld.idx.msk [tilespmem:v5+s3+$0x0], $0xffff  }
0x1a6: {  	v6 =	vld.idx.msk [tilespmem:v6+s3+$0x0], $0xffff  }
0x1a7: {  	[tilespmem:s22+$0xFFFFFF90] =	vst v1;
	v8 =	vld.idx.msk [tilespmem:v8+s3+$0x0], $0xffff  }
0x1a8: {  	v15 =	vld.idx.msk [tilespmem:v15+s3+$0x0], $0xffff;
	[tilespmem:s22+$0xFFFFFFA0] =	vst v2  }
0x1a9: {  	[tilespmem:s22+$0xFFFFFFB0] =	vst v3;
	v9 =	vld.idx.msk [tilespmem:v9+s3+$0x0], $0xffff  }
0x1aa: {  	[tilespmem:s22+$0xFFFFFFC0] =	vst v4;
	v1 =	vld.idx.msk [tilespmem:v10+s3+$0x0], $0xffff  }
.Ltmp4:
0x1ab: {  	[tilespmem:s22+$0xFFFFFFD0] =	vst v5;
	v2 =	vld.idx.msk [tilespmem:v11+s3+$0x0], $0xffff;
	(pc) =	sbr.rel @p1 .LBB2_12-.Ltmp4, $4  }
0x1ac: {  	[tilespmem:s22+$0xFFFFFFE0] =	vst v6;
	v3 =	vld.idx.msk [tilespmem:v12+s3+$0x0], $0xffff  }
0x1ad: {  	[tilespmem:s22+$0xFFFFFFF0] =	vst v8;
	v4 =	vld.idx.msk [tilespmem:v13+s3+$0x0], $0xffff  }
0x1ae: {  	[tilespmem:s22+$0xFFFFFF80] =	vst v15;
	v5 =	vld.idx.msk [tilespmem:v14+s3+$0x0], $0xffff  }
0x1af: {  	s23 =	sadd.s32 $0x100, s23;
	[tilespmem:s22+$0x0] =	vst v9;
	v6 =	vld.idx.msk [tilespmem:v7+s3+$0x0], $0xffff  }
0x1b0: {  	[tilespmem:s22+$0x10] =	vst v1  }
0x1b1: {  	[tilespmem:s22+$0x20] =	vst v2  }
0x1b2: {  	[tilespmem:s22+$0x30] =	vst v3  }
0x1b3: {  	[tilespmem:s22+$0x40] =	vst v4  }
0x1b4: {  	[tilespmem:s22+$0x50] =	vst v5  }
0x1b5: {  	s20 =	sadd.s32 $0x1BB80, s20;
	[tilespmem:s22+$0x60] =	vst v6  }
0x1b6: {  	[spmem:s1] =	stream.indirect.scatter.add.f32 [tilespmem:s15], [sflag:$0x5], $0x1, s20, s9, $0xb8;
	[tilespmem:$0x1EC00] =	vst v63  }
0x1b7: {  	_ =	swait.ge [sflag:s16], $0x400  }
.Ltmp5:
0x1b8: {  	[sflag:s16] =	ssyncset.done $0x0;
	(pc) =	sbr.rel @!p0 .LBB2_9-.Ltmp5, $4  }
0x1b9: {  	[sflag:s16] =	ssyncadd.s32 $0xFFFFFC00  }
0x1ba: {  	_ =	swait.ge [sflag:s16], $0x400  }
0x1bb: {  	[sflag:s16] =	ssyncset.done $0x0  }
0x1bc: {  	p1 =	por $0x1, $0x1;
	s20 =	simm.s32 $0x800;
	[sflag:s16] =	ssyncadd.s32 $0xFFFFFC00  }
0x1bd: {  	s19 =	sadd.s32 $0x1, s19  }
0x1be: {  	p0 =	sne.s32 s19, $0x18  }
.Ltmp6:
0x1bf: {  	_ = 	snop;
	(pc) =	sbr.rel @p0 .LBB2_2-.Ltmp6, $1  }
0x1c0: {  	_ =	sdelay $0x3  }
0x1c1: {  	_ =	swait.ge [sflag:s31], $0x1000  }
0x1c2: {  	[sflag:s31] =	ssyncset.done $0x0  }
0x1c3: {  	[sflag:s31] =	ssyncadd.s32 $0xFFFFF000  }
0x1c4: {  	_ =	swait.ge [sflag:s0], $0x1000  }
0x1c5: {  	[sflag:s0] =	ssyncset.done $0x0;
	s20 =	rddreg [dreg:$0x10]  }
0x1c6: {  	s19 =	simm.s32 $0x0;
	s24 =	rddreg [dreg:$0xf];
	[sflag:s0] =	ssyncadd.s32 $0xFFFFF000  }
.LBB2_16:
0x1c7: {  	v1 =	vld [tilespmem:s24+$0xF0]  }
0x1c8: {  	v2 =	vld [tilespmem:s24+$0x10]  }
0x1c9: {  	v3 =	vld [tilespmem:s24+$0x20]  }
0x1ca: {  	v4 =	vld [tilespmem:s24+$0x30]  }
0x1cb: {  	v5 =	vld [tilespmem:s24+$0x40]  }
0x1cc: {  	v6 =	vld [tilespmem:s24+$0x50]  }
0x1cd: {  	v7 =	vld [tilespmem:s24+$0x60]  }
0x1ce: {  	v8 =	vld [tilespmem:s24+$0x70]  }
0x1cf: {  	v9 =	vld [tilespmem:s24+$0x80]  }
0x1d0: {  	v10 =	vld [tilespmem:s24+$0x90]  }
0x1d1: {  	v11 =	vld [tilespmem:s24+$0xA0]  }
0x1d2: {  	v12 =	vld [tilespmem:s24+$0xB0]  }
0x1d3: {  	v13 =	vld [tilespmem:s24+$0xC0]  }
0x1d4: {  	v14 =	vld [tilespmem:s24+$0xD0]  }
0x1d5: {  	v15 =	vld [tilespmem:s24+$0xE0]  }
0x1d6: {  	v16 =	vld [tilespmem:s24+$0x0]  }
0x1d7: {  	v1 =	vld.idx.msk [tilespmem:v1+s3+$0x0], $0xffff  }
0x1d8: {  	v2 =	vld.idx.msk [tilespmem:v2+s3+$0x0], $0xffff  }
0x1d9: {  	v3 =	vld.idx.msk [tilespmem:v3+s3+$0x0], $0xffff  }
0x1da: {  	v4 =	vld.idx.msk [tilespmem:v4+s3+$0x0], $0xffff  }
0x1db: {  	v5 =	vld.idx.msk [tilespmem:v5+s3+$0x0], $0xffff  }
0x1dc: {  	s23 =	simm.s32 $0x1CC00;
	v6 =	vld.idx.msk [tilespmem:v6+s3+$0x0], $0xffff  }
0x1dd: {  	v7 =	vld.idx.msk [tilespmem:v7+s3+$0x0], $0xffff;
	[tilespmem:s23+$0x70] =	vst v1  }
0x1de: {  	v8 =	vld.idx.msk [tilespmem:v8+s3+$0x0], $0xffff;
	[tilespmem:s23+$0xFFFFFF90] =	vst v2  }
0x1df: {  	v16 =	vld.idx.msk [tilespmem:v16+s3+$0x0], $0xffff;
	[tilespmem:s23+$0xFFFFFFA0] =	vst v3  }
0x1e0: {  	v9 =	vld.idx.msk [tilespmem:v9+s3+$0x0], $0xffff;
	[tilespmem:s23+$0xFFFFFFB0] =	vst v4  }
0x1e1: {  	[tilespmem:s23+$0xFFFFFFC0] =	vst v5;
	v1 =	vld.idx.msk [tilespmem:v10+s3+$0x0], $0xffff  }
0x1e2: {  	[tilespmem:s23+$0xFFFFFFD0] =	vst v6;
	v2 =	vld.idx.msk [tilespmem:v11+s3+$0x0], $0xffff  }
0x1e3: {  	[tilespmem:s23+$0xFFFFFFE0] =	vst v7;
	v3 =	vld.idx.msk [tilespmem:v12+s3+$0x0], $0xffff  }
0x1e4: {  	[tilespmem:s23+$0xFFFFFFF0] =	vst v8;
	v4 =	vld.idx.msk [tilespmem:v13+s3+$0x0], $0xffff  }
0x1e5: {  	s21 =	sshll.u32 s19, $0xB;
	[tilespmem:s23+$0xFFFFFF80] =	vst v16;
	v5 =	vld.idx.msk [tilespmem:v14+s3+$0x0], $0xffff  }
0x1e6: {  	s25 =	sadd.s32 $0x100, s24;
	s22 =	sadd.s32 s14, s21;
	s21 =	simm.s32 $0x0;
	[tilespmem:s23+$0x0] =	vst v9;
	v6 =	vld.idx.msk [tilespmem:v15+s3+$0x0], $0xffff  }
.LBB2_17:
0x1e7: {  	v7 =	vld [tilespmem:s25+$0xF0];
	s21 =	sadd.s32 $0x10, s21;
	[tilespmem:s23+$0x10] =	vst v1  }
0x1e8: {  	v1 =	vld [tilespmem:s25+$0x10];
	p0 =	slt.u32 s21, $0x30;
	[tilespmem:s23+$0x20] =	vst v2  }
0x1e9: {  	v2 =	vld [tilespmem:s25+$0x20];
	[tilespmem:s23+$0x30] =	vst v3  }
0x1ea: {  	v3 =	vld [tilespmem:s25+$0x30];
	[tilespmem:s23+$0x40] =	vst v4  }
0x1eb: {  	v4 =	vld [tilespmem:s25+$0x40];
	[tilespmem:s23+$0x50] =	vst v5  }
0x1ec: {  	v5 =	vld [tilespmem:s25+$0x50];
	[tilespmem:s23+$0x60] =	vst v6  }
0x1ed: {  	v6 =	vld [tilespmem:s25+$0x60]  }
0x1ee: {  	v8 =	vld [tilespmem:s25+$0x70]  }
0x1ef: {  	v7 =	vld.idx.msk [tilespmem:v7+s3+$0x0], $0xffff  }
0x1f0: {  	v9 =	vld [tilespmem:s25+$0x80]  }
0x1f1: {  	v10 =	vld [tilespmem:s25+$0x90]  }
0x1f2: {  	v11 =	vld [tilespmem:s25+$0xA0]  }
0x1f3: {  	v12 =	vld [tilespmem:s25+$0xB0]  }
0x1f4: {  	s23 =	sadd.s32 $0x100, s23;
	v13 =	vld [tilespmem:s25+$0xC0]  }
0x1f5: {  	v14 =	vld [tilespmem:s25+$0xD0];
	[tilespmem:s23+$0x70] =	vst v7  }
0x1f6: {  	v7 =	vld [tilespmem:s25+$0xE0]  }
0x1f7: {  	v15 =	vld [tilespmem:s25+$0x0]  }
0x1f8: {  	v1 =	vld.idx.msk [tilespmem:v1+s3+$0x0], $0xffff  }
0x1f9: {  	v2 =	vld.idx.msk [tilespmem:v2+s3+$0x0], $0xffff  }
0x1fa: {  	v3 =	vld.idx.msk [tilespmem:v3+s3+$0x0], $0xffff  }
0x1fb: {  	v4 =	vld.idx.msk [tilespmem:v4+s3+$0x0], $0xffff  }
0x1fc: {  	v5 =	vld.idx.msk [tilespmem:v5+s3+$0x0], $0xffff  }
0x1fd: {  	v6 =	vld.idx.msk [tilespmem:v6+s3+$0x0], $0xffff  }
0x1fe: {  	[tilespmem:s23+$0xFFFFFF90] =	vst v1;
	v8 =	vld.idx.msk [tilespmem:v8+s3+$0x0], $0xffff  }
0x1ff: {  	v15 =	vld.idx.msk [tilespmem:v15+s3+$0x0], $0xffff;
	[tilespmem:s23+$0xFFFFFFA0] =	vst v2  }
0x200: {  	[tilespmem:s23+$0xFFFFFFB0] =	vst v3;
	v9 =	vld.idx.msk [tilespmem:v9+s3+$0x0], $0xffff  }
0x201: {  	[tilespmem:s23+$0xFFFFFFC0] =	vst v4;
	v1 =	vld.idx.msk [tilespmem:v10+s3+$0x0], $0xffff  }
.Ltmp7:
0x202: {  	[tilespmem:s23+$0xFFFFFFD0] =	vst v5;
	v2 =	vld.idx.msk [tilespmem:v11+s3+$0x0], $0xffff;
	(pc) =	sbr.rel @p0 .LBB2_17-.Ltmp7, $4  }
0x203: {  	[tilespmem:s23+$0xFFFFFFE0] =	vst v6;
	v3 =	vld.idx.msk [tilespmem:v12+s3+$0x0], $0xffff  }
0x204: {  	[tilespmem:s23+$0xFFFFFFF0] =	vst v8;
	v4 =	vld.idx.msk [tilespmem:v13+s3+$0x0], $0xffff  }
0x205: {  	[tilespmem:s23+$0xFFFFFF80] =	vst v15;
	v5 =	vld.idx.msk [tilespmem:v14+s3+$0x0], $0xffff  }
0x206: {  	s25 =	sadd.s32 $0x100, s25;
	[tilespmem:s23+$0x0] =	vst v9;
	v6 =	vld.idx.msk [tilespmem:v7+s3+$0x0], $0xffff  }
0x207: {  	[tilespmem:s23+$0x10] =	vst v1  }
0x208: {  	[tilespmem:s23+$0x20] =	vst v2  }
0x209: {  	[tilespmem:s23+$0x30] =	vst v3  }
0x20a: {  	[tilespmem:s23+$0x40] =	vst v4  }
0x20b: {  	[tilespmem:s23+$0x50] =	vst v5  }
0x20c: {  	s21 =	sadd.s32 $0x1AB80, s22;
	[tilespmem:s23+$0x60] =	vst v6  }
0x20d: {  	[spmem:s1] =	stream.indirect.scatter.add.f32 [tilespmem:s10], [sflag:$0x5], $0x1, s21, s9, $0xb8;
	[tilespmem:$0x1EC00] =	vst v63  }
0x20e: {  	v1 =	vld [tilespmem:s20+$0xF0]  }
0x20f: {  	v2 =	vld [tilespmem:s20+$0x10]  }
0x210: {  	v3 =	vld [tilespmem:s20+$0x20]  }
0x211: {  	v4 =	vld [tilespmem:s20+$0x30]  }
0x212: {  	v5 =	vld [tilespmem:s20+$0x40]  }
0x213: {  	v6 =	vld [tilespmem:s20+$0x50]  }
0x214: {  	v7 =	vld [tilespmem:s20+$0x60]  }
0x215: {  	v8 =	vld [tilespmem:s20+$0x70]  }
0x216: {  	v9 =	vld [tilespmem:s20+$0x80]  }
0x217: {  	v10 =	vld [tilespmem:s20+$0x90]  }
0x218: {  	v11 =	vld [tilespmem:s20+$0xA0]  }
0x219: {  	v12 =	vld [tilespmem:s20+$0xB0]  }
0x21a: {  	v13 =	vld [tilespmem:s20+$0xC0]  }
0x21b: {  	v14 =	vld [tilespmem:s20+$0xD0]  }
0x21c: {  	v15 =	vld [tilespmem:s20+$0xE0]  }
0x21d: {  	v16 =	vld [tilespmem:s20+$0x0]  }
0x21e: {  	v1 =	vld.idx.msk [tilespmem:v1+s3+$0x0], $0xffff  }
0x21f: {  	v2 =	vld.idx.msk [tilespmem:v2+s3+$0x0], $0xffff  }
0x220: {  	v3 =	vld.idx.msk [tilespmem:v3+s3+$0x0], $0xffff  }
0x221: {  	v4 =	vld.idx.msk [tilespmem:v4+s3+$0x0], $0xffff  }
0x222: {  	v5 =	vld.idx.msk [tilespmem:v5+s3+$0x0], $0xffff  }
0x223: {  	s23 =	simm.s32 $0x1D000;
	v6 =	vld.idx.msk [tilespmem:v6+s3+$0x0], $0xffff  }
0x224: {  	v7 =	vld.idx.msk [tilespmem:v7+s3+$0x0], $0xffff;
	[tilespmem:s23+$0x70] =	vst v1  }
0x225: {  	v8 =	vld.idx.msk [tilespmem:v8+s3+$0x0], $0xffff;
	[tilespmem:s23+$0xFFFFFF90] =	vst v2  }
0x226: {  	v16 =	vld.idx.msk [tilespmem:v16+s3+$0x0], $0xffff;
	[tilespmem:s23+$0xFFFFFFA0] =	vst v3  }
0x227: {  	v9 =	vld.idx.msk [tilespmem:v9+s3+$0x0], $0xffff;
	[tilespmem:s23+$0xFFFFFFB0] =	vst v4  }
0x228: {  	[tilespmem:s23+$0xFFFFFFC0] =	vst v5;
	v1 =	vld.idx.msk [tilespmem:v10+s3+$0x0], $0xffff  }
0x229: {  	[tilespmem:s23+$0xFFFFFFD0] =	vst v6;
	v2 =	vld.idx.msk [tilespmem:v11+s3+$0x0], $0xffff  }
0x22a: {  	[tilespmem:s23+$0xFFFFFFE0] =	vst v7;
	v3 =	vld.idx.msk [tilespmem:v12+s3+$0x0], $0xffff  }
0x22b: {  	[tilespmem:s23+$0xFFFFFFF0] =	vst v8;
	v4 =	vld.idx.msk [tilespmem:v13+s3+$0x0], $0xffff  }
0x22c: {  	[tilespmem:s23+$0xFFFFFF80] =	vst v16;
	v5 =	vld.idx.msk [tilespmem:v14+s3+$0x0], $0xffff  }
0x22d: {  	s22 =	sor.u32 $0x400, s22;
	s25 =	sadd.s32 $0x100, s20;
	s21 =	simm.s32 $0x0;
	[tilespmem:s23+$0x0] =	vst v9;
	v6 =	vld.idx.msk [tilespmem:v15+s3+$0x0], $0xffff  }
.LBB2_19:
0x22e: {  	v7 =	vld [tilespmem:s25+$0xF0];
	s21 =	sadd.s32 $0x10, s21;
	[tilespmem:s23+$0x10] =	vst v1  }
0x22f: {  	v1 =	vld [tilespmem:s25+$0x10];
	p0 =	slt.u32 s21, $0x30;
	[tilespmem:s23+$0x20] =	vst v2  }
0x230: {  	v2 =	vld [tilespmem:s25+$0x20];
	[tilespmem:s23+$0x30] =	vst v3  }
0x231: {  	v3 =	vld [tilespmem:s25+$0x30];
	[tilespmem:s23+$0x40] =	vst v4  }
0x232: {  	v4 =	vld [tilespmem:s25+$0x40];
	[tilespmem:s23+$0x50] =	vst v5  }
0x233: {  	v5 =	vld [tilespmem:s25+$0x50];
	[tilespmem:s23+$0x60] =	vst v6  }
0x234: {  	v6 =	vld [tilespmem:s25+$0x60]  }
0x235: {  	v8 =	vld [tilespmem:s25+$0x70]  }
0x236: {  	v7 =	vld.idx.msk [tilespmem:v7+s3+$0x0], $0xffff  }
0x237: {  	v9 =	vld [tilespmem:s25+$0x80]  }
0x238: {  	v10 =	vld [tilespmem:s25+$0x90]  }
0x239: {  	v11 =	vld [tilespmem:s25+$0xA0]  }
0x23a: {  	v12 =	vld [tilespmem:s25+$0xB0]  }
0x23b: {  	s23 =	sadd.s32 $0x100, s23;
	v13 =	vld [tilespmem:s25+$0xC0]  }
0x23c: {  	v14 =	vld [tilespmem:s25+$0xD0];
	[tilespmem:s23+$0x70] =	vst v7  }
0x23d: {  	v7 =	vld [tilespmem:s25+$0xE0]  }
0x23e: {  	v15 =	vld [tilespmem:s25+$0x0]  }
0x23f: {  	v1 =	vld.idx.msk [tilespmem:v1+s3+$0x0], $0xffff  }
0x240: {  	v2 =	vld.idx.msk [tilespmem:v2+s3+$0x0], $0xffff  }
0x241: {  	v3 =	vld.idx.msk [tilespmem:v3+s3+$0x0], $0xffff  }
0x242: {  	v4 =	vld.idx.msk [tilespmem:v4+s3+$0x0], $0xffff  }
0x243: {  	v5 =	vld.idx.msk [tilespmem:v5+s3+$0x0], $0xffff  }
0x244: {  	v6 =	vld.idx.msk [tilespmem:v6+s3+$0x0], $0xffff  }
0x245: {  	[tilespmem:s23+$0xFFFFFF90] =	vst v1;
	v8 =	vld.idx.msk [tilespmem:v8+s3+$0x0], $0xffff  }
0x246: {  	v15 =	vld.idx.msk [tilespmem:v15+s3+$0x0], $0xffff;
	[tilespmem:s23+$0xFFFFFFA0] =	vst v2  }
0x247: {  	[tilespmem:s23+$0xFFFFFFB0] =	vst v3;
	v9 =	vld.idx.msk [tilespmem:v9+s3+$0x0], $0xffff  }
0x248: {  	[tilespmem:s23+$0xFFFFFFC0] =	vst v4;
	v1 =	vld.idx.msk [tilespmem:v10+s3+$0x0], $0xffff  }
.Ltmp8:
0x249: {  	[tilespmem:s23+$0xFFFFFFD0] =	vst v5;
	v2 =	vld.idx.msk [tilespmem:v11+s3+$0x0], $0xffff;
	(pc) =	sbr.rel @p0 .LBB2_19-.Ltmp8, $4  }
0x24a: {  	[tilespmem:s23+$0xFFFFFFE0] =	vst v6;
	v3 =	vld.idx.msk [tilespmem:v12+s3+$0x0], $0xffff  }
0x24b: {  	[tilespmem:s23+$0xFFFFFFF0] =	vst v8;
	v4 =	vld.idx.msk [tilespmem:v13+s3+$0x0], $0xffff  }
0x24c: {  	[tilespmem:s23+$0xFFFFFF80] =	vst v15;
	v5 =	vld.idx.msk [tilespmem:v14+s3+$0x0], $0xffff  }
0x24d: {  	s25 =	sadd.s32 $0x100, s25;
	[tilespmem:s23+$0x0] =	vst v9;
	v6 =	vld.idx.msk [tilespmem:v7+s3+$0x0], $0xffff  }
0x24e: {  	[tilespmem:s23+$0x10] =	vst v1  }
0x24f: {  	[tilespmem:s23+$0x20] =	vst v2  }
0x250: {  	[tilespmem:s23+$0x30] =	vst v3  }
0x251: {  	[tilespmem:s23+$0x40] =	vst v4  }
0x252: {  	[tilespmem:s23+$0x50] =	vst v5  }
0x253: {  	s21 =	sadd.s32 $0x1AB80, s22;
	s19 =	sadd.s32 $0x1, s19;
	[tilespmem:s23+$0x60] =	vst v6  }
0x254: {  	[spmem:s1] =	stream.indirect.scatter.add.f32 [tilespmem:s15], [sflag:$0x5], $0x1, s21, s9, $0xb8;
	[tilespmem:$0x1EC00] =	vst v63  }
0x255: {  	p0 =	sne.s32 s19, s13;
	_ =	swait.ge [sflag:s16], $0x400  }
.Ltmp9:
0x256: {  	[sflag:s16] =	ssyncset.done $0x0;
	(pc) =	sbr.rel @p0 .LBB2_16-.Ltmp9, $4  }
0x257: {  	[sflag:s16] =	ssyncadd.s32 $0xFFFFFC00  }
0x258: {  	_ =	swait.ge [sflag:s16], $0x400  }
0x259: {  	[sflag:s16] =	ssyncset.done $0x0  }
0x25a: {  	s24 =	sadd.s32 $0x800, s24;
	s20 =	sadd.s32 $0x800, s20;
	[sflag:s16] =	ssyncadd.s32 $0xFFFFFC00  }
0x25b: {  	s19 =	stileid.u32;
	[bflag:$0x0] =	sbarrier.arrive $0xFFFF  }
0x25c: {  	s20 =	sshrl.u32 s7, $0x3;
	s22 =	simm.s32 $0x20;
	s19 =	sshll.u32 s19, $0x6  }
0x25d: {  	s23 =	simm.s32 $0x10;
	s21 =	rddreg [dreg:$0x6];
	s19 =	sor.u32 $0x1C06, s19  }
0x25e: {  	[hbm:s21@s22], [sflag:s19] =	dma.strided [spmem:s20@s23], $0x310, s31, $0x10   }
0x25f: {  	_ =	swait.ge [sflag:s26], $0x310  }
0x260: {  	s18 =	sadd.s32 $0x1, s18;
	s25 =	rddreg [dreg:$0x7]  }
0x261: {  	p0 =	sne.s32 s18, s25  }
.Ltmp10:
0x262: {  	_ = 	snop;
	(pc) =	sbr.rel @p0 .LBB2_1-.Ltmp10, $3  }
0x263: {  	_ =	sdelay $0x1  }
0x264: {  	[sflag:s26] =	ssyncset.done $0x0  }
0x265: {  	[sflag:s26] =	ssyncadd.s32 $0xFFFFFCF0  }
0x266: {  	_ =	sfence.sel $0x180000  }
0x267: {  	[bflag:$0x0] =	sbarrier.arrive $0xFFFF  }
0x268: {  	_ =	strace $0x9000004A  }
0x269: {  	s0 =	stileid.u32;
	[bflag:$0x2] =	sbarrier.arrive $0xFFFF  }
0x26a: {  	p0 =	sne.s32 s0, $0x0;
	s0 =	rddreg [dreg:$0x2]  }
0x26b: {  	s0 =	sadd.s32 @!p0 $0x100000, s0  }
0x26c: {  	[sflag:s0] =	ssyncadd.tile.s32 @!p0 $0x1;
	_ =	shalt  }
.Lfunc_end2:
_tile_overlayer_lowered:
.L_overlay_start_2:
0x26d: {  	(tag) =	ssettag $0x2  }
0x26e: {  	s0 =	rddreg [dreg:$0x0];
	s2 =	stileid.u32  }
0x26f: {  	s1 =	rddreg [dreg:$0x1];
	p0 =	sne.s32 s2, $0x0  }
0x270: {  	s3 =	rddreg [dreg:$0x2];
	[bflag:$0x3] =	sbarrier.arrive $0xFFFF;
	s2 =	simm.s32 @!p0 $0x1C06  }
0x271: {  	[timem:s3], [sflag:s2] =	dma.local @!p0 [hbm:s0], s1  }
0x272: {  	s0 =	simm.s32 @!p0 $0x6  }
0x273: {  	_ =	swait.ge @!p0 [sflag:s0], s1  }
0x274: {  	s1 =	ssub.s32 @!p0 $0x0, s1;
	[sflag:s0] =	ssyncset.done @!p0 $0x0  }
0x275: {  	[sflag:s0] =	ssyncadd.s32 @!p0 s1  }
0x276: {  	[bflag:$0x3] =	sbarrier.arrive $0xFFFF  }
0x277: {  	_ =	shalt  }

// kernel: kernel.14.cloned.1.call-start
scs
__scs_entry_jumppad:
0x0: {  	(pc) =	sbr.rel $0x88, $3  }
0x1: {  	(tag) =	ssettag $0x0;
	lr =	simm.s32 $0x1  }
0x2: {  	[smem:$0x3F99] =	sst lr;
	_ =	strace $0xD0000000  }
0x3: {  	_ = 	snop  }
0x4: {  	_ = 	snop  }
0x5: {  	_ = 	snop  }
0x6: {  	_ = 	snop  }
0x7: {  	_ = 	snop  }
__scs_overlays_trampoline_lowered:
0x8: {  	[smem:$0x3FA8] =	sst s0  }
0x9: {  	[smem:$0x3FA9] =	sst s1  }
0xa: {  	[smem:$0x3FAA] =	sst s2  }
0xb: {  	[smem:$0x3FAB] =	sst s3  }
0xc: {  	[smem:$0x3FAC] =	sst s4  }
0xd: {  	[smem:$0x3FAD] =	sst s5  }
0xe: {  	[smem:$0x3FAE] =	sst s6  }
0xf: {  	[smem:$0x3FAF] =	sst s7  }
0x10: {  	[smem:$0x3FB0] =	sst s8  }
0x11: {  	[smem:$0x3FB1] =	sst s9;
	s0 =	simm.s32 @!p0 $0x0  }
0x12: {  	s1 =	sld [smem:$0x3F97];
	s0 =	simm.s32 @p0 $0x1  }
0x13: {  	[smem:$0x3FB2] =	sst s0;
	s0 =	simm.s32 @!p1 $0x0  }
0x14: {  	s2 =	sld [smem:$0x3F96];
	s0 =	simm.s32 @p1 $0x1  }
0x15: {  	[smem:$0x3FB3] =	sst s0;
	s0 =	simm.s32 @!p2 $0x0  }
0x16: {  	s3 =	sld [smem:$0x3FDB];
	s0 =	simm.s32 @p2 $0x1  }
0x17: {  	s4 =	simm.s32 $0x1BF5;
	[smem:$0x3FB5] =	sst s0  }
0x18: {  	s0 =	sld [smem:$0x3F98];
	_ =	swait.ge [sflag:s4], $0x0  }
0x19: {  	s7 =	sld [smem:$0x3F99]  }
0x1a: {  	s8 =	sadd.s32 $0xFFFFE003, lr  }
0x1b: {  	s9 =	sadd.s32 $0xFFFFFEF7, lr;
	s5 =	simm.s32 $0xFFFFFFFF;
	p2 =	slt.u32 s8, $0xFFFFF086  }
0x1c: {  	p1 =	slt.u32 s9, $0xF7A;
	s5 =	simm.s32 @!p2 $0x0  }
0x1d: {  	s5 =	simm.s32 @p1 $0x1;
	p0 =	seq.s32 s7, s2  }
0x1e: {  	s7 =	smul.u32 @!p0 $0xF7A, s2;
	p2 =	seq.s32 @!p0 s5, $0x0  }
0x1f: {  	s9 =	smul.u32 $0xF7A, s1;
	s8 =	simm.s32 @!p0 $0x1BF5;
	p2 =	por !p2, p0  }
0x20: {  	[sflag:s8] =	ssyncset.s32 @!p0 $0xFFFFF086;
	s6 =	sadd.s32 @!p0 s3, s7;
	s7 =	simm.s32 @!p0 $0x108  }
0x21: {  	s3 =	sadd.s32 s3, s9;
	s6 =	sadd.s32 @!p0 $0x88, s6;
	s7 =	simm.s32 @p2 $0x1082  }
0x22: {  	[simem:s7], [sflag:s8] =	dma.local @!p0 [hbm:s6], $0xF7A  }
0x23: {  	s9 =	sor.u32 $0xD0000000, s2;
	s6 =	simm.s32 $0x108;
	_ =	swait.ge @!p0 [sflag:s8], $0x0  }
0x24: {  	s3 =	sadd.s32 $0x88, s3;
	s6 =	simm.s32 @!p1 $0x1082;
	[sflag:s4] =	ssyncset.s32 $0xFFFFF086  }
0x25: {  	[simem:s6], [sflag:s4] =	dma.local [hbm:s3], $0xF7A  }
0x26: {  	[smem:$0x3F99] =	sst s1;
	(tag) =	ssettag s2;
	_ =	strace s9  }
0x27: {  	s1 =	sld [smem:$0x3FA9]  }
0x28: {  	s2 =	sld [smem:$0x3FAA]  }
0x29: {  	s4 =	sld [smem:$0x3FAC]  }
0x2a: {  	p0 =	seq.s32 s5, $0x0;
	s5 =	sld [smem:$0x3FAD]  }
0x2b: {  	s6 =	sld [smem:$0x3FAE]  }
0x2c: {  	s7 =	sld [smem:$0x3FAF]  }
0x2d: {  	s3 =	simm.s32 $0x108;
	s8 =	sld [smem:$0x3FB0]  }
0x2e: {  	s3 =	simm.s32 @!p0 $0x1082;
	s9 =	sld [smem:$0x3FB1]  }
0x2f: {  	lr =	sadd.s32 s0, s3;
	s0 =	sld [smem:$0x3FA8]  }
0x30: {  	s3 =	sld [smem:$0x3FAB]  }
0x31: {  	[smem:$0x3FB4] =	sst s10  }
0x32: {  	s10 =	sld [smem:$0x3FB2];
	_ =	sdelay $0x3  }
0x33: {  	p0 =	seq.s32 s10, $0x1;
	s10 =	sld [smem:$0x3FB4];
	_ =	sdelay $0x3  }
0x34: {  	[smem:$0x3FB4] =	sst s10  }
0x35: {  	s10 =	sld [smem:$0x3FB3];
	_ =	sdelay $0x3  }
0x36: {  	p1 =	seq.s32 s10, $0x1;
	s10 =	sld [smem:$0x3FB4];
	_ =	sdelay $0x3  }
0x37: {  	[smem:$0x3FB4] =	sst s10  }
0x38: {  	s10 =	sld [smem:$0x3FB5]  }
0x39: {  	_ = 	snop;
	(pc) =	sbr.ind lr, $3  }
0x3a: {  	_ = 	snop  }
0x3b: {  	_ = 	snop  }
0x3c: {  	p2 =	seq.s32 s10, $0x1;
	s10 =	sld [smem:$0x3FB4]  }
0x3d: {  	_ =	shalt  }
0x3e: {  	_ =	shalt  }
0x3f: {  	_ =	shalt  }
0x40: {  	_ =	shalt  }
0x41: {  	_ =	shalt  }
0x42: {  	_ =	shalt  }
0x43: {  	_ =	shalt  }
0x44: {  	_ =	shalt  }
0x45: {  	_ =	shalt  }
0x46: {  	_ =	shalt  }
0x47: {  	_ =	shalt  }
0x48: {  	_ =	shalt  }
0x49: {  	_ =	shalt  }
0x4a: {  	_ =	shalt  }
0x4b: {  	_ =	shalt  }
0x4c: {  	_ =	shalt  }
0x4d: {  	_ =	shalt  }
0x4e: {  	_ =	shalt  }
0x4f: {  	_ =	shalt  }
0x50: {  	_ =	shalt  }
0x51: {  	_ =	shalt  }
0x52: {  	_ =	shalt  }
0x53: {  	_ =	shalt  }
0x54: {  	_ =	shalt  }
0x55: {  	_ =	shalt  }
0x56: {  	_ =	shalt  }
0x57: {  	_ =	shalt  }
0x58: {  	_ =	shalt  }
0x59: {  	_ =	shalt  }
0x5a: {  	_ =	shalt  }
0x5b: {  	_ =	shalt  }
0x5c: {  	_ =	shalt  }
0x5d: {  	_ =	shalt  }
0x5e: {  	_ =	shalt  }
0x5f: {  	_ =	shalt  }
0x60: {  	_ =	shalt  }
0x61: {  	_ =	shalt  }
0x62: {  	_ =	shalt  }
0x63: {  	_ =	shalt  }
0x64: {  	_ =	shalt  }
0x65: {  	_ =	shalt  }
0x66: {  	_ =	shalt  }
0x67: {  	_ =	shalt  }
0x68: {  	_ =	shalt  }
0x69: {  	_ =	shalt  }
0x6a: {  	_ =	shalt  }
0x6b: {  	_ =	shalt  }
0x6c: {  	_ =	shalt  }
0x6d: {  	_ =	shalt  }
0x6e: {  	_ =	shalt  }
0x6f: {  	_ =	shalt  }
0x70: {  	_ =	shalt  }
0x71: {  	_ =	shalt  }
0x72: {  	_ =	shalt  }
0x73: {  	_ =	shalt  }
0x74: {  	_ =	shalt  }
0x75: {  	_ =	shalt  }
0x76: {  	_ =	shalt  }
0x77: {  	_ =	shalt  }
0x78: {  	_ =	shalt  }
0x79: {  	_ =	shalt  }
0x7a: {  	_ =	shalt  }
0x7b: {  	_ =	shalt  }
0x7c: {  	_ =	shalt  }
0x7d: {  	_ =	shalt  }
0x7e: {  	_ =	shalt  }
0x7f: {  	_ =	shalt  }
0x80: {  	_ =	shalt  }
0x81: {  	_ =	shalt  }
0x82: {  	_ =	shalt  }
0x83: {  	_ =	shalt  }
0x84: {  	_ =	shalt  }
0x85: {  	_ =	shalt  }
0x86: {  	_ =	shalt  }
0x87: {  	_ =	shalt  }
.Lfunc_end0:
.L_simem_size_0:
called_computation.2_lowered:
.L_overlay_start_0:
0x88: {  	s2 =	sld [smem:$0x3FD9]  }
0x89: {  	s3 =	sld [smem:$0x3FFE];
	_ =	sdelay $0x1  }
0x8a: {  	s1 =	srdreg.scid  }
0x8b: {  	s0 =	sand.u32 $0x1, s1  }
0x8c: {  	s16 =	sshll.u32 s0, $0xA;
	s2 =	sadd.s32 s3, s2  }
0x8d: {  	s2 =	sadd.s32 s2, s16  }
0x8e: {  	[smem:$0x3FC0] =	sst s2  }
0x8f: {  	_ = 	snop  }
0x90: {  	(tm) =	ssettm $0x1  }
0x91: {  	s17 =	sld [smem:$0x3FFB];
	_ =	sdelay $0x3  }
0x92: {  	_ =	strace s17  }
0x93: {  	s2 =	sld [smem:$0x3FFC];
	_ =	sdelay $0x3  }
0x94: {  	_ =	strace s2  }
0x95: {  	s2 =	sld [smem:$0x3FFD];
	_ =	sdelay $0x3  }
0x96: {  	_ =	strace s2  }
0x97: {  	_ =	strace $0x8FFFFFFF  }
0x98: {  	s18 =	sld [smem:$0x3FDB];
	_ =	sdelay $0x1  }
0x99: {  	s19 =	simm.s32 $_scs_section_size  }
0x9a: {  	s4 =	simm.s32 $_size__tile_overlayer_lowered;
	s5 =	simm.s32 $_tile_overlayer_lowered  }
0x9b: {  	s22 =	simm.s32 $0x1BFF;
	s21 =	sshll.u32 s5, $0x1;
	s2 =	sadd.s32 s19, s18  }
0x9c: {  	s6 =	simm.s32 $0x0;
	s20 =	sshll.u32 s4, $0x1;
	s4 =	sadd.s32 s21, s2  }
0x9d: {  	[timem:s6], [sflag:s22] =	dma.local [hbm:s4], s20  }
0x9e: {  	_ =	swait.ge [sflag:s22], s20  }
0x9f: {  	s3 =	ssub.s32 $0x0, s20;
	[sflag:s22] =	ssyncset.done $0x0  }
0xa0: {  	[sflag:s22] =	ssyncadd.s32 s3;
	_ =	sdelay $0x1  }
0xa1: {  	s23 =	simm.s32 $0x1B8B  }
0xa2: {  	_ =	swait.ge [sflag:s23], $0x1  }
0xa3: {  	[sflag:s23] =	ssyncset.done $0x0  }
0xa4: {  	s25 =	simm.s32 $0x1B8E;
	s24 =	sld [smem:$0x3FFE];
	[sflag:s23] =	ssyncadd.s32 $0xFFFFFFFF  }
0xa5: {  	s26 =	simm.s32 $execute0_lowered;
	[smem:$0x3FD2] =	sst s25  }
0xa6: {  	s4 =	sshll.u32 s26, $0x1;
	_ =	strace $0x8000004C;
	[dreg:$0x1] =	wrdreg $0xFFFFFFFF  }
0xa7: {  	s28 =	simm.s32 $_size_execute0_lowered;
	s2 =	sadd.s32 s2, s4;
	[dreg:$0x0] =	wrdreg $0x0  }
0xa8: {  	s4 =	sshll.u32 s28, $0x1;
	[dreg:$0x2] =	wrdreg s2  }
0xa9: {  	[dreg:$0x3] =	wrdreg s4  }
0xaa: {  	[dreg:$0x4] =	wrdreg $0xC0  }
0xab: {  	_ =	task [dreg:s6], $0x5FFFF  }
0xac: {  	[dreg:$0x1] =	wrdreg $0xFFFFFFFF  }
0xad: {  	[dreg:$0x0] =	wrdreg $0x60  }
0xae: {  	[dreg:$0x2] =	wrdreg s24  }
0xaf: {  	[dreg:$0x3] =	wrdreg $0x9  }
0xb0: {  	_ =	task.clear_ibuf [dreg:s6], $0x4FFFF;
	_ =	strace $0x9000004C  }
0xb1: {  	s29 =	simm.s32 $0x9;
	_ =	strace $0x8000004E  }
0xb2: {  	_ =	swait.ge [sflag:s29], $0x1  }
0xb3: {  	[sflag:s29] =	ssyncadd.s32 $0xFFFFFFFF  }
0xb4: {  	_ =	strace $0x9000004E  }
0xb5: {  	_ =	sfence  }
0xb6: {  	s30 =	sld [smem:$0x0];
	_ =	sdelay $0x2  }
0xb7: {  	s31 =	sshll.u32 s1, $0xD;
	s1 =	sshrl.u32 s1, $0x2  }
0xb8: {  	s3 =	sand.u32 $0x4000, s31;
	s1 =	sadd.s32 s1, s30  }
0xb9: {  	s0 =	sor.u32 s3, s0;
	s1 =	sshll.u32 s1, $0x11  }
0xba: {  	s0 =	sor.u32 s1, s0  }
0xbb: {  	s0 =	sadd.s32 $0x8F2B, s0  }
0xbc: {  	[sflag:s0] =	ssyncadd.remote.s32 $0x1  }
0xbd: {  	_ =	sfence.sel $0xFFFF  }
0xbe: {  	[dreg:$0x0] =	wrdreg $0xFFFFFFFF;
	(pc) =	sbr.abs _section_cstart, $3  }
0xbf: {  	[dreg:$0x1] =	wrdreg $0xFFFFFFFF  }
0xc0: {  	_ =	task.clear_ibuf [dreg:s6], $0x2FFFF;
	_ =	strace $0x9FFFFFFF  }
0xc1: {  	(tm) =	ssettm $0x7FFFFFFF  }
tec
execute0_lowered:
.L_overlay_start_1:
0x0: {  	(tag) =	ssettag $0x1  }
0x1: {  	s0 =	rddreg [dreg:$0x0]  }
0x2: {  	s2 =	simm.s32 $0x0;
	s1 =	srdreg.scid;
	s14 =	stileid.u32  }
0x3: {  	s16 =	simm.s32 $0x5;
	s17 =	simm.s32 $0x18800;
	s18 =	simm.s32 $0x1A800  }
0x4: {  	s19 =	simm.s32 $0x1;
	s20 =	simm.s32 $0x3;
	s21 =	simm.s32 $0x19800  }
0x5: {  	s22 =	simm.s32 $0x1B800;
	[smem:$0x7FF] =	sst s2;
	s1 =	sand.u32 $0x1, s1  }
0x6: {  	s5 =	sshll.u32 s14, $0x1;
	s3 =	sadd.s32 $0xC4600, s0;
	s9 =	smul.u32 $0xC2, s14  }
0x7: {  	s4 =	sadd.s32 $0x1000, s0;
	s26 =	smul.u32 $0x184000, s14;
	_ =	strace $0x8000004D  }
0x8: {  	s6 =	sor.u32 s1, s5;
	s5 =	sadd.s32 $0x188200, s0;
	s12 =	smul.u32 $0x61, s1  }
0x9: {  	s23 =	ssub.s32 $0x2, s1;
	s1 =	smul.u32 $0xC2000, s1;
	s7 =	sshll.u32 s6, $0x4  }
0xa: {  	s8 =	smul.u32 $0x61, s6;
	s10 =	sshrl.u32 s23, $0x1;
	s11 =	smin.u32 s6, $0x15  }
0xb: {  	p0 =	slt.u32 s6, $0x15;
	s0 =	sadd.s32 s7, s0;
	s24 =	sadd.s32 s9, s11  }
0xc: {  	s13 =	ssub.s32 s23, s10;
	s1 =	sadd.s32 s1, s26;
	s6 =	sadd.s32 s12, s24  }
0xd: {  	s23 =	simm.s32 $0x2;
	s25 =	sadd.s32 s11, s8;
	s29 =	sshll.u32 s6, $0x1  }
0xe: {  	s11 =	sshll.u32 s11, $0xD;
	s12 =	sadd.s32 $0x18B400, s0;
	s10 =	sadd.s32 $0xC0, s29  }
0xf: {  	s13 =	smax.u32 s13, $0x1;
	s28 =	sshll.u32 s25, $0x8;
	s10 =	smin.u32 s10, $0x1866  }
0x10: {  	s6 =	sshll.u32 s25, $0x1;
	s1 =	sadd.s32 s11, s1;
	s30 =	sshll.u32 s10, $0xC  }
0x11: {  	s11 =	simm.s32 $0x4;
	s25 =	simm.s32 $0x0;
	s1 =	ssub.s32 s1, s30  }
0x12: {  	s7 =	sadd.s32 s3, s28;
	s8 =	sadd.s32 s4, s28;
	s1 =	sadd.s32 $0xC0200, s1  }
0x13: {  	s9 =	sadd.s32 $0x8, s6;
	s10 =	simm.s32 $0x4;
	s31 =	sshra.s32 s1, $0x2  }
0x14: {  	v0 =	vimm.f32 $0.0e+00;
	s10 =	simm.s32 @!p0 $0x2;
	s14 =	sadd.s32 $0x1A800, s31;
	s15 =	sadd.s32 $0x18800, s31  }
.LBB2_1:
0x15: {  	[tilespmem:s2], [sflag:$0x5] =	stream.linear.gather [hbm4b:s5+s2], $0x18800, $0x38;
	[tilespmem:$0x1C880] =	vst v63  }
0x16: {  	_ =	swait.ge [sflag:s16], $0x18800  }
0x17: {  	[sflag:s16] =	ssyncset.done $0x0  }
0x18: {  	[sflag:s16] =	ssyncadd.s32 $0xFFFE7800  }
0x19: {  	[tilespmem:$0x1C800] =	vst v0  }
0x1a: {  	[tilespmem:s17], [sflag:$0x1] =	stream.linear.gather [hbm4b:s7+s2], $0x1000, $0x38;
	[tilespmem:$0x1C880] =	vst v63  }
0x1b: {  	s26 =	simm.s32 $0x0  }
0x1c: {  	[tilespmem:s18], [sflag:$0x3] =	stream.linear.gather [hbm4b:s8+s2], $0x1000, $0x38;
	[tilespmem:$0x1C880] =	vst v63  }
.LBB2_2:
0x1d: {  	_ =	swait.ge [sflag:s19], $0x1000  }
0x1e: {  	s28 =	sshll.u32 s26, $0x3;
	[sflag:s19] =	ssyncset.done $0x0  }
0x1f: {  	s0 =	sadd.s32 s28, s6;
	[sflag:s19] =	ssyncadd.s32 $0xFFFFF000  }
0x20: {  	s0 =	sshll.u32 s0, $0x7;
	_ =	swait.ge [sflag:s20], $0x1000  }
0x21: {  	s0 =	sadd.s32 $0x200, s0;
	[sflag:s20] =	ssyncset.done $0x0  }
0x22: {  	s29 =	simm.s32 $0x0;
	s1 =	sadd.s32 s3, s0;
	[sflag:s20] =	ssyncadd.s32 $0xFFFFF000  }
0x23: {  	[tilespmem:s21], [sflag:$0x2] =	stream.linear.gather [hbm4b:s1+s29], $0x1000, $0x38;
	[tilespmem:$0x1C880] =	vst v63  }
0x24: {  	s24 =	simm.s32 $0x1A880;
	s31 =	simm.s32 $0x18880;
	s0 =	sadd.s32 s4, s0  }
0x25: {  	[tilespmem:s22], [sflag:$0x4] =	stream.linear.gather [hbm4b:s0+s29], $0x1000, $0x38;
	[tilespmem:$0x1C880] =	vst v63  }
.LBB2_3:
0x26: {  	v1 =	vld [tilespmem:s31+$0x60]  }
0x27: {  	v2 =	vld [tilespmem:s31+$0x70]  }
0x28: {  	v3 =	vld [tilespmem:s24+$0x60]  }
0x29: {  	v4 =	vld [tilespmem:s24+$0x70]  }
0x2a: {  	v5 =	vld [tilespmem:s31+$0x40]  }
0x2b: {  	v6 =	vld [tilespmem:s31+$0x50]  }
0x2c: {  	v7 =	vld [tilespmem:s24+$0x40]  }
0x2d: {  	v8 =	vld [tilespmem:s24+$0x50]  }
0x2e: {  	v9 =	vld [tilespmem:s31+$0x20]  }
0x2f: {  	v10 =	vld [tilespmem:s31+$0x30]  }
0x30: {  	v11 =	vld [tilespmem:s24+$0x20]  }
0x31: {  	v12 =	vld [tilespmem:s24+$0x30]  }
0x32: {  	v13 =	vld [tilespmem:s31+$0x0]  }
0x33: {  	v14 =	vld [tilespmem:s31+$0x10]  }
0x34: {  	v15 =	vld [tilespmem:s24+$0x0]  }
0x35: {  	v16 =	vld [tilespmem:s24+$0x10]  }
0x36: {  	v17 =	vld [tilespmem:s31+$0xFFFFFFE0]  }
0x37: {  	v18 =	vld [tilespmem:s31+$0xFFFFFFF0]  }
0x38: {  	v19 =	vld [tilespmem:s24+$0xFFFFFFE0]  }
0x39: {  	v20 =	vld [tilespmem:s24+$0xFFFFFFF0]  }
0x3a: {  	v21 =	vld [tilespmem:s31+$0xFFFFFFC0]  }
0x3b: {  	v23 =	vld [tilespmem:s31+$0xFFFFFFD0]  }
0x3c: {  	v24 =	vld [tilespmem:s24+$0xFFFFFFC0]  }
0x3d: {  	v25 =	vld [tilespmem:s24+$0xFFFFFFD0]  }
0x3e: {  	v26 =	vld [tilespmem:s31+$0xFFFFFFA0]  }
0x3f: {  	v27 =	vld [tilespmem:s31+$0xFFFFFFB0]  }
0x40: {  	v28 =	vld [tilespmem:s24+$0xFFFFFFA0]  }
0x41: {  	v29 =	vld [tilespmem:s24+$0xFFFFFFB0]  }
0x42: {  	v30 =	vld [tilespmem:s31+$0xFFFFFF80]  }
0x43: {  	v32 =	vld [tilespmem:s31+$0xFFFFFF90]  }
0x44: {  	v33 =	vld [tilespmem:s24+$0xFFFFFF80]  }
0x45: {  	v34 =	vld [tilespmem:s24+$0xFFFFFF90]  }
0x46: {  	v31 =	vld.idx.msk [tilespmem:v1+s2+$0x0], $0xffff  }
0x47: {  	v2 =	vld.idx.msk [tilespmem:v2+s2+$0x0], $0xffff  }
0x48: {  	v3 =	vld.idx.msk [tilespmem:v3+s2+$0x0], $0xffff  }
0x49: {  	v4 =	vld.idx.msk [tilespmem:v4+s2+$0x0], $0xffff  }
0x4a: {  	v5 =	vld.idx.msk [tilespmem:v5+s2+$0x0], $0xffff  }
0x4b: {  	v6 =	vld.idx.msk [tilespmem:v6+s2+$0x0], $0xffff  }
0x4c: {  	v35 =	vld.idx.msk [tilespmem:v7+s2+$0x0], $0xffff  }
0x4d: {  	v36 =	vld.idx.msk [tilespmem:v8+s2+$0x0], $0xffff  }
0x4e: {  	v37 =	vld.idx.msk [tilespmem:v9+s2+$0x0], $0xffff  }
0x4f: {  	v38 =	vld.idx.msk [tilespmem:v10+s2+$0x0], $0xffff  }
0x50: {  	v39 =	vld.idx.msk [tilespmem:v11+s2+$0x0], $0xffff  }
0x51: {  	v40 =	vld.idx.msk [tilespmem:v12+s2+$0x0], $0xffff  }
0x52: {  	v41 =	vld.idx.msk [tilespmem:v13+s2+$0x0], $0xffff  }
0x53: {  	v42 =	vld.idx.msk [tilespmem:v14+s2+$0x0], $0xffff  }
0x54: {  	v43 =	vld.idx.msk [tilespmem:v15+s2+$0x0], $0xffff  }
0x55: {  	v44 =	vld.idx.msk [tilespmem:v16+s2+$0x0], $0xffff  }
0x56: {  	v17 =	vld.idx.msk [tilespmem:v17+s2+$0x0], $0xffff  }
0x57: {  	v45 =	vld.idx.msk [tilespmem:v18+s2+$0x0], $0xffff  }
0x58: {  	v46 =	vld.idx.msk [tilespmem:v19+s2+$0x0], $0xffff  }
0x59: {  	v7 =	vld.idx.msk [tilespmem:v20+s2+$0x0], $0xffff  }
0x5a: {  	v22 =	vld.idx.msk [tilespmem:v21+s2+$0x0], $0xffff  }
0x5b: {  	v23 =	vld.idx.msk [tilespmem:v23+s2+$0x0], $0xffff  }
0x5c: {  	v8 =	vld.idx.msk [tilespmem:v24+s2+$0x0], $0xffff  }
0x5d: {  	v9 =	vld.idx.msk [tilespmem:v25+s2+$0x0], $0xffff  }
0x5e: {  	v26 =	vld.idx.msk [tilespmem:v26+s2+$0x0], $0xffff  }
0x5f: {  	v1 =	vimm.f32 $0.0e+00;
	v19 =	vld.idx.msk [tilespmem:v27+s2+$0x0], $0xffff;
	v10 =	vshra.s32 v31, $0x10  }
0x60: {  	v27 =	vld.idx.msk [tilespmem:v28+s2+$0x0], $0xffff;
	v13 =	vshll.u32 v3, $0x10;
	v11 =	vshra.s32 v2, $0x10;
	v2 =	vshll.u32 v4, $0x10  }
0x61: {  	v29 =	vld.idx.msk [tilespmem:v29+s2+$0x0], $0xffff;
	v20 =	vshra.s32 v5, $0x10;
	v14 =	vshll.u32 v35, $0x10;
	v12 =	vshra.s32 v6, $0x10  }
0x62: {  	v32 =	vld.idx.msk [tilespmem:v32+s2+$0x0], $0xffff;
	v21 =	vshra.s32 v37, $0x10;
	v18 =	vshra.s32 v38, $0x10;
	v3 =	vshll.u32 v36, $0x10  }
0x63: {  	v33 =	vld.idx.msk [tilespmem:v33+s2+$0x0], $0xffff;
	v24 =	vshra.s32 v41, $0x10;
	v15 =	vshll.u32 v39, $0x10;
	v4 =	vshll.u32 v40, $0x10  }
0x64: {  	v31 =	vld.idx.msk [tilespmem:v30+s2+$0x0], $0xffff;
	v16 =	vshll.u32 v43, $0x10;
	v25 =	vshra.s32 v42, $0x10;
	v5 =	vshll.u32 v44, $0x10  }
0x65: {  	s0 =	simm.s32 $0x0;
	s1 =	sadd.s32 $0x100, s31;
	s30 =	smov.u32 s24;
	v34 =	vld.idx.msk [tilespmem:v34+s2+$0x0], $0xffff;
	v30 =	vshra.s32 v17, $0x10;
	v17 =	vshll.u32 v46, $0x10;
	v28 =	vshra.s32 v45, $0x10  }
.LBB2_4:
0x66: {  	v6 =	vld [tilespmem:s1+$0x60];
	v22 =	vshra.s32 v22, $0x10;
	v23 =	vshra.s32 v23, $0x10;
	v35 =	vshll.u32 v7, $0x10  }
0x67: {  	v26 =	vshra.s32 v26, $0x10;
	v36 =	vshll.u32 v8, $0x10;
	v37 =	vshll.u32 v9, $0x10;
	s30 =	sadd.s32 $0x100, s30;
	v7 =	vld [tilespmem:s1+$0x70]  }
0x68: {  	v27 =	vshll.u32 v27, $0x10;
	v19 =	vshra.s32 v19, $0x10;
	v29 =	vshll.u32 v29, $0x10;
	v8 =	vld [tilespmem:s30+$0x60]  }
0x69: {  	v38 =	vcvt.s32.f32 v10;
	v31 =	vshra.s32 v31, $0x10;
	v32 =	vshra.s32 v32, $0x10;
	v9 =	vld [tilespmem:s30+$0x70]  }
0x6a: {  	v20 =	vcvt.s32.f32 v20;
	v39 =	vcvt.s32.f32 v11;
	v33 =	vshll.u32 v33, $0x10;
	v10 =	vld [tilespmem:s1+$0x40]  }
0x6b: {  	v21 =	vcvt.s32.f32 v21;
	v40 =	vcvt.s32.f32 v12;
	v34 =	vshll.u32 v34, $0x10;
	v11 =	vld [tilespmem:s1+$0x50]  }
0x6c: {  	v24 =	vcvt.s32.f32 v24;
	v18 =	vcvt.s32.f32 v18;
	v41 =	vshra.s32 v13, $0x10;
	v12 =	vld [tilespmem:s30+$0x40]  }
0x6d: {  	v30 =	vcvt.s32.f32 v30;
	v25 =	vcvt.s32.f32 v25;
	v42 =	vshra.s32 v14, $0x10;
	v13 =	vld [tilespmem:s30+$0x50]  }
0x6e: {  	v28 =	vcvt.s32.f32 v28;
	v43 =	vshra.s32 v15, $0x10;
	v22 =	vcvt.s32.f32 v22;
	v14 =	vld [tilespmem:s1+$0x20]  }
0x6f: {  	v16 =	vshra.s32 v16, $0x10;
	v26 =	vcvt.s32.f32 v26;
	v23 =	vcvt.s32.f32 v23;
	v15 =	vld [tilespmem:s1+$0x30]  }
0x70: {  	v17 =	vshra.s32 v17, $0x10;
	v19 =	vcvt.s32.f32 v19;
	v31 =	vcvt.s32.f32 v31;
	v44 =	vld [tilespmem:s30+$0x20]  }
0x71: {  	v27 =	vshra.s32 v27, $0x10;
	v41 =	vcvt.s32.f32 v41;
	v32 =	vcvt.s32.f32 v32;
	v45 =	vld [tilespmem:s30+$0x30]  }
0x72: {  	v43 =	vcvt.s32.f32 v43;
	v42 =	vcvt.s32.f32 v42;
	v33 =	vshra.s32 v33, $0x10;
	v46 =	vld [tilespmem:s1+$0x0]  }
0x73: {  	v17 =	vcvt.s32.f32 v17;
	v16 =	vcvt.s32.f32 v16;
	v34 =	vshra.s32 v34, $0x10;
	v47 =	vld [tilespmem:s1+$0x10]  }
0x74: {  	v29 =	vshra.s32 v29, $0x10;
	v33 =	vcvt.s32.f32 v33;
	v34 =	vcvt.s32.f32 v34;
	v48 =	vld [tilespmem:s30+$0x0]  }
0x75: {  	v36 =	vshra.s32 v36, $0x10;
	v27 =	vcvt.s32.f32 v27;
	v29 =	vcvt.s32.f32 v29;
	v49 =	vld [tilespmem:s30+$0x10]  }
0x76: {  	v31 =	vmul.f32 v33, v31;
	v33 =	vshra.s32 v37, $0x10;
	v32 =	vmul.f32 v34, v32;
	v50 =	vld [tilespmem:s1+$0xFFFFFFE0]  }
0x77: {  	v35 =	vshra.s32 v35, $0x10;
	v36 =	vcvt.s32.f32 v36;
	v33 =	vcvt.s32.f32 v33;
	v34 =	vld [tilespmem:s1+$0xFFFFFFF0]  }
0x78: {  	v26 =	vmul.f32 v27, v26;
	v19 =	vmul.f32 v29, v19;
	v31 =	vadd.f32 v32, v31;
	v37 =	vld [tilespmem:s30+$0xFFFFFFE0]  }
0x79: {  	v5 =	vshra.s32 v5, $0x10;
	v22 =	vmul.f32 v36, v22;
	v29 =	vcvt.s32.f32 v35;
	v27 =	vld [tilespmem:s30+$0xFFFFFFF0]  }
0x7a: {  	v19 =	vadd.f32 v19, v26;
	v23 =	vmul.f32 v33, v23;
	v1 =	vadd.f32 v31, v1;
	v32 =	vld [tilespmem:s1+$0xFFFFFFC0]  }
0x7b: {  	v4 =	vshra.s32 v4, $0x10;
	v5 =	vcvt.s32.f32 v5;
	v17 =	vmul.f32 v17, v30;
	v26 =	vld [tilespmem:s1+$0xFFFFFFD0]  }
0x7c: {  	v1 =	vadd.f32 v19, v1;
	v19 =	vadd.f32 v23, v22;
	v22 =	vmul.f32 v29, v28;
	v30 =	vld [tilespmem:s30+$0xFFFFFFC0]  }
0x7d: {  	v3 =	vshra.s32 v3, $0x10;
	v4 =	vcvt.s32.f32 v4;
	v16 =	vmul.f32 v16, v24;
	v28 =	vld [tilespmem:s30+$0xFFFFFFD0]  }
0x7e: {  	v5 =	vmul.f32 v5, v25;
	v1 =	vadd.f32 v19, v1;
	v17 =	vadd.f32 v22, v17;
	v24 =	vld [tilespmem:s1+$0xFFFFFFA0]  }
0x7f: {  	v2 =	vshra.s32 v2, $0x10;
	v3 =	vcvt.s32.f32 v3;
	v21 =	vmul.f32 v43, v21;
	v19 =	vld [tilespmem:s1+$0xFFFFFFB0]  }
0x80: {  	v4 =	vmul.f32 v4, v18;
	v5 =	vadd.f32 v5, v16;
	v1 =	vadd.f32 v17, v1;
	v25 =	vld [tilespmem:s30+$0xFFFFFFA0]  }
0x81: {  	v2 =	vcvt.s32.f32 v2;
	v17 =	vmul.f32 v42, v20;
	v16 =	vld [tilespmem:s30+$0xFFFFFFB0]  }
0x82: {  	v3 =	vmul.f32 v3, v40;
	v4 =	vadd.f32 v4, v21;
	v1 =	vadd.f32 v5, v1;
	v18 =	vld [tilespmem:s1+$0xFFFFFF80]  }
0x83: {  	v20 =	vmul.f32 v41, v38;
	v5 =	vld [tilespmem:s1+$0xFFFFFF90]  }
0x84: {  	v2 =	vmul.f32 v2, v39;
	v3 =	vadd.f32 v3, v17;
	v1 =	vadd.f32 v4, v1;
	v33 =	vld [tilespmem:s30+$0xFFFFFF80]  }
0x85: {  	v17 =	vld [tilespmem:s30+$0xFFFFFF90]  }
0x86: {  	v2 =	vadd.f32 v2, v20;
	v1 =	vadd.f32 v3, v1;
	v4 =	vld.idx.msk [tilespmem:v6+s2+$0x0], $0xffff  }
0x87: {  	v3 =	vld.idx.msk [tilespmem:v7+s2+$0x0], $0xffff  }
0x88: {  	v1 =	vadd.f32 v2, v1;
	v6 =	vld.idx.msk [tilespmem:v8+s2+$0x0], $0xffff  }
0x89: {  	v2 =	vld.idx.msk [tilespmem:v9+s2+$0x0], $0xffff  }
0x8a: {  	v20 =	vld.idx.msk [tilespmem:v10+s2+$0x0], $0xffff  }
0x8b: {  	v21 =	vld.idx.msk [tilespmem:v11+s2+$0x0], $0xffff  }
0x8c: {  	v12 =	vld.idx.msk [tilespmem:v12+s2+$0x0], $0xffff  }
0x8d: {  	v35 =	vld.idx.msk [tilespmem:v13+s2+$0x0], $0xffff  }
0x8e: {  	v36 =	vld.idx.msk [tilespmem:v14+s2+$0x0], $0xffff  }
0x8f: {  	v15 =	vld.idx.msk [tilespmem:v15+s2+$0x0], $0xffff  }
0x90: {  	v38 =	vld.idx.msk [tilespmem:v44+s2+$0x0], $0xffff  }
0x91: {  	v39 =	vld.idx.msk [tilespmem:v45+s2+$0x0], $0xffff  }
0x92: {  	v40 =	vld.idx.msk [tilespmem:v46+s2+$0x0], $0xffff  }
0x93: {  	v41 =	vld.idx.msk [tilespmem:v47+s2+$0x0], $0xffff  }
0x94: {  	v42 =	vld.idx.msk [tilespmem:v48+s2+$0x0], $0xffff  }
0x95: {  	v43 =	vld.idx.msk [tilespmem:v49+s2+$0x0], $0xffff  }
0x96: {  	v44 =	vld.idx.msk [tilespmem:v50+s2+$0x0], $0xffff  }
0x97: {  	v45 =	vld.idx.msk [tilespmem:v34+s2+$0x0], $0xffff  }
0x98: {  	v37 =	vld.idx.msk [tilespmem:v37+s2+$0x0], $0xffff  }
0x99: {  	v7 =	vld.idx.msk [tilespmem:v27+s2+$0x0], $0xffff  }
0x9a: {  	v22 =	vld.idx.msk [tilespmem:v32+s2+$0x0], $0xffff  }
0x9b: {  	v23 =	vld.idx.msk [tilespmem:v26+s2+$0x0], $0xffff  }
0x9c: {  	v8 =	vld.idx.msk [tilespmem:v30+s2+$0x0], $0xffff  }
0x9d: {  	v9 =	vld.idx.msk [tilespmem:v28+s2+$0x0], $0xffff  }
0x9e: {  	v26 =	vld.idx.msk [tilespmem:v24+s2+$0x0], $0xffff  }
0x9f: {  	s0 =	sadd.s32 $0x10, s0;
	v10 =	vshra.s32 v4, $0x10;
	v19 =	vld.idx.msk [tilespmem:v19+s2+$0x0], $0xffff  }
0xa0: {  	p0 =	slt.u32 s0, $0x30;
	v11 =	vshra.s32 v3, $0x10;
	v13 =	vshll.u32 v6, $0x10;
	v2 =	vshll.u32 v2, $0x10;
	v27 =	vld.idx.msk [tilespmem:v25+s2+$0x0], $0xffff  }
.Ltmp0:
0xa1: {  	v20 =	vshra.s32 v20, $0x10;
	v14 =	vshll.u32 v12, $0x10;
	v12 =	vshra.s32 v21, $0x10;
	v29 =	vld.idx.msk [tilespmem:v16+s2+$0x0], $0xffff;
	(pc) =	sbr.rel @p0 .LBB2_4-.Ltmp0, $4  }
0xa2: {  	v3 =	vshll.u32 v35, $0x10;
	v21 =	vshra.s32 v36, $0x10;
	v31 =	vld.idx.msk [tilespmem:v18+s2+$0x0], $0xffff;
	v18 =	vshra.s32 v15, $0x10  }
0xa3: {  	v4 =	vshll.u32 v39, $0x10;
	v24 =	vshra.s32 v40, $0x10;
	v15 =	vshll.u32 v38, $0x10;
	v32 =	vld.idx.msk [tilespmem:v5+s2+$0x0], $0xffff  }
0xa4: {  	v25 =	vshra.s32 v41, $0x10;
	v16 =	vshll.u32 v42, $0x10;
	v5 =	vshll.u32 v43, $0x10;
	v33 =	vld.idx.msk [tilespmem:v33+s2+$0x0], $0xffff  }
0xa5: {  	s1 =	sadd.s32 $0x100, s1;
	v30 =	vshra.s32 v44, $0x10;
	v28 =	vshra.s32 v45, $0x10;
	v34 =	vld.idx.msk [tilespmem:v17+s2+$0x0], $0xffff;
	v17 =	vshll.u32 v37, $0x10  }
0xa6: {  	v6 =	vshra.s32 v22, $0x10;
	v49 =	vshra.s32 v23, $0x10;
	v7 =	vshll.u32 v7, $0x10  }
0xa7: {  	v50 =	vshra.s32 v26, $0x10;
	v8 =	vshll.u32 v8, $0x10;
	v9 =	vshll.u32 v9, $0x10  }
0xa8: {  	v51 =	vshll.u32 v27, $0x10;
	v10 =	vcvt.s32.f32 v10;
	v20 =	vcvt.s32.f32 v20  }
0xa9: {  	v19 =	vshra.s32 v19, $0x10;
	v11 =	vcvt.s32.f32 v11;
	v21 =	vcvt.s32.f32 v21  }
0xaa: {  	v52 =	vshll.u32 v29, $0x10;
	v12 =	vcvt.s32.f32 v12;
	v24 =	vcvt.s32.f32 v24  }
0xab: {  	v18 =	vcvt.s32.f32 v18;
	v13 =	vshra.s32 v13, $0x10;
	v30 =	vcvt.s32.f32 v30  }
0xac: {  	v25 =	vcvt.s32.f32 v25;
	v14 =	vshra.s32 v14, $0x10;
	v28 =	vcvt.s32.f32 v28  }
0xad: {  	v15 =	vshra.s32 v15, $0x10;
	v16 =	vshra.s32 v16, $0x10;
	v6 =	vcvt.s32.f32 v6  }
0xae: {  	v17 =	vshra.s32 v17, $0x10;
	v23 =	vcvt.s32.f32 v50;
	v22 =	vcvt.s32.f32 v49  }
0xaf: {  	v53 =	vshra.s32 v31, $0x10;
	v19 =	vcvt.s32.f32 v19;
	v13 =	vcvt.s32.f32 v13  }
0xb0: {  	v26 =	vshra.s32 v51, $0x10;
	v15 =	vcvt.s32.f32 v15;
	v14 =	vcvt.s32.f32 v14  }
0xb1: {  	v17 =	vcvt.s32.f32 v17;
	v16 =	vcvt.s32.f32 v16;
	v54 =	vshra.s32 v32, $0x10  }
0xb2: {  	v29 =	vcvt.s32.f32 v53;
	v55 =	vshll.u32 v33, $0x10;
	v56 =	vshll.u32 v34, $0x10  }
0xb3: {  	v31 =	vcvt.s32.f32 v54;
	v32 =	vshra.s32 v55, $0x10;
	v33 =	vshra.s32 v56, $0x10  }
0xb4: {  	v27 =	vshra.s32 v52, $0x10;
	v32 =	vcvt.s32.f32 v32;
	v33 =	vcvt.s32.f32 v33  }
0xb5: {  	v8 =	vshra.s32 v8, $0x10;
	v26 =	vcvt.s32.f32 v26;
	v27 =	vcvt.s32.f32 v27  }
0xb6: {  	v9 =	vshra.s32 v9, $0x10;
	v29 =	vmul.f32 v32, v29;
	v31 =	vmul.f32 v33, v31  }
0xb7: {  	v7 =	vshra.s32 v7, $0x10;
	v8 =	vcvt.s32.f32 v8;
	v9 =	vcvt.s32.f32 v9  }
0xb8: {  	v23 =	vmul.f32 v26, v23;
	v19 =	vmul.f32 v27, v19;
	v29 =	vadd.f32 v31, v29  }
0xb9: {  	v5 =	vshra.s32 v5, $0x10;
	v7 =	vcvt.s32.f32 v7;
	v6 =	vmul.f32 v8, v6  }
0xba: {  	v9 =	vmul.f32 v9, v22;
	v57 =	vadd.f32 v19, v23;
	v1 =	vadd.f32 v29, v1  }
0xbb: {  	v4 =	vshra.s32 v4, $0x10;
	v5 =	vcvt.s32.f32 v5;
	v17 =	vmul.f32 v17, v30  }
0xbc: {  	v7 =	vmul.f32 v7, v28;
	v6 =	vadd.f32 v9, v6;
	v1 =	vadd.f32 v57, v1  }
0xbd: {  	v3 =	vshra.s32 v3, $0x10;
	v4 =	vcvt.s32.f32 v4;
	v58 =	vmul.f32 v16, v24  }
0xbe: {  	v5 =	vmul.f32 v5, v25;
	v59 =	vadd.f32 v7, v17;
	v1 =	vadd.f32 v6, v1  }
0xbf: {  	v2 =	vshra.s32 v2, $0x10;
	v3 =	vcvt.s32.f32 v3;
	v60 =	vmul.f32 v15, v21  }
0xc0: {  	v4 =	vmul.f32 v4, v18;
	v5 =	vadd.f32 v5, v58;
	v1 =	vadd.f32 v59, v1  }
0xc1: {  	v2 =	vcvt.s32.f32 v2;
	v61 =	vmul.f32 v14, v20  }
0xc2: {  	v3 =	vmul.f32 v3, v12;
	v4 =	vadd.f32 v4, v60;
	v1 =	vadd.f32 v5, v1  }
0xc3: {  	v62 =	vmul.f32 v13, v10  }
0xc4: {  	v2 =	vmul.f32 v2, v11;
	v3 =	vadd.f32 v3, v61;
	v1 =	vadd.f32 v4, v1  }
0xc5: {  	v63 =	vld [tilespmem:$0x1C800]  }
0xc6: {  	s29 =	sadd.s32 $0x1, s29;
	v2 =	vadd.f32 v2, v62;
	v1 =	vadd.f32 v3, v1  }
0xc7: {  	p0 =	sne.s32 s29, $0x4  }
.Ltmp1:
0xc8: {  	v1 =	vadd.f32 v2, v1;
	(pc) =	sbr.rel @p0 .LBB2_3-.Ltmp1, $3  }
0xc9: {  	_ = 	snop  }
0xca: {  	v1 =	vadd.f32 v63, v1;
	_ =	sdelay $0x1  }
0xcb: {  	s24 =	sadd.s32 $0x400, s24;
	s31 =	sadd.s32 $0x400, s31;
	[tilespmem:$0x1C800] =	vst v1  }
0xcc: {  	_ =	swait.ge [sflag:s23], $0x1000  }
0xcd: {  	s0 =	sadd.s32 s28, s9;
	[sflag:s23] =	ssyncset.done $0x0  }
0xce: {  	p0 =	slt.s32 s0, $0x1866;
	[sflag:s23] =	ssyncadd.s32 $0xFFFFF000  }
0xcf: {  	s0 =	simm.s32 @!p0 $0x1866;
	_ =	swait.ge [sflag:s11], $0x1000  }
0xd0: {  	s0 =	sshll.u32 s0, $0x7;
	[sflag:s11] =	ssyncset.done $0x0  }
0xd1: {  	s28 =	simm.s32 $0x0;
	s1 =	sadd.s32 s3, s0;
	[sflag:s11] =	ssyncadd.s32 $0xFFFFF000  }
0xd2: {  	[tilespmem:s17], [sflag:$0x1] =	stream.linear.gather [hbm4b:s1+s28], $0x1000, $0x38;
	[tilespmem:$0x1C880] =	vst v63  }
0xd3: {  	s29 =	simm.s32 $0x1B880;
	s30 =	simm.s32 $0x19880;
	s0 =	sadd.s32 s4, s0  }
0xd4: {  	[tilespmem:s18], [sflag:$0x3] =	stream.linear.gather [hbm4b:s0+s28], $0x1000, $0x38;
	[tilespmem:$0x1C880] =	vst v63  }
.LBB2_7:
0xd5: {  	v1 =	vld [tilespmem:s30+$0x60]  }
0xd6: {  	v2 =	vld [tilespmem:s30+$0x70]  }
0xd7: {  	v3 =	vld [tilespmem:s29+$0x60]  }
0xd8: {  	v4 =	vld [tilespmem:s29+$0x70]  }
0xd9: {  	v5 =	vld [tilespmem:s30+$0x40]  }
0xda: {  	v6 =	vld [tilespmem:s30+$0x50]  }
0xdb: {  	v7 =	vld [tilespmem:s29+$0x40]  }
0xdc: {  	v8 =	vld [tilespmem:s29+$0x50]  }
0xdd: {  	v9 =	vld [tilespmem:s30+$0x20]  }
0xde: {  	v10 =	vld [tilespmem:s30+$0x30]  }
0xdf: {  	v11 =	vld [tilespmem:s29+$0x20]  }
0xe0: {  	v12 =	vld [tilespmem:s29+$0x30]  }
0xe1: {  	v13 =	vld [tilespmem:s30+$0x0]  }
0xe2: {  	v14 =	vld [tilespmem:s30+$0x10]  }
0xe3: {  	v15 =	vld [tilespmem:s29+$0x0]  }
0xe4: {  	v16 =	vld [tilespmem:s29+$0x10]  }
0xe5: {  	v17 =	vld [tilespmem:s30+$0xFFFFFFE0]  }
0xe6: {  	v18 =	vld [tilespmem:s30+$0xFFFFFFF0]  }
0xe7: {  	v19 =	vld [tilespmem:s29+$0xFFFFFFE0]  }
0xe8: {  	v20 =	vld [tilespmem:s29+$0xFFFFFFF0]  }
0xe9: {  	v21 =	vld [tilespmem:s30+$0xFFFFFFC0]  }
0xea: {  	v23 =	vld [tilespmem:s30+$0xFFFFFFD0]  }
0xeb: {  	v24 =	vld [tilespmem:s29+$0xFFFFFFC0]  }
0xec: {  	v25 =	vld [tilespmem:s29+$0xFFFFFFD0]  }
0xed: {  	v26 =	vld [tilespmem:s30+$0xFFFFFFA0]  }
0xee: {  	v27 =	vld [tilespmem:s30+$0xFFFFFFB0]  }
0xef: {  	v28 =	vld [tilespmem:s29+$0xFFFFFFA0]  }
0xf0: {  	v29 =	vld [tilespmem:s29+$0xFFFFFFB0]  }
0xf1: {  	v30 =	vld [tilespmem:s30+$0xFFFFFF80]  }
0xf2: {  	v32 =	vld [tilespmem:s30+$0xFFFFFF90]  }
0xf3: {  	v33 =	vld [tilespmem:s29+$0xFFFFFF80]  }
0xf4: {  	v34 =	vld [tilespmem:s29+$0xFFFFFF90]  }
0xf5: {  	v31 =	vld.idx.msk [tilespmem:v1+s2+$0x0], $0xffff  }
0xf6: {  	v2 =	vld.idx.msk [tilespmem:v2+s2+$0x0], $0xffff  }
0xf7: {  	v3 =	vld.idx.msk [tilespmem:v3+s2+$0x0], $0xffff  }
0xf8: {  	v4 =	vld.idx.msk [tilespmem:v4+s2+$0x0], $0xffff  }
0xf9: {  	v5 =	vld.idx.msk [tilespmem:v5+s2+$0x0], $0xffff  }
0xfa: {  	v6 =	vld.idx.msk [tilespmem:v6+s2+$0x0], $0xffff  }
0xfb: {  	v35 =	vld.idx.msk [tilespmem:v7+s2+$0x0], $0xffff  }
0xfc: {  	v36 =	vld.idx.msk [tilespmem:v8+s2+$0x0], $0xffff  }
0xfd: {  	v37 =	vld.idx.msk [tilespmem:v9+s2+$0x0], $0xffff  }
0xfe: {  	v38 =	vld.idx.msk [tilespmem:v10+s2+$0x0], $0xffff  }
0xff: {  	v39 =	vld.idx.msk [tilespmem:v11+s2+$0x0], $0xffff  }
0x100: {  	v40 =	vld.idx.msk [tilespmem:v12+s2+$0x0], $0xffff  }
0x101: {  	v41 =	vld.idx.msk [tilespmem:v13+s2+$0x0], $0xffff  }
0x102: {  	v42 =	vld.idx.msk [tilespmem:v14+s2+$0x0], $0xffff  }
0x103: {  	v43 =	vld.idx.msk [tilespmem:v15+s2+$0x0], $0xffff  }
0x104: {  	v44 =	vld.idx.msk [tilespmem:v16+s2+$0x0], $0xffff  }
0x105: {  	v17 =	vld.idx.msk [tilespmem:v17+s2+$0x0], $0xffff  }
0x106: {  	v45 =	vld.idx.msk [tilespmem:v18+s2+$0x0], $0xffff  }
0x107: {  	v46 =	vld.idx.msk [tilespmem:v19+s2+$0x0], $0xffff  }
0x108: {  	v7 =	vld.idx.msk [tilespmem:v20+s2+$0x0], $0xffff  }
0x109: {  	v22 =	vld.idx.msk [tilespmem:v21+s2+$0x0], $0xffff  }
0x10a: {  	v23 =	vld.idx.msk [tilespmem:v23+s2+$0x0], $0xffff  }
0x10b: {  	v8 =	vld.idx.msk [tilespmem:v24+s2+$0x0], $0xffff  }
0x10c: {  	v9 =	vld.idx.msk [tilespmem:v25+s2+$0x0], $0xffff  }
0x10d: {  	v26 =	vld.idx.msk [tilespmem:v26+s2+$0x0], $0xffff  }
0x10e: {  	v1 =	vimm.f32 $0.0e+00;
	v19 =	vld.idx.msk [tilespmem:v27+s2+$0x0], $0xffff;
	v10 =	vshra.s32 v31, $0x10  }
0x10f: {  	v27 =	vld.idx.msk [tilespmem:v28+s2+$0x0], $0xffff;
	v13 =	vshll.u32 v3, $0x10;
	v11 =	vshra.s32 v2, $0x10;
	v2 =	vshll.u32 v4, $0x10  }
0x110: {  	v29 =	vld.idx.msk [tilespmem:v29+s2+$0x0], $0xffff;
	v20 =	vshra.s32 v5, $0x10;
	v14 =	vshll.u32 v35, $0x10;
	v12 =	vshra.s32 v6, $0x10  }
0x111: {  	v32 =	vld.idx.msk [tilespmem:v32+s2+$0x0], $0xffff;
	v21 =	vshra.s32 v37, $0x10;
	v18 =	vshra.s32 v38, $0x10;
	v3 =	vshll.u32 v36, $0x10  }
0x112: {  	v33 =	vld.idx.msk [tilespmem:v33+s2+$0x0], $0xffff;
	v24 =	vshra.s32 v41, $0x10;
	v15 =	vshll.u32 v39, $0x10;
	v4 =	vshll.u32 v40, $0x10  }
0x113: {  	v31 =	vld.idx.msk [tilespmem:v30+s2+$0x0], $0xffff;
	v16 =	vshll.u32 v43, $0x10;
	v25 =	vshra.s32 v42, $0x10;
	v5 =	vshll.u32 v44, $0x10  }
0x114: {  	s0 =	simm.s32 $0x0;
	s1 =	sadd.s32 $0x100, s30;
	s24 =	smov.u32 s29;
	v34 =	vld.idx.msk [tilespmem:v34+s2+$0x0], $0xffff;
	v30 =	vshra.s32 v17, $0x10;
	v17 =	vshll.u32 v46, $0x10;
	v28 =	vshra.s32 v45, $0x10  }
.LBB2_8:
0x115: {  	v6 =	vld [tilespmem:s1+$0x60];
	v22 =	vshra.s32 v22, $0x10;
	v23 =	vshra.s32 v23, $0x10;
	v35 =	vshll.u32 v7, $0x10  }
0x116: {  	v26 =	vshra.s32 v26, $0x10;
	v36 =	vshll.u32 v8, $0x10;
	v37 =	vshll.u32 v9, $0x10;
	s24 =	sadd.s32 $0x100, s24;
	v7 =	vld [tilespmem:s1+$0x70]  }
0x117: {  	v27 =	vshll.u32 v27, $0x10;
	v19 =	vshra.s32 v19, $0x10;
	v29 =	vshll.u32 v29, $0x10;
	v8 =	vld [tilespmem:s24+$0x60]  }
0x118: {  	v38 =	vcvt.s32.f32 v10;
	v31 =	vshra.s32 v31, $0x10;
	v32 =	vshra.s32 v32, $0x10;
	v9 =	vld [tilespmem:s24+$0x70]  }
0x119: {  	v20 =	vcvt.s32.f32 v20;
	v39 =	vcvt.s32.f32 v11;
	v33 =	vshll.u32 v33, $0x10;
	v10 =	vld [tilespmem:s1+$0x40]  }
0x11a: {  	v21 =	vcvt.s32.f32 v21;
	v40 =	vcvt.s32.f32 v12;
	v34 =	vshll.u32 v34, $0x10;
	v11 =	vld [tilespmem:s1+$0x50]  }
0x11b: {  	v24 =	vcvt.s32.f32 v24;
	v18 =	vcvt.s32.f32 v18;
	v41 =	vshra.s32 v13, $0x10;
	v12 =	vld [tilespmem:s24+$0x40]  }
0x11c: {  	v30 =	vcvt.s32.f32 v30;
	v25 =	vcvt.s32.f32 v25;
	v42 =	vshra.s32 v14, $0x10;
	v13 =	vld [tilespmem:s24+$0x50]  }
0x11d: {  	v28 =	vcvt.s32.f32 v28;
	v43 =	vshra.s32 v15, $0x10;
	v22 =	vcvt.s32.f32 v22;
	v14 =	vld [tilespmem:s1+$0x20]  }
0x11e: {  	v16 =	vshra.s32 v16, $0x10;
	v26 =	vcvt.s32.f32 v26;
	v23 =	vcvt.s32.f32 v23;
	v15 =	vld [tilespmem:s1+$0x30]  }
0x11f: {  	v17 =	vshra.s32 v17, $0x10;
	v19 =	vcvt.s32.f32 v19;
	v31 =	vcvt.s32.f32 v31;
	v44 =	vld [tilespmem:s24+$0x20]  }
0x120: {  	v27 =	vshra.s32 v27, $0x10;
	v41 =	vcvt.s32.f32 v41;
	v32 =	vcvt.s32.f32 v32;
	v45 =	vld [tilespmem:s24+$0x30]  }
0x121: {  	v43 =	vcvt.s32.f32 v43;
	v42 =	vcvt.s32.f32 v42;
	v33 =	vshra.s32 v33, $0x10;
	v46 =	vld [tilespmem:s1+$0x0]  }
0x122: {  	v17 =	vcvt.s32.f32 v17;
	v16 =	vcvt.s32.f32 v16;
	v34 =	vshra.s32 v34, $0x10;
	v47 =	vld [tilespmem:s1+$0x10]  }
0x123: {  	v29 =	vshra.s32 v29, $0x10;
	v33 =	vcvt.s32.f32 v33;
	v34 =	vcvt.s32.f32 v34;
	v48 =	vld [tilespmem:s24+$0x0]  }
0x124: {  	v36 =	vshra.s32 v36, $0x10;
	v27 =	vcvt.s32.f32 v27;
	v29 =	vcvt.s32.f32 v29;
	v49 =	vld [tilespmem:s24+$0x10]  }
0x125: {  	v31 =	vmul.f32 v33, v31;
	v33 =	vshra.s32 v37, $0x10;
	v32 =	vmul.f32 v34, v32;
	v50 =	vld [tilespmem:s1+$0xFFFFFFE0]  }
0x126: {  	v35 =	vshra.s32 v35, $0x10;
	v36 =	vcvt.s32.f32 v36;
	v33 =	vcvt.s32.f32 v33;
	v34 =	vld [tilespmem:s1+$0xFFFFFFF0]  }
0x127: {  	v26 =	vmul.f32 v27, v26;
	v19 =	vmul.f32 v29, v19;
	v31 =	vadd.f32 v32, v31;
	v37 =	vld [tilespmem:s24+$0xFFFFFFE0]  }
0x128: {  	v5 =	vshra.s32 v5, $0x10;
	v22 =	vmul.f32 v36, v22;
	v29 =	vcvt.s32.f32 v35;
	v27 =	vld [tilespmem:s24+$0xFFFFFFF0]  }
0x129: {  	v19 =	vadd.f32 v19, v26;
	v23 =	vmul.f32 v33, v23;
	v1 =	vadd.f32 v31, v1;
	v32 =	vld [tilespmem:s1+$0xFFFFFFC0]  }
0x12a: {  	v4 =	vshra.s32 v4, $0x10;
	v5 =	vcvt.s32.f32 v5;
	v17 =	vmul.f32 v17, v30;
	v26 =	vld [tilespmem:s1+$0xFFFFFFD0]  }
0x12b: {  	v1 =	vadd.f32 v19, v1;
	v19 =	vadd.f32 v23, v22;
	v22 =	vmul.f32 v29, v28;
	v30 =	vld [tilespmem:s24+$0xFFFFFFC0]  }
0x12c: {  	v3 =	vshra.s32 v3, $0x10;
	v4 =	vcvt.s32.f32 v4;
	v16 =	vmul.f32 v16, v24;
	v28 =	vld [tilespmem:s24+$0xFFFFFFD0]  }
0x12d: {  	v5 =	vmul.f32 v5, v25;
	v1 =	vadd.f32 v19, v1;
	v17 =	vadd.f32 v22, v17;
	v24 =	vld [tilespmem:s1+$0xFFFFFFA0]  }
0x12e: {  	v2 =	vshra.s32 v2, $0x10;
	v3 =	vcvt.s32.f32 v3;
	v21 =	vmul.f32 v43, v21;
	v19 =	vld [tilespmem:s1+$0xFFFFFFB0]  }
0x12f: {  	v4 =	vmul.f32 v4, v18;
	v5 =	vadd.f32 v5, v16;
	v1 =	vadd.f32 v17, v1;
	v25 =	vld [tilespmem:s24+$0xFFFFFFA0]  }
0x130: {  	v2 =	vcvt.s32.f32 v2;
	v17 =	vmul.f32 v42, v20;
	v16 =	vld [tilespmem:s24+$0xFFFFFFB0]  }
0x131: {  	v3 =	vmul.f32 v3, v40;
	v4 =	vadd.f32 v4, v21;
	v1 =	vadd.f32 v5, v1;
	v18 =	vld [tilespmem:s1+$0xFFFFFF80]  }
0x132: {  	v20 =	vmul.f32 v41, v38;
	v5 =	vld [tilespmem:s1+$0xFFFFFF90]  }
0x133: {  	v2 =	vmul.f32 v2, v39;
	v3 =	vadd.f32 v3, v17;
	v1 =	vadd.f32 v4, v1;
	v33 =	vld [tilespmem:s24+$0xFFFFFF80]  }
0x134: {  	v17 =	vld [tilespmem:s24+$0xFFFFFF90]  }
0x135: {  	v2 =	vadd.f32 v2, v20;
	v1 =	vadd.f32 v3, v1;
	v4 =	vld.idx.msk [tilespmem:v6+s2+$0x0], $0xffff  }
0x136: {  	v3 =	vld.idx.msk [tilespmem:v7+s2+$0x0], $0xffff  }
0x137: {  	v1 =	vadd.f32 v2, v1;
	v6 =	vld.idx.msk [tilespmem:v8+s2+$0x0], $0xffff  }
0x138: {  	v2 =	vld.idx.msk [tilespmem:v9+s2+$0x0], $0xffff  }
0x139: {  	v20 =	vld.idx.msk [tilespmem:v10+s2+$0x0], $0xffff  }
0x13a: {  	v21 =	vld.idx.msk [tilespmem:v11+s2+$0x0], $0xffff  }
0x13b: {  	v12 =	vld.idx.msk [tilespmem:v12+s2+$0x0], $0xffff  }
0x13c: {  	v35 =	vld.idx.msk [tilespmem:v13+s2+$0x0], $0xffff  }
0x13d: {  	v36 =	vld.idx.msk [tilespmem:v14+s2+$0x0], $0xffff  }
0x13e: {  	v15 =	vld.idx.msk [tilespmem:v15+s2+$0x0], $0xffff  }
0x13f: {  	v38 =	vld.idx.msk [tilespmem:v44+s2+$0x0], $0xffff  }
0x140: {  	v39 =	vld.idx.msk [tilespmem:v45+s2+$0x0], $0xffff  }
0x141: {  	v40 =	vld.idx.msk [tilespmem:v46+s2+$0x0], $0xffff  }
0x142: {  	v41 =	vld.idx.msk [tilespmem:v47+s2+$0x0], $0xffff  }
0x143: {  	v42 =	vld.idx.msk [tilespmem:v48+s2+$0x0], $0xffff  }
0x144: {  	v43 =	vld.idx.msk [tilespmem:v49+s2+$0x0], $0xffff  }
0x145: {  	v44 =	vld.idx.msk [tilespmem:v50+s2+$0x0], $0xffff  }
0x146: {  	v45 =	vld.idx.msk [tilespmem:v34+s2+$0x0], $0xffff  }
0x147: {  	v37 =	vld.idx.msk [tilespmem:v37+s2+$0x0], $0xffff  }
0x148: {  	v7 =	vld.idx.msk [tilespmem:v27+s2+$0x0], $0xffff  }
0x149: {  	v22 =	vld.idx.msk [tilespmem:v32+s2+$0x0], $0xffff  }
0x14a: {  	v23 =	vld.idx.msk [tilespmem:v26+s2+$0x0], $0xffff  }
0x14b: {  	v8 =	vld.idx.msk [tilespmem:v30+s2+$0x0], $0xffff  }
0x14c: {  	v9 =	vld.idx.msk [tilespmem:v28+s2+$0x0], $0xffff  }
0x14d: {  	v26 =	vld.idx.msk [tilespmem:v24+s2+$0x0], $0xffff  }
0x14e: {  	s0 =	sadd.s32 $0x10, s0;
	v10 =	vshra.s32 v4, $0x10;
	v19 =	vld.idx.msk [tilespmem:v19+s2+$0x0], $0xffff  }
0x14f: {  	p0 =	slt.u32 s0, $0x30;
	v11 =	vshra.s32 v3, $0x10;
	v13 =	vshll.u32 v6, $0x10;
	v2 =	vshll.u32 v2, $0x10;
	v27 =	vld.idx.msk [tilespmem:v25+s2+$0x0], $0xffff  }
.Ltmp2:
0x150: {  	v20 =	vshra.s32 v20, $0x10;
	v14 =	vshll.u32 v12, $0x10;
	v12 =	vshra.s32 v21, $0x10;
	v29 =	vld.idx.msk [tilespmem:v16+s2+$0x0], $0xffff;
	(pc) =	sbr.rel @p0 .LBB2_8-.Ltmp2, $4  }
0x151: {  	v3 =	vshll.u32 v35, $0x10;
	v21 =	vshra.s32 v36, $0x10;
	v31 =	vld.idx.msk [tilespmem:v18+s2+$0x0], $0xffff;
	v18 =	vshra.s32 v15, $0x10  }
0x152: {  	v4 =	vshll.u32 v39, $0x10;
	v24 =	vshra.s32 v40, $0x10;
	v15 =	vshll.u32 v38, $0x10;
	v32 =	vld.idx.msk [tilespmem:v5+s2+$0x0], $0xffff  }
0x153: {  	v25 =	vshra.s32 v41, $0x10;
	v16 =	vshll.u32 v42, $0x10;
	v5 =	vshll.u32 v43, $0x10;
	v33 =	vld.idx.msk [tilespmem:v33+s2+$0x0], $0xffff  }
0x154: {  	s1 =	sadd.s32 $0x100, s1;
	v30 =	vshra.s32 v44, $0x10;
	v28 =	vshra.s32 v45, $0x10;
	v34 =	vld.idx.msk [tilespmem:v17+s2+$0x0], $0xffff;
	v17 =	vshll.u32 v37, $0x10  }
0x155: {  	v6 =	vshra.s32 v22, $0x10;
	v49 =	vshra.s32 v23, $0x10;
	v7 =	vshll.u32 v7, $0x10  }
0x156: {  	v50 =	vshra.s32 v26, $0x10;
	v8 =	vshll.u32 v8, $0x10;
	v9 =	vshll.u32 v9, $0x10  }
0x157: {  	v51 =	vshll.u32 v27, $0x10;
	v10 =	vcvt.s32.f32 v10;
	v20 =	vcvt.s32.f32 v20  }
0x158: {  	v19 =	vshra.s32 v19, $0x10;
	v11 =	vcvt.s32.f32 v11;
	v21 =	vcvt.s32.f32 v21  }
0x159: {  	v52 =	vshll.u32 v29, $0x10;
	v12 =	vcvt.s32.f32 v12;
	v24 =	vcvt.s32.f32 v24  }
0x15a: {  	v18 =	vcvt.s32.f32 v18;
	v13 =	vshra.s32 v13, $0x10;
	v30 =	vcvt.s32.f32 v30  }
0x15b: {  	v25 =	vcvt.s32.f32 v25;
	v14 =	vshra.s32 v14, $0x10;
	v28 =	vcvt.s32.f32 v28  }
0x15c: {  	v15 =	vshra.s32 v15, $0x10;
	v16 =	vshra.s32 v16, $0x10;
	v6 =	vcvt.s32.f32 v6  }
0x15d: {  	v17 =	vshra.s32 v17, $0x10;
	v23 =	vcvt.s32.f32 v50;
	v22 =	vcvt.s32.f32 v49  }
0x15e: {  	v53 =	vshra.s32 v31, $0x10;
	v19 =	vcvt.s32.f32 v19;
	v13 =	vcvt.s32.f32 v13  }
0x15f: {  	v26 =	vshra.s32 v51, $0x10;
	v15 =	vcvt.s32.f32 v15;
	v14 =	vcvt.s32.f32 v14  }
0x160: {  	v17 =	vcvt.s32.f32 v17;
	v16 =	vcvt.s32.f32 v16;
	v54 =	vshra.s32 v32, $0x10  }
0x161: {  	v29 =	vcvt.s32.f32 v53;
	v55 =	vshll.u32 v33, $0x10;
	v56 =	vshll.u32 v34, $0x10  }
0x162: {  	v31 =	vcvt.s32.f32 v54;
	v32 =	vshra.s32 v55, $0x10;
	v33 =	vshra.s32 v56, $0x10  }
0x163: {  	v27 =	vshra.s32 v52, $0x10;
	v32 =	vcvt.s32.f32 v32;
	v33 =	vcvt.s32.f32 v33  }
0x164: {  	v8 =	vshra.s32 v8, $0x10;
	v26 =	vcvt.s32.f32 v26;
	v27 =	vcvt.s32.f32 v27  }
0x165: {  	v9 =	vshra.s32 v9, $0x10;
	v29 =	vmul.f32 v32, v29;
	v31 =	vmul.f32 v33, v31  }
0x166: {  	v7 =	vshra.s32 v7, $0x10;
	v8 =	vcvt.s32.f32 v8;
	v9 =	vcvt.s32.f32 v9  }
0x167: {  	v23 =	vmul.f32 v26, v23;
	v19 =	vmul.f32 v27, v19;
	v29 =	vadd.f32 v31, v29  }
0x168: {  	v5 =	vshra.s32 v5, $0x10;
	v7 =	vcvt.s32.f32 v7;
	v6 =	vmul.f32 v8, v6  }
0x169: {  	v9 =	vmul.f32 v9, v22;
	v57 =	vadd.f32 v19, v23;
	v1 =	vadd.f32 v29, v1  }
0x16a: {  	v4 =	vshra.s32 v4, $0x10;
	v5 =	vcvt.s32.f32 v5;
	v17 =	vmul.f32 v17, v30  }
0x16b: {  	v7 =	vmul.f32 v7, v28;
	v6 =	vadd.f32 v9, v6;
	v1 =	vadd.f32 v57, v1  }
0x16c: {  	v3 =	vshra.s32 v3, $0x10;
	v4 =	vcvt.s32.f32 v4;
	v58 =	vmul.f32 v16, v24  }
0x16d: {  	v5 =	vmul.f32 v5, v25;
	v59 =	vadd.f32 v7, v17;
	v1 =	vadd.f32 v6, v1  }
0x16e: {  	v2 =	vshra.s32 v2, $0x10;
	v3 =	vcvt.s32.f32 v3;
	v60 =	vmul.f32 v15, v21  }
0x16f: {  	v4 =	vmul.f32 v4, v18;
	v5 =	vadd.f32 v5, v58;
	v1 =	vadd.f32 v59, v1  }
0x170: {  	v2 =	vcvt.s32.f32 v2;
	v61 =	vmul.f32 v14, v20  }
0x171: {  	v3 =	vmul.f32 v3, v12;
	v4 =	vadd.f32 v4, v60;
	v1 =	vadd.f32 v5, v1  }
0x172: {  	v62 =	vmul.f32 v13, v10  }
0x173: {  	v2 =	vmul.f32 v2, v11;
	v3 =	vadd.f32 v3, v61;
	v1 =	vadd.f32 v4, v1  }
0x174: {  	v63 =	vld [tilespmem:$0x1C800]  }
0x175: {  	s28 =	sadd.s32 $0x1, s28;
	v2 =	vadd.f32 v2, v62;
	v1 =	vadd.f32 v3, v1  }
0x176: {  	p0 =	sne.s32 s28, $0x4  }
.Ltmp3:
0x177: {  	v1 =	vadd.f32 v2, v1;
	(pc) =	sbr.rel @p0 .LBB2_7-.Ltmp3, $3  }
0x178: {  	_ = 	snop  }
0x179: {  	v1 =	vadd.f32 v63, v1;
	_ =	sdelay $0x1  }
0x17a: {  	s29 =	sadd.s32 $0x400, s29;
	s30 =	sadd.s32 $0x400, s30;
	[tilespmem:$0x1C800] =	vst v1  }
0x17b: {  	s26 =	sadd.s32 $0x1, s26  }
0x17c: {  	p0 =	sne.s32 s26, $0x18  }
.Ltmp4:
0x17d: {  	_ = 	snop;
	(pc) =	sbr.rel @p0 .LBB2_2-.Ltmp4, $1  }
0x17e: {  	_ =	sdelay $0x3  }
0x17f: {  	_ =	swait.ge [sflag:s19], $0x1000  }
0x180: {  	[sflag:s19] =	ssyncset.done $0x0  }
0x181: {  	[sflag:s19] =	ssyncadd.s32 $0xFFFFF000  }
0x182: {  	_ =	swait.ge [sflag:s20], $0x1000  }
0x183: {  	s26 =	simm.s32 $0x0;
	[sflag:s20] =	ssyncset.done $0x0  }
0x184: {  	s28 =	smov.u32 s15;
	s29 =	smov.u32 s14;
	[sflag:s20] =	ssyncadd.s32 $0xFFFFF000  }
.LBB2_12:
0x185: {  	v1 =	vld [tilespmem:s28+$0x60]  }
0x186: {  	v2 =	vld [tilespmem:s28+$0x70]  }
0x187: {  	v3 =	vld [tilespmem:s29+$0x60]  }
0x188: {  	v4 =	vld [tilespmem:s29+$0x70]  }
0x189: {  	v5 =	vld [tilespmem:s28+$0x40]  }
0x18a: {  	v6 =	vld [tilespmem:s28+$0x50]  }
0x18b: {  	v7 =	vld [tilespmem:s29+$0x40]  }
0x18c: {  	v8 =	vld [tilespmem:s29+$0x50]  }
0x18d: {  	v9 =	vld [tilespmem:s28+$0x20]  }
0x18e: {  	v10 =	vld [tilespmem:s28+$0x30]  }
0x18f: {  	v11 =	vld [tilespmem:s29+$0x20]  }
0x190: {  	v12 =	vld [tilespmem:s29+$0x30]  }
0x191: {  	v13 =	vld [tilespmem:s28+$0x0]  }
0x192: {  	v14 =	vld [tilespmem:s28+$0x10]  }
0x193: {  	v15 =	vld [tilespmem:s29+$0x0]  }
0x194: {  	v16 =	vld [tilespmem:s29+$0x10]  }
0x195: {  	v17 =	vld [tilespmem:s28+$0xFFFFFFE0]  }
0x196: {  	v18 =	vld [tilespmem:s28+$0xFFFFFFF0]  }
0x197: {  	v19 =	vld [tilespmem:s29+$0xFFFFFFE0]  }
0x198: {  	v20 =	vld [tilespmem:s29+$0xFFFFFFF0]  }
0x199: {  	v21 =	vld [tilespmem:s28+$0xFFFFFFC0]  }
0x19a: {  	v23 =	vld [tilespmem:s28+$0xFFFFFFD0]  }
0x19b: {  	v24 =	vld [tilespmem:s29+$0xFFFFFFC0]  }
0x19c: {  	v25 =	vld [tilespmem:s29+$0xFFFFFFD0]  }
0x19d: {  	v26 =	vld [tilespmem:s28+$0xFFFFFFA0]  }
0x19e: {  	v27 =	vld [tilespmem:s28+$0xFFFFFFB0]  }
0x19f: {  	v28 =	vld [tilespmem:s29+$0xFFFFFFA0]  }
0x1a0: {  	v29 =	vld [tilespmem:s29+$0xFFFFFFB0]  }
0x1a1: {  	v30 =	vld [tilespmem:s28+$0xFFFFFF80]  }
0x1a2: {  	v32 =	vld [tilespmem:s28+$0xFFFFFF90]  }
0x1a3: {  	v33 =	vld [tilespmem:s29+$0xFFFFFF80]  }
0x1a4: {  	v34 =	vld [tilespmem:s29+$0xFFFFFF90]  }
0x1a5: {  	v31 =	vld.idx.msk [tilespmem:v1+s2+$0x0], $0xffff  }
0x1a6: {  	v2 =	vld.idx.msk [tilespmem:v2+s2+$0x0], $0xffff  }
0x1a7: {  	v3 =	vld.idx.msk [tilespmem:v3+s2+$0x0], $0xffff  }
0x1a8: {  	v4 =	vld.idx.msk [tilespmem:v4+s2+$0x0], $0xffff  }
0x1a9: {  	v5 =	vld.idx.msk [tilespmem:v5+s2+$0x0], $0xffff  }
0x1aa: {  	v6 =	vld.idx.msk [tilespmem:v6+s2+$0x0], $0xffff  }
0x1ab: {  	v35 =	vld.idx.msk [tilespmem:v7+s2+$0x0], $0xffff  }
0x1ac: {  	v36 =	vld.idx.msk [tilespmem:v8+s2+$0x0], $0xffff  }
0x1ad: {  	v37 =	vld.idx.msk [tilespmem:v9+s2+$0x0], $0xffff  }
0x1ae: {  	v38 =	vld.idx.msk [tilespmem:v10+s2+$0x0], $0xffff  }
0x1af: {  	v39 =	vld.idx.msk [tilespmem:v11+s2+$0x0], $0xffff  }
0x1b0: {  	v40 =	vld.idx.msk [tilespmem:v12+s2+$0x0], $0xffff  }
0x1b1: {  	v41 =	vld.idx.msk [tilespmem:v13+s2+$0x0], $0xffff  }
0x1b2: {  	v42 =	vld.idx.msk [tilespmem:v14+s2+$0x0], $0xffff  }
0x1b3: {  	v43 =	vld.idx.msk [tilespmem:v15+s2+$0x0], $0xffff  }
0x1b4: {  	v44 =	vld.idx.msk [tilespmem:v16+s2+$0x0], $0xffff  }
0x1b5: {  	v17 =	vld.idx.msk [tilespmem:v17+s2+$0x0], $0xffff  }
0x1b6: {  	v45 =	vld.idx.msk [tilespmem:v18+s2+$0x0], $0xffff  }
0x1b7: {  	v46 =	vld.idx.msk [tilespmem:v19+s2+$0x0], $0xffff  }
0x1b8: {  	v7 =	vld.idx.msk [tilespmem:v20+s2+$0x0], $0xffff  }
0x1b9: {  	v22 =	vld.idx.msk [tilespmem:v21+s2+$0x0], $0xffff  }
0x1ba: {  	v23 =	vld.idx.msk [tilespmem:v23+s2+$0x0], $0xffff  }
0x1bb: {  	v8 =	vld.idx.msk [tilespmem:v24+s2+$0x0], $0xffff  }
0x1bc: {  	v9 =	vld.idx.msk [tilespmem:v25+s2+$0x0], $0xffff  }
0x1bd: {  	v26 =	vld.idx.msk [tilespmem:v26+s2+$0x0], $0xffff  }
0x1be: {  	v1 =	vimm.f32 $0.0e+00;
	v19 =	vld.idx.msk [tilespmem:v27+s2+$0x0], $0xffff;
	v10 =	vshra.s32 v31, $0x10  }
0x1bf: {  	v27 =	vld.idx.msk [tilespmem:v28+s2+$0x0], $0xffff;
	v13 =	vshll.u32 v3, $0x10;
	v11 =	vshra.s32 v2, $0x10;
	v2 =	vshll.u32 v4, $0x10  }
0x1c0: {  	v29 =	vld.idx.msk [tilespmem:v29+s2+$0x0], $0xffff;
	v20 =	vshra.s32 v5, $0x10;
	v14 =	vshll.u32 v35, $0x10;
	v12 =	vshra.s32 v6, $0x10  }
0x1c1: {  	v32 =	vld.idx.msk [tilespmem:v32+s2+$0x0], $0xffff;
	v21 =	vshra.s32 v37, $0x10;
	v18 =	vshra.s32 v38, $0x10;
	v3 =	vshll.u32 v36, $0x10  }
0x1c2: {  	v33 =	vld.idx.msk [tilespmem:v33+s2+$0x0], $0xffff;
	v24 =	vshra.s32 v41, $0x10;
	v15 =	vshll.u32 v39, $0x10;
	v4 =	vshll.u32 v40, $0x10  }
0x1c3: {  	v31 =	vld.idx.msk [tilespmem:v30+s2+$0x0], $0xffff;
	v16 =	vshll.u32 v43, $0x10;
	v25 =	vshra.s32 v42, $0x10;
	v5 =	vshll.u32 v44, $0x10  }
0x1c4: {  	s0 =	simm.s32 $0x0;
	s1 =	sadd.s32 $0x100, s28;
	s24 =	smov.u32 s29;
	v34 =	vld.idx.msk [tilespmem:v34+s2+$0x0], $0xffff;
	v30 =	vshra.s32 v17, $0x10;
	v17 =	vshll.u32 v46, $0x10;
	v28 =	vshra.s32 v45, $0x10  }
.LBB2_13:
0x1c5: {  	v6 =	vld [tilespmem:s1+$0x60];
	v22 =	vshra.s32 v22, $0x10;
	v23 =	vshra.s32 v23, $0x10;
	v35 =	vshll.u32 v7, $0x10  }
0x1c6: {  	v26 =	vshra.s32 v26, $0x10;
	v36 =	vshll.u32 v8, $0x10;
	v37 =	vshll.u32 v9, $0x10;
	s24 =	sadd.s32 $0x100, s24;
	v7 =	vld [tilespmem:s1+$0x70]  }
0x1c7: {  	v27 =	vshll.u32 v27, $0x10;
	v19 =	vshra.s32 v19, $0x10;
	v29 =	vshll.u32 v29, $0x10;
	v8 =	vld [tilespmem:s24+$0x60]  }
0x1c8: {  	v38 =	vcvt.s32.f32 v10;
	v31 =	vshra.s32 v31, $0x10;
	v32 =	vshra.s32 v32, $0x10;
	v9 =	vld [tilespmem:s24+$0x70]  }
0x1c9: {  	v20 =	vcvt.s32.f32 v20;
	v39 =	vcvt.s32.f32 v11;
	v33 =	vshll.u32 v33, $0x10;
	v10 =	vld [tilespmem:s1+$0x40]  }
0x1ca: {  	v21 =	vcvt.s32.f32 v21;
	v40 =	vcvt.s32.f32 v12;
	v34 =	vshll.u32 v34, $0x10;
	v11 =	vld [tilespmem:s1+$0x50]  }
0x1cb: {  	v24 =	vcvt.s32.f32 v24;
	v18 =	vcvt.s32.f32 v18;
	v41 =	vshra.s32 v13, $0x10;
	v12 =	vld [tilespmem:s24+$0x40]  }
0x1cc: {  	v30 =	vcvt.s32.f32 v30;
	v25 =	vcvt.s32.f32 v25;
	v42 =	vshra.s32 v14, $0x10;
	v13 =	vld [tilespmem:s24+$0x50]  }
0x1cd: {  	v28 =	vcvt.s32.f32 v28;
	v43 =	vshra.s32 v15, $0x10;
	v22 =	vcvt.s32.f32 v22;
	v14 =	vld [tilespmem:s1+$0x20]  }
0x1ce: {  	v16 =	vshra.s32 v16, $0x10;
	v26 =	vcvt.s32.f32 v26;
	v23 =	vcvt.s32.f32 v23;
	v15 =	vld [tilespmem:s1+$0x30]  }
0x1cf: {  	v17 =	vshra.s32 v17, $0x10;
	v19 =	vcvt.s32.f32 v19;
	v31 =	vcvt.s32.f32 v31;
	v44 =	vld [tilespmem:s24+$0x20]  }
0x1d0: {  	v27 =	vshra.s32 v27, $0x10;
	v41 =	vcvt.s32.f32 v41;
	v32 =	vcvt.s32.f32 v32;
	v45 =	vld [tilespmem:s24+$0x30]  }
0x1d1: {  	v43 =	vcvt.s32.f32 v43;
	v42 =	vcvt.s32.f32 v42;
	v33 =	vshra.s32 v33, $0x10;
	v46 =	vld [tilespmem:s1+$0x0]  }
0x1d2: {  	v17 =	vcvt.s32.f32 v17;
	v16 =	vcvt.s32.f32 v16;
	v34 =	vshra.s32 v34, $0x10;
	v47 =	vld [tilespmem:s1+$0x10]  }
0x1d3: {  	v29 =	vshra.s32 v29, $0x10;
	v33 =	vcvt.s32.f32 v33;
	v34 =	vcvt.s32.f32 v34;
	v48 =	vld [tilespmem:s24+$0x0]  }
0x1d4: {  	v36 =	vshra.s32 v36, $0x10;
	v27 =	vcvt.s32.f32 v27;
	v29 =	vcvt.s32.f32 v29;
	v49 =	vld [tilespmem:s24+$0x10]  }
0x1d5: {  	v31 =	vmul.f32 v33, v31;
	v33 =	vshra.s32 v37, $0x10;
	v32 =	vmul.f32 v34, v32;
	v50 =	vld [tilespmem:s1+$0xFFFFFFE0]  }
0x1d6: {  	v35 =	vshra.s32 v35, $0x10;
	v36 =	vcvt.s32.f32 v36;
	v33 =	vcvt.s32.f32 v33;
	v34 =	vld [tilespmem:s1+$0xFFFFFFF0]  }
0x1d7: {  	v26 =	vmul.f32 v27, v26;
	v19 =	vmul.f32 v29, v19;
	v31 =	vadd.f32 v32, v31;
	v37 =	vld [tilespmem:s24+$0xFFFFFFE0]  }
0x1d8: {  	v5 =	vshra.s32 v5, $0x10;
	v22 =	vmul.f32 v36, v22;
	v29 =	vcvt.s32.f32 v35;
	v27 =	vld [tilespmem:s24+$0xFFFFFFF0]  }
0x1d9: {  	v19 =	vadd.f32 v19, v26;
	v23 =	vmul.f32 v33, v23;
	v1 =	vadd.f32 v31, v1;
	v32 =	vld [tilespmem:s1+$0xFFFFFFC0]  }
0x1da: {  	v4 =	vshra.s32 v4, $0x10;
	v5 =	vcvt.s32.f32 v5;
	v17 =	vmul.f32 v17, v30;
	v26 =	vld [tilespmem:s1+$0xFFFFFFD0]  }
0x1db: {  	v1 =	vadd.f32 v19, v1;
	v19 =	vadd.f32 v23, v22;
	v22 =	vmul.f32 v29, v28;
	v30 =	vld [tilespmem:s24+$0xFFFFFFC0]  }
0x1dc: {  	v3 =	vshra.s32 v3, $0x10;
	v4 =	vcvt.s32.f32 v4;
	v16 =	vmul.f32 v16, v24;
	v28 =	vld [tilespmem:s24+$0xFFFFFFD0]  }
0x1dd: {  	v5 =	vmul.f32 v5, v25;
	v1 =	vadd.f32 v19, v1;
	v17 =	vadd.f32 v22, v17;
	v24 =	vld [tilespmem:s1+$0xFFFFFFA0]  }
0x1de: {  	v2 =	vshra.s32 v2, $0x10;
	v3 =	vcvt.s32.f32 v3;
	v21 =	vmul.f32 v43, v21;
	v19 =	vld [tilespmem:s1+$0xFFFFFFB0]  }
0x1df: {  	v4 =	vmul.f32 v4, v18;
	v5 =	vadd.f32 v5, v16;
	v1 =	vadd.f32 v17, v1;
	v25 =	vld [tilespmem:s24+$0xFFFFFFA0]  }
0x1e0: {  	v2 =	vcvt.s32.f32 v2;
	v17 =	vmul.f32 v42, v20;
	v16 =	vld [tilespmem:s24+$0xFFFFFFB0]  }
0x1e1: {  	v3 =	vmul.f32 v3, v40;
	v4 =	vadd.f32 v4, v21;
	v1 =	vadd.f32 v5, v1;
	v18 =	vld [tilespmem:s1+$0xFFFFFF80]  }
0x1e2: {  	v20 =	vmul.f32 v41, v38;
	v5 =	vld [tilespmem:s1+$0xFFFFFF90]  }
0x1e3: {  	v2 =	vmul.f32 v2, v39;
	v3 =	vadd.f32 v3, v17;
	v1 =	vadd.f32 v4, v1;
	v33 =	vld [tilespmem:s24+$0xFFFFFF80]  }
0x1e4: {  	v17 =	vld [tilespmem:s24+$0xFFFFFF90]  }
0x1e5: {  	v2 =	vadd.f32 v2, v20;
	v1 =	vadd.f32 v3, v1;
	v4 =	vld.idx.msk [tilespmem:v6+s2+$0x0], $0xffff  }
0x1e6: {  	v3 =	vld.idx.msk [tilespmem:v7+s2+$0x0], $0xffff  }
0x1e7: {  	v1 =	vadd.f32 v2, v1;
	v6 =	vld.idx.msk [tilespmem:v8+s2+$0x0], $0xffff  }
0x1e8: {  	v2 =	vld.idx.msk [tilespmem:v9+s2+$0x0], $0xffff  }
0x1e9: {  	v20 =	vld.idx.msk [tilespmem:v10+s2+$0x0], $0xffff  }
0x1ea: {  	v21 =	vld.idx.msk [tilespmem:v11+s2+$0x0], $0xffff  }
0x1eb: {  	v12 =	vld.idx.msk [tilespmem:v12+s2+$0x0], $0xffff  }
0x1ec: {  	v35 =	vld.idx.msk [tilespmem:v13+s2+$0x0], $0xffff  }
0x1ed: {  	v36 =	vld.idx.msk [tilespmem:v14+s2+$0x0], $0xffff  }
0x1ee: {  	v15 =	vld.idx.msk [tilespmem:v15+s2+$0x0], $0xffff  }
0x1ef: {  	v38 =	vld.idx.msk [tilespmem:v44+s2+$0x0], $0xffff  }
0x1f0: {  	v39 =	vld.idx.msk [tilespmem:v45+s2+$0x0], $0xffff  }
0x1f1: {  	v40 =	vld.idx.msk [tilespmem:v46+s2+$0x0], $0xffff  }
0x1f2: {  	v41 =	vld.idx.msk [tilespmem:v47+s2+$0x0], $0xffff  }
0x1f3: {  	v42 =	vld.idx.msk [tilespmem:v48+s2+$0x0], $0xffff  }
0x1f4: {  	v43 =	vld.idx.msk [tilespmem:v49+s2+$0x0], $0xffff  }
0x1f5: {  	v44 =	vld.idx.msk [tilespmem:v50+s2+$0x0], $0xffff  }
0x1f6: {  	v45 =	vld.idx.msk [tilespmem:v34+s2+$0x0], $0xffff  }
0x1f7: {  	v37 =	vld.idx.msk [tilespmem:v37+s2+$0x0], $0xffff  }
0x1f8: {  	v7 =	vld.idx.msk [tilespmem:v27+s2+$0x0], $0xffff  }
0x1f9: {  	v22 =	vld.idx.msk [tilespmem:v32+s2+$0x0], $0xffff  }
0x1fa: {  	v23 =	vld.idx.msk [tilespmem:v26+s2+$0x0], $0xffff  }
0x1fb: {  	v8 =	vld.idx.msk [tilespmem:v30+s2+$0x0], $0xffff  }
0x1fc: {  	v9 =	vld.idx.msk [tilespmem:v28+s2+$0x0], $0xffff  }
0x1fd: {  	v26 =	vld.idx.msk [tilespmem:v24+s2+$0x0], $0xffff  }
0x1fe: {  	s0 =	sadd.s32 $0x10, s0;
	v10 =	vshra.s32 v4, $0x10;
	v19 =	vld.idx.msk [tilespmem:v19+s2+$0x0], $0xffff  }
0x1ff: {  	p0 =	slt.u32 s0, $0x30;
	v11 =	vshra.s32 v3, $0x10;
	v13 =	vshll.u32 v6, $0x10;
	v2 =	vshll.u32 v2, $0x10;
	v27 =	vld.idx.msk [tilespmem:v25+s2+$0x0], $0xffff  }
.Ltmp5:
0x200: {  	v20 =	vshra.s32 v20, $0x10;
	v14 =	vshll.u32 v12, $0x10;
	v12 =	vshra.s32 v21, $0x10;
	v29 =	vld.idx.msk [tilespmem:v16+s2+$0x0], $0xffff;
	(pc) =	sbr.rel @p0 .LBB2_13-.Ltmp5, $4  }
0x201: {  	v3 =	vshll.u32 v35, $0x10;
	v21 =	vshra.s32 v36, $0x10;
	v31 =	vld.idx.msk [tilespmem:v18+s2+$0x0], $0xffff;
	v18 =	vshra.s32 v15, $0x10  }
0x202: {  	v4 =	vshll.u32 v39, $0x10;
	v24 =	vshra.s32 v40, $0x10;
	v15 =	vshll.u32 v38, $0x10;
	v32 =	vld.idx.msk [tilespmem:v5+s2+$0x0], $0xffff  }
0x203: {  	v25 =	vshra.s32 v41, $0x10;
	v16 =	vshll.u32 v42, $0x10;
	v5 =	vshll.u32 v43, $0x10;
	v33 =	vld.idx.msk [tilespmem:v33+s2+$0x0], $0xffff  }
0x204: {  	s1 =	sadd.s32 $0x100, s1;
	v30 =	vshra.s32 v44, $0x10;
	v28 =	vshra.s32 v45, $0x10;
	v34 =	vld.idx.msk [tilespmem:v17+s2+$0x0], $0xffff;
	v17 =	vshll.u32 v37, $0x10  }
0x205: {  	v6 =	vshra.s32 v22, $0x10;
	v49 =	vshra.s32 v23, $0x10;
	v7 =	vshll.u32 v7, $0x10  }
0x206: {  	v50 =	vshra.s32 v26, $0x10;
	v8 =	vshll.u32 v8, $0x10;
	v9 =	vshll.u32 v9, $0x10  }
0x207: {  	v51 =	vshll.u32 v27, $0x10;
	v10 =	vcvt.s32.f32 v10;
	v20 =	vcvt.s32.f32 v20  }
0x208: {  	v19 =	vshra.s32 v19, $0x10;
	v11 =	vcvt.s32.f32 v11;
	v21 =	vcvt.s32.f32 v21  }
0x209: {  	v52 =	vshll.u32 v29, $0x10;
	v12 =	vcvt.s32.f32 v12;
	v24 =	vcvt.s32.f32 v24  }
0x20a: {  	v18 =	vcvt.s32.f32 v18;
	v13 =	vshra.s32 v13, $0x10;
	v30 =	vcvt.s32.f32 v30  }
0x20b: {  	v25 =	vcvt.s32.f32 v25;
	v14 =	vshra.s32 v14, $0x10;
	v28 =	vcvt.s32.f32 v28  }
0x20c: {  	v15 =	vshra.s32 v15, $0x10;
	v16 =	vshra.s32 v16, $0x10;
	v6 =	vcvt.s32.f32 v6  }
0x20d: {  	v17 =	vshra.s32 v17, $0x10;
	v23 =	vcvt.s32.f32 v50;
	v22 =	vcvt.s32.f32 v49  }
0x20e: {  	v53 =	vshra.s32 v31, $0x10;
	v19 =	vcvt.s32.f32 v19;
	v13 =	vcvt.s32.f32 v13  }
0x20f: {  	v26 =	vshra.s32 v51, $0x10;
	v15 =	vcvt.s32.f32 v15;
	v14 =	vcvt.s32.f32 v14  }
0x210: {  	v17 =	vcvt.s32.f32 v17;
	v16 =	vcvt.s32.f32 v16;
	v54 =	vshra.s32 v32, $0x10  }
0x211: {  	v29 =	vcvt.s32.f32 v53;
	v55 =	vshll.u32 v33, $0x10;
	v56 =	vshll.u32 v34, $0x10  }
0x212: {  	v31 =	vcvt.s32.f32 v54;
	v32 =	vshra.s32 v55, $0x10;
	v33 =	vshra.s32 v56, $0x10  }
0x213: {  	v27 =	vshra.s32 v52, $0x10;
	v32 =	vcvt.s32.f32 v32;
	v33 =	vcvt.s32.f32 v33  }
0x214: {  	v8 =	vshra.s32 v8, $0x10;
	v26 =	vcvt.s32.f32 v26;
	v27 =	vcvt.s32.f32 v27  }
0x215: {  	v9 =	vshra.s32 v9, $0x10;
	v29 =	vmul.f32 v32, v29;
	v31 =	vmul.f32 v33, v31  }
0x216: {  	v7 =	vshra.s32 v7, $0x10;
	v8 =	vcvt.s32.f32 v8;
	v9 =	vcvt.s32.f32 v9  }
0x217: {  	v23 =	vmul.f32 v26, v23;
	v19 =	vmul.f32 v27, v19;
	v29 =	vadd.f32 v31, v29  }
0x218: {  	v5 =	vshra.s32 v5, $0x10;
	v7 =	vcvt.s32.f32 v7;
	v6 =	vmul.f32 v8, v6  }
0x219: {  	v9 =	vmul.f32 v9, v22;
	v57 =	vadd.f32 v19, v23;
	v1 =	vadd.f32 v29, v1  }
0x21a: {  	v4 =	vshra.s32 v4, $0x10;
	v5 =	vcvt.s32.f32 v5;
	v17 =	vmul.f32 v17, v30  }
0x21b: {  	v7 =	vmul.f32 v7, v28;
	v6 =	vadd.f32 v9, v6;
	v1 =	vadd.f32 v57, v1  }
0x21c: {  	v3 =	vshra.s32 v3, $0x10;
	v4 =	vcvt.s32.f32 v4;
	v58 =	vmul.f32 v16, v24  }
0x21d: {  	v5 =	vmul.f32 v5, v25;
	v59 =	vadd.f32 v7, v17;
	v1 =	vadd.f32 v6, v1  }
0x21e: {  	v2 =	vshra.s32 v2, $0x10;
	v3 =	vcvt.s32.f32 v3;
	v60 =	vmul.f32 v15, v21  }
0x21f: {  	v4 =	vmul.f32 v4, v18;
	v5 =	vadd.f32 v5, v58;
	v1 =	vadd.f32 v59, v1  }
0x220: {  	v2 =	vcvt.s32.f32 v2;
	v61 =	vmul.f32 v14, v20  }
0x221: {  	v3 =	vmul.f32 v3, v12;
	v4 =	vadd.f32 v4, v60;
	v1 =	vadd.f32 v5, v1  }
0x222: {  	v62 =	vmul.f32 v13, v10  }
0x223: {  	v2 =	vmul.f32 v2, v11;
	v3 =	vadd.f32 v3, v61;
	v1 =	vadd.f32 v4, v1  }
0x224: {  	v63 =	vld [tilespmem:$0x1C800]  }
0x225: {  	s26 =	sadd.s32 $0x1, s26;
	v2 =	vadd.f32 v2, v62;
	v1 =	vadd.f32 v3, v1  }
0x226: {  	p0 =	sne.s32 s26, s10  }
.Ltmp6:
0x227: {  	v1 =	vadd.f32 v2, v1;
	(pc) =	sbr.rel @p0 .LBB2_12-.Ltmp6, $3  }
0x228: {  	_ = 	snop  }
0x229: {  	v1 =	vadd.f32 v63, v1;
	_ =	sdelay $0x1  }
0x22a: {  	s29 =	sadd.s32 $0x400, s29;
	s28 =	sadd.s32 $0x400, s28;
	[tilespmem:$0x1C800] =	vst v1  }
0x22b: {  	s25 =	sadd.s32 $0x1, s25  }
0x22c: {  	p0 =	sne.s32 s25, s13  }
.Ltmp7:
0x22d: {  	s0 =	simm.s32 $0x1C800;
	(pc) =	sbr.rel @p0 .LBB2_1-.Ltmp7, $4  }
0x22e: {  	[hbm4b:s12+s2] =	stream.linear.scatter [tilespmem:s0], [sflag:$0x5], $0x80, $0x38;
	[tilespmem:$0x1C880] =	vst v63  }
0x22f: {  	_ =	swait.ge [sflag:s16], $0x80  }
0x230: {  	[sflag:s16] =	ssyncset.done $0x0  }
0x231: {  	[sflag:s16] =	ssyncadd.s32 $0xFFFFFF80  }
0x232: {  	_ =	sfence.sel $0x180000  }
0x233: {  	[bflag:$0x0] =	sbarrier.arrive $0xFFFF  }
0x234: {  	_ =	strace $0x9000004D  }
0x235: {  	s0 =	stileid.u32;
	[bflag:$0x2] =	sbarrier.arrive $0xFFFF  }
0x236: {  	p0 =	sne.s32 s0, $0x0;
	s0 =	rddreg [dreg:$0x1]  }
0x237: {  	s0 =	sadd.s32 @!p0 $0x100000, s0  }
0x238: {  	[sflag:s0] =	ssyncadd.tile.s32 @!p0 $0x1;
	_ =	shalt  }
.Lfunc_end2:
_tile_overlayer_lowered:
.L_overlay_start_2:
0x239: {  	(tag) =	ssettag $0x2  }
0x23a: {  	s0 =	rddreg [dreg:$0x0];
	s2 =	stileid.u32  }
0x23b: {  	s1 =	rddreg [dreg:$0x1];
	p0 =	sne.s32 s2, $0x0  }
0x23c: {  	s3 =	rddreg [dreg:$0x2];
	[bflag:$0x3] =	sbarrier.arrive $0xFFFF;
	s2 =	simm.s32 @!p0 $0x1C05  }
0x23d: {  	[timem:s3], [sflag:s2] =	dma.local @!p0 [hbm:s0], s1  }
0x23e: {  	s0 =	simm.s32 @!p0 $0x5  }
0x23f: {  	_ =	swait.ge @!p0 [sflag:s0], s1  }
0x240: {  	s1 =	ssub.s32 @!p0 $0x0, s1;
	[sflag:s0] =	ssyncset.done @!p0 $0x0  }
0x241: {  	[sflag:s0] =	ssyncadd.s32 @!p0 s1  }
0x242: {  	[bflag:$0x3] =	sbarrier.arrive $0xFFFF  }
0x243: {  	_ =	shalt  }

// kernel: kernel.8.cloned.1.call-start
scs
__scs_entry_jumppad:
0x0: {  	(pc) =	sbr.rel $0x88, $3  }
0x1: {  	(tag) =	ssettag $0x0;
	lr =	simm.s32 $0x1  }
0x2: {  	[smem:$0x3F99] =	sst lr;
	_ =	strace $0xD0000000  }
0x3: {  	_ = 	snop  }
0x4: {  	_ = 	snop  }
0x5: {  	_ = 	snop  }
0x6: {  	_ = 	snop  }
0x7: {  	_ = 	snop  }
__scs_overlays_trampoline_lowered:
0x8: {  	[smem:$0x3FA8] =	sst s0  }
0x9: {  	[smem:$0x3FA9] =	sst s1  }
0xa: {  	[smem:$0x3FAA] =	sst s2  }
0xb: {  	[smem:$0x3FAB] =	sst s3  }
0xc: {  	[smem:$0x3FAC] =	sst s4  }
0xd: {  	[smem:$0x3FAD] =	sst s5  }
0xe: {  	[smem:$0x3FAE] =	sst s6  }
0xf: {  	[smem:$0x3FAF] =	sst s7  }
0x10: {  	[smem:$0x3FB0] =	sst s8  }
0x11: {  	[smem:$0x3FB1] =	sst s9;
	s0 =	simm.s32 @!p0 $0x0  }
0x12: {  	s1 =	sld [smem:$0x3F97];
	s0 =	simm.s32 @p0 $0x1  }
0x13: {  	[smem:$0x3FB2] =	sst s0;
	s0 =	simm.s32 @!p1 $0x0  }
0x14: {  	s2 =	sld [smem:$0x3F96];
	s0 =	simm.s32 @p1 $0x1  }
0x15: {  	[smem:$0x3FB3] =	sst s0;
	s0 =	simm.s32 @!p2 $0x0  }
0x16: {  	s3 =	sld [smem:$0x3FDB];
	s0 =	simm.s32 @p2 $0x1  }
0x17: {  	s4 =	simm.s32 $0x1BF5;
	[smem:$0x3FB5] =	sst s0  }
0x18: {  	s0 =	sld [smem:$0x3F98];
	_ =	swait.ge [sflag:s4], $0x0  }
0x19: {  	s7 =	sld [smem:$0x3F99]  }
0x1a: {  	s8 =	sadd.s32 $0xFFFFE003, lr  }
0x1b: {  	s9 =	sadd.s32 $0xFFFFFEF7, lr;
	s5 =	simm.s32 $0xFFFFFFFF;
	p2 =	slt.u32 s8, $0xFFFFF086  }
0x1c: {  	p1 =	slt.u32 s9, $0xF7A;
	s5 =	simm.s32 @!p2 $0x0  }
0x1d: {  	s5 =	simm.s32 @p1 $0x1;
	p0 =	seq.s32 s7, s2  }
0x1e: {  	s7 =	smul.u32 @!p0 $0xF7A, s2;
	p2 =	seq.s32 @!p0 s5, $0x0  }
0x1f: {  	s9 =	smul.u32 $0xF7A, s1;
	s8 =	simm.s32 @!p0 $0x1BF5;
	p2 =	por !p2, p0  }
0x20: {  	[sflag:s8] =	ssyncset.s32 @!p0 $0xFFFFF086;
	s6 =	sadd.s32 @!p0 s3, s7;
	s7 =	simm.s32 @!p0 $0x108  }
0x21: {  	s3 =	sadd.s32 s3, s9;
	s6 =	sadd.s32 @!p0 $0x88, s6;
	s7 =	simm.s32 @p2 $0x1082  }
0x22: {  	[simem:s7], [sflag:s8] =	dma.local @!p0 [hbm:s6], $0xF7A  }
0x23: {  	s9 =	sor.u32 $0xD0000000, s2;
	s6 =	simm.s32 $0x108;
	_ =	swait.ge @!p0 [sflag:s8], $0x0  }
0x24: {  	s3 =	sadd.s32 $0x88, s3;
	s6 =	simm.s32 @!p1 $0x1082;
	[sflag:s4] =	ssyncset.s32 $0xFFFFF086  }
0x25: {  	[simem:s6], [sflag:s4] =	dma.local [hbm:s3], $0xF7A  }
0x26: {  	[smem:$0x3F99] =	sst s1;
	(tag) =	ssettag s2;
	_ =	strace s9  }
0x27: {  	s1 =	sld [smem:$0x3FA9]  }
0x28: {  	s2 =	sld [smem:$0x3FAA]  }
0x29: {  	s4 =	sld [smem:$0x3FAC]  }
0x2a: {  	p0 =	seq.s32 s5, $0x0;
	s5 =	sld [smem:$0x3FAD]  }
0x2b: {  	s6 =	sld [smem:$0x3FAE]  }
0x2c: {  	s7 =	sld [smem:$0x3FAF]  }
0x2d: {  	s3 =	simm.s32 $0x108;
	s8 =	sld [smem:$0x3FB0]  }
0x2e: {  	s3 =	simm.s32 @!p0 $0x1082;
	s9 =	sld [smem:$0x3FB1]  }
0x2f: {  	lr =	sadd.s32 s0, s3;
	s0 =	sld [smem:$0x3FA8]  }
0x30: {  	s3 =	sld [smem:$0x3FAB]  }
0x31: {  	[smem:$0x3FB4] =	sst s10  }
0x32: {  	s10 =	sld [smem:$0x3FB2];
	_ =	sdelay $0x3  }
0x33: {  	p0 =	seq.s32 s10, $0x1;
	s10 =	sld [smem:$0x3FB4];
	_ =	sdelay $0x3  }
0x34: {  	[smem:$0x3FB4] =	sst s10  }
0x35: {  	s10 =	sld [smem:$0x3FB3];
	_ =	sdelay $0x3  }
0x36: {  	p1 =	seq.s32 s10, $0x1;
	s10 =	sld [smem:$0x3FB4];
	_ =	sdelay $0x3  }
0x37: {  	[smem:$0x3FB4] =	sst s10  }
0x38: {  	s10 =	sld [smem:$0x3FB5]  }
0x39: {  	_ = 	snop;
	(pc) =	sbr.ind lr, $3  }
0x3a: {  	_ = 	snop  }
0x3b: {  	_ = 	snop  }
0x3c: {  	p2 =	seq.s32 s10, $0x1;
	s10 =	sld [smem:$0x3FB4]  }
0x3d: {  	_ =	shalt  }
0x3e: {  	_ =	shalt  }
0x3f: {  	_ =	shalt  }
0x40: {  	_ =	shalt  }
0x41: {  	_ =	shalt  }
0x42: {  	_ =	shalt  }
0x43: {  	_ =	shalt  }
0x44: {  	_ =	shalt  }
0x45: {  	_ =	shalt  }
0x46: {  	_ =	shalt  }
0x47: {  	_ =	shalt  }
0x48: {  	_ =	shalt  }
0x49: {  	_ =	shalt  }
0x4a: {  	_ =	shalt  }
0x4b: {  	_ =	shalt  }
0x4c: {  	_ =	shalt  }
0x4d: {  	_ =	shalt  }
0x4e: {  	_ =	shalt  }
0x4f: {  	_ =	shalt  }
0x50: {  	_ =	shalt  }
0x51: {  	_ =	shalt  }
0x52: {  	_ =	shalt  }
0x53: {  	_ =	shalt  }
0x54: {  	_ =	shalt  }
0x55: {  	_ =	shalt  }
0x56: {  	_ =	shalt  }
0x57: {  	_ =	shalt  }
0x58: {  	_ =	shalt  }
0x59: {  	_ =	shalt  }
0x5a: {  	_ =	shalt  }
0x5b: {  	_ =	shalt  }
0x5c: {  	_ =	shalt  }
0x5d: {  	_ =	shalt  }
0x5e: {  	_ =	shalt  }
0x5f: {  	_ =	shalt  }
0x60: {  	_ =	shalt  }
0x61: {  	_ =	shalt  }
0x62: {  	_ =	shalt  }
0x63: {  	_ =	shalt  }
0x64: {  	_ =	shalt  }
0x65: {  	_ =	shalt  }
0x66: {  	_ =	shalt  }
0x67: {  	_ =	shalt  }
0x68: {  	_ =	shalt  }
0x69: {  	_ =	shalt  }
0x6a: {  	_ =	shalt  }
0x6b: {  	_ =	shalt  }
0x6c: {  	_ =	shalt  }
0x6d: {  	_ =	shalt  }
0x6e: {  	_ =	shalt  }
0x6f: {  	_ =	shalt  }
0x70: {  	_ =	shalt  }
0x71: {  	_ =	shalt  }
0x72: {  	_ =	shalt  }
0x73: {  	_ =	shalt  }
0x74: {  	_ =	shalt  }
0x75: {  	_ =	shalt  }
0x76: {  	_ =	shalt  }
0x77: {  	_ =	shalt  }
0x78: {  	_ =	shalt  }
0x79: {  	_ =	shalt  }
0x7a: {  	_ =	shalt  }
0x7b: {  	_ =	shalt  }
0x7c: {  	_ =	shalt  }
0x7d: {  	_ =	shalt  }
0x7e: {  	_ =	shalt  }
0x7f: {  	_ =	shalt  }
0x80: {  	_ =	shalt  }
0x81: {  	_ =	shalt  }
0x82: {  	_ =	shalt  }
0x83: {  	_ =	shalt  }
0x84: {  	_ =	shalt  }
0x85: {  	_ =	shalt  }
0x86: {  	_ =	shalt  }
0x87: {  	_ =	shalt  }
.Lfunc_end0:
.L_simem_size_0:
called_computation_lowered:
.L_overlay_start_0:
0x88: {  	s2 =	sld [smem:$0x3FD9]  }
0x89: {  	s3 =	sld [smem:$0x3FFE];
	_ =	sdelay $0x1  }
0x8a: {  	s1 =	srdreg.scid  }
0x8b: {  	s0 =	sand.u32 $0x1, s1  }
0x8c: {  	s16 =	sshll.u32 s0, $0xA;
	s2 =	sadd.s32 s3, s2  }
0x8d: {  	s2 =	sadd.s32 s2, s16  }
0x8e: {  	[smem:$0x3FC0] =	sst s2  }
0x8f: {  	_ = 	snop  }
0x90: {  	(tm) =	ssettm $0x1  }
0x91: {  	s17 =	sld [smem:$0x3FFB];
	_ =	sdelay $0x3  }
0x92: {  	_ =	strace s17  }
0x93: {  	s2 =	sld [smem:$0x3FFC];
	_ =	sdelay $0x3  }
0x94: {  	_ =	strace s2  }
0x95: {  	s2 =	sld [smem:$0x3FFD];
	_ =	sdelay $0x3  }
0x96: {  	_ =	strace s2  }
0x97: {  	_ =	strace $0x8FFFFFFF  }
0x98: {  	s18 =	sld [smem:$0x3FDB];
	_ =	sdelay $0x1  }
0x99: {  	s19 =	simm.s32 $_scs_section_size  }
0x9a: {  	s4 =	simm.s32 $_size__tile_overlayer_lowered;
	s5 =	simm.s32 $_tile_overlayer_lowered  }
0x9b: {  	s22 =	simm.s32 $0x1BFF;
	s21 =	sshll.u32 s5, $0x1;
	s2 =	sadd.s32 s19, s18  }
0x9c: {  	s6 =	simm.s32 $0x0;
	s20 =	sshll.u32 s4, $0x1;
	s4 =	sadd.s32 s21, s2  }
0x9d: {  	[timem:s6], [sflag:s22] =	dma.local [hbm:s4], s20  }
0x9e: {  	_ =	swait.ge [sflag:s22], s20  }
0x9f: {  	s3 =	ssub.s32 $0x0, s20;
	[sflag:s22] =	ssyncset.done $0x0  }
0xa0: {  	[sflag:s22] =	ssyncadd.s32 s3;
	_ =	sdelay $0x1  }
0xa1: {  	s23 =	simm.s32 $0x1B8B  }
0xa2: {  	_ =	swait.ge [sflag:s23], $0x1  }
0xa3: {  	[sflag:s23] =	ssyncset.done $0x0  }
0xa4: {  	s25 =	simm.s32 $0x1B8E;
	s24 =	sld [smem:$0x3FFE];
	[sflag:s23] =	ssyncadd.s32 $0xFFFFFFFF  }
0xa5: {  	s26 =	simm.s32 $execute0_lowered;
	[smem:$0x3FD2] =	sst s25  }
0xa6: {  	s4 =	sshll.u32 s26, $0x1;
	_ =	strace $0x80000046;
	[dreg:$0x1] =	wrdreg $0xFFFFFFFF  }
0xa7: {  	s28 =	simm.s32 $_size_execute0_lowered;
	s2 =	sadd.s32 s2, s4;
	[dreg:$0x0] =	wrdreg $0x0  }
0xa8: {  	s4 =	sshll.u32 s28, $0x1;
	[dreg:$0x2] =	wrdreg s2  }
0xa9: {  	[dreg:$0x3] =	wrdreg s4  }
0xaa: {  	[dreg:$0x4] =	wrdreg $0xC0  }
0xab: {  	_ =	task [dreg:s6], $0x5FFFF  }
0xac: {  	[dreg:$0x1] =	wrdreg $0xFFFFFFFF  }
0xad: {  	[dreg:$0x0] =	wrdreg $0x60  }
0xae: {  	[dreg:$0x2] =	wrdreg s24  }
0xaf: {  	[dreg:$0x3] =	wrdreg $0x3C800  }
0xb0: {  	[dreg:$0x4] =	wrdreg $0x9  }
0xb1: {  	_ =	task.clear_ibuf [dreg:s6], $0x5FFFF;
	_ =	strace $0x90000046  }
0xb2: {  	s29 =	simm.s32 $0x9;
	_ =	strace $0x80000048  }
0xb3: {  	_ =	swait.ge [sflag:s29], $0x1  }
0xb4: {  	[sflag:s29] =	ssyncadd.s32 $0xFFFFFFFF  }
0xb5: {  	_ =	strace $0x90000048  }
0xb6: {  	_ =	sfence  }
0xb7: {  	s30 =	sld [smem:$0x0];
	_ =	sdelay $0x2  }
0xb8: {  	s31 =	sshll.u32 s1, $0xD;
	s1 =	sshrl.u32 s1, $0x2  }
0xb9: {  	s3 =	sand.u32 $0x4000, s31;
	s1 =	sadd.s32 s1, s30  }
0xba: {  	s0 =	sor.u32 s3, s0;
	s1 =	sshll.u32 s1, $0x11  }
0xbb: {  	s0 =	sor.u32 s1, s0  }
0xbc: {  	s0 =	sadd.s32 $0x8F2B, s0  }
0xbd: {  	[sflag:s0] =	ssyncadd.remote.s32 $0x1  }
0xbe: {  	_ =	sfence.sel $0xFFFF  }
0xbf: {  	[dreg:$0x0] =	wrdreg $0xFFFFFFFF;
	(pc) =	sbr.abs _section_cstart, $3  }
0xc0: {  	[dreg:$0x1] =	wrdreg $0xFFFFFFFF  }
0xc1: {  	_ =	task.clear_ibuf [dreg:s6], $0x2FFFF;
	_ =	strace $0x9FFFFFFF  }
0xc2: {  	(tm) =	ssettm $0x7FFFFFFF  }
0xc3: {  	_ =	shalt  }
tec
execute0_lowered:
.L_overlay_start_1:
0x0: {  	(tag) =	ssettag $0x1  }
0x1: {  	s0 =	rddreg [dreg:$0x0]  }
0x2: {  	s2 =	rddreg [dreg:$0x1]  }
0x3: {  	s4 =	srdreg.scid;
	s1 =	stileid.u32;
	s3 =	simm.s32 $0x0  }
0x4: {  	s28 =	simm.s32 $0x20;
	s29 =	simm.s32 $0x10;
	s12 =	smul.u32 $0x3100, s1  }
0x5: {  	s30 =	simm.s32 $0x0;
	s9 =	sand.u32 $0x1, s4;
	s8 =	smul.u32 $0x6200, s1  }
0x6: {  	[smem:$0x7FF] =	sst s3;
	s4 =	sadd.s32 $0x1000, s0;
	s16 =	smul.u32 $0xC2, s1  }
0x7: {  	s6 =	sshll.u32 s1, $0x1;
	s19 =	smul.u32 $0x184000, s1;
	s5 =	sshll.u32 s9, $0x7  }
0x8: {  	_ =	strace $0x80000047;
	s7 =	ssub.s32 $0x2, s9;
	s6 =	sor.u32 s9, s6  }
0x9: {  	s18 =	smul.u32 $0x61, s9;
	s5 =	sor.u32 s5, s12;
	s13 =	sshrl.u32 s7, $0x1  }
0xa: {  	s10 =	smul.u32 $0x61, s6;
	s14 =	sshrl.u32 s8, $0x2;
	s12 =	smin.u32 s6, $0x15  }
0xb: {  	p0 =	slt.u32 s6, $0x15;
	s5 =	sshrl.u32 s5, $0x3;
	s11 =	ssub.s32 s7, s13  }
0xc: {  	s13 =	smul.u32 $0x184, s1;
	s8 =	sadd.s32 s16, s12;
	s7 =	simm.s32 $0x4  }
0xd: {  	s21 =	sshll.u32 s12, $0xD;
	s0 =	sadd.s32 s5, s0;
	s5 =	sadd.s32 s14, s2  }
0xe: {  	s15 =	sadd.s32 s12, s10;
	s14 =	sadd.s32 s18, s8;
	s8 =	simm.s32 $0x4  }
0xf: {  	s12 =	sshll.u32 s12, $0x1;
	s18 =	simm.s32 $0x3880;
	s17 =	sshll.u32 s15, $0x8  }
0x10: {  	s15 =	smul.u32 $0xC2000, s9;
	s16 =	sshll.u32 s14, $0x1;
	s8 =	simm.s32 @!p0 $0x2  }
0x11: {  	s25 =	sshll.u32 s14, $0x8;
	s14 =	simm.s32 $0x1880;
	s6 =	sadd.s32 s4, s17  }
0x12: {  	s17 =	smul.u32 $0xC2, s9;
	s20 =	sadd.s32 $0xC0, s16;
	s9 =	sadd.s32 $0x187C00, s0  }
0x13: {  	s26 =	sadd.s32 s25, s4;
	s25 =	simm.s32 $0x3080;
	s10 =	sadd.s32 s15, s19  }
0x14: {  	s16 =	smin.u32 s20, $0x1866;
	s15 =	simm.s32 $0x1;
	s19 =	simm.s32 $0x1C80  }
0x15: {  	s20 =	simm.s32 $0x2080;
	s22 =	sadd.s32 s21, s10;
	s23 =	sshll.u32 s16, $0xC  }
0x16: {  	s10 =	smax.u32 s11, $0x1;
	s24 =	sadd.s32 s17, s13;
	s16 =	simm.s32 $0x2880  }
0x17: {  	s17 =	simm.s32 $0x400;
	s21 =	simm.s32 $0x2480;
	s0 =	ssub.s32 s22, s23  }
0x18: {  	s11 =	sadd.s32 s12, s24;
	s22 =	simm.s32 $0x3;
	s0 =	sadd.s32 $0xC0000, s0  }
0x19: {  	s23 =	simm.s32 $0x2;
	s24 =	simm.s32 $0x2C80;
	s31 =	sshra.s32 s0, $0x2  }
0x1a: {  	v0 =	vimm.f32 $0.0e+00;
	v1 =	vimm.f32 $1.000000000e+00;
	s0 =	sadd.s32 $0x200, s26;
	s26 =	simm.s32 $0x3480;
	s13 =	sadd.s32 $0x1880, s31  }
.LBB2_1:
0x1b: {  	s12 =	simm.s32 $0x0  }
.LBB2_2:
0x1c: {  	p0 =	sne.s32 s12, $0x61C0  }
.Ltmp0:
0x1d: {  	_ = 	snop;
	(pc) =	sbr.rel @p0 .LBB2_2-.Ltmp0, $3  }
0x1e: {  	_ =	sdelay $0x1  }
0x1f: {  	s31 =	sshra.s32 s12, $0x2  }
0x20: {  	s12 =	sadd.s32 $0x40, s12;
	[tilespmem:s31+$0x0] =	vst v0  }
0x21: {  	s12 =	simm.s32 $0x40;
	s31 =	simm.s32 $0x0  }
.LBB2_4:
0x22: {  	p0 =	sne.s32 s12, $0xFC0;
	[tilespmem:s31+$0x3880] =	vst v1;
	s31 =	smov.u32 s12;
	s12 =	sadd.s32 $0x40, s12  }
.Ltmp1:
0x23: {  	(pc) =	sbr.rel @p0 .LBB2_4-.Ltmp1, $2  }
0x24: {  	_ =	sdelay $0x2  }
0x25: {  	s31 =	sshra.s32 s31, $0x2  }
0x26: {  	[tilespmem:s31+$0x3880] =	vst v1  }
0x27: {  	[spmem:s5] =	stream.linear.scatter [tilespmem:s3], [sflag:$0x4], $0x1880, $0x38;
	[tilespmem:$0x5500] =	vst v63  }
0x28: {  	_ =	swait.ge [sflag:s7], $0x1880  }
0x29: {  	[sflag:s7] =	ssyncset.done $0x0  }
0x2a: {  	[sflag:s7] =	ssyncadd.s32 $0xFFFFE780  }
0x2b: {  	[bflag:$0x0] =	sbarrier.arrive $0xFFFF  }
0x2c: {  	[tilespmem:s14], [sflag:$0x1] =	stream.linear.gather [hbm4b:s6+s3], $0x1000, $0x38;
	[tilespmem:$0x5500] =	vst v63  }
0x2d: {  	_ =	swait.ge [sflag:s15], $0x1000  }
0x2e: {  	[sflag:s15] =	ssyncset.done $0x0  }
0x2f: {  	[sflag:s15] =	ssyncadd.s32 $0xFFFFF000  }
0x30: {  	[tilespmem:s16], [sflag:$0x2] =	stream.linear.gather [hbm4b:s0+s3], $0x1000, $0x38;
	[tilespmem:$0x5500] =	vst v63  }
0x31: {  	_ = 	snop  }
0x32: {  	[spmem:s2] =	stream.indirect.scatter.add.f32 [tilespmem:s18], [sflag:$0x3], $0x1, s14, s17, $0xb8;
	[tilespmem:$0x5500] =	vst v63  }
0x33: {  	_ = 	snop  }
0x34: {  	[spmem:s2] =	stream.indirect.scatter.add.f32 [tilespmem:s18], [sflag:$0x3], $0x1, s19, s17, $0xb8;
	[tilespmem:$0x5500] =	vst v63  }
0x35: {  	_ = 	snop  }
0x36: {  	[spmem:s2] =	stream.indirect.scatter.add.f32 [tilespmem:s18], [sflag:$0x3], $0x1, s20, s17, $0xb8;
	[tilespmem:$0x5500] =	vst v63  }
0x37: {  	_ = 	snop  }
0x38: {  	[spmem:s2] =	stream.indirect.scatter.add.f32 [tilespmem:s18], [sflag:$0x3], $0x1, s21, s17, $0xb8;
	[tilespmem:$0x5500] =	vst v63  }
0x39: {  	_ =	swait.ge [sflag:s22], $0x400  }
0x3a: {  	[sflag:s22] =	ssyncset.done $0x0  }
0x3b: {  	[sflag:s22] =	ssyncadd.s32 $0xFFFFFC00  }
0x3c: {  	_ =	swait.ge [sflag:s22], $0x400  }
0x3d: {  	[sflag:s22] =	ssyncset.done $0x0  }
0x3e: {  	[sflag:s22] =	ssyncadd.s32 $0xFFFFFC00  }
0x3f: {  	_ =	swait.ge [sflag:s22], $0x400  }
0x40: {  	[sflag:s22] =	ssyncset.done $0x0  }
0x41: {  	[sflag:s22] =	ssyncadd.s32 $0xFFFFFC00  }
0x42: {  	_ =	swait.ge [sflag:s22], $0x400  }
0x43: {  	s12 =	sadd.s32 $0x8, s11;
	[sflag:s22] =	ssyncset.done $0x0  }
0x44: {  	p0 =	slt.s32 s12, $0x1866;
	[sflag:s22] =	ssyncadd.s32 $0xFFFFFC00  }
0x45: {  	s12 =	simm.s32 @!p0 $0x1866;
	_ =	swait.ge [sflag:s23], $0x1000  }
0x46: {  	s12 =	sshll.u32 s12, $0x7;
	[sflag:s23] =	ssyncset.done $0x0  }
0x47: {  	s12 =	sadd.s32 s4, s12;
	[sflag:s23] =	ssyncadd.s32 $0xFFFFF000  }
0x48: {  	[tilespmem:s14], [sflag:$0x1] =	stream.linear.gather [hbm4b:s12+s3], $0x1000, $0x38;
	[tilespmem:$0x5500] =	vst v63  }
0x49: {  	_ = 	snop  }
0x4a: {  	[spmem:s2] =	stream.indirect.scatter.add.f32 [tilespmem:s18], [sflag:$0x3], $0x1, s16, s17, $0xb8;
	[tilespmem:$0x5500] =	vst v63  }
0x4b: {  	_ = 	snop  }
0x4c: {  	[spmem:s2] =	stream.indirect.scatter.add.f32 [tilespmem:s18], [sflag:$0x3], $0x1, s24, s17, $0xb8;
	[tilespmem:$0x5500] =	vst v63  }
0x4d: {  	_ = 	snop  }
0x4e: {  	[spmem:s2] =	stream.indirect.scatter.add.f32 [tilespmem:s18], [sflag:$0x3], $0x1, s25, s17, $0xb8;
	[tilespmem:$0x5500] =	vst v63  }
0x4f: {  	_ = 	snop  }
0x50: {  	[spmem:s2] =	stream.indirect.scatter.add.f32 [tilespmem:s18], [sflag:$0x3], $0x1, s26, s17, $0xb8;
	[tilespmem:$0x5500] =	vst v63  }
0x51: {  	_ =	swait.ge [sflag:s22], $0x400  }
0x52: {  	[sflag:s22] =	ssyncset.done $0x0  }
0x53: {  	[sflag:s22] =	ssyncadd.s32 $0xFFFFFC00  }
0x54: {  	_ =	swait.ge [sflag:s22], $0x400  }
0x55: {  	[sflag:s22] =	ssyncset.done $0x0  }
0x56: {  	[sflag:s22] =	ssyncadd.s32 $0xFFFFFC00  }
0x57: {  	_ =	swait.ge [sflag:s22], $0x400  }
0x58: {  	[sflag:s22] =	ssyncset.done $0x0  }
0x59: {  	[sflag:s22] =	ssyncadd.s32 $0xFFFFFC00  }
0x5a: {  	_ =	swait.ge [sflag:s22], $0x400  }
0x5b: {  	s31 =	simm.s32 $0x10;
	s12 =	smov.u32 s0;
	[sflag:s22] =	ssyncset.done $0x0  }
.LBB2_6:
0x5c: {  	p0 =	sne.s32 s31, $0xC0;
	[sflag:s22] =	ssyncadd.s32 $0xFFFFFC00;
	s12 =	sadd.s32 $0x400, s12  }
0x5d: {  	s1 =	smov.u32 s31;
	s31 =	sadd.s32 $0x8, s31;
	_ =	swait.ge [sflag:s15], $0x1000  }
0x5e: {  	[sflag:s15] =	ssyncset.done $0x0  }
0x5f: {  	[sflag:s15] =	ssyncadd.s32 $0xFFFFF000  }
0x60: {  	[tilespmem:s16], [sflag:$0x2] =	stream.linear.gather [hbm4b:s12+s3], $0x1000, $0x38;
	[tilespmem:$0x5500] =	vst v63  }
0x61: {  	_ = 	snop  }
0x62: {  	[spmem:s2] =	stream.indirect.scatter.add.f32 [tilespmem:s18], [sflag:$0x3], $0x1, s14, s17, $0xb8;
	[tilespmem:$0x5500] =	vst v63  }
0x63: {  	_ = 	snop  }
0x64: {  	[spmem:s2] =	stream.indirect.scatter.add.f32 [tilespmem:s18], [sflag:$0x3], $0x1, s19, s17, $0xb8;
	[tilespmem:$0x5500] =	vst v63  }
0x65: {  	_ = 	snop  }
0x66: {  	[spmem:s2] =	stream.indirect.scatter.add.f32 [tilespmem:s18], [sflag:$0x3], $0x1, s20, s17, $0xb8;
	[tilespmem:$0x5500] =	vst v63  }
0x67: {  	_ = 	snop  }
0x68: {  	[spmem:s2] =	stream.indirect.scatter.add.f32 [tilespmem:s18], [sflag:$0x3], $0x1, s21, s17, $0xb8;
	[tilespmem:$0x5500] =	vst v63  }
0x69: {  	_ =	swait.ge [sflag:s22], $0x400  }
0x6a: {  	[sflag:s22] =	ssyncset.done $0x0  }
0x6b: {  	[sflag:s22] =	ssyncadd.s32 $0xFFFFFC00  }
0x6c: {  	_ =	swait.ge [sflag:s22], $0x400  }
0x6d: {  	[sflag:s22] =	ssyncset.done $0x0  }
0x6e: {  	[sflag:s22] =	ssyncadd.s32 $0xFFFFFC00  }
0x6f: {  	_ =	swait.ge [sflag:s22], $0x400  }
0x70: {  	[sflag:s22] =	ssyncset.done $0x0  }
0x71: {  	[sflag:s22] =	ssyncadd.s32 $0xFFFFFC00  }
0x72: {  	_ =	swait.ge [sflag:s22], $0x400  }
0x73: {  	s1 =	sadd.s32 s1, s11;
	[sflag:s22] =	ssyncset.done $0x0  }
0x74: {  	p1 =	slt.s32 s1, $0x1866;
	[sflag:s22] =	ssyncadd.s32 $0xFFFFFC00  }
0x75: {  	s1 =	simm.s32 @!p1 $0x1866;
	_ =	swait.ge [sflag:s23], $0x1000  }
0x76: {  	s1 =	sshll.u32 s1, $0x7;
	[sflag:s23] =	ssyncset.done $0x0  }
0x77: {  	s1 =	sadd.s32 s4, s1;
	[sflag:s23] =	ssyncadd.s32 $0xFFFFF000  }
0x78: {  	[tilespmem:s14], [sflag:$0x1] =	stream.linear.gather [hbm4b:s1+s3], $0x1000, $0x38;
	[tilespmem:$0x5500] =	vst v63  }
0x79: {  	_ = 	snop  }
0x7a: {  	[spmem:s2] =	stream.indirect.scatter.add.f32 [tilespmem:s18], [sflag:$0x3], $0x1, s16, s17, $0xb8;
	[tilespmem:$0x5500] =	vst v63  }
0x7b: {  	_ = 	snop  }
0x7c: {  	[spmem:s2] =	stream.indirect.scatter.add.f32 [tilespmem:s18], [sflag:$0x3], $0x1, s24, s17, $0xb8;
	[tilespmem:$0x5500] =	vst v63  }
0x7d: {  	_ = 	snop  }
0x7e: {  	[spmem:s2] =	stream.indirect.scatter.add.f32 [tilespmem:s18], [sflag:$0x3], $0x1, s25, s17, $0xb8;
	[tilespmem:$0x5500] =	vst v63  }
0x7f: {  	_ = 	snop  }
0x80: {  	[spmem:s2] =	stream.indirect.scatter.add.f32 [tilespmem:s18], [sflag:$0x3], $0x1, s26, s17, $0xb8;
	[tilespmem:$0x5500] =	vst v63  }
0x81: {  	_ =	swait.ge [sflag:s22], $0x400  }
0x82: {  	[sflag:s22] =	ssyncset.done $0x0  }
0x83: {  	[sflag:s22] =	ssyncadd.s32 $0xFFFFFC00  }
0x84: {  	_ =	swait.ge [sflag:s22], $0x400  }
0x85: {  	[sflag:s22] =	ssyncset.done $0x0  }
0x86: {  	[sflag:s22] =	ssyncadd.s32 $0xFFFFFC00  }
.Ltmp2:
0x87: {  	_ =	swait.ge [sflag:s22], $0x400;
	(pc) =	sbr.rel @p0 .LBB2_6-.Ltmp2, $4  }
0x88: {  	[sflag:s22] =	ssyncset.done $0x0  }
0x89: {  	[sflag:s22] =	ssyncadd.s32 $0xFFFFFC00  }
0x8a: {  	_ =	swait.ge [sflag:s22], $0x400  }
0x8b: {  	[sflag:s22] =	ssyncset.done $0x0  }
0x8c: {  	p0 =	sne.s32 s8, $0x1  }
.Ltmp3:
0x8d: {  	[sflag:s22] =	ssyncadd.s32 $0xFFFFFC00;
	(pc) =	sbr.rel @!p0 .LBB2_9-.Ltmp3, $4  }
0x8e: {  	_ =	swait.ge [sflag:s15], $0x1000  }
0x8f: {  	[sflag:s15] =	ssyncset.done $0x0  }
0x90: {  	s12 =	sadd.s32 $0xFFFFFFFF, s8;
	s31 =	smov.u32 s13;
	[sflag:s15] =	ssyncadd.s32 $0xFFFFF000  }
0x91: {  	[spmem:s2] =	stream.indirect.scatter.add.f32 [tilespmem:s18], [sflag:$0x3], $0x1, s13, s17, $0xb8;
	[tilespmem:$0x5500] =	vst v63  }
.LBB2_8:
0x92: {  	p1 =	sne.s32 s12, $0x1  }
.Ltmp4:
0x93: {  	_ = 	snop;
	(pc) =	sbr.rel @p1 .LBB2_8-.Ltmp4, $3  }
0x94: {  	_ = 	snop  }
0x95: {  	s12 =	sadd.s32 $0xFFFFFFFF, s12;
	s31 =	sadd.s32 $0x400, s31;
	_ =	sdelay $0x1  }
0x96: {  	[spmem:s2] =	stream.indirect.scatter.add.f32 [tilespmem:s18], [sflag:$0x3], $0x1, s31, s17, $0xb8;
	[tilespmem:$0x5500] =	vst v63  }
.LBB2_9:
.Ltmp5:
0x97: {  	(pc) =	sbr.rel @!p0 .LBB2_11-.Ltmp5, $3  }
0x98: {  	_ =	sdelay $0x1  }
0x99: {  	_ =	swait.ge [sflag:s22], $0x400  }
0x9a: {  	s12 =	sadd.s32 $0xFFFFFFFF, s8;
	[sflag:s22] =	ssyncset.done $0x0  }
.LBB2_10:
0x9b: {  	p0 =	sne.s32 s12, $0x1;
	s12 =	sadd.s32 $0xFFFFFFFF, s12;
	[sflag:s22] =	ssyncadd.s32 $0xFFFFFC00  }
.Ltmp6:
0x9c: {  	(pc) =	sbr.rel @p0 .LBB2_10-.Ltmp6, $3  }
0x9d: {  	_ =	sdelay $0x1  }
0x9e: {  	_ =	swait.ge [sflag:s22], $0x400  }
0x9f: {  	[sflag:s22] =	ssyncset.done $0x0  }
.LBB2_11:
0xa0: {  	[sflag:s22] =	ssyncadd.s32 $0xFFFFFC00;
	s1 =	stileid.u32;
	s30 =	sadd.s32 $0x1, s30  }
0xa1: {  	s12 =	sshrl.u32 s5, $0x3;
	s1 =	sshll.u32 s1, $0x6;
	p0 =	sne.s32 s30, s10  }
.Ltmp7:
0xa2: {  	[bflag:$0x0] =	sbarrier.arrive $0xFFFF;
	s1 =	sor.u32 $0x1C04, s1;
	(pc) =	sbr.rel @p0 .LBB2_1-.Ltmp7, $4  }
0xa3: {  	[hbm:s9@s28], [sflag:s1] =	dma.strided [spmem:s12@s29], $0x310, s15, $0x10   }
0xa4: {  	_ =	swait.ge [sflag:s7], $0x310  }
0xa5: {  	[sflag:s7] =	ssyncset.done $0x0  }
0xa6: {  	[sflag:s7] =	ssyncadd.s32 $0xFFFFFCF0  }
0xa7: {  	_ =	sfence.sel $0x180000  }
0xa8: {  	[bflag:$0x0] =	sbarrier.arrive $0xFFFF  }
0xa9: {  	_ =	strace $0x90000047  }
0xaa: {  	s0 =	stileid.u32;
	[bflag:$0x2] =	sbarrier.arrive $0xFFFF  }
0xab: {  	p0 =	sne.s32 s0, $0x0;
	s0 =	rddreg [dreg:$0x2]  }
0xac: {  	s0 =	sadd.s32 @!p0 $0x100000, s0  }
0xad: {  	[sflag:s0] =	ssyncadd.tile.s32 @!p0 $0x1;
	_ =	shalt  }
.Lfunc_end2:
_tile_overlayer_lowered:
.L_overlay_start_2:
0xae: {  	(tag) =	ssettag $0x2  }
0xaf: {  	s0 =	rddreg [dreg:$0x0];
	s2 =	stileid.u32  }
0xb0: {  	s1 =	rddreg [dreg:$0x1];
	p0 =	sne.s32 s2, $0x0  }
0xb1: {  	s3 =	rddreg [dreg:$0x2];
	[bflag:$0x3] =	sbarrier.arrive $0xFFFF;
	s2 =	simm.s32 @!p0 $0x1C04  }
0xb2: {  	[timem:s3], [sflag:s2] =	dma.local @!p0 [hbm:s0], s1  }
0xb3: {  	s0 =	simm.s32 @!p0 $0x4  }
0xb4: {  	_ =	swait.ge @!p0 [sflag:s0], s1  }
0xb5: {  	s1 =	ssub.s32 @!p0 $0x0, s1;
	[sflag:s0] =	ssyncset.done @!p0 $0x0  }
0xb6: {  	[sflag:s0] =	ssyncadd.s32 @!p0 s1  }
0xb7: {  	[bflag:$0x3] =	sbarrier.arrive $0xFFFF  }
0xb8: {  	_ =	shalt  }

</sc_bundles>
